<compile_context>
chip_gen: v7x
topology: tpu7x:2x2x1
jax: 0.10.2.dev20260603
libtpu: 0.0.44.dev20260713+nightly
codegen_flags: <defaults>
</compile_context>

<pallas_src>
import functools
import math

import jax
import jax.numpy as jnp
from jax import lax
from jax.experimental import pallas as pl
from jax.experimental.pallas import tpu as pltpu
from jax.experimental.pallas import tpu_sc as plsc

VOCAB = 95
PARAMS_DIM = 8
EMBED_DIM = 64
B, L = 1024, 50
N_TOK = B * L
ROWS = VOCAB * L
ROWS_PAD = 4800
ROW_W = EMBED_DIM * 4
TBLK = 480

NC, NS, LANES = 2, 16, 16
NW = NC * NS
TOK_PER_W = N_TOK // NW
CHUNK = 80
N_CHUNK = TOK_PER_W // CHUNK
GROUPS = TOK_PER_W // LANES


def _table_body(p_ref, out_ref):
    p = p_ref[:, :]
    omega = p[:, 0:1] * 2.0
    a1 = p[:, 1:2]
    a2 = p[:, 2:3]
    a3 = p[:, 3:4]
    beta = p[:, 4:5]
    gamma = 1.0 / (1.0 + jnp.exp(-p[:, 5:6]))
    phi = p[:, 6:7] * math.pi

    j_i = lax.broadcasted_iota(jnp.int32, (TBLK, EMBED_DIM), 1)
    jf = j_i.astype(jnp.float32)

    r_i = (pl.program_id(0) * TBLK
           + lax.broadcasted_iota(jnp.int32, (TBLK, 1), 0))
    pos_sin = jnp.sin((r_i % L).astype(jnp.float32) * (0.1 * math.pi))
    so, co = jnp.sin(omega), jnp.cos(omega)
    eg = jnp.exp(gamma)

    def harmonics(s, c, env):
        return (a1 * s + a2 * (2.0 * s * c) + a3 * (s * (3.0 - 4.0 * s * s))
                ) * env

    t = omega * jf + phi
    s1, c1 = jnp.sin(t), jnp.cos(t)
    env = jnp.exp(-gamma * jf)
    w0 = harmonics(s1, c1, env) + beta * jf * pos_sin

    sm = s1 * co - c1 * so
    cm = c1 * co + s1 * so
    w1 = harmonics(sm, cm, env * eg) + beta * (jf - 1.0) * pos_sin
    t63 = omega * 63.0 + phi
    w63 = (harmonics(jnp.sin(t63), jnp.cos(t63), jnp.exp(gamma * -63.0))
           + beta * (63.0 * pos_sin))
    w1 = jnp.where(j_i == 0, w63, w1)

    sz = jnp.sin(jnp.concatenate([w0, w0 + 0.5 * math.pi], axis=1))

    rr = lax.broadcasted_iota(jnp.int32, (2 * EMBED_DIM, ROW_W), 0)
    tt = lax.broadcasted_iota(jnp.int32, (2 * EMBED_DIM, ROW_W), 1)
    jcol, k = tt // 4, tt % 4
    e01 = (((rr == jcol) & (k == 0))
           | ((rr == jcol + EMBED_DIM) & (k == 1))).astype(jnp.float32)
    e23 = (((rr == jcol) & (k == 2))
           | ((rr == jcol + EMBED_DIM) & (k == 3))).astype(jnp.float32)
    w01 = jnp.concatenate([w0, w1], axis=1)
    out_ref[:, :] = (
        jnp.dot(w01, e01, preferred_element_type=jnp.float32,
                precision=lax.Precision.HIGHEST)
        + jnp.dot(sz, e23, preferred_element_type=jnp.float32,
                  precision=lax.Precision.HIGHEST))


def _build_table(params_rows):
    return pl.pallas_call(
        _table_body,
        grid=(ROWS_PAD // TBLK,),
        in_specs=[pl.BlockSpec((TBLK, PARAMS_DIM), lambda i: (i, 0))],
        out_specs=pl.BlockSpec((TBLK, ROW_W), lambda i: (i, 0)),
        out_shape=jax.ShapeDtypeStruct((ROWS_PAD, ROW_W), jnp.float32),
    )(params_rows)


def _gather_body(table_hbm, tok_hbm, out_hbm, tok_v, idx_v, rows_v, sem):
    wid = lax.axis_index("s") * NC + lax.axis_index("c")
    base = wid * TOK_PER_W
    pltpu.sync_copy(tok_hbm.at[pl.ds(base, TOK_PER_W)], tok_v)

    lane = lax.iota(jnp.int32, LANES)
    for g in range(GROUPS):
        vtok = tok_v[pl.ds(g * LANES, LANES)]
        pos = base + g * LANES + lane
        flat = vtok * L + lax.rem(pos, L)
        idx_v[g // (CHUNK // LANES), pl.ds((g % (CHUNK // LANES)) * LANES,
                                           LANES)] = flat

    for c in range(N_CHUNK):
        pltpu.async_copy(table_hbm.at[idx_v.at[c]], rows_v, sem).wait()
        pltpu.sync_copy(rows_v, out_hbm.at[pl.ds(base + c * CHUNK, CHUNK)])


def _gather_rows(table, tok):
    mesh = plsc.VectorSubcoreMesh(core_axis_name="c", subcore_axis_name="s",
                                  num_cores=NC, num_subcores=NS)
    f = functools.partial(
        pl.kernel,
        out_type=jax.ShapeDtypeStruct((N_TOK, ROW_W), jnp.float32),
        mesh=mesh,
        scratch_types=[
            pltpu.VMEM((TOK_PER_W,), jnp.int32),
            pltpu.VMEM((N_CHUNK, CHUNK), jnp.int32),
            pltpu.VMEM((CHUNK, ROW_W), jnp.float32),
            pltpu.SemaphoreType.DMA,
        ],
    )(_gather_body)
    return f(table, tok)


def kernel(indices, spectral_weight):
    params_rows = jnp.broadcast_to(
        spectral_weight[:, None, :], (VOCAB, L, PARAMS_DIM)
    ).reshape(ROWS, PARAMS_DIM)
    params_rows = jnp.pad(params_rows, ((0, ROWS_PAD - ROWS), (0, 0)))
    table = _build_table(params_rows)
    tok = indices.reshape(N_TOK).astype(jnp.int32)
    flat = _gather_rows(table, tok)
    return flat.reshape(B, L, EMBED_DIM, 4)

# --- scband reference (transcript-rebuilt; emitter-appended) ---
"""Pipeline reference for scband-physical-tokenizer-79207786872869 (READ-ONLY COPY).

The authoritative reference and input builder live on the scoring server;
editing this copy changes nothing except your own understanding.
"""

import jax, jax.numpy as jnp
import numpy as np
import math

VOCAB = 95          # ascii 32..126 inclusive
PARAMS_DIM = 8
EMBED_DIM = 64
B, L = 1024, 50


def setup_inputs(seed: int = 0) -> dict:
    key = jax.random.key(seed)
    k1, k2 = jax.random.split(key)
    indices = jax.random.randint(k1, (B, L), 0, VOCAB)
    # xavier_uniform init for the spectral embedding table [VOCAB, PARAMS_DIM]
    bound = math.sqrt(6.0 / (VOCAB + PARAMS_DIM))
    spectral_weight = jax.random.uniform(
        k2, (VOCAB, PARAMS_DIM), minval=-bound, maxval=bound, dtype=jnp.float32
    )
    return {"indices": indices, "spectral_weight": spectral_weight}


def reference(indices, spectral_weight):
    # Vectorized, eval-mode (no noise) version of PhysicalTokenizer._generate_probe_wave
    # applied to every token in the batch. Position = index within the sequence.
    params = jnp.take(spectral_weight, indices, axis=0)  # [B, L, 8] embedding lookup
    omega = params[..., 0] * 2.0
    A1 = params[..., 1]
    A2 = params[..., 2]
    A3 = params[..., 3]
    beta = params[..., 4]
    gamma = jax.nn.sigmoid(params[..., 5])
    phi = params[..., 6] * math.pi
    # params[...,7] is the noise scale; training-only noise is skipped (eval mode)

    j = jnp.arange(EMBED_DIM, dtype=jnp.float32)  # [D]
    om = omega[..., None]  # [B, L, 1]
    ph = phi[..., None]
    wave = (
        A1[..., None] * jnp.sin(1.0 * om * j + ph)
        + A2[..., None] * jnp.sin(2.0 * om * j + 2.0 * ph)
        + A3[..., None] * jnp.sin(3.0 * om * j + 3.0 * ph)
    )  # [B, L, D]
    wave = wave * jnp.exp(-gamma[..., None] * j)

    positions = jnp.arange(L, dtype=jnp.float32)  # position within sequence
    pos_sin = jnp.sin(positions * 0.1 * math.pi)  # [L]
    wave = wave + beta[..., None] * j * pos_sin[None, :, None]

    psi0 = wave
    psi1 = jnp.roll(wave, shift=1, axis=-1)
    psi2 = jnp.sin(wave)
    psi3 = jnp.cos(wave)
    psi_probe = jnp.stack([psi0, psi1, psi2, psi3], axis=-1)  # [B, L, D, 4]
    return psi_probe

if __name__ == "__main__":
    import jax
    _d = setup_inputs()
    print(jax.jit(kernel)(*tuple(_d.values())))

</pallas_src>

<mosaic_0001>
#map = affine_map<(d0, d1) -> (0, 0)>
#map1 = affine_map<(d0, d1) -> (0)>
module attributes {stable_mosaic.version = 14 : i64} {
  func.func @_gather_body(%arg0: i32, %arg1: i32, %arg2: memref<4800x256xf32, #tpu.memory_space<hbm>>, %arg3: memref<51200xi32, #tpu.memory_space<hbm>>, %arg4: memref<51200x256xf32, #tpu.memory_space<hbm>>, %arg5: memref<1600xi32, #tpu.memory_space<vmem>>, %arg6: memref<20x80xi32, #tpu.memory_space<vmem>>, %arg7: memref<80x256xf32, #tpu.memory_space<vmem>>, %arg8: memref<!tpu.dma_semaphore, #tpu.memory_space<semaphore_mem>>) attributes {dimension_semantics = [#tpu.dimension_semantics<core_parallel>, #tpu.dimension_semantics<subcore_parallel>], iteration_bounds = array<i64: 2, 16>, scalar_prefetch = 0 : i64, scratch_operands = 4 : i64, tpu.core_type = #tpu.core_type<sc_vector_subcore>, window_params = [{transform_indices = #map}, {transform_indices = #map1}, {transform_indices = #map}]} {
    %mul3A = arith.constant 2 : i32
    %mul3A_0 = arith.muli %arg1, %mul3A : i32
    %add3A = arith.addi %mul3A_0, %arg0 : i32
    %mul3A_1 = arith.constant 1600 : i32
    %mul3A_2 = arith.muli %add3A, %mul3A_1 : i32
    "tpu.region"() ({
      %run_scoped3A = tpu.sem_alloc : memref<!tpu.dma_semaphore, #tpu.memory_space<semaphore_mem>>
      %dma_start3A_2318 = tpu.memref_slice %arg3[%mul3A_2] : memref<51200xi32, #tpu.memory_space<hbm>> -> memref<1600xi32, #tpu.memory_space<hbm>>
      %dma_start3A_2319 = tpu.memref_slice %arg3[%mul3A_2] : memref<51200xi32, #tpu.memory_space<hbm>> -> memref<1600xi32, #tpu.memory_space<hbm>>
      tpu.enqueue_dma source(%dma_start3A_2319 : memref<1600xi32, #tpu.memory_space<hbm>>) target(%arg5 : memref<1600xi32, #tpu.memory_space<vmem>>) target_semaphore(%run_scoped3A : memref<!tpu.dma_semaphore, #tpu.memory_space<semaphore_mem>>)
      %dma_wait3A_2320 = tpu.memref_slice %arg3[%mul3A_2] : memref<51200xi32, #tpu.memory_space<hbm>> -> memref<1600xi32, #tpu.memory_space<hbm>>
      %dma_wait3A_2321 = tpu.memref_slice %arg3[%mul3A_2] : memref<51200xi32, #tpu.memory_space<hbm>> -> memref<1600xi32, #tpu.memory_space<hbm>>
      tpu.wait_dma2 semaphore(%run_scoped3A : memref<!tpu.dma_semaphore, #tpu.memory_space<semaphore_mem>>) src(%dma_wait3A_2321 : memref<1600xi32, #tpu.memory_space<hbm>>) dst(%arg5 : memref<1600xi32, #tpu.memory_space<vmem>>)
      tpu.yield
    }) : () -> ()
    %iota3A = tpu.iota {dimensions = array<i32: 0>} : vector<16xi32>
    %get3A = arith.constant 0 : index
    %get3A_3 = tpu.vector_load %arg5[%get3A] {strides = array<i32>} : memref<1600xi32, #tpu.memory_space<vmem>>, vector<16xi32>,
    %get3A_4 = vector.shape_cast %get3A_3 : vector<16xi32> to vector<16xi32>
    %add3A_5 = arith.constant 0 : i32
    %add3A_6 = arith.addi %mul3A_2, %add3A_5 : i32
    %add3A_7 = vector.broadcast %add3A_6 : i32 to vector<16xi32>
    %add3A_8 = arith.addi %add3A_7, %iota3A : vector<16xi32>
    %mul3A_9 = arith.constant 50 : i32
    %mul3A_10 = vector.broadcast %mul3A_9 : i32 to vector<16xi32>
    %mul3A_11 = arith.muli %get3A_4, %mul3A_10 : vector<16xi32>
    %rem3A = arith.constant 50 : i32
    %rem3A_12 = vector.broadcast %rem3A : i32 to vector<16xi32>
    %rem3A_13 = arith.remsi %add3A_8, %rem3A_12 : vector<16xi32>
    %add3A_14 = arith.addi %mul3A_11, %rem3A_13 : vector<16xi32>
    %swap3A = arith.constant 0 : i32
    %swap3A_15 = arith.index_cast %swap3A : i32 to index
    %swap3A_16 = arith.constant 0 : index
    %swap3A_17 = tpu.vector_load %arg6[%swap3A_15, %swap3A_16] {strides = array<i32>} : memref<20x80xi32, #tpu.memory_space<vmem>>, vector<1x16xi32>,
    %swap3A_18 = vector.shape_cast %swap3A_17 : vector<1x16xi32> to vector<16xi32>
    %swap3A_19 = vector.shape_cast %add3A_14 : vector<16xi32> to vector<1x16xi32>
    tpu.vector_store %arg6[%swap3A_15, %swap3A_16], %swap3A_19 {strides = array<i32>} : memref<20x80xi32, #tpu.memory_space<vmem>>, vector<1x16xi32>,
    %get3A_20 = arith.constant 16 : index
    %get3A_21 = tpu.vector_load %arg5[%get3A_20] {strides = array<i32>} : memref<1600xi32, #tpu.memory_space<vmem>>, vector<16xi32>,
    %get3A_22 = vector.shape_cast %get3A_21 : vector<16xi32> to vector<16xi32>
    %add3A_23 = arith.constant 16 : i32
    %add3A_24 = arith.addi %mul3A_2, %add3A_23 : i32
    %add3A_25 = vector.broadcast %add3A_24 : i32 to vector<16xi32>
    %add3A_26 = arith.addi %add3A_25, %iota3A : vector<16xi32>
    %mul3A_27 = arith.constant 50 : i32
    %mul3A_28 = vector.broadcast %mul3A_27 : i32 to vector<16xi32>
    %mul3A_29 = arith.muli %get3A_22, %mul3A_28 : vector<16xi32>
    %rem3A_30 = arith.constant 50 : i32
    %rem3A_31 = vector.broadcast %rem3A_30 : i32 to vector<16xi32>
    %rem3A_32 = arith.remsi %add3A_26, %rem3A_31 : vector<16xi32>
    %add3A_33 = arith.addi %mul3A_29, %rem3A_32 : vector<16xi32>
    %swap3A_34 = arith.constant 0 : i32
    %swap3A_35 = arith.index_cast %swap3A_34 : i32 to index
    %swap3A_36 = arith.constant 16 : index
    %swap3A_37 = tpu.vector_load %arg6[%swap3A_35, %swap3A_36] {strides = array<i32>} : memref<20x80xi32, #tpu.memory_space<vmem>>, vector<1x16xi32>,
    %swap3A_38 = vector.shape_cast %swap3A_37 : vector<1x16xi32> to vector<16xi32>
    %swap3A_39 = vector.shape_cast %add3A_33 : vector<16xi32> to vector<1x16xi32>
    tpu.vector_store %arg6[%swap3A_35, %swap3A_36], %swap3A_39 {strides = array<i32>} : memref<20x80xi32, #tpu.memory_space<vmem>>, vector<1x16xi32>,
    %get3A_40 = arith.constant 32 : index
    %get3A_41 = tpu.vector_load %arg5[%get3A_40] {strides = array<i32>} : memref<1600xi32, #tpu.memory_space<vmem>>, vector<16xi32>,
    %get3A_42 = vector.shape_cast %get3A_41 : vector<16xi32> to vector<16xi32>
    %add3A_43 = arith.constant 32 : i32
    %add3A_44 = arith.addi %mul3A_2, %add3A_43 : i32
    %add3A_45 = vector.broadcast %add3A_44 : i32 to vector<16xi32>
    %add3A_46 = arith.addi %add3A_45, %iota3A : vector<16xi32>
    %mul3A_47 = arith.constant 50 : i32
    %mul3A_48 = vector.broadcast %mul3A_47 : i32 to vector<16xi32>
    %mul3A_49 = arith.muli %get3A_42, %mul3A_48 : vector<16xi32>
    %rem3A_50 = arith.constant 50 : i32
    %rem3A_51 = vector.broadcast %rem3A_50 : i32 to vector<16xi32>
    %rem3A_52 = arith.remsi %add3A_46, %rem3A_51 : vector<16xi32>
    %add3A_53 = arith.addi %mul3A_49, %rem3A_52 : vector<16xi32>
    %swap3A_54 = arith.constant 0 : i32
    %swap3A_55 = arith.index_cast %swap3A_54 : i32 to index
    %swap3A_56 = arith.constant 32 : index
    %swap3A_57 = tpu.vector_load %arg6[%swap3A_55, %swap3A_56] {strides = array<i32>} : memref<20x80xi32, #tpu.memory_space<vmem>>, vector<1x16xi32>,
    %swap3A_58 = vector.shape_cast %swap3A_57 : vector<1x16xi32> to vector<16xi32>
    %swap3A_59 = vector.shape_cast %add3A_53 : vector<16xi32> to vector<1x16xi32>
    tpu.vector_store %arg6[%swap3A_55, %swap3A_56], %swap3A_59 {strides = array<i32>} : memref<20x80xi32, #tpu.memory_space<vmem>>, vector<1x16xi32>,
    %get3A_60 = arith.constant 48 : index
    %get3A_61 = tpu.vector_load %arg5[%get3A_60] {strides = array<i32>} : memref<1600xi32, #tpu.memory_space<vmem>>, vector<16xi32>,
    %get3A_62 = vector.shape_cast %get3A_61 : vector<16xi32> to vector<16xi32>
    %add3A_63 = arith.constant 48 : i32
    %add3A_64 = arith.addi %mul3A_2, %add3A_63 : i32
    %add3A_65 = vector.broadcast %add3A_64 : i32 to vector<16xi32>
    %add3A_66 = arith.addi %add3A_65, %iota3A : vector<16xi32>
    %mul3A_67 = arith.constant 50 : i32
    %mul3A_68 = vector.broadcast %mul3A_67 : i32 to vector<16xi32>
    %mul3A_69 = arith.muli %get3A_62, %mul3A_68 : vector<16xi32>
    %rem3A_70 = arith.constant 50 : i32
    %rem3A_71 = vector.broadcast %rem3A_70 : i32 to vector<16xi32>
    %rem3A_72 = arith.remsi %add3A_66, %rem3A_71 : vector<16xi32>
    %add3A_73 = arith.addi %mul3A_69, %rem3A_72 : vector<16xi32>
    %swap3A_74 = arith.constant 0 : i32
    %swap3A_75 = arith.index_cast %swap3A_74 : i32 to index
    %swap3A_76 = arith.constant 48 : index
    %swap3A_77 = tpu.vector_load %arg6[%swap3A_75, %swap3A_76] {strides = array<i32>} : memref<20x80xi32, #tpu.memory_space<vmem>>, vector<1x16xi32>,
    %swap3A_78 = vector.shape_cast %swap3A_77 : vector<1x16xi32> to vector<16xi32>
    %swap3A_79 = vector.shape_cast %add3A_73 : vector<16xi32> to vector<1x16xi32>
    tpu.vector_store %arg6[%swap3A_75, %swap3A_76], %swap3A_79 {strides = array<i32>} : memref<20x80xi32, #tpu.memory_space<vmem>>, vector<1x16xi32>,
    %get3A_80 = arith.constant 64 : index
    %get3A_81 = tpu.vector_load %arg5[%get3A_80] {strides = array<i32>} : memref<1600xi32, #tpu.memory_space<vmem>>, vector<16xi32>,
    %get3A_82 = vector.shape_cast %get3A_81 : vector<16xi32> to vector<16xi32>
    %add3A_83 = arith.constant 64 : i32
    %add3A_84 = arith.addi %mul3A_2, %add3A_83 : i32
    %add3A_85 = vector.broadcast %add3A_84 : i32 to vector<16xi32>
    %add3A_86 = arith.addi %add3A_85, %iota3A : vector<16xi32>
    %mul3A_87 = arith.constant 50 : i32
    %mul3A_88 = vector.broadcast %mul3A_87 : i32 to vector<16xi32>
    %mul3A_89 = arith.muli %get3A_82, %mul3A_88 : vector<16xi32>
    %rem3A_90 = arith.constant 50 : i32
    %rem3A_91 = vector.broadcast %rem3A_90 : i32 to vector<16xi32>
    %rem3A_92 = arith.remsi %add3A_86, %rem3A_91 : vector<16xi32>
    %add3A_93 = arith.addi %mul3A_89, %rem3A_92 : vector<16xi32>
    %swap3A_94 = arith.constant 0 : i32
    %swap3A_95 = arith.index_cast %swap3A_94 : i32 to index
    %swap3A_96 = arith.constant 64 : index
    %swap3A_97 = tpu.vector_load %arg6[%swap3A_95, %swap3A_96] {strides = array<i32>} : memref<20x80xi32, #tpu.memory_space<vmem>>, vector<1x16xi32>,
    %swap3A_98 = vector.shape_cast %swap3A_97 : vector<1x16xi32> to vector<16xi32>
    %swap3A_99 = vector.shape_cast %add3A_93 : vector<16xi32> to vector<1x16xi32>
    tpu.vector_store %arg6[%swap3A_95, %swap3A_96], %swap3A_99 {strides = array<i32>} : memref<20x80xi32, #tpu.memory_space<vmem>>, vector<1x16xi32>,
    %get3A_100 = arith.constant 80 : index
    %get3A_101 = tpu.vector_load %arg5[%get3A_100] {strides = array<i32>} : memref<1600xi32, #tpu.memory_space<vmem>>, vector<16xi32>,
    %get3A_102 = vector.shape_cast %get3A_101 : vector<16xi32> to vector<16xi32>
    %add3A_103 = arith.constant 80 : i32
    %add3A_104 = arith.addi %mul3A_2, %add3A_103 : i32
    %add3A_105 = vector.broadcast %add3A_104 : i32 to vector<16xi32>
    %add3A_106 = arith.addi %add3A_105, %iota3A : vector<16xi32>
    %mul3A_107 = arith.constant 50 : i32
    %mul3A_108 = vector.broadcast %mul3A_107 : i32 to vector<16xi32>
    %mul3A_109 = arith.muli %get3A_102, %mul3A_108 : vector<16xi32>
    %rem3A_110 = arith.constant 50 : i32
    %rem3A_111 = vector.broadcast %rem3A_110 : i32 to vector<16xi32>
    %rem3A_112 = arith.remsi %add3A_106, %rem3A_111 : vector<16xi32>
    %add3A_113 = arith.addi %mul3A_109, %rem3A_112 : vector<16xi32>
    %swap3A_114 = arith.constant 1 : i32
    %swap3A_115 = arith.index_cast %swap3A_114 : i32 to index
    %swap3A_116 = arith.constant 0 : index
    %swap3A_117 = tpu.vector_load %arg6[%swap3A_115, %swap3A_116] {strides = array<i32>} : memref<20x80xi32, #tpu.memory_space<vmem>>, vector<1x16xi32>,
    %swap3A_118 = vector.shape_cast %swap3A_117 : vector<1x16xi32> to vector<16xi32>
    %swap3A_119 = vector.shape_cast %add3A_113 : vector<16xi32> to vector<1x16xi32>
    tpu.vector_store %arg6[%swap3A_115, %swap3A_116], %swap3A_119 {strides = array<i32>} : memref<20x80xi32, #tpu.memory_space<vmem>>, vector<1x16xi32>,
    %get3A_120 = arith.constant 96 : index
    %get3A_121 = tpu.vector_load %arg5[%get3A_120] {strides = array<i32>} : memref<1600xi32, #tpu.memory_space<vmem>>, vector<16xi32>,
    %get3A_122 = vector.shape_cast %get3A_121 : vector<16xi32> to vector<16xi32>
    %add3A_123 = arith.constant 96 : i32
    %add3A_124 = arith.addi %mul3A_2, %add3A_123 : i32
    %add3A_125 = vector.broadcast %add3A_124 : i32 to vector<16xi32>
    %add3A_126 = arith.addi %add3A_125, %iota3A : vector<16xi32>
    %mul3A_127 = arith.constant 50 : i32
    %mul3A_128 = vector.broadcast %mul3A_127 : i32 to vector<16xi32>
    %mul3A_129 = arith.muli %get3A_122, %mul3A_128 : vector<16xi32>
    %rem3A_130 = arith.constant 50 : i32
    %rem3A_131 = vector.broadcast %rem3A_130 : i32 to vector<16xi32>
    %rem3A_132 = arith.remsi %add3A_126, %rem3A_131 : vector<16xi32>
    %add3A_133 = arith.addi %mul3A_129, %rem3A_132 : vector<16xi32>
    %swap3A_134 = arith.constant 1 : i32
    %swap3A_135 = arith.index_cast %swap3A_134 : i32 to index
    %swap3A_136 = arith.constant 16 : index
    %swap3A_137 = tpu.vector_load %arg6[%swap3A_135, %swap3A_136] {strides = array<i32>} : memref<20x80xi32, #tpu.memory_space<vmem>>, vector<1x16xi32>,
    %swap3A_138 = vector.shape_cast %swap3A_137 : vector<1x16xi32> to vector<16xi32>
    %swap3A_139 = vector.shape_cast %add3A_133 : vector<16xi32> to vector<1x16xi32>
    tpu.vector_store %arg6[%swap3A_135, %swap3A_136], %swap3A_139 {strides = array<i32>} : memref<20x80xi32, #tpu.memory_space<vmem>>, vector<1x16xi32>,
    %get3A_140 = arith.constant 112 : index
    %get3A_141 = tpu.vector_load %arg5[%get3A_140] {strides = array<i32>} : memref<1600xi32, #tpu.memory_space<vmem>>, vector<16xi32>,
    %get3A_142 = vector.shape_cast %get3A_141 : vector<16xi32> to vector<16xi32>
    %add3A_143 = arith.constant 112 : i32
    %add3A_144 = arith.addi %mul3A_2, %add3A_143 : i32
    %add3A_145 = vector.broadcast %add3A_144 : i32 to vector<16xi32>
    %add3A_146 = arith.addi %add3A_145, %iota3A : vector<16xi32>
    %mul3A_147 = arith.constant 50 : i32
    %mul3A_148 = vector.broadcast %mul3A_147 : i32 to vector<16xi32>
    %mul3A_149 = arith.muli %get3A_142, %mul3A_148 : vector<16xi32>
    %rem3A_150 = arith.constant 50 : i32
    %rem3A_151 = vector.broadcast %rem3A_150 : i32 to vector<16xi32>
    %rem3A_152 = arith.remsi %add3A_146, %rem3A_151 : vector<16xi32>
    %add3A_153 = arith.addi %mul3A_149, %rem3A_152 : vector<16xi32>
    %swap3A_154 = arith.constant 1 : i32
    %swap3A_155 = arith.index_cast %swap3A_154 : i32 to index
    %swap3A_156 = arith.constant 32 : index
    %swap3A_157 = tpu.vector_load %arg6[%swap3A_155, %swap3A_156] {strides = array<i32>} : memref<20x80xi32, #tpu.memory_space<vmem>>, vector<1x16xi32>,
    %swap3A_158 = vector.shape_cast %swap3A_157 : vector<1x16xi32> to vector<16xi32>
    %swap3A_159 = vector.shape_cast %add3A_153 : vector<16xi32> to vector<1x16xi32>
    tpu.vector_store %arg6[%swap3A_155, %swap3A_156], %swap3A_159 {strides = array<i32>} : memref<20x80xi32, #tpu.memory_space<vmem>>, vector<1x16xi32>,
    %get3A_160 = arith.constant 128 : index
    %get3A_161 = tpu.vector_load %arg5[%get3A_160] {strides = array<i32>} : memref<1600xi32, #tpu.memory_space<vmem>>, vector<16xi32>,
    %get3A_162 = vector.shape_cast %get3A_161 : vector<16xi32> to vector<16xi32>
    %add3A_163 = arith.constant 128 : i32
    %add3A_164 = arith.addi %mul3A_2, %add3A_163 : i32
    %add3A_165 = vector.broadcast %add3A_164 : i32 to vector<16xi32>
    %add3A_166 = arith.addi %add3A_165, %iota3A : vector<16xi32>
    %mul3A_167 = arith.constant 50 : i32
    %mul3A_168 = vector.broadcast %mul3A_167 : i32 to vector<16xi32>
    %mul3A_169 = arith.muli %get3A_162, %mul3A_168 : vector<16xi32>
    %rem3A_170 = arith.constant 50 : i32
    %rem3A_171 = vector.broadcast %rem3A_170 : i32 to vector<16xi32>
    %rem3A_172 = arith.remsi %add3A_166, %rem3A_171 : vector<16xi32>
    %add3A_173 = arith.addi %mul3A_169, %rem3A_172 : vector<16xi32>
    %swap3A_174 = arith.constant 1 : i32
    %swap3A_175 = arith.index_cast %swap3A_174 : i32 to index
    %swap3A_176 = arith.constant 48 : index
    %swap3A_177 = tpu.vector_load %arg6[%swap3A_175, %swap3A_176] {strides = array<i32>} : memref<20x80xi32, #tpu.memory_space<vmem>>, vector<1x16xi32>,
    %swap3A_178 = vector.shape_cast %swap3A_177 : vector<1x16xi32> to vector<16xi32>
    %swap3A_179 = vector.shape_cast %add3A_173 : vector<16xi32> to vector<1x16xi32>
    tpu.vector_store %arg6[%swap3A_175, %swap3A_176], %swap3A_179 {strides = array<i32>} : memref<20x80xi32, #tpu.memory_space<vmem>>, vector<1x16xi32>,
    %get3A_180 = arith.constant 144 : index
    %get3A_181 = tpu.vector_load %arg5[%get3A_180] {strides = array<i32>} : memref<1600xi32, #tpu.memory_space<vmem>>, vector<16xi32>,
    %get3A_182 = vector.shape_cast %get3A_181 : vector<16xi32> to vector<16xi32>
    %add3A_183 = arith.constant 144 : i32
    %add3A_184 = arith.addi %mul3A_2, %add3A_183 : i32
    %add3A_185 = vector.broadcast %add3A_184 : i32 to vector<16xi32>
    %add3A_186 = arith.addi %add3A_185, %iota3A : vector<16xi32>
    %mul3A_187 = arith.constant 50 : i32
    %mul3A_188 = vector.broadcast %mul3A_187 : i32 to vector<16xi32>
    %mul3A_189 = arith.muli %get3A_182, %mul3A_188 : vector<16xi32>
    %rem3A_190 = arith.constant 50 : i32
    %rem3A_191 = vector.broadcast %rem3A_190 : i32 to vector<16xi32>
    %rem3A_192 = arith.remsi %add3A_186, %rem3A_191 : vector<16xi32>
    %add3A_193 = arith.addi %mul3A_189, %rem3A_192 : vector<16xi32>
    %swap3A_194 = arith.constant 1 : i32
    %swap3A_195 = arith.index_cast %swap3A_194 : i32 to index
    %swap3A_196 = arith.constant 64 : index
    %swap3A_197 = tpu.vector_load %arg6[%swap3A_195, %swap3A_196] {strides = array<i32>} : memref<20x80xi32, #tpu.memory_space<vmem>>, vector<1x16xi32>,
    %swap3A_198 = vector.shape_cast %swap3A_197 : vector<1x16xi32> to vector<16xi32>
    %swap3A_199 = vector.shape_cast %add3A_193 : vector<16xi32> to vector<1x16xi32>
    tpu.vector_store %arg6[%swap3A_195, %swap3A_196], %swap3A_199 {strides = array<i32>} : memref<20x80xi32, #tpu.memory_space<vmem>>, vector<1x16xi32>,
    %get3A_200 = arith.constant 160 : index
    %get3A_201 = tpu.vector_load %arg5[%get3A_200] {strides = array<i32>} : memref<1600xi32, #tpu.memory_space<vmem>>, vector<16xi32>,
    %get3A_202 = vector.shape_cast %get3A_201 : vector<16xi32> to vector<16xi32>
    %add3A_203 = arith.constant 160 : i32
    %add3A_204 = arith.addi %mul3A_2, %add3A_203 : i32
    %add3A_205 = vector.broadcast %add3A_204 : i32 to vector<16xi32>
    %add3A_206 = arith.addi %add3A_205, %iota3A : vector<16xi32>
    %mul3A_207 = arith.constant 50 : i32
    %mul3A_208 = vector.broadcast %mul3A_207 : i32 to vector<16xi32>
    %mul3A_209 = arith.muli %get3A_202, %mul3A_208 : vector<16xi32>
    %rem3A_210 = arith.constant 50 : i32
    %rem3A_211 = vector.broadcast %rem3A_210 : i32 to vector<16xi32>
    %rem3A_212 = arith.remsi %add3A_206, %rem3A_211 : vector<16xi32>
    %add3A_213 = arith.addi %mul3A_209, %rem3A_212 : vector<16xi32>
    %swap3A_214 = arith.constant 2 : i32
    %swap3A_215 = arith.index_cast %swap3A_214 : i32 to index
    %swap3A_216 = arith.constant 0 : index
    %swap3A_217 = tpu.vector_load %arg6[%swap3A_215, %swap3A_216] {strides = array<i32>} : memref<20x80xi32, #tpu.memory_space<vmem>>, vector<1x16xi32>,
    %swap3A_218 = vector.shape_cast %swap3A_217 : vector<1x16xi32> to vector<16xi32>
    %swap3A_219 = vector.shape_cast %add3A_213 : vector<16xi32> to vector<1x16xi32>
    tpu.vector_store %arg6[%swap3A_215, %swap3A_216], %swap3A_219 {strides = array<i32>} : memref<20x80xi32, #tpu.memory_space<vmem>>, vector<1x16xi32>,
    %get3A_220 = arith.constant 176 : index
    %get3A_221 = tpu.vector_load %arg5[%get3A_220] {strides = array<i32>} : memref<1600xi32, #tpu.memory_space<vmem>>, vector<16xi32>,
    %get3A_222 = vector.shape_cast %get3A_221 : vector<16xi32> to vector<16xi32>
    %add3A_223 = arith.constant 176 : i32
    %add3A_224 = arith.addi %mul3A_2, %add3A_223 : i32
    %add3A_225 = vector.broadcast %add3A_224 : i32 to vector<16xi32>
    %add3A_226 = arith.addi %add3A_225, %iota3A : vector<16xi32>
    %mul3A_227 = arith.constant 50 : i32
    %mul3A_228 = vector.broadcast %mul3A_227 : i32 to vector<16xi32>
    %mul3A_229 = arith.muli %get3A_222, %mul3A_228 : vector<16xi32>
    %rem3A_230 = arith.constant 50 : i32
    %rem3A_231 = vector.broadcast %rem3A_230 : i32 to vector<16xi32>
    %rem3A_232 = arith.remsi %add3A_226, %rem3A_231 : vector<16xi32>
    %add3A_233 = arith.addi %mul3A_229, %rem3A_232 : vector<16xi32>
    %swap3A_234 = arith.constant 2 : i32
    %swap3A_235 = arith.index_cast %swap3A_234 : i32 to index
    %swap3A_236 = arith.constant 16 : index
    %swap3A_237 = tpu.vector_load %arg6[%swap3A_235, %swap3A_236] {strides = array<i32>} : memref<20x80xi32, #tpu.memory_space<vmem>>, vector<1x16xi32>,
    %swap3A_238 = vector.shape_cast %swap3A_237 : vector<1x16xi32> to vector<16xi32>
    %swap3A_239 = vector.shape_cast %add3A_233 : vector<16xi32> to vector<1x16xi32>
    tpu.vector_store %arg6[%swap3A_235, %swap3A_236], %swap3A_239 {strides = array<i32>} : memref<20x80xi32, #tpu.memory_space<vmem>>, vector<1x16xi32>,
    %get3A_240 = arith.constant 192 : index
    %get3A_241 = tpu.vector_load %arg5[%get3A_240] {strides = array<i32>} : memref<1600xi32, #tpu.memory_space<vmem>>, vector<16xi32>,
    %get3A_242 = vector.shape_cast %get3A_241 : vector<16xi32> to vector<16xi32>
    %add3A_243 = arith.constant 192 : i32
    %add3A_244 = arith.addi %mul3A_2, %add3A_243 : i32
    %add3A_245 = vector.broadcast %add3A_244 : i32 to vector<16xi32>
    %add3A_246 = arith.addi %add3A_245, %iota3A : vector<16xi32>
    %mul3A_247 = arith.constant 50 : i32
    %mul3A_248 = vector.broadcast %mul3A_247 : i32 to vector<16xi32>
    %mul3A_249 = arith.muli %get3A_242, %mul3A_248 : vector<16xi32>
    %rem3A_250 = arith.constant 50 : i32
    %rem3A_251 = vector.broadcast %rem3A_250 : i32 to vector<16xi32>
    %rem3A_252 = arith.remsi %add3A_246, %rem3A_251 : vector<16xi32>
    %add3A_253 = arith.addi %mul3A_249, %rem3A_252 : vector<16xi32>
    %swap3A_254 = arith.constant 2 : i32
    %swap3A_255 = arith.index_cast %swap3A_254 : i32 to index
    %swap3A_256 = arith.constant 32 : index
    %swap3A_257 = tpu.vector_load %arg6[%swap3A_255, %swap3A_256] {strides = array<i32>} : memref<20x80xi32, #tpu.memory_space<vmem>>, vector<1x16xi32>,
    %swap3A_258 = vector.shape_cast %swap3A_257 : vector<1x16xi32> to vector<16xi32>
    %swap3A_259 = vector.shape_cast %add3A_253 : vector<16xi32> to vector<1x16xi32>
    tpu.vector_store %arg6[%swap3A_255, %swap3A_256], %swap3A_259 {strides = array<i32>} : memref<20x80xi32, #tpu.memory_space<vmem>>, vector<1x16xi32>,
    %get3A_260 = arith.constant 208 : index
    %get3A_261 = tpu.vector_load %arg5[%get3A_260] {strides = array<i32>} : memref<1600xi32, #tpu.memory_space<vmem>>, vector<16xi32>,
    %get3A_262 = vector.shape_cast %get3A_261 : vector<16xi32> to vector<16xi32>
    %add3A_263 = arith.constant 208 : i32
    %add3A_264 = arith.addi %mul3A_2, %add3A_263 : i32
    %add3A_265 = vector.broadcast %add3A_264 : i32 to vector<16xi32>
    %add3A_266 = arith.addi %add3A_265, %iota3A : vector<16xi32>
    %mul3A_267 = arith.constant 50 : i32
    %mul3A_268 = vector.broadcast %mul3A_267 : i32 to vector<16xi32>
    %mul3A_269 = arith.muli %get3A_262, %mul3A_268 : vector<16xi32>
    %rem3A_270 = arith.constant 50 : i32
    %rem3A_271 = vector.broadcast %rem3A_270 : i32 to vector<16xi32>
    %rem3A_272 = arith.remsi %add3A_266, %rem3A_271 : vector<16xi32>
    %add3A_273 = arith.addi %mul3A_269, %rem3A_272 : vector<16xi32>
    %swap3A_274 = arith.constant 2 : i32
    %swap3A_275 = arith.index_cast %swap3A_274 : i32 to index
    %swap3A_276 = arith.constant 48 : index
    %swap3A_277 = tpu.vector_load %arg6[%swap3A_275, %swap3A_276] {strides = array<i32>} : memref<20x80xi32, #tpu.memory_space<vmem>>, vector<1x16xi32>,
    %swap3A_278 = vector.shape_cast %swap3A_277 : vector<1x16xi32> to vector<16xi32>
    %swap3A_279 = vector.shape_cast %add3A_273 : vector<16xi32> to vector<1x16xi32>
    tpu.vector_store %arg6[%swap3A_275, %swap3A_276], %swap3A_279 {strides = array<i32>} : memref<20x80xi32, #tpu.memory_space<vmem>>, vector<1x16xi32>,
    %get3A_280 = arith.constant 224 : index
    %get3A_281 = tpu.vector_load %arg5[%get3A_280] {strides = array<i32>} : memref<1600xi32, #tpu.memory_space<vmem>>, vector<16xi32>,
    %get3A_282 = vector.shape_cast %get3A_281 : vector<16xi32> to vector<16xi32>
    %add3A_283 = arith.constant 224 : i32
    %add3A_284 = arith.addi %mul3A_2, %add3A_283 : i32
    %add3A_285 = vector.broadcast %add3A_284 : i32 to vector<16xi32>
    %add3A_286 = arith.addi %add3A_285, %iota3A : vector<16xi32>
    %mul3A_287 = arith.constant 50 : i32
    %mul3A_288 = vector.broadcast %mul3A_287 : i32 to vector<16xi32>
    %mul3A_289 = arith.muli %get3A_282, %mul3A_288 : vector<16xi32>
    %rem3A_290 = arith.constant 50 : i32
    %rem3A_291 = vector.broadcast %rem3A_290 : i32 to vector<16xi32>
    %rem3A_292 = arith.remsi %add3A_286, %rem3A_291 : vector<16xi32>
    %add3A_293 = arith.addi %mul3A_289, %rem3A_292 : vector<16xi32>
    %swap3A_294 = arith.constant 2 : i32
    %swap3A_295 = arith.index_cast %swap3A_294 : i32 to index
    %swap3A_296 = arith.constant 64 : index
    %swap3A_297 = tpu.vector_load %arg6[%swap3A_295, %swap3A_296] {strides = array<i32>} : memref<20x80xi32, #tpu.memory_space<vmem>>, vector<1x16xi32>,
    %swap3A_298 = vector.shape_cast %swap3A_297 : vector<1x16xi32> to vector<16xi32>
    %swap3A_299 = vector.shape_cast %add3A_293 : vector<16xi32> to vector<1x16xi32>
    tpu.vector_store %arg6[%swap3A_295, %swap3A_296], %swap3A_299 {strides = array<i32>} : memref<20x80xi32, #tpu.memory_space<vmem>>, vector<1x16xi32>,
    %get3A_300 = arith.constant 240 : index
    %get3A_301 = tpu.vector_load %arg5[%get3A_300] {strides = array<i32>} : memref<1600xi32, #tpu.memory_space<vmem>>, vector<16xi32>,
    %get3A_302 = vector.shape_cast %get3A_301 : vector<16xi32> to vector<16xi32>
    %add3A_303 = arith.constant 240 : i32
    %add3A_304 = arith.addi %mul3A_2, %add3A_303 : i32
    %add3A_305 = vector.broadcast %add3A_304 : i32 to vector<16xi32>
    %add3A_306 = arith.addi %add3A_305, %iota3A : vector<16xi32>
    %mul3A_307 = arith.constant 50 : i32
    %mul3A_308 = vector.broadcast %mul3A_307 : i32 to vector<16xi32>
    %mul3A_309 = arith.muli %get3A_302, %mul3A_308 : vector<16xi32>
    %rem3A_310 = arith.constant 50 : i32
    %rem3A_311 = vector.broadcast %rem3A_310 : i32 to vector<16xi32>
    %rem3A_312 = arith.remsi %add3A_306, %rem3A_311 : vector<16xi32>
    %add3A_313 = arith.addi %mul3A_309, %rem3A_312 : vector<16xi32>
    %swap3A_314 = arith.constant 3 : i32
    %swap3A_315 = arith.index_cast %swap3A_314 : i32 to index
    %swap3A_316 = arith.constant 0 : index
    %swap3A_317 = tpu.vector_load %arg6[%swap3A_315, %swap3A_316] {strides = array<i32>} : memref<20x80xi32, #tpu.memory_space<vmem>>, vector<1x16xi32>,
    %swap3A_318 = vector.shape_cast %swap3A_317 : vector<1x16xi32> to vector<16xi32>
    %swap3A_319 = vector.shape_cast %add3A_313 : vector<16xi32> to vector<1x16xi32>
    tpu.vector_store %arg6[%swap3A_315, %swap3A_316], %swap3A_319 {strides = array<i32>} : memref<20x80xi32, #tpu.memory_space<vmem>>, vector<1x16xi32>,
    %get3A_320 = arith.constant 256 : index
    %get3A_321 = tpu.vector_load %arg5[%get3A_320] {strides = array<i32>} : memref<1600xi32, #tpu.memory_space<vmem>>, vector<16xi32>,
    %get3A_322 = vector.shape_cast %get3A_321 : vector<16xi32> to vector<16xi32>
    %add3A_323 = arith.constant 256 : i32
    %add3A_324 = arith.addi %mul3A_2, %add3A_323 : i32
    %add3A_325 = vector.broadcast %add3A_324 : i32 to vector<16xi32>
    %add3A_326 = arith.addi %add3A_325, %iota3A : vector<16xi32>
    %mul3A_327 = arith.constant 50 : i32
    %mul3A_328 = vector.broadcast %mul3A_327 : i32 to vector<16xi32>
    %mul3A_329 = arith.muli %get3A_322, %mul3A_328 : vector<16xi32>
    %rem3A_330 = arith.constant 50 : i32
    %rem3A_331 = vector.broadcast %rem3A_330 : i32 to vector<16xi32>
    %rem3A_332 = arith.remsi %add3A_326, %rem3A_331 : vector<16xi32>
    %add3A_333 = arith.addi %mul3A_329, %rem3A_332 : vector<16xi32>
    %swap3A_334 = arith.constant 3 : i32
    %swap3A_335 = arith.index_cast %swap3A_334 : i32 to index
    %swap3A_336 = arith.constant 16 : index
    %swap3A_337 = tpu.vector_load %arg6[%swap3A_335, %swap3A_336] {strides = array<i32>} : memref<20x80xi32, #tpu.memory_space<vmem>>, vector<1x16xi32>,
    %swap3A_338 = vector.shape_cast %swap3A_337 : vector<1x16xi32> to vector<16xi32>
    %swap3A_339 = vector.shape_cast %add3A_333 : vector<16xi32> to vector<1x16xi32>
    tpu.vector_store %arg6[%swap3A_335, %swap3A_336], %swap3A_339 {strides = array<i32>} : memref<20x80xi32, #tpu.memory_space<vmem>>, vector<1x16xi32>,
    %get3A_340 = arith.constant 272 : index
    %get3A_341 = tpu.vector_load %arg5[%get3A_340] {strides = array<i32>} : memref<1600xi32, #tpu.memory_space<vmem>>, vector<16xi32>,
    %get3A_342 = vector.shape_cast %get3A_341 : vector<16xi32> to vector<16xi32>
    %add3A_343 = arith.constant 272 : i32
    %add3A_344 = arith.addi %mul3A_2, %add3A_343 : i32
    %add3A_345 = vector.broadcast %add3A_344 : i32 to vector<16xi32>
    %add3A_346 = arith.addi %add3A_345, %iota3A : vector<16xi32>
    %mul3A_347 = arith.constant 50 : i32
    %mul3A_348 = vector.broadcast %mul3A_347 : i32 to vector<16xi32>
    %mul3A_349 = arith.muli %get3A_342, %mul3A_348 : vector<16xi32>
    %rem3A_350 = arith.constant 50 : i32
    %rem3A_351 = vector.broadcast %rem3A_350 : i32 to vector<16xi32>
    %rem3A_352 = arith.remsi %add3A_346, %rem3A_351 : vector<16xi32>
    %add3A_353 = arith.addi %mul3A_349, %rem3A_352 : vector<16xi32>
    %swap3A_354 = arith.constant 3 : i32
    %swap3A_355 = arith.index_cast %swap3A_354 : i32 to index
    %swap3A_356 = arith.constant 32 : index
    %swap3A_357 = tpu.vector_load %arg6[%swap3A_355, %swap3A_356] {strides = array<i32>} : memref<20x80xi32, #tpu.memory_space<vmem>>, vector<1x16xi32>,
    %swap3A_358 = vector.shape_cast %swap3A_357 : vector<1x16xi32> to vector<16xi32>
    %swap3A_359 = vector.shape_cast %add3A_353 : vector<16xi32> to vector<1x16xi32>
    tpu.vector_store %arg6[%swap3A_355, %swap3A_356], %swap3A_359 {strides = array<i32>} : memref<20x80xi32, #tpu.memory_space<vmem>>, vector<1x16xi32>,
    %get3A_360 = arith.constant 288 : index
    %get3A_361 = tpu.vector_load %arg5[%get3A_360] {strides = array<i32>} : memref<1600xi32, #tpu.memory_space<vmem>>, vector<16xi32>,
    %get3A_362 = vector.shape_cast %get3A_361 : vector<16xi32> to vector<16xi32>
    %add3A_363 = arith.constant 288 : i32
    %add3A_364 = arith.addi %mul3A_2, %add3A_363 : i32
    %add3A_365 = vector.broadcast %add3A_364 : i32 to vector<16xi32>
    %add3A_366 = arith.addi %add3A_365, %iota3A : vector<16xi32>
    %mul3A_367 = arith.constant 50 : i32
    %mul3A_368 = vector.broadcast %mul3A_367 : i32 to vector<16xi32>
    %mul3A_369 = arith.muli %get3A_362, %mul3A_368 : vector<16xi32>
    %rem3A_370 = arith.constant 50 : i32
    %rem3A_371 = vector.broadcast %rem3A_370 : i32 to vector<16xi32>
    %rem3A_372 = arith.remsi %add3A_366, %rem3A_371 : vector<16xi32>
    %add3A_373 = arith.addi %mul3A_369, %rem3A_372 : vector<16xi32>
    %swap3A_374 = arith.constant 3 : i32
    %swap3A_375 = arith.index_cast %swap3A_374 : i32 to index
    %swap3A_376 = arith.constant 48 : index
    %swap3A_377 = tpu.vector_load %arg6[%swap3A_375, %swap3A_376] {strides = array<i32>} : memref<20x80xi32, #tpu.memory_space<vmem>>, vector<1x16xi32>,
    %swap3A_378 = vector.shape_cast %swap3A_377 : vector<1x16xi32> to vector<16xi32>
    %swap3A_379 = vector.shape_cast %add3A_373 : vector<16xi32> to vector<1x16xi32>
    tpu.vector_store %arg6[%swap3A_375, %swap3A_376], %swap3A_379 {strides = array<i32>} : memref<20x80xi32, #tpu.memory_space<vmem>>, vector<1x16xi32>,
    %get3A_380 = arith.constant 304 : index
    %get3A_381 = tpu.vector_load %arg5[%get3A_380] {strides = array<i32>} : memref<1600xi32, #tpu.memory_space<vmem>>, vector<16xi32>,
    %get3A_382 = vector.shape_cast %get3A_381 : vector<16xi32> to vector<16xi32>
    %add3A_383 = arith.constant 304 : i32
    %add3A_384 = arith.addi %mul3A_2, %add3A_383 : i32
    %add3A_385 = vector.broadcast %add3A_384 : i32 to vector<16xi32>
    %add3A_386 = arith.addi %add3A_385, %iota3A : vector<16xi32>
    %mul3A_387 = arith.constant 50 : i32
    %mul3A_388 = vector.broadcast %mul3A_387 : i32 to vector<16xi32>
    %mul3A_389 = arith.muli %get3A_382, %mul3A_388 : vector<16xi32>
    %rem3A_390 = arith.constant 50 : i32
    %rem3A_391 = vector.broadcast %rem3A_390 : i32 to vector<16xi32>
    %rem3A_392 = arith.remsi %add3A_386, %rem3A_391 : vector<16xi32>
    %add3A_393 = arith.addi %mul3A_389, %rem3A_392 : vector<16xi32>
    %swap3A_394 = arith.constant 3 : i32
    %swap3A_395 = arith.index_cast %swap3A_394 : i32 to index
    %swap3A_396 = arith.constant 64 : index
    %swap3A_397 = tpu.vector_load %arg6[%swap3A_395, %swap3A_396] {strides = array<i32>} : memref<20x80xi32, #tpu.memory_space<vmem>>, vector<1x16xi32>,
    %swap3A_398 = vector.shape_cast %swap3A_397 : vector<1x16xi32> to vector<16xi32>
    %swap3A_399 = vector.shape_cast %add3A_393 : vector<16xi32> to vector<1x16xi32>
    tpu.vector_store %arg6[%swap3A_395, %swap3A_396], %swap3A_399 {strides = array<i32>} : memref<20x80xi32, #tpu.memory_space<vmem>>, vector<1x16xi32>,
    %get3A_400 = arith.constant 320 : index
    %get3A_401 = tpu.vector_load %arg5[%get3A_400] {strides = array<i32>} : memref<1600xi32, #tpu.memory_space<vmem>>, vector<16xi32>,
    %get3A_402 = vector.shape_cast %get3A_401 : vector<16xi32> to vector<16xi32>
    %add3A_403 = arith.constant 320 : i32
    %add3A_404 = arith.addi %mul3A_2, %add3A_403 : i32
    %add3A_405 = vector.broadcast %add3A_404 : i32 to vector<16xi32>
    %add3A_406 = arith.addi %add3A_405, %iota3A : vector<16xi32>
    %mul3A_407 = arith.constant 50 : i32
    %mul3A_408 = vector.broadcast %mul3A_407 : i32 to vector<16xi32>
    %mul3A_409 = arith.muli %get3A_402, %mul3A_408 : vector<16xi32>
    %rem3A_410 = arith.constant 50 : i32
    %rem3A_411 = vector.broadcast %rem3A_410 : i32 to vector<16xi32>
    %rem3A_412 = arith.remsi %add3A_406, %rem3A_411 : vector<16xi32>
    %add3A_413 = arith.addi %mul3A_409, %rem3A_412 : vector<16xi32>
    %swap3A_414 = arith.constant 4 : i32
    %swap3A_415 = arith.index_cast %swap3A_414 : i32 to index
    %swap3A_416 = arith.constant 0 : index
    %swap3A_417 = tpu.vector_load %arg6[%swap3A_415, %swap3A_416] {strides = array<i32>} : memref<20x80xi32, #tpu.memory_space<vmem>>, vector<1x16xi32>,
    %swap3A_418 = vector.shape_cast %swap3A_417 : vector<1x16xi32> to vector<16xi32>
    %swap3A_419 = vector.shape_cast %add3A_413 : vector<16xi32> to vector<1x16xi32>
    tpu.vector_store %arg6[%swap3A_415, %swap3A_416], %swap3A_419 {strides = array<i32>} : memref<20x80xi32, #tpu.memory_space<vmem>>, vector<1x16xi32>,
    %get3A_420 = arith.constant 336 : index
    %get3A_421 = tpu.vector_load %arg5[%get3A_420] {strides = array<i32>} : memref<1600xi32, #tpu.memory_space<vmem>>, vector<16xi32>,
    %get3A_422 = vector.shape_cast %get3A_421 : vector<16xi32> to vector<16xi32>
    %add3A_423 = arith.constant 336 : i32
    %add3A_424 = arith.addi %mul3A_2, %add3A_423 : i32
    %add3A_425 = vector.broadcast %add3A_424 : i32 to vector<16xi32>
    %add3A_426 = arith.addi %add3A_425, %iota3A : vector<16xi32>
    %mul3A_427 = arith.constant 50 : i32
    %mul3A_428 = vector.broadcast %mul3A_427 : i32 to vector<16xi32>
    %mul3A_429 = arith.muli %get3A_422, %mul3A_428 : vector<16xi32>
    %rem3A_430 = arith.constant 50 : i32
    %rem3A_431 = vector.broadcast %rem3A_430 : i32 to vector<16xi32>
    %rem3A_432 = arith.remsi %add3A_426, %rem3A_431 : vector<16xi32>
    %add3A_433 = arith.addi %mul3A_429, %rem3A_432 : vector<16xi32>
    %swap3A_434 = arith.constant 4 : i32
    %swap3A_435 = arith.index_cast %swap3A_434 : i32 to index
    %swap3A_436 = arith.constant 16 : index
    %swap3A_437 = tpu.vector_load %arg6[%swap3A_435, %swap3A_436] {strides = array<i32>} : memref<20x80xi32, #tpu.memory_space<vmem>>, vector<1x16xi32>,
    %swap3A_438 = vector.shape_cast %swap3A_437 : vector<1x16xi32> to vector<16xi32>
    %swap3A_439 = vector.shape_cast %add3A_433 : vector<16xi32> to vector<1x16xi32>
    tpu.vector_store %arg6[%swap3A_435, %swap3A_436], %swap3A_439 {strides = array<i32>} : memref<20x80xi32, #tpu.memory_space<vmem>>, vector<1x16xi32>,
    %get3A_440 = arith.constant 352 : index
    %get3A_441 = tpu.vector_load %arg5[%get3A_440] {strides = array<i32>} : memref<1600xi32, #tpu.memory_space<vmem>>, vector<16xi32>,
    %get3A_442 = vector.shape_cast %get3A_441 : vector<16xi32> to vector<16xi32>
    %add3A_443 = arith.constant 352 : i32
    %add3A_444 = arith.addi %mul3A_2, %add3A_443 : i32
    %add3A_445 = vector.broadcast %add3A_444 : i32 to vector<16xi32>
    %add3A_446 = arith.addi %add3A_445, %iota3A : vector<16xi32>
    %mul3A_447 = arith.constant 50 : i32
    %mul3A_448 = vector.broadcast %mul3A_447 : i32 to vector<16xi32>
    %mul3A_449 = arith.muli %get3A_442, %mul3A_448 : vector<16xi32>
    %rem3A_450 = arith.constant 50 : i32
    %rem3A_451 = vector.broadcast %rem3A_450 : i32 to vector<16xi32>
    %rem3A_452 = arith.remsi %add3A_446, %rem3A_451 : vector<16xi32>
    %add3A_453 = arith.addi %mul3A_449, %rem3A_452 : vector<16xi32>
    %swap3A_454 = arith.constant 4 : i32
    %swap3A_455 = arith.index_cast %swap3A_454 : i32 to index
    %swap3A_456 = arith.constant 32 : index
    %swap3A_457 = tpu.vector_load %arg6[%swap3A_455, %swap3A_456] {strides = array<i32>} : memref<20x80xi32, #tpu.memory_space<vmem>>, vector<1x16xi32>,
    %swap3A_458 = vector.shape_cast %swap3A_457 : vector<1x16xi32> to vector<16xi32>
    %swap3A_459 = vector.shape_cast %add3A_453 : vector<16xi32> to vector<1x16xi32>
    tpu.vector_store %arg6[%swap3A_455, %swap3A_456], %swap3A_459 {strides = array<i32>} : memref<20x80xi32, #tpu.memory_space<vmem>>, vector<1x16xi32>,
    %get3A_460 = arith.constant 368 : index
    %get3A_461 = tpu.vector_load %arg5[%get3A_460] {strides = array<i32>} : memref<1600xi32, #tpu.memory_space<vmem>>, vector<16xi32>,
    %get3A_462 = vector.shape_cast %get3A_461 : vector<16xi32> to vector<16xi32>
    %add3A_463 = arith.constant 368 : i32
    %add3A_464 = arith.addi %mul3A_2, %add3A_463 : i32
    %add3A_465 = vector.broadcast %add3A_464 : i32 to vector<16xi32>
    %add3A_466 = arith.addi %add3A_465, %iota3A : vector<16xi32>
    %mul3A_467 = arith.constant 50 : i32
    %mul3A_468 = vector.broadcast %mul3A_467 : i32 to vector<16xi32>
    %mul3A_469 = arith.muli %get3A_462, %mul3A_468 : vector<16xi32>
    %rem3A_470 = arith.constant 50 : i32
    %rem3A_471 = vector.broadcast %rem3A_470 : i32 to vector<16xi32>
    %rem3A_472 = arith.remsi %add3A_466, %rem3A_471 : vector<16xi32>
    %add3A_473 = arith.addi %mul3A_469, %rem3A_472 : vector<16xi32>
    %swap3A_474 = arith.constant 4 : i32
    %swap3A_475 = arith.index_cast %swap3A_474 : i32 to index
    %swap3A_476 = arith.constant 48 : index
    %swap3A_477 = tpu.vector_load %arg6[%swap3A_475, %swap3A_476] {strides = array<i32>} : memref<20x80xi32, #tpu.memory_space<vmem>>, vector<1x16xi32>,
    %swap3A_478 = vector.shape_cast %swap3A_477 : vector<1x16xi32> to vector<16xi32>
    %swap3A_479 = vector.shape_cast %add3A_473 : vector<16xi32> to vector<1x16xi32>
    tpu.vector_store %arg6[%swap3A_475, %swap3A_476], %swap3A_479 {strides = array<i32>} : memref<20x80xi32, #tpu.memory_space<vmem>>, vector<1x16xi32>,
    %get3A_480 = arith.constant 384 : index
    %get3A_481 = tpu.vector_load %arg5[%get3A_480] {strides = array<i32>} : memref<1600xi32, #tpu.memory_space<vmem>>, vector<16xi32>,
    %get3A_482 = vector.shape_cast %get3A_481 : vector<16xi32> to vector<16xi32>
    %add3A_483 = arith.constant 384 : i32
    %add3A_484 = arith.addi %mul3A_2, %add3A_483 : i32
    %add3A_485 = vector.broadcast %add3A_484 : i32 to vector<16xi32>
    %add3A_486 = arith.addi %add3A_485, %iota3A : vector<16xi32>
    %mul3A_487 = arith.constant 50 : i32
    %mul3A_488 = vector.broadcast %mul3A_487 : i32 to vector<16xi32>
    %mul3A_489 = arith.muli %get3A_482, %mul3A_488 : vector<16xi32>
    %rem3A_490 = arith.constant 50 : i32
    %rem3A_491 = vector.broadcast %rem3A_490 : i32 to vector<16xi32>
    %rem3A_492 = arith.remsi %add3A_486, %rem3A_491 : vector<16xi32>
    %add3A_493 = arith.addi %mul3A_489, %rem3A_492 : vector<16xi32>
    %swap3A_494 = arith.constant 4 : i32
    %swap3A_495 = arith.index_cast %swap3A_494 : i32 to index
    %swap3A_496 = arith.constant 64 : index
    %swap3A_497 = tpu.vector_load %arg6[%swap3A_495, %swap3A_496] {strides = array<i32>} : memref<20x80xi32, #tpu.memory_space<vmem>>, vector<1x16xi32>,
    %swap3A_498 = vector.shape_cast %swap3A_497 : vector<1x16xi32> to vector<16xi32>
    %swap3A_499 = vector.shape_cast %add3A_493 : vector<16xi32> to vector<1x16xi32>
    tpu.vector_store %arg6[%swap3A_495, %swap3A_496], %swap3A_499 {strides = array<i32>} : memref<20x80xi32, #tpu.memory_space<vmem>>, vector<1x16xi32>,
    %get3A_500 = arith.constant 400 : index
    %get3A_501 = tpu.vector_load %arg5[%get3A_500] {strides = array<i32>} : memref<1600xi32, #tpu.memory_space<vmem>>, vector<16xi32>,
    %get3A_502 = vector.shape_cast %get3A_501 : vector<16xi32> to vector<16xi32>
    %add3A_503 = arith.constant 400 : i32
    %add3A_504 = arith.addi %mul3A_2, %add3A_503 : i32
    %add3A_505 = vector.broadcast %add3A_504 : i32 to vector<16xi32>
    %add3A_506 = arith.addi %add3A_505, %iota3A : vector<16xi32>
    %mul3A_507 = arith.constant 50 : i32
    %mul3A_508 = vector.broadcast %mul3A_507 : i32 to vector<16xi32>
    %mul3A_509 = arith.muli %get3A_502, %mul3A_508 : vector<16xi32>
    %rem3A_510 = arith.constant 50 : i32
    %rem3A_511 = vector.broadcast %rem3A_510 : i32 to vector<16xi32>
    %rem3A_512 = arith.remsi %add3A_506, %rem3A_511 : vector<16xi32>
    %add3A_513 = arith.addi %mul3A_509, %rem3A_512 : vector<16xi32>
    %swap3A_514 = arith.constant 5 : i32
    %swap3A_515 = arith.index_cast %swap3A_514 : i32 to index
    %swap3A_516 = arith.constant 0 : index
    %swap3A_517 = tpu.vector_load %arg6[%swap3A_515, %swap3A_516] {strides = array<i32>} : memref<20x80xi32, #tpu.memory_space<vmem>>, vector<1x16xi32>,
    %swap3A_518 = vector.shape_cast %swap3A_517 : vector<1x16xi32> to vector<16xi32>
    %swap3A_519 = vector.shape_cast %add3A_513 : vector<16xi32> to vector<1x16xi32>
    tpu.vector_store %arg6[%swap3A_515, %swap3A_516], %swap3A_519 {strides = array<i32>} : memref<20x80xi32, #tpu.memory_space<vmem>>, vector<1x16xi32>,
    %get3A_520 = arith.constant 416 : index
    %get3A_521 = tpu.vector_load %arg5[%get3A_520] {strides = array<i32>} : memref<1600xi32, #tpu.memory_space<vmem>>, vector<16xi32>,
    %get3A_522 = vector.shape_cast %get3A_521 : vector<16xi32> to vector<16xi32>
    %add3A_523 = arith.constant 416 : i32
    %add3A_524 = arith.addi %mul3A_2, %add3A_523 : i32
    %add3A_525 = vector.broadcast %add3A_524 : i32 to vector<16xi32>
    %add3A_526 = arith.addi %add3A_525, %iota3A : vector<16xi32>
    %mul3A_527 = arith.constant 50 : i32
    %mul3A_528 = vector.broadcast %mul3A_527 : i32 to vector<16xi32>
    %mul3A_529 = arith.muli %get3A_522, %mul3A_528 : vector<16xi32>
    %rem3A_530 = arith.constant 50 : i32
    %rem3A_531 = vector.broadcast %rem3A_530 : i32 to vector<16xi32>
    %rem3A_532 = arith.remsi %add3A_526, %rem3A_531 : vector<16xi32>
    %add3A_533 = arith.addi %mul3A_529, %rem3A_532 : vector<16xi32>
    %swap3A_534 = arith.constant 5 : i32
    %swap3A_535 = arith.index_cast %swap3A_534 : i32 to index
    %swap3A_536 = arith.constant 16 : index
    %swap3A_537 = tpu.vector_load %arg6[%swap3A_535, %swap3A_536] {strides = array<i32>} : memref<20x80xi32, #tpu.memory_space<vmem>>, vector<1x16xi32>,
    %swap3A_538 = vector.shape_cast %swap3A_537 : vector<1x16xi32> to vector<16xi32>
    %swap3A_539 = vector.shape_cast %add3A_533 : vector<16xi32> to vector<1x16xi32>
    tpu.vector_store %arg6[%swap3A_535, %swap3A_536], %swap3A_539 {strides = array<i32>} : memref<20x80xi32, #tpu.memory_space<vmem>>, vector<1x16xi32>,
    %get3A_540 = arith.constant 432 : index
    %get3A_541 = tpu.vector_load %arg5[%get3A_540] {strides = array<i32>} : memref<1600xi32, #tpu.memory_space<vmem>>, vector<16xi32>,
    %get3A_542 = vector.shape_cast %get3A_541 : vector<16xi32> to vector<16xi32>
    %add3A_543 = arith.constant 432 : i32
    %add3A_544 = arith.addi %mul3A_2, %add3A_543 : i32
    %add3A_545 = vector.broadcast %add3A_544 : i32 to vector<16xi32>
    %add3A_546 = arith.addi %add3A_545, %iota3A : vector<16xi32>
    %mul3A_547 = arith.constant 50 : i32
    %mul3A_548 = vector.broadcast %mul3A_547 : i32 to vector<16xi32>
    %mul3A_549 = arith.muli %get3A_542, %mul3A_548 : vector<16xi32>
    %rem3A_550 = arith.constant 50 : i32
    %rem3A_551 = vector.broadcast %rem3A_550 : i32 to vector<16xi32>
    %rem3A_552 = arith.remsi %add3A_546, %rem3A_551 : vector<16xi32>
    %add3A_553 = arith.addi %mul3A_549, %rem3A_552 : vector<16xi32>
    %swap3A_554 = arith.constant 5 : i32
    %swap3A_555 = arith.index_cast %swap3A_554 : i32 to index
    %swap3A_556 = arith.constant 32 : index
    %swap3A_557 = tpu.vector_load %arg6[%swap3A_555, %swap3A_556] {strides = array<i32>} : memref<20x80xi32, #tpu.memory_space<vmem>>, vector<1x16xi32>,
    %swap3A_558 = vector.shape_cast %swap3A_557 : vector<1x16xi32> to vector<16xi32>
    %swap3A_559 = vector.shape_cast %add3A_553 : vector<16xi32> to vector<1x16xi32>
    tpu.vector_store %arg6[%swap3A_555, %swap3A_556], %swap3A_559 {strides = array<i32>} : memref<20x80xi32, #tpu.memory_space<vmem>>, vector<1x16xi32>,
    %get3A_560 = arith.constant 448 : index
    %get3A_561 = tpu.vector_load %arg5[%get3A_560] {strides = array<i32>} : memref<1600xi32, #tpu.memory_space<vmem>>, vector<16xi32>,
    %get3A_562 = vector.shape_cast %get3A_561 : vector<16xi32> to vector<16xi32>
    %add3A_563 = arith.constant 448 : i32
    %add3A_564 = arith.addi %mul3A_2, %add3A_563 : i32
    %add3A_565 = vector.broadcast %add3A_564 : i32 to vector<16xi32>
    %add3A_566 = arith.addi %add3A_565, %iota3A : vector<16xi32>
    %mul3A_567 = arith.constant 50 : i32
    %mul3A_568 = vector.broadcast %mul3A_567 : i32 to vector<16xi32>
    %mul3A_569 = arith.muli %get3A_562, %mul3A_568 : vector<16xi32>
    %rem3A_570 = arith.constant 50 : i32
    %rem3A_571 = vector.broadcast %rem3A_570 : i32 to vector<16xi32>
    %rem3A_572 = arith.remsi %add3A_566, %rem3A_571 : vector<16xi32>
    %add3A_573 = arith.addi %mul3A_569, %rem3A_572 : vector<16xi32>
    %swap3A_574 = arith.constant 5 : i32
    %swap3A_575 = arith.index_cast %swap3A_574 : i32 to index
    %swap3A_576 = arith.constant 48 : index
    %swap3A_577 = tpu.vector_load %arg6[%swap3A_575, %swap3A_576] {strides = array<i32>} : memref<20x80xi32, #tpu.memory_space<vmem>>, vector<1x16xi32>,
    %swap3A_578 = vector.shape_cast %swap3A_577 : vector<1x16xi32> to vector<16xi32>
    %swap3A_579 = vector.shape_cast %add3A_573 : vector<16xi32> to vector<1x16xi32>
    tpu.vector_store %arg6[%swap3A_575, %swap3A_576], %swap3A_579 {strides = array<i32>} : memref<20x80xi32, #tpu.memory_space<vmem>>, vector<1x16xi32>,
    %get3A_580 = arith.constant 464 : index
    %get3A_581 = tpu.vector_load %arg5[%get3A_580] {strides = array<i32>} : memref<1600xi32, #tpu.memory_space<vmem>>, vector<16xi32>,
    %get3A_582 = vector.shape_cast %get3A_581 : vector<16xi32> to vector<16xi32>
    %add3A_583 = arith.constant 464 : i32
    %add3A_584 = arith.addi %mul3A_2, %add3A_583 : i32
    %add3A_585 = vector.broadcast %add3A_584 : i32 to vector<16xi32>
    %add3A_586 = arith.addi %add3A_585, %iota3A : vector<16xi32>
    %mul3A_587 = arith.constant 50 : i32
    %mul3A_588 = vector.broadcast %mul3A_587 : i32 to vector<16xi32>
    %mul3A_589 = arith.muli %get3A_582, %mul3A_588 : vector<16xi32>
    %rem3A_590 = arith.constant 50 : i32
    %rem3A_591 = vector.broadcast %rem3A_590 : i32 to vector<16xi32>
    %rem3A_592 = arith.remsi %add3A_586, %rem3A_591 : vector<16xi32>
    %add3A_593 = arith.addi %mul3A_589, %rem3A_592 : vector<16xi32>
    %swap3A_594 = arith.constant 5 : i32
    %swap3A_595 = arith.index_cast %swap3A_594 : i32 to index
    %swap3A_596 = arith.constant 64 : index
    %swap3A_597 = tpu.vector_load %arg6[%swap3A_595, %swap3A_596] {strides = array<i32>} : memref<20x80xi32, #tpu.memory_space<vmem>>, vector<1x16xi32>,
    %swap3A_598 = vector.shape_cast %swap3A_597 : vector<1x16xi32> to vector<16xi32>
    %swap3A_599 = vector.shape_cast %add3A_593 : vector<16xi32> to vector<1x16xi32>
    tpu.vector_store %arg6[%swap3A_595, %swap3A_596], %swap3A_599 {strides = array<i32>} : memref<20x80xi32, #tpu.memory_space<vmem>>, vector<1x16xi32>,
    %get3A_600 = arith.constant 480 : index
    %get3A_601 = tpu.vector_load %arg5[%get3A_600] {strides = array<i32>} : memref<1600xi32, #tpu.memory_space<vmem>>, vector<16xi32>,
    %get3A_602 = vector.shape_cast %get3A_601 : vector<16xi32> to vector<16xi32>
    %add3A_603 = arith.constant 480 : i32
    %add3A_604 = arith.addi %mul3A_2, %add3A_603 : i32
    %add3A_605 = vector.broadcast %add3A_604 : i32 to vector<16xi32>
    %add3A_606 = arith.addi %add3A_605, %iota3A : vector<16xi32>
    %mul3A_607 = arith.constant 50 : i32
    %mul3A_608 = vector.broadcast %mul3A_607 : i32 to vector<16xi32>
    %mul3A_609 = arith.muli %get3A_602, %mul3A_608 : vector<16xi32>
    %rem3A_610 = arith.constant 50 : i32
    %rem3A_611 = vector.broadcast %rem3A_610 : i32 to vector<16xi32>
    %rem3A_612 = arith.remsi %add3A_606, %rem3A_611 : vector<16xi32>
    %add3A_613 = arith.addi %mul3A_609, %rem3A_612 : vector<16xi32>
    %swap3A_614 = arith.constant 6 : i32
    %swap3A_615 = arith.index_cast %swap3A_614 : i32 to index
    %swap3A_616 = arith.constant 0 : index
    %swap3A_617 = tpu.vector_load %arg6[%swap3A_615, %swap3A_616] {strides = array<i32>} : memref<20x80xi32, #tpu.memory_space<vmem>>, vector<1x16xi32>,
    %swap3A_618 = vector.shape_cast %swap3A_617 : vector<1x16xi32> to vector<16xi32>
    %swap3A_619 = vector.shape_cast %add3A_613 : vector<16xi32> to vector<1x16xi32>
    tpu.vector_store %arg6[%swap3A_615, %swap3A_616], %swap3A_619 {strides = array<i32>} : memref<20x80xi32, #tpu.memory_space<vmem>>, vector<1x16xi32>,
    %get3A_620 = arith.constant 496 : index
    %get3A_621 = tpu.vector_load %arg5[%get3A_620] {strides = array<i32>} : memref<1600xi32, #tpu.memory_space<vmem>>, vector<16xi32>,
    %get3A_622 = vector.shape_cast %get3A_621 : vector<16xi32> to vector<16xi32>
    %add3A_623 = arith.constant 496 : i32
    %add3A_624 = arith.addi %mul3A_2, %add3A_623 : i32
    %add3A_625 = vector.broadcast %add3A_624 : i32 to vector<16xi32>
    %add3A_626 = arith.addi %add3A_625, %iota3A : vector<16xi32>
    %mul3A_627 = arith.constant 50 : i32
    %mul3A_628 = vector.broadcast %mul3A_627 : i32 to vector<16xi32>
    %mul3A_629 = arith.muli %get3A_622, %mul3A_628 : vector<16xi32>
    %rem3A_630 = arith.constant 50 : i32
    %rem3A_631 = vector.broadcast %rem3A_630 : i32 to vector<16xi32>
    %rem3A_632 = arith.remsi %add3A_626, %rem3A_631 : vector<16xi32>
    %add3A_633 = arith.addi %mul3A_629, %rem3A_632 : vector<16xi32>
    %swap3A_634 = arith.constant 6 : i32
    %swap3A_635 = arith.index_cast %swap3A_634 : i32 to index
    %swap3A_636 = arith.constant 16 : index
    %swap3A_637 = tpu.vector_load %arg6[%swap3A_635, %swap3A_636] {strides = array<i32>} : memref<20x80xi32, #tpu.memory_space<vmem>>, vector<1x16xi32>,
    %swap3A_638 = vector.shape_cast %swap3A_637 : vector<1x16xi32> to vector<16xi32>
    %swap3A_639 = vector.shape_cast %add3A_633 : vector<16xi32> to vector<1x16xi32>
    tpu.vector_store %arg6[%swap3A_635, %swap3A_636], %swap3A_639 {strides = array<i32>} : memref<20x80xi32, #tpu.memory_space<vmem>>, vector<1x16xi32>,
    %get3A_640 = arith.constant 512 : index
    %get3A_641 = tpu.vector_load %arg5[%get3A_640] {strides = array<i32>} : memref<1600xi32, #tpu.memory_space<vmem>>, vector<16xi32>,
    %get3A_642 = vector.shape_cast %get3A_641 : vector<16xi32> to vector<16xi32>
    %add3A_643 = arith.constant 512 : i32
    %add3A_644 = arith.addi %mul3A_2, %add3A_643 : i32
    %add3A_645 = vector.broadcast %add3A_644 : i32 to vector<16xi32>
    %add3A_646 = arith.addi %add3A_645, %iota3A : vector<16xi32>
    %mul3A_647 = arith.constant 50 : i32
    %mul3A_648 = vector.broadcast %mul3A_647 : i32 to vector<16xi32>
    %mul3A_649 = arith.muli %get3A_642, %mul3A_648 : vector<16xi32>
    %rem3A_650 = arith.constant 50 : i32
    %rem3A_651 = vector.broadcast %rem3A_650 : i32 to vector<16xi32>
    %rem3A_652 = arith.remsi %add3A_646, %rem3A_651 : vector<16xi32>
    %add3A_653 = arith.addi %mul3A_649, %rem3A_652 : vector<16xi32>
    %swap3A_654 = arith.constant 6 : i32
    %swap3A_655 = arith.index_cast %swap3A_654 : i32 to index
    %swap3A_656 = arith.constant 32 : index
    %swap3A_657 = tpu.vector_load %arg6[%swap3A_655, %swap3A_656] {strides = array<i32>} : memref<20x80xi32, #tpu.memory_space<vmem>>, vector<1x16xi32>,
    %swap3A_658 = vector.shape_cast %swap3A_657 : vector<1x16xi32> to vector<16xi32>
    %swap3A_659 = vector.shape_cast %add3A_653 : vector<16xi32> to vector<1x16xi32>
    tpu.vector_store %arg6[%swap3A_655, %swap3A_656], %swap3A_659 {strides = array<i32>} : memref<20x80xi32, #tpu.memory_space<vmem>>, vector<1x16xi32>,
    %get3A_660 = arith.constant 528 : index
    %get3A_661 = tpu.vector_load %arg5[%get3A_660] {strides = array<i32>} : memref<1600xi32, #tpu.memory_space<vmem>>, vector<16xi32>,
    %get3A_662 = vector.shape_cast %get3A_661 : vector<16xi32> to vector<16xi32>
    %add3A_663 = arith.constant 528 : i32
    %add3A_664 = arith.addi %mul3A_2, %add3A_663 : i32
    %add3A_665 = vector.broadcast %add3A_664 : i32 to vector<16xi32>
    %add3A_666 = arith.addi %add3A_665, %iota3A : vector<16xi32>
    %mul3A_667 = arith.constant 50 : i32
    %mul3A_668 = vector.broadcast %mul3A_667 : i32 to vector<16xi32>
    %mul3A_669 = arith.muli %get3A_662, %mul3A_668 : vector<16xi32>
    %rem3A_670 = arith.constant 50 : i32
    %rem3A_671 = vector.broadcast %rem3A_670 : i32 to vector<16xi32>
    %rem3A_672 = arith.remsi %add3A_666, %rem3A_671 : vector<16xi32>
    %add3A_673 = arith.addi %mul3A_669, %rem3A_672 : vector<16xi32>
    %swap3A_674 = arith.constant 6 : i32
    %swap3A_675 = arith.index_cast %swap3A_674 : i32 to index
    %swap3A_676 = arith.constant 48 : index
    %swap3A_677 = tpu.vector_load %arg6[%swap3A_675, %swap3A_676] {strides = array<i32>} : memref<20x80xi32, #tpu.memory_space<vmem>>, vector<1x16xi32>,
    %swap3A_678 = vector.shape_cast %swap3A_677 : vector<1x16xi32> to vector<16xi32>
    %swap3A_679 = vector.shape_cast %add3A_673 : vector<16xi32> to vector<1x16xi32>
    tpu.vector_store %arg6[%swap3A_675, %swap3A_676], %swap3A_679 {strides = array<i32>} : memref<20x80xi32, #tpu.memory_space<vmem>>, vector<1x16xi32>,
    %get3A_680 = arith.constant 544 : index
    %get3A_681 = tpu.vector_load %arg5[%get3A_680] {strides = array<i32>} : memref<1600xi32, #tpu.memory_space<vmem>>, vector<16xi32>,
    %get3A_682 = vector.shape_cast %get3A_681 : vector<16xi32> to vector<16xi32>
    %add3A_683 = arith.constant 544 : i32
    %add3A_684 = arith.addi %mul3A_2, %add3A_683 : i32
    %add3A_685 = vector.broadcast %add3A_684 : i32 to vector<16xi32>
    %add3A_686 = arith.addi %add3A_685, %iota3A : vector<16xi32>
    %mul3A_687 = arith.constant 50 : i32
    %mul3A_688 = vector.broadcast %mul3A_687 : i32 to vector<16xi32>
    %mul3A_689 = arith.muli %get3A_682, %mul3A_688 : vector<16xi32>
    %rem3A_690 = arith.constant 50 : i32
    %rem3A_691 = vector.broadcast %rem3A_690 : i32 to vector<16xi32>
    %rem3A_692 = arith.remsi %add3A_686, %rem3A_691 : vector<16xi32>
    %add3A_693 = arith.addi %mul3A_689, %rem3A_692 : vector<16xi32>
    %swap3A_694 = arith.constant 6 : i32
    %swap3A_695 = arith.index_cast %swap3A_694 : i32 to index
    %swap3A_696 = arith.constant 64 : index
    %swap3A_697 = tpu.vector_load %arg6[%swap3A_695, %swap3A_696] {strides = array<i32>} : memref<20x80xi32, #tpu.memory_space<vmem>>, vector<1x16xi32>,
    %swap3A_698 = vector.shape_cast %swap3A_697 : vector<1x16xi32> to vector<16xi32>
    %swap3A_699 = vector.shape_cast %add3A_693 : vector<16xi32> to vector<1x16xi32>
    tpu.vector_store %arg6[%swap3A_695, %swap3A_696], %swap3A_699 {strides = array<i32>} : memref<20x80xi32, #tpu.memory_space<vmem>>, vector<1x16xi32>,
    %get3A_700 = arith.constant 560 : index
    %get3A_701 = tpu.vector_load %arg5[%get3A_700] {strides = array<i32>} : memref<1600xi32, #tpu.memory_space<vmem>>, vector<16xi32>,
    %get3A_702 = vector.shape_cast %get3A_701 : vector<16xi32> to vector<16xi32>
    %add3A_703 = arith.constant 560 : i32
    %add3A_704 = arith.addi %mul3A_2, %add3A_703 : i32
    %add3A_705 = vector.broadcast %add3A_704 : i32 to vector<16xi32>
    %add3A_706 = arith.addi %add3A_705, %iota3A : vector<16xi32>
    %mul3A_707 = arith.constant 50 : i32
    %mul3A_708 = vector.broadcast %mul3A_707 : i32 to vector<16xi32>
    %mul3A_709 = arith.muli %get3A_702, %mul3A_708 : vector<16xi32>
    %rem3A_710 = arith.constant 50 : i32
    %rem3A_711 = vector.broadcast %rem3A_710 : i32 to vector<16xi32>
    %rem3A_712 = arith.remsi %add3A_706, %rem3A_711 : vector<16xi32>
    %add3A_713 = arith.addi %mul3A_709, %rem3A_712 : vector<16xi32>
    %swap3A_714 = arith.constant 7 : i32
    %swap3A_715 = arith.index_cast %swap3A_714 : i32 to index
    %swap3A_716 = arith.constant 0 : index
    %swap3A_717 = tpu.vector_load %arg6[%swap3A_715, %swap3A_716] {strides = array<i32>} : memref<20x80xi32, #tpu.memory_space<vmem>>, vector<1x16xi32>,
    %swap3A_718 = vector.shape_cast %swap3A_717 : vector<1x16xi32> to vector<16xi32>
    %swap3A_719 = vector.shape_cast %add3A_713 : vector<16xi32> to vector<1x16xi32>
    tpu.vector_store %arg6[%swap3A_715, %swap3A_716], %swap3A_719 {strides = array<i32>} : memref<20x80xi32, #tpu.memory_space<vmem>>, vector<1x16xi32>,
    %get3A_720 = arith.constant 576 : index
    %get3A_721 = tpu.vector_load %arg5[%get3A_720] {strides = array<i32>} : memref<1600xi32, #tpu.memory_space<vmem>>, vector<16xi32>,
    %get3A_722 = vector.shape_cast %get3A_721 : vector<16xi32> to vector<16xi32>
    %add3A_723 = arith.constant 576 : i32
    %add3A_724 = arith.addi %mul3A_2, %add3A_723 : i32
    %add3A_725 = vector.broadcast %add3A_724 : i32 to vector<16xi32>
    %add3A_726 = arith.addi %add3A_725, %iota3A : vector<16xi32>
    %mul3A_727 = arith.constant 50 : i32
    %mul3A_728 = vector.broadcast %mul3A_727 : i32 to vector<16xi32>
    %mul3A_729 = arith.muli %get3A_722, %mul3A_728 : vector<16xi32>
    %rem3A_730 = arith.constant 50 : i32
    %rem3A_731 = vector.broadcast %rem3A_730 : i32 to vector<16xi32>
    %rem3A_732 = arith.remsi %add3A_726, %rem3A_731 : vector<16xi32>
    %add3A_733 = arith.addi %mul3A_729, %rem3A_732 : vector<16xi32>
    %swap3A_734 = arith.constant 7 : i32
    %swap3A_735 = arith.index_cast %swap3A_734 : i32 to index
    %swap3A_736 = arith.constant 16 : index
    %swap3A_737 = tpu.vector_load %arg6[%swap3A_735, %swap3A_736] {strides = array<i32>} : memref<20x80xi32, #tpu.memory_space<vmem>>, vector<1x16xi32>,
    %swap3A_738 = vector.shape_cast %swap3A_737 : vector<1x16xi32> to vector<16xi32>
    %swap3A_739 = vector.shape_cast %add3A_733 : vector<16xi32> to vector<1x16xi32>
    tpu.vector_store %arg6[%swap3A_735, %swap3A_736], %swap3A_739 {strides = array<i32>} : memref<20x80xi32, #tpu.memory_space<vmem>>, vector<1x16xi32>,
    %get3A_740 = arith.constant 592 : index
    %get3A_741 = tpu.vector_load %arg5[%get3A_740] {strides = array<i32>} : memref<1600xi32, #tpu.memory_space<vmem>>, vector<16xi32>,
    %get3A_742 = vector.shape_cast %get3A_741 : vector<16xi32> to vector<16xi32>
    %add3A_743 = arith.constant 592 : i32
    %add3A_744 = arith.addi %mul3A_2, %add3A_743 : i32
    %add3A_745 = vector.broadcast %add3A_744 : i32 to vector<16xi32>
    %add3A_746 = arith.addi %add3A_745, %iota3A : vector<16xi32>
    %mul3A_747 = arith.constant 50 : i32
    %mul3A_748 = vector.broadcast %mul3A_747 : i32 to vector<16xi32>
    %mul3A_749 = arith.muli %get3A_742, %mul3A_748 : vector<16xi32>
    %rem3A_750 = arith.constant 50 : i32
    %rem3A_751 = vector.broadcast %rem3A_750 : i32 to vector<16xi32>
    %rem3A_752 = arith.remsi %add3A_746, %rem3A_751 : vector<16xi32>
    %add3A_753 = arith.addi %mul3A_749, %rem3A_752 : vector<16xi32>
    %swap3A_754 = arith.constant 7 : i32
    %swap3A_755 = arith.index_cast %swap3A_754 : i32 to index
    %swap3A_756 = arith.constant 32 : index
    %swap3A_757 = tpu.vector_load %arg6[%swap3A_755, %swap3A_756] {strides = array<i32>} : memref<20x80xi32, #tpu.memory_space<vmem>>, vector<1x16xi32>,
    %swap3A_758 = vector.shape_cast %swap3A_757 : vector<1x16xi32> to vector<16xi32>
    %swap3A_759 = vector.shape_cast %add3A_753 : vector<16xi32> to vector<1x16xi32>
    tpu.vector_store %arg6[%swap3A_755, %swap3A_756], %swap3A_759 {strides = array<i32>} : memref<20x80xi32, #tpu.memory_space<vmem>>, vector<1x16xi32>,
    %get3A_760 = arith.constant 608 : index
    %get3A_761 = tpu.vector_load %arg5[%get3A_760] {strides = array<i32>} : memref<1600xi32, #tpu.memory_space<vmem>>, vector<16xi32>,
    %get3A_762 = vector.shape_cast %get3A_761 : vector<16xi32> to vector<16xi32>
    %add3A_763 = arith.constant 608 : i32
    %add3A_764 = arith.addi %mul3A_2, %add3A_763 : i32
    %add3A_765 = vector.broadcast %add3A_764 : i32 to vector<16xi32>
    %add3A_766 = arith.addi %add3A_765, %iota3A : vector<16xi32>
    %mul3A_767 = arith.constant 50 : i32
    %mul3A_768 = vector.broadcast %mul3A_767 : i32 to vector<16xi32>
    %mul3A_769 = arith.muli %get3A_762, %mul3A_768 : vector<16xi32>
    %rem3A_770 = arith.constant 50 : i32
    %rem3A_771 = vector.broadcast %rem3A_770 : i32 to vector<16xi32>
    %rem3A_772 = arith.remsi %add3A_766, %rem3A_771 : vector<16xi32>
    %add3A_773 = arith.addi %mul3A_769, %rem3A_772 : vector<16xi32>
    %swap3A_774 = arith.constant 7 : i32
    %swap3A_775 = arith.index_cast %swap3A_774 : i32 to index
    %swap3A_776 = arith.constant 48 : index
    %swap3A_777 = tpu.vector_load %arg6[%swap3A_775, %swap3A_776] {strides = array<i32>} : memref<20x80xi32, #tpu.memory_space<vmem>>, vector<1x16xi32>,
    %swap3A_778 = vector.shape_cast %swap3A_777 : vector<1x16xi32> to vector<16xi32>
    %swap3A_779 = vector.shape_cast %add3A_773 : vector<16xi32> to vector<1x16xi32>
    tpu.vector_store %arg6[%swap3A_775, %swap3A_776], %swap3A_779 {strides = array<i32>} : memref<20x80xi32, #tpu.memory_space<vmem>>, vector<1x16xi32>,
    %get3A_780 = arith.constant 624 : index
    %get3A_781 = tpu.vector_load %arg5[%get3A_780] {strides = array<i32>} : memref<1600xi32, #tpu.memory_space<vmem>>, vector<16xi32>,
    %get3A_782 = vector.shape_cast %get3A_781 : vector<16xi32> to vector<16xi32>
    %add3A_783 = arith.constant 624 : i32
    %add3A_784 = arith.addi %mul3A_2, %add3A_783 : i32
    %add3A_785 = vector.broadcast %add3A_784 : i32 to vector<16xi32>
    %add3A_786 = arith.addi %add3A_785, %iota3A : vector<16xi32>
    %mul3A_787 = arith.constant 50 : i32
    %mul3A_788 = vector.broadcast %mul3A_787 : i32 to vector<16xi32>
    %mul3A_789 = arith.muli %get3A_782, %mul3A_788 : vector<16xi32>
    %rem3A_790 = arith.constant 50 : i32
    %rem3A_791 = vector.broadcast %rem3A_790 : i32 to vector<16xi32>
    %rem3A_792 = arith.remsi %add3A_786, %rem3A_791 : vector<16xi32>
    %add3A_793 = arith.addi %mul3A_789, %rem3A_792 : vector<16xi32>
    %swap3A_794 = arith.constant 7 : i32
    %swap3A_795 = arith.index_cast %swap3A_794 : i32 to index
    %swap3A_796 = arith.constant 64 : index
    %swap3A_797 = tpu.vector_load %arg6[%swap3A_795, %swap3A_796] {strides = array<i32>} : memref<20x80xi32, #tpu.memory_space<vmem>>, vector<1x16xi32>,
    %swap3A_798 = vector.shape_cast %swap3A_797 : vector<1x16xi32> to vector<16xi32>
    %swap3A_799 = vector.shape_cast %add3A_793 : vector<16xi32> to vector<1x16xi32>
    tpu.vector_store %arg6[%swap3A_795, %swap3A_796], %swap3A_799 {strides = array<i32>} : memref<20x80xi32, #tpu.memory_space<vmem>>, vector<1x16xi32>,
    %get3A_800 = arith.constant 640 : index
    %get3A_801 = tpu.vector_load %arg5[%get3A_800] {strides = array<i32>} : memref<1600xi32, #tpu.memory_space<vmem>>, vector<16xi32>,
    %get3A_802 = vector.shape_cast %get3A_801 : vector<16xi32> to vector<16xi32>
    %add3A_803 = arith.constant 640 : i32
    %add3A_804 = arith.addi %mul3A_2, %add3A_803 : i32
    %add3A_805 = vector.broadcast %add3A_804 : i32 to vector<16xi32>
    %add3A_806 = arith.addi %add3A_805, %iota3A : vector<16xi32>
    %mul3A_807 = arith.constant 50 : i32
    %mul3A_808 = vector.broadcast %mul3A_807 : i32 to vector<16xi32>
    %mul3A_809 = arith.muli %get3A_802, %mul3A_808 : vector<16xi32>
    %rem3A_810 = arith.constant 50 : i32
    %rem3A_811 = vector.broadcast %rem3A_810 : i32 to vector<16xi32>
    %rem3A_812 = arith.remsi %add3A_806, %rem3A_811 : vector<16xi32>
    %add3A_813 = arith.addi %mul3A_809, %rem3A_812 : vector<16xi32>
    %swap3A_814 = arith.constant 8 : i32
    %swap3A_815 = arith.index_cast %swap3A_814 : i32 to index
    %swap3A_816 = arith.constant 0 : index
    %swap3A_817 = tpu.vector_load %arg6[%swap3A_815, %swap3A_816] {strides = array<i32>} : memref<20x80xi32, #tpu.memory_space<vmem>>, vector<1x16xi32>,
    %swap3A_818 = vector.shape_cast %swap3A_817 : vector<1x16xi32> to vector<16xi32>
    %swap3A_819 = vector.shape_cast %add3A_813 : vector<16xi32> to vector<1x16xi32>
    tpu.vector_store %arg6[%swap3A_815, %swap3A_816], %swap3A_819 {strides = array<i32>} : memref<20x80xi32, #tpu.memory_space<vmem>>, vector<1x16xi32>,
    %get3A_820 = arith.constant 656 : index
    %get3A_821 = tpu.vector_load %arg5[%get3A_820] {strides = array<i32>} : memref<1600xi32, #tpu.memory_space<vmem>>, vector<16xi32>,
    %get3A_822 = vector.shape_cast %get3A_821 : vector<16xi32> to vector<16xi32>
    %add3A_823 = arith.constant 656 : i32
    %add3A_824 = arith.addi %mul3A_2, %add3A_823 : i32
    %add3A_825 = vector.broadcast %add3A_824 : i32 to vector<16xi32>
    %add3A_826 = arith.addi %add3A_825, %iota3A : vector<16xi32>
    %mul3A_827 = arith.constant 50 : i32
    %mul3A_828 = vector.broadcast %mul3A_827 : i32 to vector<16xi32>
    %mul3A_829 = arith.muli %get3A_822, %mul3A_828 : vector<16xi32>
    %rem3A_830 = arith.constant 50 : i32
    %rem3A_831 = vector.broadcast %rem3A_830 : i32 to vector<16xi32>
    %rem3A_832 = arith.remsi %add3A_826, %rem3A_831 : vector<16xi32>
    %add3A_833 = arith.addi %mul3A_829, %rem3A_832 : vector<16xi32>
    %swap3A_834 = arith.constant 8 : i32
    %swap3A_835 = arith.index_cast %swap3A_834 : i32 to index
    %swap3A_836 = arith.constant 16 : index
    %swap3A_837 = tpu.vector_load %arg6[%swap3A_835, %swap3A_836] {strides = array<i32>} : memref<20x80xi32, #tpu.memory_space<vmem>>, vector<1x16xi32>,
    %swap3A_838 = vector.shape_cast %swap3A_837 : vector<1x16xi32> to vector<16xi32>
    %swap3A_839 = vector.shape_cast %add3A_833 : vector<16xi32> to vector<1x16xi32>
    tpu.vector_store %arg6[%swap3A_835, %swap3A_836], %swap3A_839 {strides = array<i32>} : memref<20x80xi32, #tpu.memory_space<vmem>>, vector<1x16xi32>,
    %get3A_840 = arith.constant 672 : index
    %get3A_841 = tpu.vector_load %arg5[%get3A_840] {strides = array<i32>} : memref<1600xi32, #tpu.memory_space<vmem>>, vector<16xi32>,
    %get3A_842 = vector.shape_cast %get3A_841 : vector<16xi32> to vector<16xi32>
    %add3A_843 = arith.constant 672 : i32
    %add3A_844 = arith.addi %mul3A_2, %add3A_843 : i32
    %add3A_845 = vector.broadcast %add3A_844 : i32 to vector<16xi32>
    %add3A_846 = arith.addi %add3A_845, %iota3A : vector<16xi32>
    %mul3A_847 = arith.constant 50 : i32
    %mul3A_848 = vector.broadcast %mul3A_847 : i32 to vector<16xi32>
    %mul3A_849 = arith.muli %get3A_842, %mul3A_848 : vector<16xi32>
    %rem3A_850 = arith.constant 50 : i32
    %rem3A_851 = vector.broadcast %rem3A_850 : i32 to vector<16xi32>
    %rem3A_852 = arith.remsi %add3A_846, %rem3A_851 : vector<16xi32>
    %add3A_853 = arith.addi %mul3A_849, %rem3A_852 : vector<16xi32>
    %swap3A_854 = arith.constant 8 : i32
    %swap3A_855 = arith.index_cast %swap3A_854 : i32 to index
    %swap3A_856 = arith.constant 32 : index
    %swap3A_857 = tpu.vector_load %arg6[%swap3A_855, %swap3A_856] {strides = array<i32>} : memref<20x80xi32, #tpu.memory_space<vmem>>, vector<1x16xi32>,
    %swap3A_858 = vector.shape_cast %swap3A_857 : vector<1x16xi32> to vector<16xi32>
    %swap3A_859 = vector.shape_cast %add3A_853 : vector<16xi32> to vector<1x16xi32>
    tpu.vector_store %arg6[%swap3A_855, %swap3A_856], %swap3A_859 {strides = array<i32>} : memref<20x80xi32, #tpu.memory_space<vmem>>, vector<1x16xi32>,
    %get3A_860 = arith.constant 688 : index
    %get3A_861 = tpu.vector_load %arg5[%get3A_860] {strides = array<i32>} : memref<1600xi32, #tpu.memory_space<vmem>>, vector<16xi32>,
    %get3A_862 = vector.shape_cast %get3A_861 : vector<16xi32> to vector<16xi32>
    %add3A_863 = arith.constant 688 : i32
    %add3A_864 = arith.addi %mul3A_2, %add3A_863 : i32
    %add3A_865 = vector.broadcast %add3A_864 : i32 to vector<16xi32>
    %add3A_866 = arith.addi %add3A_865, %iota3A : vector<16xi32>
    %mul3A_867 = arith.constant 50 : i32
    %mul3A_868 = vector.broadcast %mul3A_867 : i32 to vector<16xi32>
    %mul3A_869 = arith.muli %get3A_862, %mul3A_868 : vector<16xi32>
    %rem3A_870 = arith.constant 50 : i32
    %rem3A_871 = vector.broadcast %rem3A_870 : i32 to vector<16xi32>
    %rem3A_872 = arith.remsi %add3A_866, %rem3A_871 : vector<16xi32>
    %add3A_873 = arith.addi %mul3A_869, %rem3A_872 : vector<16xi32>
    %swap3A_874 = arith.constant 8 : i32
    %swap3A_875 = arith.index_cast %swap3A_874 : i32 to index
    %swap3A_876 = arith.constant 48 : index
    %swap3A_877 = tpu.vector_load %arg6[%swap3A_875, %swap3A_876] {strides = array<i32>} : memref<20x80xi32, #tpu.memory_space<vmem>>, vector<1x16xi32>,
    %swap3A_878 = vector.shape_cast %swap3A_877 : vector<1x16xi32> to vector<16xi32>
    %swap3A_879 = vector.shape_cast %add3A_873 : vector<16xi32> to vector<1x16xi32>
    tpu.vector_store %arg6[%swap3A_875, %swap3A_876], %swap3A_879 {strides = array<i32>} : memref<20x80xi32, #tpu.memory_space<vmem>>, vector<1x16xi32>,
    %get3A_880 = arith.constant 704 : index
    %get3A_881 = tpu.vector_load %arg5[%get3A_880] {strides = array<i32>} : memref<1600xi32, #tpu.memory_space<vmem>>, vector<16xi32>,
    %get3A_882 = vector.shape_cast %get3A_881 : vector<16xi32> to vector<16xi32>
    %add3A_883 = arith.constant 704 : i32
    %add3A_884 = arith.addi %mul3A_2, %add3A_883 : i32
    %add3A_885 = vector.broadcast %add3A_884 : i32 to vector<16xi32>
    %add3A_886 = arith.addi %add3A_885, %iota3A : vector<16xi32>
    %mul3A_887 = arith.constant 50 : i32
    %mul3A_888 = vector.broadcast %mul3A_887 : i32 to vector<16xi32>
    %mul3A_889 = arith.muli %get3A_882, %mul3A_888 : vector<16xi32>
    %rem3A_890 = arith.constant 50 : i32
    %rem3A_891 = vector.broadcast %rem3A_890 : i32 to vector<16xi32>
    %rem3A_892 = arith.remsi %add3A_886, %rem3A_891 : vector<16xi32>
    %add3A_893 = arith.addi %mul3A_889, %rem3A_892 : vector<16xi32>
    %swap3A_894 = arith.constant 8 : i32
    %swap3A_895 = arith.index_cast %swap3A_894 : i32 to index
    %swap3A_896 = arith.constant 64 : index
    %swap3A_897 = tpu.vector_load %arg6[%swap3A_895, %swap3A_896] {strides = array<i32>} : memref<20x80xi32, #tpu.memory_space<vmem>>, vector<1x16xi32>,
    %swap3A_898 = vector.shape_cast %swap3A_897 : vector<1x16xi32> to vector<16xi32>
    %swap3A_899 = vector.shape_cast %add3A_893 : vector<16xi32> to vector<1x16xi32>
    tpu.vector_store %arg6[%swap3A_895, %swap3A_896], %swap3A_899 {strides = array<i32>} : memref<20x80xi32, #tpu.memory_space<vmem>>, vector<1x16xi32>,
    %get3A_900 = arith.constant 720 : index
    %get3A_901 = tpu.vector_load %arg5[%get3A_900] {strides = array<i32>} : memref<1600xi32, #tpu.memory_space<vmem>>, vector<16xi32>,
    %get3A_902 = vector.shape_cast %get3A_901 : vector<16xi32> to vector<16xi32>
    %add3A_903 = arith.constant 720 : i32
    %add3A_904 = arith.addi %mul3A_2, %add3A_903 : i32
    %add3A_905 = vector.broadcast %add3A_904 : i32 to vector<16xi32>
    %add3A_906 = arith.addi %add3A_905, %iota3A : vector<16xi32>
    %mul3A_907 = arith.constant 50 : i32
    %mul3A_908 = vector.broadcast %mul3A_907 : i32 to vector<16xi32>
    %mul3A_909 = arith.muli %get3A_902, %mul3A_908 : vector<16xi32>
    %rem3A_910 = arith.constant 50 : i32
    %rem3A_911 = vector.broadcast %rem3A_910 : i32 to vector<16xi32>
    %rem3A_912 = arith.remsi %add3A_906, %rem3A_911 : vector<16xi32>
    %add3A_913 = arith.addi %mul3A_909, %rem3A_912 : vector<16xi32>
    %swap3A_914 = arith.constant 9 : i32
    %swap3A_915 = arith.index_cast %swap3A_914 : i32 to index
    %swap3A_916 = arith.constant 0 : index
    %swap3A_917 = tpu.vector_load %arg6[%swap3A_915, %swap3A_916] {strides = array<i32>} : memref<20x80xi32, #tpu.memory_space<vmem>>, vector<1x16xi32>,
    %swap3A_918 = vector.shape_cast %swap3A_917 : vector<1x16xi32> to vector<16xi32>
    %swap3A_919 = vector.shape_cast %add3A_913 : vector<16xi32> to vector<1x16xi32>
    tpu.vector_store %arg6[%swap3A_915, %swap3A_916], %swap3A_919 {strides = array<i32>} : memref<20x80xi32, #tpu.memory_space<vmem>>, vector<1x16xi32>,
    %get3A_920 = arith.constant 736 : index
    %get3A_921 = tpu.vector_load %arg5[%get3A_920] {strides = array<i32>} : memref<1600xi32, #tpu.memory_space<vmem>>, vector<16xi32>,
    %get3A_922 = vector.shape_cast %get3A_921 : vector<16xi32> to vector<16xi32>
    %add3A_923 = arith.constant 736 : i32
    %add3A_924 = arith.addi %mul3A_2, %add3A_923 : i32
    %add3A_925 = vector.broadcast %add3A_924 : i32 to vector<16xi32>
    %add3A_926 = arith.addi %add3A_925, %iota3A : vector<16xi32>
    %mul3A_927 = arith.constant 50 : i32
    %mul3A_928 = vector.broadcast %mul3A_927 : i32 to vector<16xi32>
    %mul3A_929 = arith.muli %get3A_922, %mul3A_928 : vector<16xi32>
    %rem3A_930 = arith.constant 50 : i32
    %rem3A_931 = vector.broadcast %rem3A_930 : i32 to vector<16xi32>
    %rem3A_932 = arith.remsi %add3A_926, %rem3A_931 : vector<16xi32>
    %add3A_933 = arith.addi %mul3A_929, %rem3A_932 : vector<16xi32>
    %swap3A_934 = arith.constant 9 : i32
    %swap3A_935 = arith.index_cast %swap3A_934 : i32 to index
    %swap3A_936 = arith.constant 16 : index
    %swap3A_937 = tpu.vector_load %arg6[%swap3A_935, %swap3A_936] {strides = array<i32>} : memref<20x80xi32, #tpu.memory_space<vmem>>, vector<1x16xi32>,
    %swap3A_938 = vector.shape_cast %swap3A_937 : vector<1x16xi32> to vector<16xi32>
    %swap3A_939 = vector.shape_cast %add3A_933 : vector<16xi32> to vector<1x16xi32>
    tpu.vector_store %arg6[%swap3A_935, %swap3A_936], %swap3A_939 {strides = array<i32>} : memref<20x80xi32, #tpu.memory_space<vmem>>, vector<1x16xi32>,
    %get3A_940 = arith.constant 752 : index
    %get3A_941 = tpu.vector_load %arg5[%get3A_940] {strides = array<i32>} : memref<1600xi32, #tpu.memory_space<vmem>>, vector<16xi32>,
    %get3A_942 = vector.shape_cast %get3A_941 : vector<16xi32> to vector<16xi32>
    %add3A_943 = arith.constant 752 : i32
    %add3A_944 = arith.addi %mul3A_2, %add3A_943 : i32
    %add3A_945 = vector.broadcast %add3A_944 : i32 to vector<16xi32>
    %add3A_946 = arith.addi %add3A_945, %iota3A : vector<16xi32>
    %mul3A_947 = arith.constant 50 : i32
    %mul3A_948 = vector.broadcast %mul3A_947 : i32 to vector<16xi32>
    %mul3A_949 = arith.muli %get3A_942, %mul3A_948 : vector<16xi32>
    %rem3A_950 = arith.constant 50 : i32
    %rem3A_951 = vector.broadcast %rem3A_950 : i32 to vector<16xi32>
    %rem3A_952 = arith.remsi %add3A_946, %rem3A_951 : vector<16xi32>
    %add3A_953 = arith.addi %mul3A_949, %rem3A_952 : vector<16xi32>
    %swap3A_954 = arith.constant 9 : i32
    %swap3A_955 = arith.index_cast %swap3A_954 : i32 to index
    %swap3A_956 = arith.constant 32 : index
    %swap3A_957 = tpu.vector_load %arg6[%swap3A_955, %swap3A_956] {strides = array<i32>} : memref<20x80xi32, #tpu.memory_space<vmem>>, vector<1x16xi32>,
    %swap3A_958 = vector.shape_cast %swap3A_957 : vector<1x16xi32> to vector<16xi32>
    %swap3A_959 = vector.shape_cast %add3A_953 : vector<16xi32> to vector<1x16xi32>
    tpu.vector_store %arg6[%swap3A_955, %swap3A_956], %swap3A_959 {strides = array<i32>} : memref<20x80xi32, #tpu.memory_space<vmem>>, vector<1x16xi32>,
    %get3A_960 = arith.constant 768 : index
    %get3A_961 = tpu.vector_load %arg5[%get3A_960] {strides = array<i32>} : memref<1600xi32, #tpu.memory_space<vmem>>, vector<16xi32>,
    %get3A_962 = vector.shape_cast %get3A_961 : vector<16xi32> to vector<16xi32>
    %add3A_963 = arith.constant 768 : i32
    %add3A_964 = arith.addi %mul3A_2, %add3A_963 : i32
    %add3A_965 = vector.broadcast %add3A_964 : i32 to vector<16xi32>
    %add3A_966 = arith.addi %add3A_965, %iota3A : vector<16xi32>
    %mul3A_967 = arith.constant 50 : i32
    %mul3A_968 = vector.broadcast %mul3A_967 : i32 to vector<16xi32>
    %mul3A_969 = arith.muli %get3A_962, %mul3A_968 : vector<16xi32>
    %rem3A_970 = arith.constant 50 : i32
    %rem3A_971 = vector.broadcast %rem3A_970 : i32 to vector<16xi32>
    %rem3A_972 = arith.remsi %add3A_966, %rem3A_971 : vector<16xi32>
    %add3A_973 = arith.addi %mul3A_969, %rem3A_972 : vector<16xi32>
    %swap3A_974 = arith.constant 9 : i32
    %swap3A_975 = arith.index_cast %swap3A_974 : i32 to index
    %swap3A_976 = arith.constant 48 : index
    %swap3A_977 = tpu.vector_load %arg6[%swap3A_975, %swap3A_976] {strides = array<i32>} : memref<20x80xi32, #tpu.memory_space<vmem>>, vector<1x16xi32>,
    %swap3A_978 = vector.shape_cast %swap3A_977 : vector<1x16xi32> to vector<16xi32>
    %swap3A_979 = vector.shape_cast %add3A_973 : vector<16xi32> to vector<1x16xi32>
    tpu.vector_store %arg6[%swap3A_975, %swap3A_976], %swap3A_979 {strides = array<i32>} : memref<20x80xi32, #tpu.memory_space<vmem>>, vector<1x16xi32>,
    %get3A_980 = arith.constant 784 : index
    %get3A_981 = tpu.vector_load %arg5[%get3A_980] {strides = array<i32>} : memref<1600xi32, #tpu.memory_space<vmem>>, vector<16xi32>,
    %get3A_982 = vector.shape_cast %get3A_981 : vector<16xi32> to vector<16xi32>
    %add3A_983 = arith.constant 784 : i32
    %add3A_984 = arith.addi %mul3A_2, %add3A_983 : i32
    %add3A_985 = vector.broadcast %add3A_984 : i32 to vector<16xi32>
    %add3A_986 = arith.addi %add3A_985, %iota3A : vector<16xi32>
    %mul3A_987 = arith.constant 50 : i32
    %mul3A_988 = vector.broadcast %mul3A_987 : i32 to vector<16xi32>
    %mul3A_989 = arith.muli %get3A_982, %mul3A_988 : vector<16xi32>
    %rem3A_990 = arith.constant 50 : i32
    %rem3A_991 = vector.broadcast %rem3A_990 : i32 to vector<16xi32>
    %rem3A_992 = arith.remsi %add3A_986, %rem3A_991 : vector<16xi32>
    %add3A_993 = arith.addi %mul3A_989, %rem3A_992 : vector<16xi32>
    %swap3A_994 = arith.constant 9 : i32
    %swap3A_995 = arith.index_cast %swap3A_994 : i32 to index
    %swap3A_996 = arith.constant 64 : index
    %swap3A_997 = tpu.vector_load %arg6[%swap3A_995, %swap3A_996] {strides = array<i32>} : memref<20x80xi32, #tpu.memory_space<vmem>>, vector<1x16xi32>,
    %swap3A_998 = vector.shape_cast %swap3A_997 : vector<1x16xi32> to vector<16xi32>
    %swap3A_999 = vector.shape_cast %add3A_993 : vector<16xi32> to vector<1x16xi32>
    tpu.vector_store %arg6[%swap3A_995, %swap3A_996], %swap3A_999 {strides = array<i32>} : memref<20x80xi32, #tpu.memory_space<vmem>>, vector<1x16xi32>,
    %get3A_1000 = arith.constant 800 : index
    %get3A_1001 = tpu.vector_load %arg5[%get3A_1000] {strides = array<i32>} : memref<1600xi32, #tpu.memory_space<vmem>>, vector<16xi32>,
    %get3A_1002 = vector.shape_cast %get3A_1001 : vector<16xi32> to vector<16xi32>
    %add3A_1003 = arith.constant 800 : i32
    %add3A_1004 = arith.addi %mul3A_2, %add3A_1003 : i32
    %add3A_1005 = vector.broadcast %add3A_1004 : i32 to vector<16xi32>
    %add3A_1006 = arith.addi %add3A_1005, %iota3A : vector<16xi32>
    %mul3A_1007 = arith.constant 50 : i32
    %mul3A_1008 = vector.broadcast %mul3A_1007 : i32 to vector<16xi32>
    %mul3A_1009 = arith.muli %get3A_1002, %mul3A_1008 : vector<16xi32>
    %rem3A_1010 = arith.constant 50 : i32
    %rem3A_1011 = vector.broadcast %rem3A_1010 : i32 to vector<16xi32>
    %rem3A_1012 = arith.remsi %add3A_1006, %rem3A_1011 : vector<16xi32>
    %add3A_1013 = arith.addi %mul3A_1009, %rem3A_1012 : vector<16xi32>
    %swap3A_1014 = arith.constant 10 : i32
    %swap3A_1015 = arith.index_cast %swap3A_1014 : i32 to index
    %swap3A_1016 = arith.constant 0 : index
    %swap3A_1017 = tpu.vector_load %arg6[%swap3A_1015, %swap3A_1016] {strides = array<i32>} : memref<20x80xi32, #tpu.memory_space<vmem>>, vector<1x16xi32>,
    %swap3A_1018 = vector.shape_cast %swap3A_1017 : vector<1x16xi32> to vector<16xi32>
    %swap3A_1019 = vector.shape_cast %add3A_1013 : vector<16xi32> to vector<1x16xi32>
    tpu.vector_store %arg6[%swap3A_1015, %swap3A_1016], %swap3A_1019 {strides = array<i32>} : memref<20x80xi32, #tpu.memory_space<vmem>>, vector<1x16xi32>,
    %get3A_1020 = arith.constant 816 : index
    %get3A_1021 = tpu.vector_load %arg5[%get3A_1020] {strides = array<i32>} : memref<1600xi32, #tpu.memory_space<vmem>>, vector<16xi32>,
    %get3A_1022 = vector.shape_cast %get3A_1021 : vector<16xi32> to vector<16xi32>
    %add3A_1023 = arith.constant 816 : i32
    %add3A_1024 = arith.addi %mul3A_2, %add3A_1023 : i32
    %add3A_1025 = vector.broadcast %add3A_1024 : i32 to vector<16xi32>
    %add3A_1026 = arith.addi %add3A_1025, %iota3A : vector<16xi32>
    %mul3A_1027 = arith.constant 50 : i32
    %mul3A_1028 = vector.broadcast %mul3A_1027 : i32 to vector<16xi32>
    %mul3A_1029 = arith.muli %get3A_1022, %mul3A_1028 : vector<16xi32>
    %rem3A_1030 = arith.constant 50 : i32
    %rem3A_1031 = vector.broadcast %rem3A_1030 : i32 to vector<16xi32>
    %rem3A_1032 = arith.remsi %add3A_1026, %rem3A_1031 : vector<16xi32>
    %add3A_1033 = arith.addi %mul3A_1029, %rem3A_1032 : vector<16xi32>
    %swap3A_1034 = arith.constant 10 : i32
    %swap3A_1035 = arith.index_cast %swap3A_1034 : i32 to index
    %swap3A_1036 = arith.constant 16 : index
    %swap3A_1037 = tpu.vector_load %arg6[%swap3A_1035, %swap3A_1036] {strides = array<i32>} : memref<20x80xi32, #tpu.memory_space<vmem>>, vector<1x16xi32>,
    %swap3A_1038 = vector.shape_cast %swap3A_1037 : vector<1x16xi32> to vector<16xi32>
    %swap3A_1039 = vector.shape_cast %add3A_1033 : vector<16xi32> to vector<1x16xi32>
    tpu.vector_store %arg6[%swap3A_1035, %swap3A_1036], %swap3A_1039 {strides = array<i32>} : memref<20x80xi32, #tpu.memory_space<vmem>>, vector<1x16xi32>,
    %get3A_1040 = arith.constant 832 : index
    %get3A_1041 = tpu.vector_load %arg5[%get3A_1040] {strides = array<i32>} : memref<1600xi32, #tpu.memory_space<vmem>>, vector<16xi32>,
    %get3A_1042 = vector.shape_cast %get3A_1041 : vector<16xi32> to vector<16xi32>
    %add3A_1043 = arith.constant 832 : i32
    %add3A_1044 = arith.addi %mul3A_2, %add3A_1043 : i32
    %add3A_1045 = vector.broadcast %add3A_1044 : i32 to vector<16xi32>
    %add3A_1046 = arith.addi %add3A_1045, %iota3A : vector<16xi32>
    %mul3A_1047 = arith.constant 50 : i32
    %mul3A_1048 = vector.broadcast %mul3A_1047 : i32 to vector<16xi32>
    %mul3A_1049 = arith.muli %get3A_1042, %mul3A_1048 : vector<16xi32>
    %rem3A_1050 = arith.constant 50 : i32
    %rem3A_1051 = vector.broadcast %rem3A_1050 : i32 to vector<16xi32>
    %rem3A_1052 = arith.remsi %add3A_1046, %rem3A_1051 : vector<16xi32>
    %add3A_1053 = arith.addi %mul3A_1049, %rem3A_1052 : vector<16xi32>
    %swap3A_1054 = arith.constant 10 : i32
    %swap3A_1055 = arith.index_cast %swap3A_1054 : i32 to index
    %swap3A_1056 = arith.constant 32 : index
    %swap3A_1057 = tpu.vector_load %arg6[%swap3A_1055, %swap3A_1056] {strides = array<i32>} : memref<20x80xi32, #tpu.memory_space<vmem>>, vector<1x16xi32>,
    %swap3A_1058 = vector.shape_cast %swap3A_1057 : vector<1x16xi32> to vector<16xi32>
    %swap3A_1059 = vector.shape_cast %add3A_1053 : vector<16xi32> to vector<1x16xi32>
    tpu.vector_store %arg6[%swap3A_1055, %swap3A_1056], %swap3A_1059 {strides = array<i32>} : memref<20x80xi32, #tpu.memory_space<vmem>>, vector<1x16xi32>,
    %get3A_1060 = arith.constant 848 : index
    %get3A_1061 = tpu.vector_load %arg5[%get3A_1060] {strides = array<i32>} : memref<1600xi32, #tpu.memory_space<vmem>>, vector<16xi32>,
    %get3A_1062 = vector.shape_cast %get3A_1061 : vector<16xi32> to vector<16xi32>
    %add3A_1063 = arith.constant 848 : i32
    %add3A_1064 = arith.addi %mul3A_2, %add3A_1063 : i32
    %add3A_1065 = vector.broadcast %add3A_1064 : i32 to vector<16xi32>
    %add3A_1066 = arith.addi %add3A_1065, %iota3A : vector<16xi32>
    %mul3A_1067 = arith.constant 50 : i32
    %mul3A_1068 = vector.broadcast %mul3A_1067 : i32 to vector<16xi32>
    %mul3A_1069 = arith.muli %get3A_1062, %mul3A_1068 : vector<16xi32>
    %rem3A_1070 = arith.constant 50 : i32
    %rem3A_1071 = vector.broadcast %rem3A_1070 : i32 to vector<16xi32>
    %rem3A_1072 = arith.remsi %add3A_1066, %rem3A_1071 : vector<16xi32>
    %add3A_1073 = arith.addi %mul3A_1069, %rem3A_1072 : vector<16xi32>
    %swap3A_1074 = arith.constant 10 : i32
    %swap3A_1075 = arith.index_cast %swap3A_1074 : i32 to index
    %swap3A_1076 = arith.constant 48 : index
    %swap3A_1077 = tpu.vector_load %arg6[%swap3A_1075, %swap3A_1076] {strides = array<i32>} : memref<20x80xi32, #tpu.memory_space<vmem>>, vector<1x16xi32>,
    %swap3A_1078 = vector.shape_cast %swap3A_1077 : vector<1x16xi32> to vector<16xi32>
    %swap3A_1079 = vector.shape_cast %add3A_1073 : vector<16xi32> to vector<1x16xi32>
    tpu.vector_store %arg6[%swap3A_1075, %swap3A_1076], %swap3A_1079 {strides = array<i32>} : memref<20x80xi32, #tpu.memory_space<vmem>>, vector<1x16xi32>,
    %get3A_1080 = arith.constant 864 : index
    %get3A_1081 = tpu.vector_load %arg5[%get3A_1080] {strides = array<i32>} : memref<1600xi32, #tpu.memory_space<vmem>>, vector<16xi32>,
    %get3A_1082 = vector.shape_cast %get3A_1081 : vector<16xi32> to vector<16xi32>
    %add3A_1083 = arith.constant 864 : i32
    %add3A_1084 = arith.addi %mul3A_2, %add3A_1083 : i32
    %add3A_1085 = vector.broadcast %add3A_1084 : i32 to vector<16xi32>
    %add3A_1086 = arith.addi %add3A_1085, %iota3A : vector<16xi32>
    %mul3A_1087 = arith.constant 50 : i32
    %mul3A_1088 = vector.broadcast %mul3A_1087 : i32 to vector<16xi32>
    %mul3A_1089 = arith.muli %get3A_1082, %mul3A_1088 : vector<16xi32>
    %rem3A_1090 = arith.constant 50 : i32
    %rem3A_1091 = vector.broadcast %rem3A_1090 : i32 to vector<16xi32>
    %rem3A_1092 = arith.remsi %add3A_1086, %rem3A_1091 : vector<16xi32>
    %add3A_1093 = arith.addi %mul3A_1089, %rem3A_1092 : vector<16xi32>
    %swap3A_1094 = arith.constant 10 : i32
    %swap3A_1095 = arith.index_cast %swap3A_1094 : i32 to index
    %swap3A_1096 = arith.constant 64 : index
    %swap3A_1097 = tpu.vector_load %arg6[%swap3A_1095, %swap3A_1096] {strides = array<i32>} : memref<20x80xi32, #tpu.memory_space<vmem>>, vector<1x16xi32>,
    %swap3A_1098 = vector.shape_cast %swap3A_1097 : vector<1x16xi32> to vector<16xi32>
    %swap3A_1099 = vector.shape_cast %add3A_1093 : vector<16xi32> to vector<1x16xi32>
    tpu.vector_store %arg6[%swap3A_1095, %swap3A_1096], %swap3A_1099 {strides = array<i32>} : memref<20x80xi32, #tpu.memory_space<vmem>>, vector<1x16xi32>,
    %get3A_1100 = arith.constant 880 : index
    %get3A_1101 = tpu.vector_load %arg5[%get3A_1100] {strides = array<i32>} : memref<1600xi32, #tpu.memory_space<vmem>>, vector<16xi32>,
    %get3A_1102 = vector.shape_cast %get3A_1101 : vector<16xi32> to vector<16xi32>
    %add3A_1103 = arith.constant 880 : i32
    %add3A_1104 = arith.addi %mul3A_2, %add3A_1103 : i32
    %add3A_1105 = vector.broadcast %add3A_1104 : i32 to vector<16xi32>
    %add3A_1106 = arith.addi %add3A_1105, %iota3A : vector<16xi32>
    %mul3A_1107 = arith.constant 50 : i32
    %mul3A_1108 = vector.broadcast %mul3A_1107 : i32 to vector<16xi32>
    %mul3A_1109 = arith.muli %get3A_1102, %mul3A_1108 : vector<16xi32>
    %rem3A_1110 = arith.constant 50 : i32
    %rem3A_1111 = vector.broadcast %rem3A_1110 : i32 to vector<16xi32>
    %rem3A_1112 = arith.remsi %add3A_1106, %rem3A_1111 : vector<16xi32>
    %add3A_1113 = arith.addi %mul3A_1109, %rem3A_1112 : vector<16xi32>
    %swap3A_1114 = arith.constant 11 : i32
    %swap3A_1115 = arith.index_cast %swap3A_1114 : i32 to index
    %swap3A_1116 = arith.constant 0 : index
    %swap3A_1117 = tpu.vector_load %arg6[%swap3A_1115, %swap3A_1116] {strides = array<i32>} : memref<20x80xi32, #tpu.memory_space<vmem>>, vector<1x16xi32>,
    %swap3A_1118 = vector.shape_cast %swap3A_1117 : vector<1x16xi32> to vector<16xi32>
    %swap3A_1119 = vector.shape_cast %add3A_1113 : vector<16xi32> to vector<1x16xi32>
    tpu.vector_store %arg6[%swap3A_1115, %swap3A_1116], %swap3A_1119 {strides = array<i32>} : memref<20x80xi32, #tpu.memory_space<vmem>>, vector<1x16xi32>,
    %get3A_1120 = arith.constant 896 : index
    %get3A_1121 = tpu.vector_load %arg5[%get3A_1120] {strides = array<i32>} : memref<1600xi32, #tpu.memory_space<vmem>>, vector<16xi32>,
    %get3A_1122 = vector.shape_cast %get3A_1121 : vector<16xi32> to vector<16xi32>
    %add3A_1123 = arith.constant 896 : i32
    %add3A_1124 = arith.addi %mul3A_2, %add3A_1123 : i32
    %add3A_1125 = vector.broadcast %add3A_1124 : i32 to vector<16xi32>
    %add3A_1126 = arith.addi %add3A_1125, %iota3A : vector<16xi32>
    %mul3A_1127 = arith.constant 50 : i32
    %mul3A_1128 = vector.broadcast %mul3A_1127 : i32 to vector<16xi32>
    %mul3A_1129 = arith.muli %get3A_1122, %mul3A_1128 : vector<16xi32>
    %rem3A_1130 = arith.constant 50 : i32
    %rem3A_1131 = vector.broadcast %rem3A_1130 : i32 to vector<16xi32>
    %rem3A_1132 = arith.remsi %add3A_1126, %rem3A_1131 : vector<16xi32>
    %add3A_1133 = arith.addi %mul3A_1129, %rem3A_1132 : vector<16xi32>
    %swap3A_1134 = arith.constant 11 : i32
    %swap3A_1135 = arith.index_cast %swap3A_1134 : i32 to index
    %swap3A_1136 = arith.constant 16 : index
    %swap3A_1137 = tpu.vector_load %arg6[%swap3A_1135, %swap3A_1136] {strides = array<i32>} : memref<20x80xi32, #tpu.memory_space<vmem>>, vector<1x16xi32>,
    %swap3A_1138 = vector.shape_cast %swap3A_1137 : vector<1x16xi32> to vector<16xi32>
    %swap3A_1139 = vector.shape_cast %add3A_1133 : vector<16xi32> to vector<1x16xi32>
    tpu.vector_store %arg6[%swap3A_1135, %swap3A_1136], %swap3A_1139 {strides = array<i32>} : memref<20x80xi32, #tpu.memory_space<vmem>>, vector<1x16xi32>,
    %get3A_1140 = arith.constant 912 : index
    %get3A_1141 = tpu.vector_load %arg5[%get3A_1140] {strides = array<i32>} : memref<1600xi32, #tpu.memory_space<vmem>>, vector<16xi32>,
    %get3A_1142 = vector.shape_cast %get3A_1141 : vector<16xi32> to vector<16xi32>
    %add3A_1143 = arith.constant 912 : i32
    %add3A_1144 = arith.addi %mul3A_2, %add3A_1143 : i32
    %add3A_1145 = vector.broadcast %add3A_1144 : i32 to vector<16xi32>
    %add3A_1146 = arith.addi %add3A_1145, %iota3A : vector<16xi32>
    %mul3A_1147 = arith.constant 50 : i32
    %mul3A_1148 = vector.broadcast %mul3A_1147 : i32 to vector<16xi32>
    %mul3A_1149 = arith.muli %get3A_1142, %mul3A_1148 : vector<16xi32>
    %rem3A_1150 = arith.constant 50 : i32
    %rem3A_1151 = vector.broadcast %rem3A_1150 : i32 to vector<16xi32>
    %rem3A_1152 = arith.remsi %add3A_1146, %rem3A_1151 : vector<16xi32>
    %add3A_1153 = arith.addi %mul3A_1149, %rem3A_1152 : vector<16xi32>
    %swap3A_1154 = arith.constant 11 : i32
    %swap3A_1155 = arith.index_cast %swap3A_1154 : i32 to index
    %swap3A_1156 = arith.constant 32 : index
    %swap3A_1157 = tpu.vector_load %arg6[%swap3A_1155, %swap3A_1156] {strides = array<i32>} : memref<20x80xi32, #tpu.memory_space<vmem>>, vector<1x16xi32>,
    %swap3A_1158 = vector.shape_cast %swap3A_1157 : vector<1x16xi32> to vector<16xi32>
    %swap3A_1159 = vector.shape_cast %add3A_1153 : vector<16xi32> to vector<1x16xi32>
    tpu.vector_store %arg6[%swap3A_1155, %swap3A_1156], %swap3A_1159 {strides = array<i32>} : memref<20x80xi32, #tpu.memory_space<vmem>>, vector<1x16xi32>,
    %get3A_1160 = arith.constant 928 : index
    %get3A_1161 = tpu.vector_load %arg5[%get3A_1160] {strides = array<i32>} : memref<1600xi32, #tpu.memory_space<vmem>>, vector<16xi32>,
    %get3A_1162 = vector.shape_cast %get3A_1161 : vector<16xi32> to vector<16xi32>
    %add3A_1163 = arith.constant 928 : i32
    %add3A_1164 = arith.addi %mul3A_2, %add3A_1163 : i32
    %add3A_1165 = vector.broadcast %add3A_1164 : i32 to vector<16xi32>
    %add3A_1166 = arith.addi %add3A_1165, %iota3A : vector<16xi32>
    %mul3A_1167 = arith.constant 50 : i32
    %mul3A_1168 = vector.broadcast %mul3A_1167 : i32 to vector<16xi32>
    %mul3A_1169 = arith.muli %get3A_1162, %mul3A_1168 : vector<16xi32>
    %rem3A_1170 = arith.constant 50 : i32
    %rem3A_1171 = vector.broadcast %rem3A_1170 : i32 to vector<16xi32>
    %rem3A_1172 = arith.remsi %add3A_1166, %rem3A_1171 : vector<16xi32>
    %add3A_1173 = arith.addi %mul3A_1169, %rem3A_1172 : vector<16xi32>
    %swap3A_1174 = arith.constant 11 : i32
    %swap3A_1175 = arith.index_cast %swap3A_1174 : i32 to index
    %swap3A_1176 = arith.constant 48 : index
    %swap3A_1177 = tpu.vector_load %arg6[%swap3A_1175, %swap3A_1176] {strides = array<i32>} : memref<20x80xi32, #tpu.memory_space<vmem>>, vector<1x16xi32>,
    %swap3A_1178 = vector.shape_cast %swap3A_1177 : vector<1x16xi32> to vector<16xi32>
    %swap3A_1179 = vector.shape_cast %add3A_1173 : vector<16xi32> to vector<1x16xi32>
    tpu.vector_store %arg6[%swap3A_1175, %swap3A_1176], %swap3A_1179 {strides = array<i32>} : memref<20x80xi32, #tpu.memory_space<vmem>>, vector<1x16xi32>,
    %get3A_1180 = arith.constant 944 : index
    %get3A_1181 = tpu.vector_load %arg5[%get3A_1180] {strides = array<i32>} : memref<1600xi32, #tpu.memory_space<vmem>>, vector<16xi32>,
    %get3A_1182 = vector.shape_cast %get3A_1181 : vector<16xi32> to vector<16xi32>
    %add3A_1183 = arith.constant 944 : i32
    %add3A_1184 = arith.addi %mul3A_2, %add3A_1183 : i32
    %add3A_1185 = vector.broadcast %add3A_1184 : i32 to vector<16xi32>
    %add3A_1186 = arith.addi %add3A_1185, %iota3A : vector<16xi32>
    %mul3A_1187 = arith.constant 50 : i32
    %mul3A_1188 = vector.broadcast %mul3A_1187 : i32 to vector<16xi32>
    %mul3A_1189 = arith.muli %get3A_1182, %mul3A_1188 : vector<16xi32>
    %rem3A_1190 = arith.constant 50 : i32
    %rem3A_1191 = vector.broadcast %rem3A_1190 : i32 to vector<16xi32>
    %rem3A_1192 = arith.remsi %add3A_1186, %rem3A_1191 : vector<16xi32>
    %add3A_1193 = arith.addi %mul3A_1189, %rem3A_1192 : vector<16xi32>
    %swap3A_1194 = arith.constant 11 : i32
    %swap3A_1195 = arith.index_cast %swap3A_1194 : i32 to index
    %swap3A_1196 = arith.constant 64 : index
    %swap3A_1197 = tpu.vector_load %arg6[%swap3A_1195, %swap3A_1196] {strides = array<i32>} : memref<20x80xi32, #tpu.memory_space<vmem>>, vector<1x16xi32>,
    %swap3A_1198 = vector.shape_cast %swap3A_1197 : vector<1x16xi32> to vector<16xi32>
    %swap3A_1199 = vector.shape_cast %add3A_1193 : vector<16xi32> to vector<1x16xi32>
    tpu.vector_store %arg6[%swap3A_1195, %swap3A_1196], %swap3A_1199 {strides = array<i32>} : memref<20x80xi32, #tpu.memory_space<vmem>>, vector<1x16xi32>,
    %get3A_1200 = arith.constant 960 : index
    %get3A_1201 = tpu.vector_load %arg5[%get3A_1200] {strides = array<i32>} : memref<1600xi32, #tpu.memory_space<vmem>>, vector<16xi32>,
    %get3A_1202 = vector.shape_cast %get3A_1201 : vector<16xi32> to vector<16xi32>
    %add3A_1203 = arith.constant 960 : i32
    %add3A_1204 = arith.addi %mul3A_2, %add3A_1203 : i32
    %add3A_1205 = vector.broadcast %add3A_1204 : i32 to vector<16xi32>
    %add3A_1206 = arith.addi %add3A_1205, %iota3A : vector<16xi32>
    %mul3A_1207 = arith.constant 50 : i32
    %mul3A_1208 = vector.broadcast %mul3A_1207 : i32 to vector<16xi32>
    %mul3A_1209 = arith.muli %get3A_1202, %mul3A_1208 : vector<16xi32>
    %rem3A_1210 = arith.constant 50 : i32
    %rem3A_1211 = vector.broadcast %rem3A_1210 : i32 to vector<16xi32>
    %rem3A_1212 = arith.remsi %add3A_1206, %rem3A_1211 : vector<16xi32>
    %add3A_1213 = arith.addi %mul3A_1209, %rem3A_1212 : vector<16xi32>
    %swap3A_1214 = arith.constant 12 : i32
    %swap3A_1215 = arith.index_cast %swap3A_1214 : i32 to index
    %swap3A_1216 = arith.constant 0 : index
    %swap3A_1217 = tpu.vector_load %arg6[%swap3A_1215, %swap3A_1216] {strides = array<i32>} : memref<20x80xi32, #tpu.memory_space<vmem>>, vector<1x16xi32>,
    %swap3A_1218 = vector.shape_cast %swap3A_1217 : vector<1x16xi32> to vector<16xi32>
    %swap3A_1219 = vector.shape_cast %add3A_1213 : vector<16xi32> to vector<1x16xi32>
    tpu.vector_store %arg6[%swap3A_1215, %swap3A_1216], %swap3A_1219 {strides = array<i32>} : memref<20x80xi32, #tpu.memory_space<vmem>>, vector<1x16xi32>,
    %get3A_1220 = arith.constant 976 : index
    %get3A_1221 = tpu.vector_load %arg5[%get3A_1220] {strides = array<i32>} : memref<1600xi32, #tpu.memory_space<vmem>>, vector<16xi32>,
    %get3A_1222 = vector.shape_cast %get3A_1221 : vector<16xi32> to vector<16xi32>
    %add3A_1223 = arith.constant 976 : i32
    %add3A_1224 = arith.addi %mul3A_2, %add3A_1223 : i32
    %add3A_1225 = vector.broadcast %add3A_1224 : i32 to vector<16xi32>
    %add3A_1226 = arith.addi %add3A_1225, %iota3A : vector<16xi32>
    %mul3A_1227 = arith.constant 50 : i32
    %mul3A_1228 = vector.broadcast %mul3A_1227 : i32 to vector<16xi32>
    %mul3A_1229 = arith.muli %get3A_1222, %mul3A_1228 : vector<16xi32>
    %rem3A_1230 = arith.constant 50 : i32
    %rem3A_1231 = vector.broadcast %rem3A_1230 : i32 to vector<16xi32>
    %rem3A_1232 = arith.remsi %add3A_1226, %rem3A_1231 : vector<16xi32>
    %add3A_1233 = arith.addi %mul3A_1229, %rem3A_1232 : vector<16xi32>
    %swap3A_1234 = arith.constant 12 : i32
    %swap3A_1235 = arith.index_cast %swap3A_1234 : i32 to index
    %swap3A_1236 = arith.constant 16 : index
    %swap3A_1237 = tpu.vector_load %arg6[%swap3A_1235, %swap3A_1236] {strides = array<i32>} : memref<20x80xi32, #tpu.memory_space<vmem>>, vector<1x16xi32>,
    %swap3A_1238 = vector.shape_cast %swap3A_1237 : vector<1x16xi32> to vector<16xi32>
    %swap3A_1239 = vector.shape_cast %add3A_1233 : vector<16xi32> to vector<1x16xi32>
    tpu.vector_store %arg6[%swap3A_1235, %swap3A_1236], %swap3A_1239 {strides = array<i32>} : memref<20x80xi32, #tpu.memory_space<vmem>>, vector<1x16xi32>,
    %get3A_1240 = arith.constant 992 : index
    %get3A_1241 = tpu.vector_load %arg5[%get3A_1240] {strides = array<i32>} : memref<1600xi32, #tpu.memory_space<vmem>>, vector<16xi32>,
    %get3A_1242 = vector.shape_cast %get3A_1241 : vector<16xi32> to vector<16xi32>
    %add3A_1243 = arith.constant 992 : i32
    %add3A_1244 = arith.addi %mul3A_2, %add3A_1243 : i32
    %add3A_1245 = vector.broadcast %add3A_1244 : i32 to vector<16xi32>
    %add3A_1246 = arith.addi %add3A_1245, %iota3A : vector<16xi32>
    %mul3A_1247 = arith.constant 50 : i32
    %mul3A_1248 = vector.broadcast %mul3A_1247 : i32 to vector<16xi32>
    %mul3A_1249 = arith.muli %get3A_1242, %mul3A_1248 : vector<16xi32>
    %rem3A_1250 = arith.constant 50 : i32
    %rem3A_1251 = vector.broadcast %rem3A_1250 : i32 to vector<16xi32>
    %rem3A_1252 = arith.remsi %add3A_1246, %rem3A_1251 : vector<16xi32>
    %add3A_1253 = arith.addi %mul3A_1249, %rem3A_1252 : vector<16xi32>
    %swap3A_1254 = arith.constant 12 : i32
    %swap3A_1255 = arith.index_cast %swap3A_1254 : i32 to index
    %swap3A_1256 = arith.constant 32 : index
    %swap3A_1257 = tpu.vector_load %arg6[%swap3A_1255, %swap3A_1256] {strides = array<i32>} : memref<20x80xi32, #tpu.memory_space<vmem>>, vector<1x16xi32>,
    %swap3A_1258 = vector.shape_cast %swap3A_1257 : vector<1x16xi32> to vector<16xi32>
    %swap3A_1259 = vector.shape_cast %add3A_1253 : vector<16xi32> to vector<1x16xi32>
    tpu.vector_store %arg6[%swap3A_1255, %swap3A_1256], %swap3A_1259 {strides = array<i32>} : memref<20x80xi32, #tpu.memory_space<vmem>>, vector<1x16xi32>,
    %get3A_1260 = arith.constant 1008 : index
    %get3A_1261 = tpu.vector_load %arg5[%get3A_1260] {strides = array<i32>} : memref<1600xi32, #tpu.memory_space<vmem>>, vector<16xi32>,
    %get3A_1262 = vector.shape_cast %get3A_1261 : vector<16xi32> to vector<16xi32>
    %add3A_1263 = arith.constant 1008 : i32
    %add3A_1264 = arith.addi %mul3A_2, %add3A_1263 : i32
    %add3A_1265 = vector.broadcast %add3A_1264 : i32 to vector<16xi32>
    %add3A_1266 = arith.addi %add3A_1265, %iota3A : vector<16xi32>
    %mul3A_1267 = arith.constant 50 : i32
    %mul3A_1268 = vector.broadcast %mul3A_1267 : i32 to vector<16xi32>
    %mul3A_1269 = arith.muli %get3A_1262, %mul3A_1268 : vector<16xi32>
    %rem3A_1270 = arith.constant 50 : i32
    %rem3A_1271 = vector.broadcast %rem3A_1270 : i32 to vector<16xi32>
    %rem3A_1272 = arith.remsi %add3A_1266, %rem3A_1271 : vector<16xi32>
    %add3A_1273 = arith.addi %mul3A_1269, %rem3A_1272 : vector<16xi32>
    %swap3A_1274 = arith.constant 12 : i32
    %swap3A_1275 = arith.index_cast %swap3A_1274 : i32 to index
    %swap3A_1276 = arith.constant 48 : index
    %swap3A_1277 = tpu.vector_load %arg6[%swap3A_1275, %swap3A_1276] {strides = array<i32>} : memref<20x80xi32, #tpu.memory_space<vmem>>, vector<1x16xi32>,
    %swap3A_1278 = vector.shape_cast %swap3A_1277 : vector<1x16xi32> to vector<16xi32>
    %swap3A_1279 = vector.shape_cast %add3A_1273 : vector<16xi32> to vector<1x16xi32>
    tpu.vector_store %arg6[%swap3A_1275, %swap3A_1276], %swap3A_1279 {strides = array<i32>} : memref<20x80xi32, #tpu.memory_space<vmem>>, vector<1x16xi32>,
    %get3A_1280 = arith.constant 1024 : index
    %get3A_1281 = tpu.vector_load %arg5[%get3A_1280] {strides = array<i32>} : memref<1600xi32, #tpu.memory_space<vmem>>, vector<16xi32>,
    %get3A_1282 = vector.shape_cast %get3A_1281 : vector<16xi32> to vector<16xi32>
    %add3A_1283 = arith.constant 1024 : i32
    %add3A_1284 = arith.addi %mul3A_2, %add3A_1283 : i32
    %add3A_1285 = vector.broadcast %add3A_1284 : i32 to vector<16xi32>
    %add3A_1286 = arith.addi %add3A_1285, %iota3A : vector<16xi32>
    %mul3A_1287 = arith.constant 50 : i32
    %mul3A_1288 = vector.broadcast %mul3A_1287 : i32 to vector<16xi32>
    %mul3A_1289 = arith.muli %get3A_1282, %mul3A_1288 : vector<16xi32>
    %rem3A_1290 = arith.constant 50 : i32
    %rem3A_1291 = vector.broadcast %rem3A_1290 : i32 to vector<16xi32>
    %rem3A_1292 = arith.remsi %add3A_1286, %rem3A_1291 : vector<16xi32>
    %add3A_1293 = arith.addi %mul3A_1289, %rem3A_1292 : vector<16xi32>
    %swap3A_1294 = arith.constant 12 : i32
    %swap3A_1295 = arith.index_cast %swap3A_1294 : i32 to index
    %swap3A_1296 = arith.constant 64 : index
    %swap3A_1297 = tpu.vector_load %arg6[%swap3A_1295, %swap3A_1296] {strides = array<i32>} : memref<20x80xi32, #tpu.memory_space<vmem>>, vector<1x16xi32>,
    %swap3A_1298 = vector.shape_cast %swap3A_1297 : vector<1x16xi32> to vector<16xi32>
    %swap3A_1299 = vector.shape_cast %add3A_1293 : vector<16xi32> to vector<1x16xi32>
    tpu.vector_store %arg6[%swap3A_1295, %swap3A_1296], %swap3A_1299 {strides = array<i32>} : memref<20x80xi32, #tpu.memory_space<vmem>>, vector<1x16xi32>,
    %get3A_1300 = arith.constant 1040 : index
    %get3A_1301 = tpu.vector_load %arg5[%get3A_1300] {strides = array<i32>} : memref<1600xi32, #tpu.memory_space<vmem>>, vector<16xi32>,
    %get3A_1302 = vector.shape_cast %get3A_1301 : vector<16xi32> to vector<16xi32>
    %add3A_1303 = arith.constant 1040 : i32
    %add3A_1304 = arith.addi %mul3A_2, %add3A_1303 : i32
    %add3A_1305 = vector.broadcast %add3A_1304 : i32 to vector<16xi32>
    %add3A_1306 = arith.addi %add3A_1305, %iota3A : vector<16xi32>
    %mul3A_1307 = arith.constant 50 : i32
    %mul3A_1308 = vector.broadcast %mul3A_1307 : i32 to vector<16xi32>
    %mul3A_1309 = arith.muli %get3A_1302, %mul3A_1308 : vector<16xi32>
    %rem3A_1310 = arith.constant 50 : i32
    %rem3A_1311 = vector.broadcast %rem3A_1310 : i32 to vector<16xi32>
    %rem3A_1312 = arith.remsi %add3A_1306, %rem3A_1311 : vector<16xi32>
    %add3A_1313 = arith.addi %mul3A_1309, %rem3A_1312 : vector<16xi32>
    %swap3A_1314 = arith.constant 13 : i32
    %swap3A_1315 = arith.index_cast %swap3A_1314 : i32 to index
    %swap3A_1316 = arith.constant 0 : index
    %swap3A_1317 = tpu.vector_load %arg6[%swap3A_1315, %swap3A_1316] {strides = array<i32>} : memref<20x80xi32, #tpu.memory_space<vmem>>, vector<1x16xi32>,
    %swap3A_1318 = vector.shape_cast %swap3A_1317 : vector<1x16xi32> to vector<16xi32>
    %swap3A_1319 = vector.shape_cast %add3A_1313 : vector<16xi32> to vector<1x16xi32>
    tpu.vector_store %arg6[%swap3A_1315, %swap3A_1316], %swap3A_1319 {strides = array<i32>} : memref<20x80xi32, #tpu.memory_space<vmem>>, vector<1x16xi32>,
    %get3A_1320 = arith.constant 1056 : index
    %get3A_1321 = tpu.vector_load %arg5[%get3A_1320] {strides = array<i32>} : memref<1600xi32, #tpu.memory_space<vmem>>, vector<16xi32>,
    %get3A_1322 = vector.shape_cast %get3A_1321 : vector<16xi32> to vector<16xi32>
    %add3A_1323 = arith.constant 1056 : i32
    %add3A_1324 = arith.addi %mul3A_2, %add3A_1323 : i32
    %add3A_1325 = vector.broadcast %add3A_1324 : i32 to vector<16xi32>
    %add3A_1326 = arith.addi %add3A_1325, %iota3A : vector<16xi32>
    %mul3A_1327 = arith.constant 50 : i32
    %mul3A_1328 = vector.broadcast %mul3A_1327 : i32 to vector<16xi32>
    %mul3A_1329 = arith.muli %get3A_1322, %mul3A_1328 : vector<16xi32>
    %rem3A_1330 = arith.constant 50 : i32
    %rem3A_1331 = vector.broadcast %rem3A_1330 : i32 to vector<16xi32>
    %rem3A_1332 = arith.remsi %add3A_1326, %rem3A_1331 : vector<16xi32>
    %add3A_1333 = arith.addi %mul3A_1329, %rem3A_1332 : vector<16xi32>
    %swap3A_1334 = arith.constant 13 : i32
    %swap3A_1335 = arith.index_cast %swap3A_1334 : i32 to index
    %swap3A_1336 = arith.constant 16 : index
    %swap3A_1337 = tpu.vector_load %arg6[%swap3A_1335, %swap3A_1336] {strides = array<i32>} : memref<20x80xi32, #tpu.memory_space<vmem>>, vector<1x16xi32>,
    %swap3A_1338 = vector.shape_cast %swap3A_1337 : vector<1x16xi32> to vector<16xi32>
    %swap3A_1339 = vector.shape_cast %add3A_1333 : vector<16xi32> to vector<1x16xi32>
    tpu.vector_store %arg6[%swap3A_1335, %swap3A_1336], %swap3A_1339 {strides = array<i32>} : memref<20x80xi32, #tpu.memory_space<vmem>>, vector<1x16xi32>,
    %get3A_1340 = arith.constant 1072 : index
    %get3A_1341 = tpu.vector_load %arg5[%get3A_1340] {strides = array<i32>} : memref<1600xi32, #tpu.memory_space<vmem>>, vector<16xi32>,
    %get3A_1342 = vector.shape_cast %get3A_1341 : vector<16xi32> to vector<16xi32>
    %add3A_1343 = arith.constant 1072 : i32
    %add3A_1344 = arith.addi %mul3A_2, %add3A_1343 : i32
    %add3A_1345 = vector.broadcast %add3A_1344 : i32 to vector<16xi32>
    %add3A_1346 = arith.addi %add3A_1345, %iota3A : vector<16xi32>
    %mul3A_1347 = arith.constant 50 : i32
    %mul3A_1348 = vector.broadcast %mul3A_1347 : i32 to vector<16xi32>
    %mul3A_1349 = arith.muli %get3A_1342, %mul3A_1348 : vector<16xi32>
    %rem3A_1350 = arith.constant 50 : i32
    %rem3A_1351 = vector.broadcast %rem3A_1350 : i32 to vector<16xi32>
    %rem3A_1352 = arith.remsi %add3A_1346, %rem3A_1351 : vector<16xi32>
    %add3A_1353 = arith.addi %mul3A_1349, %rem3A_1352 : vector<16xi32>
    %swap3A_1354 = arith.constant 13 : i32
    %swap3A_1355 = arith.index_cast %swap3A_1354 : i32 to index
    %swap3A_1356 = arith.constant 32 : index
    %swap3A_1357 = tpu.vector_load %arg6[%swap3A_1355, %swap3A_1356] {strides = array<i32>} : memref<20x80xi32, #tpu.memory_space<vmem>>, vector<1x16xi32>,
    %swap3A_1358 = vector.shape_cast %swap3A_1357 : vector<1x16xi32> to vector<16xi32>
    %swap3A_1359 = vector.shape_cast %add3A_1353 : vector<16xi32> to vector<1x16xi32>
    tpu.vector_store %arg6[%swap3A_1355, %swap3A_1356], %swap3A_1359 {strides = array<i32>} : memref<20x80xi32, #tpu.memory_space<vmem>>, vector<1x16xi32>,
    %get3A_1360 = arith.constant 1088 : index
    %get3A_1361 = tpu.vector_load %arg5[%get3A_1360] {strides = array<i32>} : memref<1600xi32, #tpu.memory_space<vmem>>, vector<16xi32>,
    %get3A_1362 = vector.shape_cast %get3A_1361 : vector<16xi32> to vector<16xi32>
    %add3A_1363 = arith.constant 1088 : i32
    %add3A_1364 = arith.addi %mul3A_2, %add3A_1363 : i32
    %add3A_1365 = vector.broadcast %add3A_1364 : i32 to vector<16xi32>
    %add3A_1366 = arith.addi %add3A_1365, %iota3A : vector<16xi32>
    %mul3A_1367 = arith.constant 50 : i32
    %mul3A_1368 = vector.broadcast %mul3A_1367 : i32 to vector<16xi32>
    %mul3A_1369 = arith.muli %get3A_1362, %mul3A_1368 : vector<16xi32>
    %rem3A_1370 = arith.constant 50 : i32
    %rem3A_1371 = vector.broadcast %rem3A_1370 : i32 to vector<16xi32>
    %rem3A_1372 = arith.remsi %add3A_1366, %rem3A_1371 : vector<16xi32>
    %add3A_1373 = arith.addi %mul3A_1369, %rem3A_1372 : vector<16xi32>
    %swap3A_1374 = arith.constant 13 : i32
    %swap3A_1375 = arith.index_cast %swap3A_1374 : i32 to index
    %swap3A_1376 = arith.constant 48 : index
    %swap3A_1377 = tpu.vector_load %arg6[%swap3A_1375, %swap3A_1376] {strides = array<i32>} : memref<20x80xi32, #tpu.memory_space<vmem>>, vector<1x16xi32>,
    %swap3A_1378 = vector.shape_cast %swap3A_1377 : vector<1x16xi32> to vector<16xi32>
    %swap3A_1379 = vector.shape_cast %add3A_1373 : vector<16xi32> to vector<1x16xi32>
    tpu.vector_store %arg6[%swap3A_1375, %swap3A_1376], %swap3A_1379 {strides = array<i32>} : memref<20x80xi32, #tpu.memory_space<vmem>>, vector<1x16xi32>,
    %get3A_1380 = arith.constant 1104 : index
    %get3A_1381 = tpu.vector_load %arg5[%get3A_1380] {strides = array<i32>} : memref<1600xi32, #tpu.memory_space<vmem>>, vector<16xi32>,
    %get3A_1382 = vector.shape_cast %get3A_1381 : vector<16xi32> to vector<16xi32>
    %add3A_1383 = arith.constant 1104 : i32
    %add3A_1384 = arith.addi %mul3A_2, %add3A_1383 : i32
    %add3A_1385 = vector.broadcast %add3A_1384 : i32 to vector<16xi32>
    %add3A_1386 = arith.addi %add3A_1385, %iota3A : vector<16xi32>
    %mul3A_1387 = arith.constant 50 : i32
    %mul3A_1388 = vector.broadcast %mul3A_1387 : i32 to vector<16xi32>
    %mul3A_1389 = arith.muli %get3A_1382, %mul3A_1388 : vector<16xi32>
    %rem3A_1390 = arith.constant 50 : i32
    %rem3A_1391 = vector.broadcast %rem3A_1390 : i32 to vector<16xi32>
    %rem3A_1392 = arith.remsi %add3A_1386, %rem3A_1391 : vector<16xi32>
    %add3A_1393 = arith.addi %mul3A_1389, %rem3A_1392 : vector<16xi32>
    %swap3A_1394 = arith.constant 13 : i32
    %swap3A_1395 = arith.index_cast %swap3A_1394 : i32 to index
    %swap3A_1396 = arith.constant 64 : index
    %swap3A_1397 = tpu.vector_load %arg6[%swap3A_1395, %swap3A_1396] {strides = array<i32>} : memref<20x80xi32, #tpu.memory_space<vmem>>, vector<1x16xi32>,
    %swap3A_1398 = vector.shape_cast %swap3A_1397 : vector<1x16xi32> to vector<16xi32>
    %swap3A_1399 = vector.shape_cast %add3A_1393 : vector<16xi32> to vector<1x16xi32>
    tpu.vector_store %arg6[%swap3A_1395, %swap3A_1396], %swap3A_1399 {strides = array<i32>} : memref<20x80xi32, #tpu.memory_space<vmem>>, vector<1x16xi32>,
    %get3A_1400 = arith.constant 1120 : index
    %get3A_1401 = tpu.vector_load %arg5[%get3A_1400] {strides = array<i32>} : memref<1600xi32, #tpu.memory_space<vmem>>, vector<16xi32>,
    %get3A_1402 = vector.shape_cast %get3A_1401 : vector<16xi32> to vector<16xi32>
    %add3A_1403 = arith.constant 1120 : i32
    %add3A_1404 = arith.addi %mul3A_2, %add3A_1403 : i32
    %add3A_1405 = vector.broadcast %add3A_1404 : i32 to vector<16xi32>
    %add3A_1406 = arith.addi %add3A_1405, %iota3A : vector<16xi32>
    %mul3A_1407 = arith.constant 50 : i32
    %mul3A_1408 = vector.broadcast %mul3A_1407 : i32 to vector<16xi32>
    %mul3A_1409 = arith.muli %get3A_1402, %mul3A_1408 : vector<16xi32>
    %rem3A_1410 = arith.constant 50 : i32
    %rem3A_1411 = vector.broadcast %rem3A_1410 : i32 to vector<16xi32>
    %rem3A_1412 = arith.remsi %add3A_1406, %rem3A_1411 : vector<16xi32>
    %add3A_1413 = arith.addi %mul3A_1409, %rem3A_1412 : vector<16xi32>
    %swap3A_1414 = arith.constant 14 : i32
    %swap3A_1415 = arith.index_cast %swap3A_1414 : i32 to index
    %swap3A_1416 = arith.constant 0 : index
    %swap3A_1417 = tpu.vector_load %arg6[%swap3A_1415, %swap3A_1416] {strides = array<i32>} : memref<20x80xi32, #tpu.memory_space<vmem>>, vector<1x16xi32>,
    %swap3A_1418 = vector.shape_cast %swap3A_1417 : vector<1x16xi32> to vector<16xi32>
    %swap3A_1419 = vector.shape_cast %add3A_1413 : vector<16xi32> to vector<1x16xi32>
    tpu.vector_store %arg6[%swap3A_1415, %swap3A_1416], %swap3A_1419 {strides = array<i32>} : memref<20x80xi32, #tpu.memory_space<vmem>>, vector<1x16xi32>,
    %get3A_1420 = arith.constant 1136 : index
    %get3A_1421 = tpu.vector_load %arg5[%get3A_1420] {strides = array<i32>} : memref<1600xi32, #tpu.memory_space<vmem>>, vector<16xi32>,
    %get3A_1422 = vector.shape_cast %get3A_1421 : vector<16xi32> to vector<16xi32>
    %add3A_1423 = arith.constant 1136 : i32
    %add3A_1424 = arith.addi %mul3A_2, %add3A_1423 : i32
    %add3A_1425 = vector.broadcast %add3A_1424 : i32 to vector<16xi32>
    %add3A_1426 = arith.addi %add3A_1425, %iota3A : vector<16xi32>
    %mul3A_1427 = arith.constant 50 : i32
    %mul3A_1428 = vector.broadcast %mul3A_1427 : i32 to vector<16xi32>
    %mul3A_1429 = arith.muli %get3A_1422, %mul3A_1428 : vector<16xi32>
    %rem3A_1430 = arith.constant 50 : i32
    %rem3A_1431 = vector.broadcast %rem3A_1430 : i32 to vector<16xi32>
    %rem3A_1432 = arith.remsi %add3A_1426, %rem3A_1431 : vector<16xi32>
    %add3A_1433 = arith.addi %mul3A_1429, %rem3A_1432 : vector<16xi32>
    %swap3A_1434 = arith.constant 14 : i32
    %swap3A_1435 = arith.index_cast %swap3A_1434 : i32 to index
    %swap3A_1436 = arith.constant 16 : index
    %swap3A_1437 = tpu.vector_load %arg6[%swap3A_1435, %swap3A_1436] {strides = array<i32>} : memref<20x80xi32, #tpu.memory_space<vmem>>, vector<1x16xi32>,
    %swap3A_1438 = vector.shape_cast %swap3A_1437 : vector<1x16xi32> to vector<16xi32>
    %swap3A_1439 = vector.shape_cast %add3A_1433 : vector<16xi32> to vector<1x16xi32>
    tpu.vector_store %arg6[%swap3A_1435, %swap3A_1436], %swap3A_1439 {strides = array<i32>} : memref<20x80xi32, #tpu.memory_space<vmem>>, vector<1x16xi32>,
    %get3A_1440 = arith.constant 1152 : index
    %get3A_1441 = tpu.vector_load %arg5[%get3A_1440] {strides = array<i32>} : memref<1600xi32, #tpu.memory_space<vmem>>, vector<16xi32>,
    %get3A_1442 = vector.shape_cast %get3A_1441 : vector<16xi32> to vector<16xi32>
    %add3A_1443 = arith.constant 1152 : i32
    %add3A_1444 = arith.addi %mul3A_2, %add3A_1443 : i32
    %add3A_1445 = vector.broadcast %add3A_1444 : i32 to vector<16xi32>
    %add3A_1446 = arith.addi %add3A_1445, %iota3A : vector<16xi32>
    %mul3A_1447 = arith.constant 50 : i32
    %mul3A_1448 = vector.broadcast %mul3A_1447 : i32 to vector<16xi32>
    %mul3A_1449 = arith.muli %get3A_1442, %mul3A_1448 : vector<16xi32>
    %rem3A_1450 = arith.constant 50 : i32
    %rem3A_1451 = vector.broadcast %rem3A_1450 : i32 to vector<16xi32>
    %rem3A_1452 = arith.remsi %add3A_1446, %rem3A_1451 : vector<16xi32>
    %add3A_1453 = arith.addi %mul3A_1449, %rem3A_1452 : vector<16xi32>
    %swap3A_1454 = arith.constant 14 : i32
    %swap3A_1455 = arith.index_cast %swap3A_1454 : i32 to index
    %swap3A_1456 = arith.constant 32 : index
    %swap3A_1457 = tpu.vector_load %arg6[%swap3A_1455, %swap3A_1456] {strides = array<i32>} : memref<20x80xi32, #tpu.memory_space<vmem>>, vector<1x16xi32>,
    %swap3A_1458 = vector.shape_cast %swap3A_1457 : vector<1x16xi32> to vector<16xi32>
    %swap3A_1459 = vector.shape_cast %add3A_1453 : vector<16xi32> to vector<1x16xi32>
    tpu.vector_store %arg6[%swap3A_1455, %swap3A_1456], %swap3A_1459 {strides = array<i32>} : memref<20x80xi32, #tpu.memory_space<vmem>>, vector<1x16xi32>,
    %get3A_1460 = arith.constant 1168 : index
    %get3A_1461 = tpu.vector_load %arg5[%get3A_1460] {strides = array<i32>} : memref<1600xi32, #tpu.memory_space<vmem>>, vector<16xi32>,
    %get3A_1462 = vector.shape_cast %get3A_1461 : vector<16xi32> to vector<16xi32>
    %add3A_1463 = arith.constant 1168 : i32
    %add3A_1464 = arith.addi %mul3A_2, %add3A_1463 : i32
    %add3A_1465 = vector.broadcast %add3A_1464 : i32 to vector<16xi32>
    %add3A_1466 = arith.addi %add3A_1465, %iota3A : vector<16xi32>
    %mul3A_1467 = arith.constant 50 : i32
    %mul3A_1468 = vector.broadcast %mul3A_1467 : i32 to vector<16xi32>
    %mul3A_1469 = arith.muli %get3A_1462, %mul3A_1468 : vector<16xi32>
    %rem3A_1470 = arith.constant 50 : i32
    %rem3A_1471 = vector.broadcast %rem3A_1470 : i32 to vector<16xi32>
    %rem3A_1472 = arith.remsi %add3A_1466, %rem3A_1471 : vector<16xi32>
    %add3A_1473 = arith.addi %mul3A_1469, %rem3A_1472 : vector<16xi32>
    %swap3A_1474 = arith.constant 14 : i32
    %swap3A_1475 = arith.index_cast %swap3A_1474 : i32 to index
    %swap3A_1476 = arith.constant 48 : index
    %swap3A_1477 = tpu.vector_load %arg6[%swap3A_1475, %swap3A_1476] {strides = array<i32>} : memref<20x80xi32, #tpu.memory_space<vmem>>, vector<1x16xi32>,
    %swap3A_1478 = vector.shape_cast %swap3A_1477 : vector<1x16xi32> to vector<16xi32>
    %swap3A_1479 = vector.shape_cast %add3A_1473 : vector<16xi32> to vector<1x16xi32>
    tpu.vector_store %arg6[%swap3A_1475, %swap3A_1476], %swap3A_1479 {strides = array<i32>} : memref<20x80xi32, #tpu.memory_space<vmem>>, vector<1x16xi32>,
    %get3A_1480 = arith.constant 1184 : index
    %get3A_1481 = tpu.vector_load %arg5[%get3A_1480] {strides = array<i32>} : memref<1600xi32, #tpu.memory_space<vmem>>, vector<16xi32>,
    %get3A_1482 = vector.shape_cast %get3A_1481 : vector<16xi32> to vector<16xi32>
    %add3A_1483 = arith.constant 1184 : i32
    %add3A_1484 = arith.addi %mul3A_2, %add3A_1483 : i32
    %add3A_1485 = vector.broadcast %add3A_1484 : i32 to vector<16xi32>
    %add3A_1486 = arith.addi %add3A_1485, %iota3A : vector<16xi32>
    %mul3A_1487 = arith.constant 50 : i32
    %mul3A_1488 = vector.broadcast %mul3A_1487 : i32 to vector<16xi32>
    %mul3A_1489 = arith.muli %get3A_1482, %mul3A_1488 : vector<16xi32>
    %rem3A_1490 = arith.constant 50 : i32
    %rem3A_1491 = vector.broadcast %rem3A_1490 : i32 to vector<16xi32>
    %rem3A_1492 = arith.remsi %add3A_1486, %rem3A_1491 : vector<16xi32>
    %add3A_1493 = arith.addi %mul3A_1489, %rem3A_1492 : vector<16xi32>
    %swap3A_1494 = arith.constant 14 : i32
    %swap3A_1495 = arith.index_cast %swap3A_1494 : i32 to index
    %swap3A_1496 = arith.constant 64 : index
    %swap3A_1497 = tpu.vector_load %arg6[%swap3A_1495, %swap3A_1496] {strides = array<i32>} : memref<20x80xi32, #tpu.memory_space<vmem>>, vector<1x16xi32>,
    %swap3A_1498 = vector.shape_cast %swap3A_1497 : vector<1x16xi32> to vector<16xi32>
    %swap3A_1499 = vector.shape_cast %add3A_1493 : vector<16xi32> to vector<1x16xi32>
    tpu.vector_store %arg6[%swap3A_1495, %swap3A_1496], %swap3A_1499 {strides = array<i32>} : memref<20x80xi32, #tpu.memory_space<vmem>>, vector<1x16xi32>,
    %get3A_1500 = arith.constant 1200 : index
    %get3A_1501 = tpu.vector_load %arg5[%get3A_1500] {strides = array<i32>} : memref<1600xi32, #tpu.memory_space<vmem>>, vector<16xi32>,
    %get3A_1502 = vector.shape_cast %get3A_1501 : vector<16xi32> to vector<16xi32>
    %add3A_1503 = arith.constant 1200 : i32
    %add3A_1504 = arith.addi %mul3A_2, %add3A_1503 : i32
    %add3A_1505 = vector.broadcast %add3A_1504 : i32 to vector<16xi32>
    %add3A_1506 = arith.addi %add3A_1505, %iota3A : vector<16xi32>
    %mul3A_1507 = arith.constant 50 : i32
    %mul3A_1508 = vector.broadcast %mul3A_1507 : i32 to vector<16xi32>
    %mul3A_1509 = arith.muli %get3A_1502, %mul3A_1508 : vector<16xi32>
    %rem3A_1510 = arith.constant 50 : i32
    %rem3A_1511 = vector.broadcast %rem3A_1510 : i32 to vector<16xi32>
    %rem3A_1512 = arith.remsi %add3A_1506, %rem3A_1511 : vector<16xi32>
    %add3A_1513 = arith.addi %mul3A_1509, %rem3A_1512 : vector<16xi32>
    %swap3A_1514 = arith.constant 15 : i32
    %swap3A_1515 = arith.index_cast %swap3A_1514 : i32 to index
    %swap3A_1516 = arith.constant 0 : index
    %swap3A_1517 = tpu.vector_load %arg6[%swap3A_1515, %swap3A_1516] {strides = array<i32>} : memref<20x80xi32, #tpu.memory_space<vmem>>, vector<1x16xi32>,
    %swap3A_1518 = vector.shape_cast %swap3A_1517 : vector<1x16xi32> to vector<16xi32>
    %swap3A_1519 = vector.shape_cast %add3A_1513 : vector<16xi32> to vector<1x16xi32>
    tpu.vector_store %arg6[%swap3A_1515, %swap3A_1516], %swap3A_1519 {strides = array<i32>} : memref<20x80xi32, #tpu.memory_space<vmem>>, vector<1x16xi32>,
    %get3A_1520 = arith.constant 1216 : index
    %get3A_1521 = tpu.vector_load %arg5[%get3A_1520] {strides = array<i32>} : memref<1600xi32, #tpu.memory_space<vmem>>, vector<16xi32>,
    %get3A_1522 = vector.shape_cast %get3A_1521 : vector<16xi32> to vector<16xi32>
    %add3A_1523 = arith.constant 1216 : i32
    %add3A_1524 = arith.addi %mul3A_2, %add3A_1523 : i32
    %add3A_1525 = vector.broadcast %add3A_1524 : i32 to vector<16xi32>
    %add3A_1526 = arith.addi %add3A_1525, %iota3A : vector<16xi32>
    %mul3A_1527 = arith.constant 50 : i32
    %mul3A_1528 = vector.broadcast %mul3A_1527 : i32 to vector<16xi32>
    %mul3A_1529 = arith.muli %get3A_1522, %mul3A_1528 : vector<16xi32>
    %rem3A_1530 = arith.constant 50 : i32
    %rem3A_1531 = vector.broadcast %rem3A_1530 : i32 to vector<16xi32>
    %rem3A_1532 = arith.remsi %add3A_1526, %rem3A_1531 : vector<16xi32>
    %add3A_1533 = arith.addi %mul3A_1529, %rem3A_1532 : vector<16xi32>
    %swap3A_1534 = arith.constant 15 : i32
    %swap3A_1535 = arith.index_cast %swap3A_1534 : i32 to index
    %swap3A_1536 = arith.constant 16 : index
    %swap3A_1537 = tpu.vector_load %arg6[%swap3A_1535, %swap3A_1536] {strides = array<i32>} : memref<20x80xi32, #tpu.memory_space<vmem>>, vector<1x16xi32>,
    %swap3A_1538 = vector.shape_cast %swap3A_1537 : vector<1x16xi32> to vector<16xi32>
    %swap3A_1539 = vector.shape_cast %add3A_1533 : vector<16xi32> to vector<1x16xi32>
    tpu.vector_store %arg6[%swap3A_1535, %swap3A_1536], %swap3A_1539 {strides = array<i32>} : memref<20x80xi32, #tpu.memory_space<vmem>>, vector<1x16xi32>,
    %get3A_1540 = arith.constant 1232 : index
    %get3A_1541 = tpu.vector_load %arg5[%get3A_1540] {strides = array<i32>} : memref<1600xi32, #tpu.memory_space<vmem>>, vector<16xi32>,
    %get3A_1542 = vector.shape_cast %get3A_1541 : vector<16xi32> to vector<16xi32>
    %add3A_1543 = arith.constant 1232 : i32
    %add3A_1544 = arith.addi %mul3A_2, %add3A_1543 : i32
    %add3A_1545 = vector.broadcast %add3A_1544 : i32 to vector<16xi32>
    %add3A_1546 = arith.addi %add3A_1545, %iota3A : vector<16xi32>
    %mul3A_1547 = arith.constant 50 : i32
    %mul3A_1548 = vector.broadcast %mul3A_1547 : i32 to vector<16xi32>
    %mul3A_1549 = arith.muli %get3A_1542, %mul3A_1548 : vector<16xi32>
    %rem3A_1550 = arith.constant 50 : i32
    %rem3A_1551 = vector.broadcast %rem3A_1550 : i32 to vector<16xi32>
    %rem3A_1552 = arith.remsi %add3A_1546, %rem3A_1551 : vector<16xi32>
    %add3A_1553 = arith.addi %mul3A_1549, %rem3A_1552 : vector<16xi32>
    %swap3A_1554 = arith.constant 15 : i32
    %swap3A_1555 = arith.index_cast %swap3A_1554 : i32 to index
    %swap3A_1556 = arith.constant 32 : index
    %swap3A_1557 = tpu.vector_load %arg6[%swap3A_1555, %swap3A_1556] {strides = array<i32>} : memref<20x80xi32, #tpu.memory_space<vmem>>, vector<1x16xi32>,
    %swap3A_1558 = vector.shape_cast %swap3A_1557 : vector<1x16xi32> to vector<16xi32>
    %swap3A_1559 = vector.shape_cast %add3A_1553 : vector<16xi32> to vector<1x16xi32>
    tpu.vector_store %arg6[%swap3A_1555, %swap3A_1556], %swap3A_1559 {strides = array<i32>} : memref<20x80xi32, #tpu.memory_space<vmem>>, vector<1x16xi32>,
    %get3A_1560 = arith.constant 1248 : index
    %get3A_1561 = tpu.vector_load %arg5[%get3A_1560] {strides = array<i32>} : memref<1600xi32, #tpu.memory_space<vmem>>, vector<16xi32>,
    %get3A_1562 = vector.shape_cast %get3A_1561 : vector<16xi32> to vector<16xi32>
    %add3A_1563 = arith.constant 1248 : i32
    %add3A_1564 = arith.addi %mul3A_2, %add3A_1563 : i32
    %add3A_1565 = vector.broadcast %add3A_1564 : i32 to vector<16xi32>
    %add3A_1566 = arith.addi %add3A_1565, %iota3A : vector<16xi32>
    %mul3A_1567 = arith.constant 50 : i32
    %mul3A_1568 = vector.broadcast %mul3A_1567 : i32 to vector<16xi32>
    %mul3A_1569 = arith.muli %get3A_1562, %mul3A_1568 : vector<16xi32>
    %rem3A_1570 = arith.constant 50 : i32
    %rem3A_1571 = vector.broadcast %rem3A_1570 : i32 to vector<16xi32>
    %rem3A_1572 = arith.remsi %add3A_1566, %rem3A_1571 : vector<16xi32>
    %add3A_1573 = arith.addi %mul3A_1569, %rem3A_1572 : vector<16xi32>
    %swap3A_1574 = arith.constant 15 : i32
    %swap3A_1575 = arith.index_cast %swap3A_1574 : i32 to index
    %swap3A_1576 = arith.constant 48 : index
    %swap3A_1577 = tpu.vector_load %arg6[%swap3A_1575, %swap3A_1576] {strides = array<i32>} : memref<20x80xi32, #tpu.memory_space<vmem>>, vector<1x16xi32>,
    %swap3A_1578 = vector.shape_cast %swap3A_1577 : vector<1x16xi32> to vector<16xi32>
    %swap3A_1579 = vector.shape_cast %add3A_1573 : vector<16xi32> to vector<1x16xi32>
    tpu.vector_store %arg6[%swap3A_1575, %swap3A_1576], %swap3A_1579 {strides = array<i32>} : memref<20x80xi32, #tpu.memory_space<vmem>>, vector<1x16xi32>,
    %get3A_1580 = arith.constant 1264 : index
    %get3A_1581 = tpu.vector_load %arg5[%get3A_1580] {strides = array<i32>} : memref<1600xi32, #tpu.memory_space<vmem>>, vector<16xi32>,
    %get3A_1582 = vector.shape_cast %get3A_1581 : vector<16xi32> to vector<16xi32>
    %add3A_1583 = arith.constant 1264 : i32
    %add3A_1584 = arith.addi %mul3A_2, %add3A_1583 : i32
    %add3A_1585 = vector.broadcast %add3A_1584 : i32 to vector<16xi32>
    %add3A_1586 = arith.addi %add3A_1585, %iota3A : vector<16xi32>
    %mul3A_1587 = arith.constant 50 : i32
    %mul3A_1588 = vector.broadcast %mul3A_1587 : i32 to vector<16xi32>
    %mul3A_1589 = arith.muli %get3A_1582, %mul3A_1588 : vector<16xi32>
    %rem3A_1590 = arith.constant 50 : i32
    %rem3A_1591 = vector.broadcast %rem3A_1590 : i32 to vector<16xi32>
    %rem3A_1592 = arith.remsi %add3A_1586, %rem3A_1591 : vector<16xi32>
    %add3A_1593 = arith.addi %mul3A_1589, %rem3A_1592 : vector<16xi32>
    %swap3A_1594 = arith.constant 15 : i32
    %swap3A_1595 = arith.index_cast %swap3A_1594 : i32 to index
    %swap3A_1596 = arith.constant 64 : index
    %swap3A_1597 = tpu.vector_load %arg6[%swap3A_1595, %swap3A_1596] {strides = array<i32>} : memref<20x80xi32, #tpu.memory_space<vmem>>, vector<1x16xi32>,
    %swap3A_1598 = vector.shape_cast %swap3A_1597 : vector<1x16xi32> to vector<16xi32>
    %swap3A_1599 = vector.shape_cast %add3A_1593 : vector<16xi32> to vector<1x16xi32>
    tpu.vector_store %arg6[%swap3A_1595, %swap3A_1596], %swap3A_1599 {strides = array<i32>} : memref<20x80xi32, #tpu.memory_space<vmem>>, vector<1x16xi32>,
    %get3A_1600 = arith.constant 1280 : index
    %get3A_1601 = tpu.vector_load %arg5[%get3A_1600] {strides = array<i32>} : memref<1600xi32, #tpu.memory_space<vmem>>, vector<16xi32>,
    %get3A_1602 = vector.shape_cast %get3A_1601 : vector<16xi32> to vector<16xi32>
    %add3A_1603 = arith.constant 1280 : i32
    %add3A_1604 = arith.addi %mul3A_2, %add3A_1603 : i32
    %add3A_1605 = vector.broadcast %add3A_1604 : i32 to vector<16xi32>
    %add3A_1606 = arith.addi %add3A_1605, %iota3A : vector<16xi32>
    %mul3A_1607 = arith.constant 50 : i32
    %mul3A_1608 = vector.broadcast %mul3A_1607 : i32 to vector<16xi32>
    %mul3A_1609 = arith.muli %get3A_1602, %mul3A_1608 : vector<16xi32>
    %rem3A_1610 = arith.constant 50 : i32
    %rem3A_1611 = vector.broadcast %rem3A_1610 : i32 to vector<16xi32>
    %rem3A_1612 = arith.remsi %add3A_1606, %rem3A_1611 : vector<16xi32>
    %add3A_1613 = arith.addi %mul3A_1609, %rem3A_1612 : vector<16xi32>
    %swap3A_1614 = arith.constant 16 : i32
    %swap3A_1615 = arith.index_cast %swap3A_1614 : i32 to index
    %swap3A_1616 = arith.constant 0 : index
    %swap3A_1617 = tpu.vector_load %arg6[%swap3A_1615, %swap3A_1616] {strides = array<i32>} : memref<20x80xi32, #tpu.memory_space<vmem>>, vector<1x16xi32>,
    %swap3A_1618 = vector.shape_cast %swap3A_1617 : vector<1x16xi32> to vector<16xi32>
    %swap3A_1619 = vector.shape_cast %add3A_1613 : vector<16xi32> to vector<1x16xi32>
    tpu.vector_store %arg6[%swap3A_1615, %swap3A_1616], %swap3A_1619 {strides = array<i32>} : memref<20x80xi32, #tpu.memory_space<vmem>>, vector<1x16xi32>,
    %get3A_1620 = arith.constant 1296 : index
    %get3A_1621 = tpu.vector_load %arg5[%get3A_1620] {strides = array<i32>} : memref<1600xi32, #tpu.memory_space<vmem>>, vector<16xi32>,
    %get3A_1622 = vector.shape_cast %get3A_1621 : vector<16xi32> to vector<16xi32>
    %add3A_1623 = arith.constant 1296 : i32
    %add3A_1624 = arith.addi %mul3A_2, %add3A_1623 : i32
    %add3A_1625 = vector.broadcast %add3A_1624 : i32 to vector<16xi32>
    %add3A_1626 = arith.addi %add3A_1625, %iota3A : vector<16xi32>
    %mul3A_1627 = arith.constant 50 : i32
    %mul3A_1628 = vector.broadcast %mul3A_1627 : i32 to vector<16xi32>
    %mul3A_1629 = arith.muli %get3A_1622, %mul3A_1628 : vector<16xi32>
    %rem3A_1630 = arith.constant 50 : i32
    %rem3A_1631 = vector.broadcast %rem3A_1630 : i32 to vector<16xi32>
    %rem3A_1632 = arith.remsi %add3A_1626, %rem3A_1631 : vector<16xi32>
    %add3A_1633 = arith.addi %mul3A_1629, %rem3A_1632 : vector<16xi32>
    %swap3A_1634 = arith.constant 16 : i32
    %swap3A_1635 = arith.index_cast %swap3A_1634 : i32 to index
    %swap3A_1636 = arith.constant 16 : index
    %swap3A_1637 = tpu.vector_load %arg6[%swap3A_1635, %swap3A_1636] {strides = array<i32>} : memref<20x80xi32, #tpu.memory_space<vmem>>, vector<1x16xi32>,
    %swap3A_1638 = vector.shape_cast %swap3A_1637 : vector<1x16xi32> to vector<16xi32>
    %swap3A_1639 = vector.shape_cast %add3A_1633 : vector<16xi32> to vector<1x16xi32>
    tpu.vector_store %arg6[%swap3A_1635, %swap3A_1636], %swap3A_1639 {strides = array<i32>} : memref<20x80xi32, #tpu.memory_space<vmem>>, vector<1x16xi32>,
    %get3A_1640 = arith.constant 1312 : index
    %get3A_1641 = tpu.vector_load %arg5[%get3A_1640] {strides = array<i32>} : memref<1600xi32, #tpu.memory_space<vmem>>, vector<16xi32>,
    %get3A_1642 = vector.shape_cast %get3A_1641 : vector<16xi32> to vector<16xi32>
    %add3A_1643 = arith.constant 1312 : i32
    %add3A_1644 = arith.addi %mul3A_2, %add3A_1643 : i32
    %add3A_1645 = vector.broadcast %add3A_1644 : i32 to vector<16xi32>
    %add3A_1646 = arith.addi %add3A_1645, %iota3A : vector<16xi32>
    %mul3A_1647 = arith.constant 50 : i32
    %mul3A_1648 = vector.broadcast %mul3A_1647 : i32 to vector<16xi32>
    %mul3A_1649 = arith.muli %get3A_1642, %mul3A_1648 : vector<16xi32>
    %rem3A_1650 = arith.constant 50 : i32
    %rem3A_1651 = vector.broadcast %rem3A_1650 : i32 to vector<16xi32>
    %rem3A_1652 = arith.remsi %add3A_1646, %rem3A_1651 : vector<16xi32>
    %add3A_1653 = arith.addi %mul3A_1649, %rem3A_1652 : vector<16xi32>
    %swap3A_1654 = arith.constant 16 : i32
    %swap3A_1655 = arith.index_cast %swap3A_1654 : i32 to index
    %swap3A_1656 = arith.constant 32 : index
    %swap3A_1657 = tpu.vector_load %arg6[%swap3A_1655, %swap3A_1656] {strides = array<i32>} : memref<20x80xi32, #tpu.memory_space<vmem>>, vector<1x16xi32>,
    %swap3A_1658 = vector.shape_cast %swap3A_1657 : vector<1x16xi32> to vector<16xi32>
    %swap3A_1659 = vector.shape_cast %add3A_1653 : vector<16xi32> to vector<1x16xi32>
    tpu.vector_store %arg6[%swap3A_1655, %swap3A_1656], %swap3A_1659 {strides = array<i32>} : memref<20x80xi32, #tpu.memory_space<vmem>>, vector<1x16xi32>,
    %get3A_1660 = arith.constant 1328 : index
    %get3A_1661 = tpu.vector_load %arg5[%get3A_1660] {strides = array<i32>} : memref<1600xi32, #tpu.memory_space<vmem>>, vector<16xi32>,
    %get3A_1662 = vector.shape_cast %get3A_1661 : vector<16xi32> to vector<16xi32>
    %add3A_1663 = arith.constant 1328 : i32
    %add3A_1664 = arith.addi %mul3A_2, %add3A_1663 : i32
    %add3A_1665 = vector.broadcast %add3A_1664 : i32 to vector<16xi32>
    %add3A_1666 = arith.addi %add3A_1665, %iota3A : vector<16xi32>
    %mul3A_1667 = arith.constant 50 : i32
    %mul3A_1668 = vector.broadcast %mul3A_1667 : i32 to vector<16xi32>
    %mul3A_1669 = arith.muli %get3A_1662, %mul3A_1668 : vector<16xi32>
    %rem3A_1670 = arith.constant 50 : i32
    %rem3A_1671 = vector.broadcast %rem3A_1670 : i32 to vector<16xi32>
    %rem3A_1672 = arith.remsi %add3A_1666, %rem3A_1671 : vector<16xi32>
    %add3A_1673 = arith.addi %mul3A_1669, %rem3A_1672 : vector<16xi32>
    %swap3A_1674 = arith.constant 16 : i32
    %swap3A_1675 = arith.index_cast %swap3A_1674 : i32 to index
    %swap3A_1676 = arith.constant 48 : index
    %swap3A_1677 = tpu.vector_load %arg6[%swap3A_1675, %swap3A_1676] {strides = array<i32>} : memref<20x80xi32, #tpu.memory_space<vmem>>, vector<1x16xi32>,
    %swap3A_1678 = vector.shape_cast %swap3A_1677 : vector<1x16xi32> to vector<16xi32>
    %swap3A_1679 = vector.shape_cast %add3A_1673 : vector<16xi32> to vector<1x16xi32>
    tpu.vector_store %arg6[%swap3A_1675, %swap3A_1676], %swap3A_1679 {strides = array<i32>} : memref<20x80xi32, #tpu.memory_space<vmem>>, vector<1x16xi32>,
    %get3A_1680 = arith.constant 1344 : index
    %get3A_1681 = tpu.vector_load %arg5[%get3A_1680] {strides = array<i32>} : memref<1600xi32, #tpu.memory_space<vmem>>, vector<16xi32>,
    %get3A_1682 = vector.shape_cast %get3A_1681 : vector<16xi32> to vector<16xi32>
    %add3A_1683 = arith.constant 1344 : i32
    %add3A_1684 = arith.addi %mul3A_2, %add3A_1683 : i32
    %add3A_1685 = vector.broadcast %add3A_1684 : i32 to vector<16xi32>
    %add3A_1686 = arith.addi %add3A_1685, %iota3A : vector<16xi32>
    %mul3A_1687 = arith.constant 50 : i32
    %mul3A_1688 = vector.broadcast %mul3A_1687 : i32 to vector<16xi32>
    %mul3A_1689 = arith.muli %get3A_1682, %mul3A_1688 : vector<16xi32>
    %rem3A_1690 = arith.constant 50 : i32
    %rem3A_1691 = vector.broadcast %rem3A_1690 : i32 to vector<16xi32>
    %rem3A_1692 = arith.remsi %add3A_1686, %rem3A_1691 : vector<16xi32>
    %add3A_1693 = arith.addi %mul3A_1689, %rem3A_1692 : vector<16xi32>
    %swap3A_1694 = arith.constant 16 : i32
    %swap3A_1695 = arith.index_cast %swap3A_1694 : i32 to index
    %swap3A_1696 = arith.constant 64 : index
    %swap3A_1697 = tpu.vector_load %arg6[%swap3A_1695, %swap3A_1696] {strides = array<i32>} : memref<20x80xi32, #tpu.memory_space<vmem>>, vector<1x16xi32>,
    %swap3A_1698 = vector.shape_cast %swap3A_1697 : vector<1x16xi32> to vector<16xi32>
    %swap3A_1699 = vector.shape_cast %add3A_1693 : vector<16xi32> to vector<1x16xi32>
    tpu.vector_store %arg6[%swap3A_1695, %swap3A_1696], %swap3A_1699 {strides = array<i32>} : memref<20x80xi32, #tpu.memory_space<vmem>>, vector<1x16xi32>,
    %get3A_1700 = arith.constant 1360 : index
    %get3A_1701 = tpu.vector_load %arg5[%get3A_1700] {strides = array<i32>} : memref<1600xi32, #tpu.memory_space<vmem>>, vector<16xi32>,
    %get3A_1702 = vector.shape_cast %get3A_1701 : vector<16xi32> to vector<16xi32>
    %add3A_1703 = arith.constant 1360 : i32
    %add3A_1704 = arith.addi %mul3A_2, %add3A_1703 : i32
    %add3A_1705 = vector.broadcast %add3A_1704 : i32 to vector<16xi32>
    %add3A_1706 = arith.addi %add3A_1705, %iota3A : vector<16xi32>
    %mul3A_1707 = arith.constant 50 : i32
    %mul3A_1708 = vector.broadcast %mul3A_1707 : i32 to vector<16xi32>
    %mul3A_1709 = arith.muli %get3A_1702, %mul3A_1708 : vector<16xi32>
    %rem3A_1710 = arith.constant 50 : i32
    %rem3A_1711 = vector.broadcast %rem3A_1710 : i32 to vector<16xi32>
    %rem3A_1712 = arith.remsi %add3A_1706, %rem3A_1711 : vector<16xi32>
    %add3A_1713 = arith.addi %mul3A_1709, %rem3A_1712 : vector<16xi32>
    %swap3A_1714 = arith.constant 17 : i32
    %swap3A_1715 = arith.index_cast %swap3A_1714 : i32 to index
    %swap3A_1716 = arith.constant 0 : index
    %swap3A_1717 = tpu.vector_load %arg6[%swap3A_1715, %swap3A_1716] {strides = array<i32>} : memref<20x80xi32, #tpu.memory_space<vmem>>, vector<1x16xi32>,
    %swap3A_1718 = vector.shape_cast %swap3A_1717 : vector<1x16xi32> to vector<16xi32>
    %swap3A_1719 = vector.shape_cast %add3A_1713 : vector<16xi32> to vector<1x16xi32>
    tpu.vector_store %arg6[%swap3A_1715, %swap3A_1716], %swap3A_1719 {strides = array<i32>} : memref<20x80xi32, #tpu.memory_space<vmem>>, vector<1x16xi32>,
    %get3A_1720 = arith.constant 1376 : index
    %get3A_1721 = tpu.vector_load %arg5[%get3A_1720] {strides = array<i32>} : memref<1600xi32, #tpu.memory_space<vmem>>, vector<16xi32>,
    %get3A_1722 = vector.shape_cast %get3A_1721 : vector<16xi32> to vector<16xi32>
    %add3A_1723 = arith.constant 1376 : i32
    %add3A_1724 = arith.addi %mul3A_2, %add3A_1723 : i32
    %add3A_1725 = vector.broadcast %add3A_1724 : i32 to vector<16xi32>
    %add3A_1726 = arith.addi %add3A_1725, %iota3A : vector<16xi32>
    %mul3A_1727 = arith.constant 50 : i32
    %mul3A_1728 = vector.broadcast %mul3A_1727 : i32 to vector<16xi32>
    %mul3A_1729 = arith.muli %get3A_1722, %mul3A_1728 : vector<16xi32>
    %rem3A_1730 = arith.constant 50 : i32
    %rem3A_1731 = vector.broadcast %rem3A_1730 : i32 to vector<16xi32>
    %rem3A_1732 = arith.remsi %add3A_1726, %rem3A_1731 : vector<16xi32>
    %add3A_1733 = arith.addi %mul3A_1729, %rem3A_1732 : vector<16xi32>
    %swap3A_1734 = arith.constant 17 : i32
    %swap3A_1735 = arith.index_cast %swap3A_1734 : i32 to index
    %swap3A_1736 = arith.constant 16 : index
    %swap3A_1737 = tpu.vector_load %arg6[%swap3A_1735, %swap3A_1736] {strides = array<i32>} : memref<20x80xi32, #tpu.memory_space<vmem>>, vector<1x16xi32>,
    %swap3A_1738 = vector.shape_cast %swap3A_1737 : vector<1x16xi32> to vector<16xi32>
    %swap3A_1739 = vector.shape_cast %add3A_1733 : vector<16xi32> to vector<1x16xi32>
    tpu.vector_store %arg6[%swap3A_1735, %swap3A_1736], %swap3A_1739 {strides = array<i32>} : memref<20x80xi32, #tpu.memory_space<vmem>>, vector<1x16xi32>,
    %get3A_1740 = arith.constant 1392 : index
    %get3A_1741 = tpu.vector_load %arg5[%get3A_1740] {strides = array<i32>} : memref<1600xi32, #tpu.memory_space<vmem>>, vector<16xi32>,
    %get3A_1742 = vector.shape_cast %get3A_1741 : vector<16xi32> to vector<16xi32>
    %add3A_1743 = arith.constant 1392 : i32
    %add3A_1744 = arith.addi %mul3A_2, %add3A_1743 : i32
    %add3A_1745 = vector.broadcast %add3A_1744 : i32 to vector<16xi32>
    %add3A_1746 = arith.addi %add3A_1745, %iota3A : vector<16xi32>
    %mul3A_1747 = arith.constant 50 : i32
    %mul3A_1748 = vector.broadcast %mul3A_1747 : i32 to vector<16xi32>
    %mul3A_1749 = arith.muli %get3A_1742, %mul3A_1748 : vector<16xi32>
    %rem3A_1750 = arith.constant 50 : i32
    %rem3A_1751 = vector.broadcast %rem3A_1750 : i32 to vector<16xi32>
    %rem3A_1752 = arith.remsi %add3A_1746, %rem3A_1751 : vector<16xi32>
    %add3A_1753 = arith.addi %mul3A_1749, %rem3A_1752 : vector<16xi32>
    %swap3A_1754 = arith.constant 17 : i32
    %swap3A_1755 = arith.index_cast %swap3A_1754 : i32 to index
    %swap3A_1756 = arith.constant 32 : index
    %swap3A_1757 = tpu.vector_load %arg6[%swap3A_1755, %swap3A_1756] {strides = array<i32>} : memref<20x80xi32, #tpu.memory_space<vmem>>, vector<1x16xi32>,
    %swap3A_1758 = vector.shape_cast %swap3A_1757 : vector<1x16xi32> to vector<16xi32>
    %swap3A_1759 = vector.shape_cast %add3A_1753 : vector<16xi32> to vector<1x16xi32>
    tpu.vector_store %arg6[%swap3A_1755, %swap3A_1756], %swap3A_1759 {strides = array<i32>} : memref<20x80xi32, #tpu.memory_space<vmem>>, vector<1x16xi32>,
    %get3A_1760 = arith.constant 1408 : index
    %get3A_1761 = tpu.vector_load %arg5[%get3A_1760] {strides = array<i32>} : memref<1600xi32, #tpu.memory_space<vmem>>, vector<16xi32>,
    %get3A_1762 = vector.shape_cast %get3A_1761 : vector<16xi32> to vector<16xi32>
    %add3A_1763 = arith.constant 1408 : i32
    %add3A_1764 = arith.addi %mul3A_2, %add3A_1763 : i32
    %add3A_1765 = vector.broadcast %add3A_1764 : i32 to vector<16xi32>
    %add3A_1766 = arith.addi %add3A_1765, %iota3A : vector<16xi32>
    %mul3A_1767 = arith.constant 50 : i32
    %mul3A_1768 = vector.broadcast %mul3A_1767 : i32 to vector<16xi32>
    %mul3A_1769 = arith.muli %get3A_1762, %mul3A_1768 : vector<16xi32>
    %rem3A_1770 = arith.constant 50 : i32
    %rem3A_1771 = vector.broadcast %rem3A_1770 : i32 to vector<16xi32>
    %rem3A_1772 = arith.remsi %add3A_1766, %rem3A_1771 : vector<16xi32>
    %add3A_1773 = arith.addi %mul3A_1769, %rem3A_1772 : vector<16xi32>
    %swap3A_1774 = arith.constant 17 : i32
    %swap3A_1775 = arith.index_cast %swap3A_1774 : i32 to index
    %swap3A_1776 = arith.constant 48 : index
    %swap3A_1777 = tpu.vector_load %arg6[%swap3A_1775, %swap3A_1776] {strides = array<i32>} : memref<20x80xi32, #tpu.memory_space<vmem>>, vector<1x16xi32>,
    %swap3A_1778 = vector.shape_cast %swap3A_1777 : vector<1x16xi32> to vector<16xi32>
    %swap3A_1779 = vector.shape_cast %add3A_1773 : vector<16xi32> to vector<1x16xi32>
    tpu.vector_store %arg6[%swap3A_1775, %swap3A_1776], %swap3A_1779 {strides = array<i32>} : memref<20x80xi32, #tpu.memory_space<vmem>>, vector<1x16xi32>,
    %get3A_1780 = arith.constant 1424 : index
    %get3A_1781 = tpu.vector_load %arg5[%get3A_1780] {strides = array<i32>} : memref<1600xi32, #tpu.memory_space<vmem>>, vector<16xi32>,
    %get3A_1782 = vector.shape_cast %get3A_1781 : vector<16xi32> to vector<16xi32>
    %add3A_1783 = arith.constant 1424 : i32
    %add3A_1784 = arith.addi %mul3A_2, %add3A_1783 : i32
    %add3A_1785 = vector.broadcast %add3A_1784 : i32 to vector<16xi32>
    %add3A_1786 = arith.addi %add3A_1785, %iota3A : vector<16xi32>
    %mul3A_1787 = arith.constant 50 : i32
    %mul3A_1788 = vector.broadcast %mul3A_1787 : i32 to vector<16xi32>
    %mul3A_1789 = arith.muli %get3A_1782, %mul3A_1788 : vector<16xi32>
    %rem3A_1790 = arith.constant 50 : i32
    %rem3A_1791 = vector.broadcast %rem3A_1790 : i32 to vector<16xi32>
    %rem3A_1792 = arith.remsi %add3A_1786, %rem3A_1791 : vector<16xi32>
    %add3A_1793 = arith.addi %mul3A_1789, %rem3A_1792 : vector<16xi32>
    %swap3A_1794 = arith.constant 17 : i32
    %swap3A_1795 = arith.index_cast %swap3A_1794 : i32 to index
    %swap3A_1796 = arith.constant 64 : index
    %swap3A_1797 = tpu.vector_load %arg6[%swap3A_1795, %swap3A_1796] {strides = array<i32>} : memref<20x80xi32, #tpu.memory_space<vmem>>, vector<1x16xi32>,
    %swap3A_1798 = vector.shape_cast %swap3A_1797 : vector<1x16xi32> to vector<16xi32>
    %swap3A_1799 = vector.shape_cast %add3A_1793 : vector<16xi32> to vector<1x16xi32>
    tpu.vector_store %arg6[%swap3A_1795, %swap3A_1796], %swap3A_1799 {strides = array<i32>} : memref<20x80xi32, #tpu.memory_space<vmem>>, vector<1x16xi32>,
    %get3A_1800 = arith.constant 1440 : index
    %get3A_1801 = tpu.vector_load %arg5[%get3A_1800] {strides = array<i32>} : memref<1600xi32, #tpu.memory_space<vmem>>, vector<16xi32>,
    %get3A_1802 = vector.shape_cast %get3A_1801 : vector<16xi32> to vector<16xi32>
    %add3A_1803 = arith.constant 1440 : i32
    %add3A_1804 = arith.addi %mul3A_2, %add3A_1803 : i32
    %add3A_1805 = vector.broadcast %add3A_1804 : i32 to vector<16xi32>
    %add3A_1806 = arith.addi %add3A_1805, %iota3A : vector<16xi32>
    %mul3A_1807 = arith.constant 50 : i32
    %mul3A_1808 = vector.broadcast %mul3A_1807 : i32 to vector<16xi32>
    %mul3A_1809 = arith.muli %get3A_1802, %mul3A_1808 : vector<16xi32>
    %rem3A_1810 = arith.constant 50 : i32
    %rem3A_1811 = vector.broadcast %rem3A_1810 : i32 to vector<16xi32>
    %rem3A_1812 = arith.remsi %add3A_1806, %rem3A_1811 : vector<16xi32>
    %add3A_1813 = arith.addi %mul3A_1809, %rem3A_1812 : vector<16xi32>
    %swap3A_1814 = arith.constant 18 : i32
    %swap3A_1815 = arith.index_cast %swap3A_1814 : i32 to index
    %swap3A_1816 = arith.constant 0 : index
    %swap3A_1817 = tpu.vector_load %arg6[%swap3A_1815, %swap3A_1816] {strides = array<i32>} : memref<20x80xi32, #tpu.memory_space<vmem>>, vector<1x16xi32>,
    %swap3A_1818 = vector.shape_cast %swap3A_1817 : vector<1x16xi32> to vector<16xi32>
    %swap3A_1819 = vector.shape_cast %add3A_1813 : vector<16xi32> to vector<1x16xi32>
    tpu.vector_store %arg6[%swap3A_1815, %swap3A_1816], %swap3A_1819 {strides = array<i32>} : memref<20x80xi32, #tpu.memory_space<vmem>>, vector<1x16xi32>,
    %get3A_1820 = arith.constant 1456 : index
    %get3A_1821 = tpu.vector_load %arg5[%get3A_1820] {strides = array<i32>} : memref<1600xi32, #tpu.memory_space<vmem>>, vector<16xi32>,
    %get3A_1822 = vector.shape_cast %get3A_1821 : vector<16xi32> to vector<16xi32>
    %add3A_1823 = arith.constant 1456 : i32
    %add3A_1824 = arith.addi %mul3A_2, %add3A_1823 : i32
    %add3A_1825 = vector.broadcast %add3A_1824 : i32 to vector<16xi32>
    %add3A_1826 = arith.addi %add3A_1825, %iota3A : vector<16xi32>
    %mul3A_1827 = arith.constant 50 : i32
    %mul3A_1828 = vector.broadcast %mul3A_1827 : i32 to vector<16xi32>
    %mul3A_1829 = arith.muli %get3A_1822, %mul3A_1828 : vector<16xi32>
    %rem3A_1830 = arith.constant 50 : i32
    %rem3A_1831 = vector.broadcast %rem3A_1830 : i32 to vector<16xi32>
    %rem3A_1832 = arith.remsi %add3A_1826, %rem3A_1831 : vector<16xi32>
    %add3A_1833 = arith.addi %mul3A_1829, %rem3A_1832 : vector<16xi32>
    %swap3A_1834 = arith.constant 18 : i32
    %swap3A_1835 = arith.index_cast %swap3A_1834 : i32 to index
    %swap3A_1836 = arith.constant 16 : index
    %swap3A_1837 = tpu.vector_load %arg6[%swap3A_1835, %swap3A_1836] {strides = array<i32>} : memref<20x80xi32, #tpu.memory_space<vmem>>, vector<1x16xi32>,
    %swap3A_1838 = vector.shape_cast %swap3A_1837 : vector<1x16xi32> to vector<16xi32>
    %swap3A_1839 = vector.shape_cast %add3A_1833 : vector<16xi32> to vector<1x16xi32>
    tpu.vector_store %arg6[%swap3A_1835, %swap3A_1836], %swap3A_1839 {strides = array<i32>} : memref<20x80xi32, #tpu.memory_space<vmem>>, vector<1x16xi32>,
    %get3A_1840 = arith.constant 1472 : index
    %get3A_1841 = tpu.vector_load %arg5[%get3A_1840] {strides = array<i32>} : memref<1600xi32, #tpu.memory_space<vmem>>, vector<16xi32>,
    %get3A_1842 = vector.shape_cast %get3A_1841 : vector<16xi32> to vector<16xi32>
    %add3A_1843 = arith.constant 1472 : i32
    %add3A_1844 = arith.addi %mul3A_2, %add3A_1843 : i32
    %add3A_1845 = vector.broadcast %add3A_1844 : i32 to vector<16xi32>
    %add3A_1846 = arith.addi %add3A_1845, %iota3A : vector<16xi32>
    %mul3A_1847 = arith.constant 50 : i32
    %mul3A_1848 = vector.broadcast %mul3A_1847 : i32 to vector<16xi32>
    %mul3A_1849 = arith.muli %get3A_1842, %mul3A_1848 : vector<16xi32>
    %rem3A_1850 = arith.constant 50 : i32
    %rem3A_1851 = vector.broadcast %rem3A_1850 : i32 to vector<16xi32>
    %rem3A_1852 = arith.remsi %add3A_1846, %rem3A_1851 : vector<16xi32>
    %add3A_1853 = arith.addi %mul3A_1849, %rem3A_1852 : vector<16xi32>
    %swap3A_1854 = arith.constant 18 : i32
    %swap3A_1855 = arith.index_cast %swap3A_1854 : i32 to index
    %swap3A_1856 = arith.constant 32 : index
    %swap3A_1857 = tpu.vector_load %arg6[%swap3A_1855, %swap3A_1856] {strides = array<i32>} : memref<20x80xi32, #tpu.memory_space<vmem>>, vector<1x16xi32>,
    %swap3A_1858 = vector.shape_cast %swap3A_1857 : vector<1x16xi32> to vector<16xi32>
    %swap3A_1859 = vector.shape_cast %add3A_1853 : vector<16xi32> to vector<1x16xi32>
    tpu.vector_store %arg6[%swap3A_1855, %swap3A_1856], %swap3A_1859 {strides = array<i32>} : memref<20x80xi32, #tpu.memory_space<vmem>>, vector<1x16xi32>,
    %get3A_1860 = arith.constant 1488 : index
    %get3A_1861 = tpu.vector_load %arg5[%get3A_1860] {strides = array<i32>} : memref<1600xi32, #tpu.memory_space<vmem>>, vector<16xi32>,
    %get3A_1862 = vector.shape_cast %get3A_1861 : vector<16xi32> to vector<16xi32>
    %add3A_1863 = arith.constant 1488 : i32
    %add3A_1864 = arith.addi %mul3A_2, %add3A_1863 : i32
    %add3A_1865 = vector.broadcast %add3A_1864 : i32 to vector<16xi32>
    %add3A_1866 = arith.addi %add3A_1865, %iota3A : vector<16xi32>
    %mul3A_1867 = arith.constant 50 : i32
    %mul3A_1868 = vector.broadcast %mul3A_1867 : i32 to vector<16xi32>
    %mul3A_1869 = arith.muli %get3A_1862, %mul3A_1868 : vector<16xi32>
    %rem3A_1870 = arith.constant 50 : i32
    %rem3A_1871 = vector.broadcast %rem3A_1870 : i32 to vector<16xi32>
    %rem3A_1872 = arith.remsi %add3A_1866, %rem3A_1871 : vector<16xi32>
    %add3A_1873 = arith.addi %mul3A_1869, %rem3A_1872 : vector<16xi32>
    %swap3A_1874 = arith.constant 18 : i32
    %swap3A_1875 = arith.index_cast %swap3A_1874 : i32 to index
    %swap3A_1876 = arith.constant 48 : index
    %swap3A_1877 = tpu.vector_load %arg6[%swap3A_1875, %swap3A_1876] {strides = array<i32>} : memref<20x80xi32, #tpu.memory_space<vmem>>, vector<1x16xi32>,
    %swap3A_1878 = vector.shape_cast %swap3A_1877 : vector<1x16xi32> to vector<16xi32>
    %swap3A_1879 = vector.shape_cast %add3A_1873 : vector<16xi32> to vector<1x16xi32>
    tpu.vector_store %arg6[%swap3A_1875, %swap3A_1876], %swap3A_1879 {strides = array<i32>} : memref<20x80xi32, #tpu.memory_space<vmem>>, vector<1x16xi32>,
    %get3A_1880 = arith.constant 1504 : index
    %get3A_1881 = tpu.vector_load %arg5[%get3A_1880] {strides = array<i32>} : memref<1600xi32, #tpu.memory_space<vmem>>, vector<16xi32>,
    %get3A_1882 = vector.shape_cast %get3A_1881 : vector<16xi32> to vector<16xi32>
    %add3A_1883 = arith.constant 1504 : i32
    %add3A_1884 = arith.addi %mul3A_2, %add3A_1883 : i32
    %add3A_1885 = vector.broadcast %add3A_1884 : i32 to vector<16xi32>
    %add3A_1886 = arith.addi %add3A_1885, %iota3A : vector<16xi32>
    %mul3A_1887 = arith.constant 50 : i32
    %mul3A_1888 = vector.broadcast %mul3A_1887 : i32 to vector<16xi32>
    %mul3A_1889 = arith.muli %get3A_1882, %mul3A_1888 : vector<16xi32>
    %rem3A_1890 = arith.constant 50 : i32
    %rem3A_1891 = vector.broadcast %rem3A_1890 : i32 to vector<16xi32>
    %rem3A_1892 = arith.remsi %add3A_1886, %rem3A_1891 : vector<16xi32>
    %add3A_1893 = arith.addi %mul3A_1889, %rem3A_1892 : vector<16xi32>
    %swap3A_1894 = arith.constant 18 : i32
    %swap3A_1895 = arith.index_cast %swap3A_1894 : i32 to index
    %swap3A_1896 = arith.constant 64 : index
    %swap3A_1897 = tpu.vector_load %arg6[%swap3A_1895, %swap3A_1896] {strides = array<i32>} : memref<20x80xi32, #tpu.memory_space<vmem>>, vector<1x16xi32>,
    %swap3A_1898 = vector.shape_cast %swap3A_1897 : vector<1x16xi32> to vector<16xi32>
    %swap3A_1899 = vector.shape_cast %add3A_1893 : vector<16xi32> to vector<1x16xi32>
    tpu.vector_store %arg6[%swap3A_1895, %swap3A_1896], %swap3A_1899 {strides = array<i32>} : memref<20x80xi32, #tpu.memory_space<vmem>>, vector<1x16xi32>,
    %get3A_1900 = arith.constant 1520 : index
    %get3A_1901 = tpu.vector_load %arg5[%get3A_1900] {strides = array<i32>} : memref<1600xi32, #tpu.memory_space<vmem>>, vector<16xi32>,
    %get3A_1902 = vector.shape_cast %get3A_1901 : vector<16xi32> to vector<16xi32>
    %add3A_1903 = arith.constant 1520 : i32
    %add3A_1904 = arith.addi %mul3A_2, %add3A_1903 : i32
    %add3A_1905 = vector.broadcast %add3A_1904 : i32 to vector<16xi32>
    %add3A_1906 = arith.addi %add3A_1905, %iota3A : vector<16xi32>
    %mul3A_1907 = arith.constant 50 : i32
    %mul3A_1908 = vector.broadcast %mul3A_1907 : i32 to vector<16xi32>
    %mul3A_1909 = arith.muli %get3A_1902, %mul3A_1908 : vector<16xi32>
    %rem3A_1910 = arith.constant 50 : i32
    %rem3A_1911 = vector.broadcast %rem3A_1910 : i32 to vector<16xi32>
    %rem3A_1912 = arith.remsi %add3A_1906, %rem3A_1911 : vector<16xi32>
    %add3A_1913 = arith.addi %mul3A_1909, %rem3A_1912 : vector<16xi32>
    %swap3A_1914 = arith.constant 19 : i32
    %swap3A_1915 = arith.index_cast %swap3A_1914 : i32 to index
    %swap3A_1916 = arith.constant 0 : index
    %swap3A_1917 = tpu.vector_load %arg6[%swap3A_1915, %swap3A_1916] {strides = array<i32>} : memref<20x80xi32, #tpu.memory_space<vmem>>, vector<1x16xi32>,
    %swap3A_1918 = vector.shape_cast %swap3A_1917 : vector<1x16xi32> to vector<16xi32>
    %swap3A_1919 = vector.shape_cast %add3A_1913 : vector<16xi32> to vector<1x16xi32>
    tpu.vector_store %arg6[%swap3A_1915, %swap3A_1916], %swap3A_1919 {strides = array<i32>} : memref<20x80xi32, #tpu.memory_space<vmem>>, vector<1x16xi32>,
    %get3A_1920 = arith.constant 1536 : index
    %get3A_1921 = tpu.vector_load %arg5[%get3A_1920] {strides = array<i32>} : memref<1600xi32, #tpu.memory_space<vmem>>, vector<16xi32>,
    %get3A_1922 = vector.shape_cast %get3A_1921 : vector<16xi32> to vector<16xi32>
    %add3A_1923 = arith.constant 1536 : i32
    %add3A_1924 = arith.addi %mul3A_2, %add3A_1923 : i32
    %add3A_1925 = vector.broadcast %add3A_1924 : i32 to vector<16xi32>
    %add3A_1926 = arith.addi %add3A_1925, %iota3A : vector<16xi32>
    %mul3A_1927 = arith.constant 50 : i32
    %mul3A_1928 = vector.broadcast %mul3A_1927 : i32 to vector<16xi32>
    %mul3A_1929 = arith.muli %get3A_1922, %mul3A_1928 : vector<16xi32>
    %rem3A_1930 = arith.constant 50 : i32
    %rem3A_1931 = vector.broadcast %rem3A_1930 : i32 to vector<16xi32>
    %rem3A_1932 = arith.remsi %add3A_1926, %rem3A_1931 : vector<16xi32>
    %add3A_1933 = arith.addi %mul3A_1929, %rem3A_1932 : vector<16xi32>
    %swap3A_1934 = arith.constant 19 : i32
    %swap3A_1935 = arith.index_cast %swap3A_1934 : i32 to index
    %swap3A_1936 = arith.constant 16 : index
    %swap3A_1937 = tpu.vector_load %arg6[%swap3A_1935, %swap3A_1936] {strides = array<i32>} : memref<20x80xi32, #tpu.memory_space<vmem>>, vector<1x16xi32>,
    %swap3A_1938 = vector.shape_cast %swap3A_1937 : vector<1x16xi32> to vector<16xi32>
    %swap3A_1939 = vector.shape_cast %add3A_1933 : vector<16xi32> to vector<1x16xi32>
    tpu.vector_store %arg6[%swap3A_1935, %swap3A_1936], %swap3A_1939 {strides = array<i32>} : memref<20x80xi32, #tpu.memory_space<vmem>>, vector<1x16xi32>,
    %get3A_1940 = arith.constant 1552 : index
    %get3A_1941 = tpu.vector_load %arg5[%get3A_1940] {strides = array<i32>} : memref<1600xi32, #tpu.memory_space<vmem>>, vector<16xi32>,
    %get3A_1942 = vector.shape_cast %get3A_1941 : vector<16xi32> to vector<16xi32>
    %add3A_1943 = arith.constant 1552 : i32
    %add3A_1944 = arith.addi %mul3A_2, %add3A_1943 : i32
    %add3A_1945 = vector.broadcast %add3A_1944 : i32 to vector<16xi32>
    %add3A_1946 = arith.addi %add3A_1945, %iota3A : vector<16xi32>
    %mul3A_1947 = arith.constant 50 : i32
    %mul3A_1948 = vector.broadcast %mul3A_1947 : i32 to vector<16xi32>
    %mul3A_1949 = arith.muli %get3A_1942, %mul3A_1948 : vector<16xi32>
    %rem3A_1950 = arith.constant 50 : i32
    %rem3A_1951 = vector.broadcast %rem3A_1950 : i32 to vector<16xi32>
    %rem3A_1952 = arith.remsi %add3A_1946, %rem3A_1951 : vector<16xi32>
    %add3A_1953 = arith.addi %mul3A_1949, %rem3A_1952 : vector<16xi32>
    %swap3A_1954 = arith.constant 19 : i32
    %swap3A_1955 = arith.index_cast %swap3A_1954 : i32 to index
    %swap3A_1956 = arith.constant 32 : index
    %swap3A_1957 = tpu.vector_load %arg6[%swap3A_1955, %swap3A_1956] {strides = array<i32>} : memref<20x80xi32, #tpu.memory_space<vmem>>, vector<1x16xi32>,
    %swap3A_1958 = vector.shape_cast %swap3A_1957 : vector<1x16xi32> to vector<16xi32>
    %swap3A_1959 = vector.shape_cast %add3A_1953 : vector<16xi32> to vector<1x16xi32>
    tpu.vector_store %arg6[%swap3A_1955, %swap3A_1956], %swap3A_1959 {strides = array<i32>} : memref<20x80xi32, #tpu.memory_space<vmem>>, vector<1x16xi32>,
    %get3A_1960 = arith.constant 1568 : index
    %get3A_1961 = tpu.vector_load %arg5[%get3A_1960] {strides = array<i32>} : memref<1600xi32, #tpu.memory_space<vmem>>, vector<16xi32>,
    %get3A_1962 = vector.shape_cast %get3A_1961 : vector<16xi32> to vector<16xi32>
    %add3A_1963 = arith.constant 1568 : i32
    %add3A_1964 = arith.addi %mul3A_2, %add3A_1963 : i32
    %add3A_1965 = vector.broadcast %add3A_1964 : i32 to vector<16xi32>
    %add3A_1966 = arith.addi %add3A_1965, %iota3A : vector<16xi32>
    %mul3A_1967 = arith.constant 50 : i32
    %mul3A_1968 = vector.broadcast %mul3A_1967 : i32 to vector<16xi32>
    %mul3A_1969 = arith.muli %get3A_1962, %mul3A_1968 : vector<16xi32>
    %rem3A_1970 = arith.constant 50 : i32
    %rem3A_1971 = vector.broadcast %rem3A_1970 : i32 to vector<16xi32>
    %rem3A_1972 = arith.remsi %add3A_1966, %rem3A_1971 : vector<16xi32>
    %add3A_1973 = arith.addi %mul3A_1969, %rem3A_1972 : vector<16xi32>
    %swap3A_1974 = arith.constant 19 : i32
    %swap3A_1975 = arith.index_cast %swap3A_1974 : i32 to index
    %swap3A_1976 = arith.constant 48 : index
    %swap3A_1977 = tpu.vector_load %arg6[%swap3A_1975, %swap3A_1976] {strides = array<i32>} : memref<20x80xi32, #tpu.memory_space<vmem>>, vector<1x16xi32>,
    %swap3A_1978 = vector.shape_cast %swap3A_1977 : vector<1x16xi32> to vector<16xi32>
    %swap3A_1979 = vector.shape_cast %add3A_1973 : vector<16xi32> to vector<1x16xi32>
    tpu.vector_store %arg6[%swap3A_1975, %swap3A_1976], %swap3A_1979 {strides = array<i32>} : memref<20x80xi32, #tpu.memory_space<vmem>>, vector<1x16xi32>,
    %get3A_1980 = arith.constant 1584 : index
    %get3A_1981 = tpu.vector_load %arg5[%get3A_1980] {strides = array<i32>} : memref<1600xi32, #tpu.memory_space<vmem>>, vector<16xi32>,
    %get3A_1982 = vector.shape_cast %get3A_1981 : vector<16xi32> to vector<16xi32>
    %add3A_1983 = arith.constant 1584 : i32
    %add3A_1984 = arith.addi %mul3A_2, %add3A_1983 : i32
    %add3A_1985 = vector.broadcast %add3A_1984 : i32 to vector<16xi32>
    %add3A_1986 = arith.addi %add3A_1985, %iota3A : vector<16xi32>
    %mul3A_1987 = arith.constant 50 : i32
    %mul3A_1988 = vector.broadcast %mul3A_1987 : i32 to vector<16xi32>
    %mul3A_1989 = arith.muli %get3A_1982, %mul3A_1988 : vector<16xi32>
    %rem3A_1990 = arith.constant 50 : i32
    %rem3A_1991 = vector.broadcast %rem3A_1990 : i32 to vector<16xi32>
    %rem3A_1992 = arith.remsi %add3A_1986, %rem3A_1991 : vector<16xi32>
    %add3A_1993 = arith.addi %mul3A_1989, %rem3A_1992 : vector<16xi32>
    %swap3A_1994 = arith.constant 19 : i32
    %swap3A_1995 = arith.index_cast %swap3A_1994 : i32 to index
    %swap3A_1996 = arith.constant 64 : index
    %swap3A_1997 = tpu.vector_load %arg6[%swap3A_1995, %swap3A_1996] {strides = array<i32>} : memref<20x80xi32, #tpu.memory_space<vmem>>, vector<1x16xi32>,
    %swap3A_1998 = vector.shape_cast %swap3A_1997 : vector<1x16xi32> to vector<16xi32>
    %swap3A_1999 = vector.shape_cast %add3A_1993 : vector<16xi32> to vector<1x16xi32>
    tpu.vector_store %arg6[%swap3A_1995, %swap3A_1996], %swap3A_1999 {strides = array<i32>} : memref<20x80xi32, #tpu.memory_space<vmem>>, vector<1x16xi32>,
    %dma_start3A = arith.constant 0 : i32
    %dma_start3A_2000 = arith.constant 0 : i32
    %dma_start3A_2001 = tpu.memref_slice %arg6[%dma_start3A, %dma_start3A_2000] : memref<20x80xi32, #tpu.memory_space<vmem>> -> memref<1x80xi32, #tpu.memory_space<vmem>>
    %dma_start3A_2002 = tpu.memref_squeeze %dma_start3A_2001 : memref<1x80xi32, #tpu.memory_space<vmem>> -> memref<80xi32, #tpu.memory_space<vmem>>
    %dma_start3A_2003 = arith.constant 0 : i32
    %dma_start3A_2004 = arith.constant 0 : i32
    %dma_start3A_2005 = tpu.memref_slice %arg2[%dma_start3A_2003, %dma_start3A_2004] : memref<4800x256xf32, #tpu.memory_space<hbm>> -> memref<4800x256xf32, #tpu.memory_space<hbm>>
    tpu.enqueue_indirect_dma source(%dma_start3A_2005 : memref<4800x256xf32, #tpu.memory_space<hbm>>) target(%arg7 : memref<80x256xf32, #tpu.memory_space<vmem>>) offsets(%dma_start3A_2002 : memref<80xi32, #tpu.memory_space<vmem>>) semaphore(%arg8 : memref<!tpu.dma_semaphore, #tpu.memory_space<semaphore_mem>>)
    %dma_wait3A = arith.constant 0 : i32
    %dma_wait3A_2006 = arith.constant 0 : i32
    %dma_wait3A_2007 = tpu.memref_slice %arg6[%dma_wait3A, %dma_wait3A_2006] : memref<20x80xi32, #tpu.memory_space<vmem>> -> memref<1x80xi32, #tpu.memory_space<vmem>>
    %dma_wait3A_2008 = tpu.memref_squeeze %dma_wait3A_2007 : memref<1x80xi32, #tpu.memory_space<vmem>> -> memref<80xi32, #tpu.memory_space<vmem>>
    %dma_wait3A_2009 = arith.constant 0 : i32
    %dma_wait3A_2010 = arith.constant 0 : i32
    %dma_wait3A_2011 = tpu.memref_slice %arg2[%dma_wait3A_2009, %dma_wait3A_2010] : memref<4800x256xf32, #tpu.memory_space<hbm>> -> memref<4800x256xf32, #tpu.memory_space<hbm>>
    tpu.wait_indirect_dma semaphore(%arg8 : memref<!tpu.dma_semaphore, #tpu.memory_space<semaphore_mem>>) src(%dma_wait3A_2011 : memref<4800x256xf32, #tpu.memory_space<hbm>>) dst(%arg7 : memref<80x256xf32, #tpu.memory_space<vmem>>)
    %add3A_2012 = arith.constant 0 : i32
    %add3A_2013 = arith.addi %mul3A_2, %add3A_2012 : i32
    "tpu.region"() ({
      %run_scoped3A = tpu.sem_alloc : memref<!tpu.dma_semaphore, #tpu.memory_space<semaphore_mem>>
      %dma_start3A_2318 = arith.constant 0 : i32
      %dma_start3A_2319 = tpu.memref_slice %arg4[%add3A_2013, %dma_start3A_2318] : memref<51200x256xf32, #tpu.memory_space<hbm>> -> memref<80x256xf32, #tpu.memory_space<hbm>>
      %dma_start3A_2320 = arith.constant 0 : i32
      %dma_start3A_2321 = tpu.memref_slice %arg4[%add3A_2013, %dma_start3A_2320] : memref<51200x256xf32, #tpu.memory_space<hbm>> -> memref<80x256xf32, #tpu.memory_space<hbm>>
      tpu.enqueue_dma source(%arg7 : memref<80x256xf32, #tpu.memory_space<vmem>>) target(%dma_start3A_2321 : memref<80x256xf32, #tpu.memory_space<hbm>>) target_semaphore(%run_scoped3A : memref<!tpu.dma_semaphore, #tpu.memory_space<semaphore_mem>>)
      %dma_wait3A_2322 = arith.constant 0 : i32
      %dma_wait3A_2323 = tpu.memref_slice %arg4[%add3A_2013, %dma_wait3A_2322] : memref<51200x256xf32, #tpu.memory_space<hbm>> -> memref<80x256xf32, #tpu.memory_space<hbm>>
      %dma_wait3A_2324 = arith.constant 0 : i32
      %dma_wait3A_2325 = tpu.memref_slice %arg4[%add3A_2013, %dma_wait3A_2324] : memref<51200x256xf32, #tpu.memory_space<hbm>> -> memref<80x256xf32, #tpu.memory_space<hbm>>
      tpu.wait_dma2 semaphore(%run_scoped3A : memref<!tpu.dma_semaphore, #tpu.memory_space<semaphore_mem>>) src(%arg7 : memref<80x256xf32, #tpu.memory_space<vmem>>) dst(%dma_wait3A_2325 : memref<80x256xf32, #tpu.memory_space<hbm>>)
      tpu.yield
    }) : () -> ()
    %dma_start3A_2014 = arith.constant 1 : i32
    %dma_start3A_2015 = arith.constant 0 : i32
    %dma_start3A_2016 = tpu.memref_slice %arg6[%dma_start3A_2014, %dma_start3A_2015] : memref<20x80xi32, #tpu.memory_space<vmem>> -> memref<1x80xi32, #tpu.memory_space<vmem>>
    %dma_start3A_2017 = tpu.memref_squeeze %dma_start3A_2016 : memref<1x80xi32, #tpu.memory_space<vmem>> -> memref<80xi32, #tpu.memory_space<vmem>>
    %dma_start3A_2018 = arith.constant 0 : i32
    %dma_start3A_2019 = arith.constant 0 : i32
    %dma_start3A_2020 = tpu.memref_slice %arg2[%dma_start3A_2018, %dma_start3A_2019] : memref<4800x256xf32, #tpu.memory_space<hbm>> -> memref<4800x256xf32, #tpu.memory_space<hbm>>
    tpu.enqueue_indirect_dma source(%dma_start3A_2020 : memref<4800x256xf32, #tpu.memory_space<hbm>>) target(%arg7 : memref<80x256xf32, #tpu.memory_space<vmem>>) offsets(%dma_start3A_2017 : memref<80xi32, #tpu.memory_space<vmem>>) semaphore(%arg8 : memref<!tpu.dma_semaphore, #tpu.memory_space<semaphore_mem>>)
    %dma_wait3A_2021 = arith.constant 1 : i32
    %dma_wait3A_2022 = arith.constant 0 : i32
    %dma_wait3A_2023 = tpu.memref_slice %arg6[%dma_wait3A_2021, %dma_wait3A_2022] : memref<20x80xi32, #tpu.memory_space<vmem>> -> memref<1x80xi32, #tpu.memory_space<vmem>>
    %dma_wait3A_2024 = tpu.memref_squeeze %dma_wait3A_2023 : memref<1x80xi32, #tpu.memory_space<vmem>> -> memref<80xi32, #tpu.memory_space<vmem>>
    %dma_wait3A_2025 = arith.constant 0 : i32
    %dma_wait3A_2026 = arith.constant 0 : i32
    %dma_wait3A_2027 = tpu.memref_slice %arg2[%dma_wait3A_2025, %dma_wait3A_2026] : memref<4800x256xf32, #tpu.memory_space<hbm>> -> memref<4800x256xf32, #tpu.memory_space<hbm>>
    tpu.wait_indirect_dma semaphore(%arg8 : memref<!tpu.dma_semaphore, #tpu.memory_space<semaphore_mem>>) src(%dma_wait3A_2027 : memref<4800x256xf32, #tpu.memory_space<hbm>>) dst(%arg7 : memref<80x256xf32, #tpu.memory_space<vmem>>)
    %add3A_2028 = arith.constant 80 : i32
    %add3A_2029 = arith.addi %mul3A_2, %add3A_2028 : i32
    "tpu.region"() ({
      %run_scoped3A = tpu.sem_alloc : memref<!tpu.dma_semaphore, #tpu.memory_space<semaphore_mem>>
      %dma_start3A_2318 = arith.constant 0 : i32
      %dma_start3A_2319 = tpu.memref_slice %arg4[%add3A_2029, %dma_start3A_2318] : memref<51200x256xf32, #tpu.memory_space<hbm>> -> memref<80x256xf32, #tpu.memory_space<hbm>>
      %dma_start3A_2320 = arith.constant 0 : i32
      %dma_start3A_2321 = tpu.memref_slice %arg4[%add3A_2029, %dma_start3A_2320] : memref<51200x256xf32, #tpu.memory_space<hbm>> -> memref<80x256xf32, #tpu.memory_space<hbm>>
      tpu.enqueue_dma source(%arg7 : memref<80x256xf32, #tpu.memory_space<vmem>>) target(%dma_start3A_2321 : memref<80x256xf32, #tpu.memory_space<hbm>>) target_semaphore(%run_scoped3A : memref<!tpu.dma_semaphore, #tpu.memory_space<semaphore_mem>>)
      %dma_wait3A_2322 = arith.constant 0 : i32
      %dma_wait3A_2323 = tpu.memref_slice %arg4[%add3A_2029, %dma_wait3A_2322] : memref<51200x256xf32, #tpu.memory_space<hbm>> -> memref<80x256xf32, #tpu.memory_space<hbm>>
      %dma_wait3A_2324 = arith.constant 0 : i32
      %dma_wait3A_2325 = tpu.memref_slice %arg4[%add3A_2029, %dma_wait3A_2324] : memref<51200x256xf32, #tpu.memory_space<hbm>> -> memref<80x256xf32, #tpu.memory_space<hbm>>
      tpu.wait_dma2 semaphore(%run_scoped3A : memref<!tpu.dma_semaphore, #tpu.memory_space<semaphore_mem>>) src(%arg7 : memref<80x256xf32, #tpu.memory_space<vmem>>) dst(%dma_wait3A_2325 : memref<80x256xf32, #tpu.memory_space<hbm>>)
      tpu.yield
    }) : () -> ()
    %dma_start3A_2030 = arith.constant 2 : i32
    %dma_start3A_2031 = arith.constant 0 : i32
    %dma_start3A_2032 = tpu.memref_slice %arg6[%dma_start3A_2030, %dma_start3A_2031] : memref<20x80xi32, #tpu.memory_space<vmem>> -> memref<1x80xi32, #tpu.memory_space<vmem>>
    %dma_start3A_2033 = tpu.memref_squeeze %dma_start3A_2032 : memref<1x80xi32, #tpu.memory_space<vmem>> -> memref<80xi32, #tpu.memory_space<vmem>>
    %dma_start3A_2034 = arith.constant 0 : i32
    %dma_start3A_2035 = arith.constant 0 : i32
    %dma_start3A_2036 = tpu.memref_slice %arg2[%dma_start3A_2034, %dma_start3A_2035] : memref<4800x256xf32, #tpu.memory_space<hbm>> -> memref<4800x256xf32, #tpu.memory_space<hbm>>
    tpu.enqueue_indirect_dma source(%dma_start3A_2036 : memref<4800x256xf32, #tpu.memory_space<hbm>>) target(%arg7 : memref<80x256xf32, #tpu.memory_space<vmem>>) offsets(%dma_start3A_2033 : memref<80xi32, #tpu.memory_space<vmem>>) semaphore(%arg8 : memref<!tpu.dma_semaphore, #tpu.memory_space<semaphore_mem>>)
    %dma_wait3A_2037 = arith.constant 2 : i32
    %dma_wait3A_2038 = arith.constant 0 : i32
    %dma_wait3A_2039 = tpu.memref_slice %arg6[%dma_wait3A_2037, %dma_wait3A_2038] : memref<20x80xi32, #tpu.memory_space<vmem>> -> memref<1x80xi32, #tpu.memory_space<vmem>>
    %dma_wait3A_2040 = tpu.memref_squeeze %dma_wait3A_2039 : memref<1x80xi32, #tpu.memory_space<vmem>> -> memref<80xi32, #tpu.memory_space<vmem>>
    %dma_wait3A_2041 = arith.constant 0 : i32
    %dma_wait3A_2042 = arith.constant 0 : i32
    %dma_wait3A_2043 = tpu.memref_slice %arg2[%dma_wait3A_2041, %dma_wait3A_2042] : memref<4800x256xf32, #tpu.memory_space<hbm>> -> memref<4800x256xf32, #tpu.memory_space<hbm>>
    tpu.wait_indirect_dma semaphore(%arg8 : memref<!tpu.dma_semaphore, #tpu.memory_space<semaphore_mem>>) src(%dma_wait3A_2043 : memref<4800x256xf32, #tpu.memory_space<hbm>>) dst(%arg7 : memref<80x256xf32, #tpu.memory_space<vmem>>)
    %add3A_2044 = arith.constant 160 : i32
    %add3A_2045 = arith.addi %mul3A_2, %add3A_2044 : i32
    "tpu.region"() ({
      %run_scoped3A = tpu.sem_alloc : memref<!tpu.dma_semaphore, #tpu.memory_space<semaphore_mem>>
      %dma_start3A_2318 = arith.constant 0 : i32
      %dma_start3A_2319 = tpu.memref_slice %arg4[%add3A_2045, %dma_start3A_2318] : memref<51200x256xf32, #tpu.memory_space<hbm>> -> memref<80x256xf32, #tpu.memory_space<hbm>>
      %dma_start3A_2320 = arith.constant 0 : i32
      %dma_start3A_2321 = tpu.memref_slice %arg4[%add3A_2045, %dma_start3A_2320] : memref<51200x256xf32, #tpu.memory_space<hbm>> -> memref<80x256xf32, #tpu.memory_space<hbm>>
      tpu.enqueue_dma source(%arg7 : memref<80x256xf32, #tpu.memory_space<vmem>>) target(%dma_start3A_2321 : memref<80x256xf32, #tpu.memory_space<hbm>>) target_semaphore(%run_scoped3A : memref<!tpu.dma_semaphore, #tpu.memory_space<semaphore_mem>>)
      %dma_wait3A_2322 = arith.constant 0 : i32
      %dma_wait3A_2323 = tpu.memref_slice %arg4[%add3A_2045, %dma_wait3A_2322] : memref<51200x256xf32, #tpu.memory_space<hbm>> -> memref<80x256xf32, #tpu.memory_space<hbm>>
      %dma_wait3A_2324 = arith.constant 0 : i32
      %dma_wait3A_2325 = tpu.memref_slice %arg4[%add3A_2045, %dma_wait3A_2324] : memref<51200x256xf32, #tpu.memory_space<hbm>> -> memref<80x256xf32, #tpu.memory_space<hbm>>
      tpu.wait_dma2 semaphore(%run_scoped3A : memref<!tpu.dma_semaphore, #tpu.memory_space<semaphore_mem>>) src(%arg7 : memref<80x256xf32, #tpu.memory_space<vmem>>) dst(%dma_wait3A_2325 : memref<80x256xf32, #tpu.memory_space<hbm>>)
      tpu.yield
    }) : () -> ()
    %dma_start3A_2046 = arith.constant 3 : i32
    %dma_start3A_2047 = arith.constant 0 : i32
    %dma_start3A_2048 = tpu.memref_slice %arg6[%dma_start3A_2046, %dma_start3A_2047] : memref<20x80xi32, #tpu.memory_space<vmem>> -> memref<1x80xi32, #tpu.memory_space<vmem>>
    %dma_start3A_2049 = tpu.memref_squeeze %dma_start3A_2048 : memref<1x80xi32, #tpu.memory_space<vmem>> -> memref<80xi32, #tpu.memory_space<vmem>>
    %dma_start3A_2050 = arith.constant 0 : i32
    %dma_start3A_2051 = arith.constant 0 : i32
    %dma_start3A_2052 = tpu.memref_slice %arg2[%dma_start3A_2050, %dma_start3A_2051] : memref<4800x256xf32, #tpu.memory_space<hbm>> -> memref<4800x256xf32, #tpu.memory_space<hbm>>
    tpu.enqueue_indirect_dma source(%dma_start3A_2052 : memref<4800x256xf32, #tpu.memory_space<hbm>>) target(%arg7 : memref<80x256xf32, #tpu.memory_space<vmem>>) offsets(%dma_start3A_2049 : memref<80xi32, #tpu.memory_space<vmem>>) semaphore(%arg8 : memref<!tpu.dma_semaphore, #tpu.memory_space<semaphore_mem>>)
    %dma_wait3A_2053 = arith.constant 3 : i32
    %dma_wait3A_2054 = arith.constant 0 : i32
    %dma_wait3A_2055 = tpu.memref_slice %arg6[%dma_wait3A_2053, %dma_wait3A_2054] : memref<20x80xi32, #tpu.memory_space<vmem>> -> memref<1x80xi32, #tpu.memory_space<vmem>>
    %dma_wait3A_2056 = tpu.memref_squeeze %dma_wait3A_2055 : memref<1x80xi32, #tpu.memory_space<vmem>> -> memref<80xi32, #tpu.memory_space<vmem>>
    %dma_wait3A_2057 = arith.constant 0 : i32
    %dma_wait3A_2058 = arith.constant 0 : i32
    %dma_wait3A_2059 = tpu.memref_slice %arg2[%dma_wait3A_2057, %dma_wait3A_2058] : memref<4800x256xf32, #tpu.memory_space<hbm>> -> memref<4800x256xf32, #tpu.memory_space<hbm>>
    tpu.wait_indirect_dma semaphore(%arg8 : memref<!tpu.dma_semaphore, #tpu.memory_space<semaphore_mem>>) src(%dma_wait3A_2059 : memref<4800x256xf32, #tpu.memory_space<hbm>>) dst(%arg7 : memref<80x256xf32, #tpu.memory_space<vmem>>)
    %add3A_2060 = arith.constant 240 : i32
    %add3A_2061 = arith.addi %mul3A_2, %add3A_2060 : i32
    "tpu.region"() ({
      %run_scoped3A = tpu.sem_alloc : memref<!tpu.dma_semaphore, #tpu.memory_space<semaphore_mem>>
      %dma_start3A_2318 = arith.constant 0 : i32
      %dma_start3A_2319 = tpu.memref_slice %arg4[%add3A_2061, %dma_start3A_2318] : memref<51200x256xf32, #tpu.memory_space<hbm>> -> memref<80x256xf32, #tpu.memory_space<hbm>>
      %dma_start3A_2320 = arith.constant 0 : i32
      %dma_start3A_2321 = tpu.memref_slice %arg4[%add3A_2061, %dma_start3A_2320] : memref<51200x256xf32, #tpu.memory_space<hbm>> -> memref<80x256xf32, #tpu.memory_space<hbm>>
      tpu.enqueue_dma source(%arg7 : memref<80x256xf32, #tpu.memory_space<vmem>>) target(%dma_start3A_2321 : memref<80x256xf32, #tpu.memory_space<hbm>>) target_semaphore(%run_scoped3A : memref<!tpu.dma_semaphore, #tpu.memory_space<semaphore_mem>>)
      %dma_wait3A_2322 = arith.constant 0 : i32
      %dma_wait3A_2323 = tpu.memref_slice %arg4[%add3A_2061, %dma_wait3A_2322] : memref<51200x256xf32, #tpu.memory_space<hbm>> -> memref<80x256xf32, #tpu.memory_space<hbm>>
      %dma_wait3A_2324 = arith.constant 0 : i32
      %dma_wait3A_2325 = tpu.memref_slice %arg4[%add3A_2061, %dma_wait3A_2324] : memref<51200x256xf32, #tpu.memory_space<hbm>> -> memref<80x256xf32, #tpu.memory_space<hbm>>
      tpu.wait_dma2 semaphore(%run_scoped3A : memref<!tpu.dma_semaphore, #tpu.memory_space<semaphore_mem>>) src(%arg7 : memref<80x256xf32, #tpu.memory_space<vmem>>) dst(%dma_wait3A_2325 : memref<80x256xf32, #tpu.memory_space<hbm>>)
      tpu.yield
    }) : () -> ()
    %dma_start3A_2062 = arith.constant 4 : i32
    %dma_start3A_2063 = arith.constant 0 : i32
    %dma_start3A_2064 = tpu.memref_slice %arg6[%dma_start3A_2062, %dma_start3A_2063] : memref<20x80xi32, #tpu.memory_space<vmem>> -> memref<1x80xi32, #tpu.memory_space<vmem>>
    %dma_start3A_2065 = tpu.memref_squeeze %dma_start3A_2064 : memref<1x80xi32, #tpu.memory_space<vmem>> -> memref<80xi32, #tpu.memory_space<vmem>>
    %dma_start3A_2066 = arith.constant 0 : i32
    %dma_start3A_2067 = arith.constant 0 : i32
    %dma_start3A_2068 = tpu.memref_slice %arg2[%dma_start3A_2066, %dma_start3A_2067] : memref<4800x256xf32, #tpu.memory_space<hbm>> -> memref<4800x256xf32, #tpu.memory_space<hbm>>
    tpu.enqueue_indirect_dma source(%dma_start3A_2068 : memref<4800x256xf32, #tpu.memory_space<hbm>>) target(%arg7 : memref<80x256xf32, #tpu.memory_space<vmem>>) offsets(%dma_start3A_2065 : memref<80xi32, #tpu.memory_space<vmem>>) semaphore(%arg8 : memref<!tpu.dma_semaphore, #tpu.memory_space<semaphore_mem>>)
    %dma_wait3A_2069 = arith.constant 4 : i32
    %dma_wait3A_2070 = arith.constant 0 : i32
    %dma_wait3A_2071 = tpu.memref_slice %arg6[%dma_wait3A_2069, %dma_wait3A_2070] : memref<20x80xi32, #tpu.memory_space<vmem>> -> memref<1x80xi32, #tpu.memory_space<vmem>>
    %dma_wait3A_2072 = tpu.memref_squeeze %dma_wait3A_2071 : memref<1x80xi32, #tpu.memory_space<vmem>> -> memref<80xi32, #tpu.memory_space<vmem>>
    %dma_wait3A_2073 = arith.constant 0 : i32
    %dma_wait3A_2074 = arith.constant 0 : i32
    %dma_wait3A_2075 = tpu.memref_slice %arg2[%dma_wait3A_2073, %dma_wait3A_2074] : memref<4800x256xf32, #tpu.memory_space<hbm>> -> memref<4800x256xf32, #tpu.memory_space<hbm>>
    tpu.wait_indirect_dma semaphore(%arg8 : memref<!tpu.dma_semaphore, #tpu.memory_space<semaphore_mem>>) src(%dma_wait3A_2075 : memref<4800x256xf32, #tpu.memory_space<hbm>>) dst(%arg7 : memref<80x256xf32, #tpu.memory_space<vmem>>)
    %add3A_2076 = arith.constant 320 : i32
    %add3A_2077 = arith.addi %mul3A_2, %add3A_2076 : i32
    "tpu.region"() ({
      %run_scoped3A = tpu.sem_alloc : memref<!tpu.dma_semaphore, #tpu.memory_space<semaphore_mem>>
      %dma_start3A_2318 = arith.constant 0 : i32
      %dma_start3A_2319 = tpu.memref_slice %arg4[%add3A_2077, %dma_start3A_2318] : memref<51200x256xf32, #tpu.memory_space<hbm>> -> memref<80x256xf32, #tpu.memory_space<hbm>>
      %dma_start3A_2320 = arith.constant 0 : i32
      %dma_start3A_2321 = tpu.memref_slice %arg4[%add3A_2077, %dma_start3A_2320] : memref<51200x256xf32, #tpu.memory_space<hbm>> -> memref<80x256xf32, #tpu.memory_space<hbm>>
      tpu.enqueue_dma source(%arg7 : memref<80x256xf32, #tpu.memory_space<vmem>>) target(%dma_start3A_2321 : memref<80x256xf32, #tpu.memory_space<hbm>>) target_semaphore(%run_scoped3A : memref<!tpu.dma_semaphore, #tpu.memory_space<semaphore_mem>>)
      %dma_wait3A_2322 = arith.constant 0 : i32
      %dma_wait3A_2323 = tpu.memref_slice %arg4[%add3A_2077, %dma_wait3A_2322] : memref<51200x256xf32, #tpu.memory_space<hbm>> -> memref<80x256xf32, #tpu.memory_space<hbm>>
      %dma_wait3A_2324 = arith.constant 0 : i32
      %dma_wait3A_2325 = tpu.memref_slice %arg4[%add3A_2077, %dma_wait3A_2324] : memref<51200x256xf32, #tpu.memory_space<hbm>> -> memref<80x256xf32, #tpu.memory_space<hbm>>
      tpu.wait_dma2 semaphore(%run_scoped3A : memref<!tpu.dma_semaphore, #tpu.memory_space<semaphore_mem>>) src(%arg7 : memref<80x256xf32, #tpu.memory_space<vmem>>) dst(%dma_wait3A_2325 : memref<80x256xf32, #tpu.memory_space<hbm>>)
      tpu.yield
    }) : () -> ()
    %dma_start3A_2078 = arith.constant 5 : i32
    %dma_start3A_2079 = arith.constant 0 : i32
    %dma_start3A_2080 = tpu.memref_slice %arg6[%dma_start3A_2078, %dma_start3A_2079] : memref<20x80xi32, #tpu.memory_space<vmem>> -> memref<1x80xi32, #tpu.memory_space<vmem>>
    %dma_start3A_2081 = tpu.memref_squeeze %dma_start3A_2080 : memref<1x80xi32, #tpu.memory_space<vmem>> -> memref<80xi32, #tpu.memory_space<vmem>>
    %dma_start3A_2082 = arith.constant 0 : i32
    %dma_start3A_2083 = arith.constant 0 : i32
    %dma_start3A_2084 = tpu.memref_slice %arg2[%dma_start3A_2082, %dma_start3A_2083] : memref<4800x256xf32, #tpu.memory_space<hbm>> -> memref<4800x256xf32, #tpu.memory_space<hbm>>
    tpu.enqueue_indirect_dma source(%dma_start3A_2084 : memref<4800x256xf32, #tpu.memory_space<hbm>>) target(%arg7 : memref<80x256xf32, #tpu.memory_space<vmem>>) offsets(%dma_start3A_2081 : memref<80xi32, #tpu.memory_space<vmem>>) semaphore(%arg8 : memref<!tpu.dma_semaphore, #tpu.memory_space<semaphore_mem>>)
    %dma_wait3A_2085 = arith.constant 5 : i32
    %dma_wait3A_2086 = arith.constant 0 : i32
    %dma_wait3A_2087 = tpu.memref_slice %arg6[%dma_wait3A_2085, %dma_wait3A_2086] : memref<20x80xi32, #tpu.memory_space<vmem>> -> memref<1x80xi32, #tpu.memory_space<vmem>>
    %dma_wait3A_2088 = tpu.memref_squeeze %dma_wait3A_2087 : memref<1x80xi32, #tpu.memory_space<vmem>> -> memref<80xi32, #tpu.memory_space<vmem>>
    %dma_wait3A_2089 = arith.constant 0 : i32
    %dma_wait3A_2090 = arith.constant 0 : i32
    %dma_wait3A_2091 = tpu.memref_slice %arg2[%dma_wait3A_2089, %dma_wait3A_2090] : memref<4800x256xf32, #tpu.memory_space<hbm>> -> memref<4800x256xf32, #tpu.memory_space<hbm>>
    tpu.wait_indirect_dma semaphore(%arg8 : memref<!tpu.dma_semaphore, #tpu.memory_space<semaphore_mem>>) src(%dma_wait3A_2091 : memref<4800x256xf32, #tpu.memory_space<hbm>>) dst(%arg7 : memref<80x256xf32, #tpu.memory_space<vmem>>)
    %add3A_2092 = arith.constant 400 : i32
    %add3A_2093 = arith.addi %mul3A_2, %add3A_2092 : i32
    "tpu.region"() ({
      %run_scoped3A = tpu.sem_alloc : memref<!tpu.dma_semaphore, #tpu.memory_space<semaphore_mem>>
      %dma_start3A_2318 = arith.constant 0 : i32
      %dma_start3A_2319 = tpu.memref_slice %arg4[%add3A_2093, %dma_start3A_2318] : memref<51200x256xf32, #tpu.memory_space<hbm>> -> memref<80x256xf32, #tpu.memory_space<hbm>>
      %dma_start3A_2320 = arith.constant 0 : i32
      %dma_start3A_2321 = tpu.memref_slice %arg4[%add3A_2093, %dma_start3A_2320] : memref<51200x256xf32, #tpu.memory_space<hbm>> -> memref<80x256xf32, #tpu.memory_space<hbm>>
      tpu.enqueue_dma source(%arg7 : memref<80x256xf32, #tpu.memory_space<vmem>>) target(%dma_start3A_2321 : memref<80x256xf32, #tpu.memory_space<hbm>>) target_semaphore(%run_scoped3A : memref<!tpu.dma_semaphore, #tpu.memory_space<semaphore_mem>>)
      %dma_wait3A_2322 = arith.constant 0 : i32
      %dma_wait3A_2323 = tpu.memref_slice %arg4[%add3A_2093, %dma_wait3A_2322] : memref<51200x256xf32, #tpu.memory_space<hbm>> -> memref<80x256xf32, #tpu.memory_space<hbm>>
      %dma_wait3A_2324 = arith.constant 0 : i32
      %dma_wait3A_2325 = tpu.memref_slice %arg4[%add3A_2093, %dma_wait3A_2324] : memref<51200x256xf32, #tpu.memory_space<hbm>> -> memref<80x256xf32, #tpu.memory_space<hbm>>
      tpu.wait_dma2 semaphore(%run_scoped3A : memref<!tpu.dma_semaphore, #tpu.memory_space<semaphore_mem>>) src(%arg7 : memref<80x256xf32, #tpu.memory_space<vmem>>) dst(%dma_wait3A_2325 : memref<80x256xf32, #tpu.memory_space<hbm>>)
      tpu.yield
    }) : () -> ()
    %dma_start3A_2094 = arith.constant 6 : i32
    %dma_start3A_2095 = arith.constant 0 : i32
    %dma_start3A_2096 = tpu.memref_slice %arg6[%dma_start3A_2094, %dma_start3A_2095] : memref<20x80xi32, #tpu.memory_space<vmem>> -> memref<1x80xi32, #tpu.memory_space<vmem>>
    %dma_start3A_2097 = tpu.memref_squeeze %dma_start3A_2096 : memref<1x80xi32, #tpu.memory_space<vmem>> -> memref<80xi32, #tpu.memory_space<vmem>>
    %dma_start3A_2098 = arith.constant 0 : i32
    %dma_start3A_2099 = arith.constant 0 : i32
    %dma_start3A_2100 = tpu.memref_slice %arg2[%dma_start3A_2098, %dma_start3A_2099] : memref<4800x256xf32, #tpu.memory_space<hbm>> -> memref<4800x256xf32, #tpu.memory_space<hbm>>
    tpu.enqueue_indirect_dma source(%dma_start3A_2100 : memref<4800x256xf32, #tpu.memory_space<hbm>>) target(%arg7 : memref<80x256xf32, #tpu.memory_space<vmem>>) offsets(%dma_start3A_2097 : memref<80xi32, #tpu.memory_space<vmem>>) semaphore(%arg8 : memref<!tpu.dma_semaphore, #tpu.memory_space<semaphore_mem>>)
    %dma_wait3A_2101 = arith.constant 6 : i32
    %dma_wait3A_2102 = arith.constant 0 : i32
    %dma_wait3A_2103 = tpu.memref_slice %arg6[%dma_wait3A_2101, %dma_wait3A_2102] : memref<20x80xi32, #tpu.memory_space<vmem>> -> memref<1x80xi32, #tpu.memory_space<vmem>>
    %dma_wait3A_2104 = tpu.memref_squeeze %dma_wait3A_2103 : memref<1x80xi32, #tpu.memory_space<vmem>> -> memref<80xi32, #tpu.memory_space<vmem>>
    %dma_wait3A_2105 = arith.constant 0 : i32
    %dma_wait3A_2106 = arith.constant 0 : i32
    %dma_wait3A_2107 = tpu.memref_slice %arg2[%dma_wait3A_2105, %dma_wait3A_2106] : memref<4800x256xf32, #tpu.memory_space<hbm>> -> memref<4800x256xf32, #tpu.memory_space<hbm>>
    tpu.wait_indirect_dma semaphore(%arg8 : memref<!tpu.dma_semaphore, #tpu.memory_space<semaphore_mem>>) src(%dma_wait3A_2107 : memref<4800x256xf32, #tpu.memory_space<hbm>>) dst(%arg7 : memref<80x256xf32, #tpu.memory_space<vmem>>)
    %add3A_2108 = arith.constant 480 : i32
    %add3A_2109 = arith.addi %mul3A_2, %add3A_2108 : i32
    "tpu.region"() ({
      %run_scoped3A = tpu.sem_alloc : memref<!tpu.dma_semaphore, #tpu.memory_space<semaphore_mem>>
      %dma_start3A_2318 = arith.constant 0 : i32
      %dma_start3A_2319 = tpu.memref_slice %arg4[%add3A_2109, %dma_start3A_2318] : memref<51200x256xf32, #tpu.memory_space<hbm>> -> memref<80x256xf32, #tpu.memory_space<hbm>>
      %dma_start3A_2320 = arith.constant 0 : i32
      %dma_start3A_2321 = tpu.memref_slice %arg4[%add3A_2109, %dma_start3A_2320] : memref<51200x256xf32, #tpu.memory_space<hbm>> -> memref<80x256xf32, #tpu.memory_space<hbm>>
      tpu.enqueue_dma source(%arg7 : memref<80x256xf32, #tpu.memory_space<vmem>>) target(%dma_start3A_2321 : memref<80x256xf32, #tpu.memory_space<hbm>>) target_semaphore(%run_scoped3A : memref<!tpu.dma_semaphore, #tpu.memory_space<semaphore_mem>>)
      %dma_wait3A_2322 = arith.constant 0 : i32
      %dma_wait3A_2323 = tpu.memref_slice %arg4[%add3A_2109, %dma_wait3A_2322] : memref<51200x256xf32, #tpu.memory_space<hbm>> -> memref<80x256xf32, #tpu.memory_space<hbm>>
      %dma_wait3A_2324 = arith.constant 0 : i32
      %dma_wait3A_2325 = tpu.memref_slice %arg4[%add3A_2109, %dma_wait3A_2324] : memref<51200x256xf32, #tpu.memory_space<hbm>> -> memref<80x256xf32, #tpu.memory_space<hbm>>
      tpu.wait_dma2 semaphore(%run_scoped3A : memref<!tpu.dma_semaphore, #tpu.memory_space<semaphore_mem>>) src(%arg7 : memref<80x256xf32, #tpu.memory_space<vmem>>) dst(%dma_wait3A_2325 : memref<80x256xf32, #tpu.memory_space<hbm>>)
      tpu.yield
    }) : () -> ()
    %dma_start3A_2110 = arith.constant 7 : i32
    %dma_start3A_2111 = arith.constant 0 : i32
    %dma_start3A_2112 = tpu.memref_slice %arg6[%dma_start3A_2110, %dma_start3A_2111] : memref<20x80xi32, #tpu.memory_space<vmem>> -> memref<1x80xi32, #tpu.memory_space<vmem>>
    %dma_start3A_2113 = tpu.memref_squeeze %dma_start3A_2112 : memref<1x80xi32, #tpu.memory_space<vmem>> -> memref<80xi32, #tpu.memory_space<vmem>>
    %dma_start3A_2114 = arith.constant 0 : i32
    %dma_start3A_2115 = arith.constant 0 : i32
    %dma_start3A_2116 = tpu.memref_slice %arg2[%dma_start3A_2114, %dma_start3A_2115] : memref<4800x256xf32, #tpu.memory_space<hbm>> -> memref<4800x256xf32, #tpu.memory_space<hbm>>
    tpu.enqueue_indirect_dma source(%dma_start3A_2116 : memref<4800x256xf32, #tpu.memory_space<hbm>>) target(%arg7 : memref<80x256xf32, #tpu.memory_space<vmem>>) offsets(%dma_start3A_2113 : memref<80xi32, #tpu.memory_space<vmem>>) semaphore(%arg8 : memref<!tpu.dma_semaphore, #tpu.memory_space<semaphore_mem>>)
    %dma_wait3A_2117 = arith.constant 7 : i32
    %dma_wait3A_2118 = arith.constant 0 : i32
    %dma_wait3A_2119 = tpu.memref_slice %arg6[%dma_wait3A_2117, %dma_wait3A_2118] : memref<20x80xi32, #tpu.memory_space<vmem>> -> memref<1x80xi32, #tpu.memory_space<vmem>>
    %dma_wait3A_2120 = tpu.memref_squeeze %dma_wait3A_2119 : memref<1x80xi32, #tpu.memory_space<vmem>> -> memref<80xi32, #tpu.memory_space<vmem>>
    %dma_wait3A_2121 = arith.constant 0 : i32
    %dma_wait3A_2122 = arith.constant 0 : i32
    %dma_wait3A_2123 = tpu.memref_slice %arg2[%dma_wait3A_2121, %dma_wait3A_2122] : memref<4800x256xf32, #tpu.memory_space<hbm>> -> memref<4800x256xf32, #tpu.memory_space<hbm>>
    tpu.wait_indirect_dma semaphore(%arg8 : memref<!tpu.dma_semaphore, #tpu.memory_space<semaphore_mem>>) src(%dma_wait3A_2123 : memref<4800x256xf32, #tpu.memory_space<hbm>>) dst(%arg7 : memref<80x256xf32, #tpu.memory_space<vmem>>)
    %add3A_2124 = arith.constant 560 : i32
    %add3A_2125 = arith.addi %mul3A_2, %add3A_2124 : i32
    "tpu.region"() ({
      %run_scoped3A = tpu.sem_alloc : memref<!tpu.dma_semaphore, #tpu.memory_space<semaphore_mem>>
      %dma_start3A_2318 = arith.constant 0 : i32
      %dma_start3A_2319 = tpu.memref_slice %arg4[%add3A_2125, %dma_start3A_2318] : memref<51200x256xf32, #tpu.memory_space<hbm>> -> memref<80x256xf32, #tpu.memory_space<hbm>>
      %dma_start3A_2320 = arith.constant 0 : i32
      %dma_start3A_2321 = tpu.memref_slice %arg4[%add3A_2125, %dma_start3A_2320] : memref<51200x256xf32, #tpu.memory_space<hbm>> -> memref<80x256xf32, #tpu.memory_space<hbm>>
      tpu.enqueue_dma source(%arg7 : memref<80x256xf32, #tpu.memory_space<vmem>>) target(%dma_start3A_2321 : memref<80x256xf32, #tpu.memory_space<hbm>>) target_semaphore(%run_scoped3A : memref<!tpu.dma_semaphore, #tpu.memory_space<semaphore_mem>>)
      %dma_wait3A_2322 = arith.constant 0 : i32
      %dma_wait3A_2323 = tpu.memref_slice %arg4[%add3A_2125, %dma_wait3A_2322] : memref<51200x256xf32, #tpu.memory_space<hbm>> -> memref<80x256xf32, #tpu.memory_space<hbm>>
      %dma_wait3A_2324 = arith.constant 0 : i32
      %dma_wait3A_2325 = tpu.memref_slice %arg4[%add3A_2125, %dma_wait3A_2324] : memref<51200x256xf32, #tpu.memory_space<hbm>> -> memref<80x256xf32, #tpu.memory_space<hbm>>
      tpu.wait_dma2 semaphore(%run_scoped3A : memref<!tpu.dma_semaphore, #tpu.memory_space<semaphore_mem>>) src(%arg7 : memref<80x256xf32, #tpu.memory_space<vmem>>) dst(%dma_wait3A_2325 : memref<80x256xf32, #tpu.memory_space<hbm>>)
      tpu.yield
    }) : () -> ()
    %dma_start3A_2126 = arith.constant 8 : i32
    %dma_start3A_2127 = arith.constant 0 : i32
    %dma_start3A_2128 = tpu.memref_slice %arg6[%dma_start3A_2126, %dma_start3A_2127] : memref<20x80xi32, #tpu.memory_space<vmem>> -> memref<1x80xi32, #tpu.memory_space<vmem>>
    %dma_start3A_2129 = tpu.memref_squeeze %dma_start3A_2128 : memref<1x80xi32, #tpu.memory_space<vmem>> -> memref<80xi32, #tpu.memory_space<vmem>>
    %dma_start3A_2130 = arith.constant 0 : i32
    %dma_start3A_2131 = arith.constant 0 : i32
    %dma_start3A_2132 = tpu.memref_slice %arg2[%dma_start3A_2130, %dma_start3A_2131] : memref<4800x256xf32, #tpu.memory_space<hbm>> -> memref<4800x256xf32, #tpu.memory_space<hbm>>
    tpu.enqueue_indirect_dma source(%dma_start3A_2132 : memref<4800x256xf32, #tpu.memory_space<hbm>>) target(%arg7 : memref<80x256xf32, #tpu.memory_space<vmem>>) offsets(%dma_start3A_2129 : memref<80xi32, #tpu.memory_space<vmem>>) semaphore(%arg8 : memref<!tpu.dma_semaphore, #tpu.memory_space<semaphore_mem>>)
    %dma_wait3A_2133 = arith.constant 8 : i32
    %dma_wait3A_2134 = arith.constant 0 : i32
    %dma_wait3A_2135 = tpu.memref_slice %arg6[%dma_wait3A_2133, %dma_wait3A_2134] : memref<20x80xi32, #tpu.memory_space<vmem>> -> memref<1x80xi32, #tpu.memory_space<vmem>>
    %dma_wait3A_2136 = tpu.memref_squeeze %dma_wait3A_2135 : memref<1x80xi32, #tpu.memory_space<vmem>> -> memref<80xi32, #tpu.memory_space<vmem>>
    %dma_wait3A_2137 = arith.constant 0 : i32
    %dma_wait3A_2138 = arith.constant 0 : i32
    %dma_wait3A_2139 = tpu.memref_slice %arg2[%dma_wait3A_2137, %dma_wait3A_2138] : memref<4800x256xf32, #tpu.memory_space<hbm>> -> memref<4800x256xf32, #tpu.memory_space<hbm>>
    tpu.wait_indirect_dma semaphore(%arg8 : memref<!tpu.dma_semaphore, #tpu.memory_space<semaphore_mem>>) src(%dma_wait3A_2139 : memref<4800x256xf32, #tpu.memory_space<hbm>>) dst(%arg7 : memref<80x256xf32, #tpu.memory_space<vmem>>)
    %add3A_2140 = arith.constant 640 : i32
    %add3A_2141 = arith.addi %mul3A_2, %add3A_2140 : i32
    "tpu.region"() ({
      %run_scoped3A = tpu.sem_alloc : memref<!tpu.dma_semaphore, #tpu.memory_space<semaphore_mem>>
      %dma_start3A_2318 = arith.constant 0 : i32
      %dma_start3A_2319 = tpu.memref_slice %arg4[%add3A_2141, %dma_start3A_2318] : memref<51200x256xf32, #tpu.memory_space<hbm>> -> memref<80x256xf32, #tpu.memory_space<hbm>>
      %dma_start3A_2320 = arith.constant 0 : i32
      %dma_start3A_2321 = tpu.memref_slice %arg4[%add3A_2141, %dma_start3A_2320] : memref<51200x256xf32, #tpu.memory_space<hbm>> -> memref<80x256xf32, #tpu.memory_space<hbm>>
      tpu.enqueue_dma source(%arg7 : memref<80x256xf32, #tpu.memory_space<vmem>>) target(%dma_start3A_2321 : memref<80x256xf32, #tpu.memory_space<hbm>>) target_semaphore(%run_scoped3A : memref<!tpu.dma_semaphore, #tpu.memory_space<semaphore_mem>>)
      %dma_wait3A_2322 = arith.constant 0 : i32
      %dma_wait3A_2323 = tpu.memref_slice %arg4[%add3A_2141, %dma_wait3A_2322] : memref<51200x256xf32, #tpu.memory_space<hbm>> -> memref<80x256xf32, #tpu.memory_space<hbm>>
      %dma_wait3A_2324 = arith.constant 0 : i32
      %dma_wait3A_2325 = tpu.memref_slice %arg4[%add3A_2141, %dma_wait3A_2324] : memref<51200x256xf32, #tpu.memory_space<hbm>> -> memref<80x256xf32, #tpu.memory_space<hbm>>
      tpu.wait_dma2 semaphore(%run_scoped3A : memref<!tpu.dma_semaphore, #tpu.memory_space<semaphore_mem>>) src(%arg7 : memref<80x256xf32, #tpu.memory_space<vmem>>) dst(%dma_wait3A_2325 : memref<80x256xf32, #tpu.memory_space<hbm>>)
      tpu.yield
    }) : () -> ()
    %dma_start3A_2142 = arith.constant 9 : i32
    %dma_start3A_2143 = arith.constant 0 : i32
    %dma_start3A_2144 = tpu.memref_slice %arg6[%dma_start3A_2142, %dma_start3A_2143] : memref<20x80xi32, #tpu.memory_space<vmem>> -> memref<1x80xi32, #tpu.memory_space<vmem>>
    %dma_start3A_2145 = tpu.memref_squeeze %dma_start3A_2144 : memref<1x80xi32, #tpu.memory_space<vmem>> -> memref<80xi32, #tpu.memory_space<vmem>>
    %dma_start3A_2146 = arith.constant 0 : i32
    %dma_start3A_2147 = arith.constant 0 : i32
    %dma_start3A_2148 = tpu.memref_slice %arg2[%dma_start3A_2146, %dma_start3A_2147] : memref<4800x256xf32, #tpu.memory_space<hbm>> -> memref<4800x256xf32, #tpu.memory_space<hbm>>
    tpu.enqueue_indirect_dma source(%dma_start3A_2148 : memref<4800x256xf32, #tpu.memory_space<hbm>>) target(%arg7 : memref<80x256xf32, #tpu.memory_space<vmem>>) offsets(%dma_start3A_2145 : memref<80xi32, #tpu.memory_space<vmem>>) semaphore(%arg8 : memref<!tpu.dma_semaphore, #tpu.memory_space<semaphore_mem>>)
    %dma_wait3A_2149 = arith.constant 9 : i32
    %dma_wait3A_2150 = arith.constant 0 : i32
    %dma_wait3A_2151 = tpu.memref_slice %arg6[%dma_wait3A_2149, %dma_wait3A_2150] : memref<20x80xi32, #tpu.memory_space<vmem>> -> memref<1x80xi32, #tpu.memory_space<vmem>>
    %dma_wait3A_2152 = tpu.memref_squeeze %dma_wait3A_2151 : memref<1x80xi32, #tpu.memory_space<vmem>> -> memref<80xi32, #tpu.memory_space<vmem>>
    %dma_wait3A_2153 = arith.constant 0 : i32
    %dma_wait3A_2154 = arith.constant 0 : i32
    %dma_wait3A_2155 = tpu.memref_slice %arg2[%dma_wait3A_2153, %dma_wait3A_2154] : memref<4800x256xf32, #tpu.memory_space<hbm>> -> memref<4800x256xf32, #tpu.memory_space<hbm>>
    tpu.wait_indirect_dma semaphore(%arg8 : memref<!tpu.dma_semaphore, #tpu.memory_space<semaphore_mem>>) src(%dma_wait3A_2155 : memref<4800x256xf32, #tpu.memory_space<hbm>>) dst(%arg7 : memref<80x256xf32, #tpu.memory_space<vmem>>)
    %add3A_2156 = arith.constant 720 : i32
    %add3A_2157 = arith.addi %mul3A_2, %add3A_2156 : i32
    "tpu.region"() ({
      %run_scoped3A = tpu.sem_alloc : memref<!tpu.dma_semaphore, #tpu.memory_space<semaphore_mem>>
      %dma_start3A_2318 = arith.constant 0 : i32
      %dma_start3A_2319 = tpu.memref_slice %arg4[%add3A_2157, %dma_start3A_2318] : memref<51200x256xf32, #tpu.memory_space<hbm>> -> memref<80x256xf32, #tpu.memory_space<hbm>>
      %dma_start3A_2320 = arith.constant 0 : i32
      %dma_start3A_2321 = tpu.memref_slice %arg4[%add3A_2157, %dma_start3A_2320] : memref<51200x256xf32, #tpu.memory_space<hbm>> -> memref<80x256xf32, #tpu.memory_space<hbm>>
      tpu.enqueue_dma source(%arg7 : memref<80x256xf32, #tpu.memory_space<vmem>>) target(%dma_start3A_2321 : memref<80x256xf32, #tpu.memory_space<hbm>>) target_semaphore(%run_scoped3A : memref<!tpu.dma_semaphore, #tpu.memory_space<semaphore_mem>>)
      %dma_wait3A_2322 = arith.constant 0 : i32
      %dma_wait3A_2323 = tpu.memref_slice %arg4[%add3A_2157, %dma_wait3A_2322] : memref<51200x256xf32, #tpu.memory_space<hbm>> -> memref<80x256xf32, #tpu.memory_space<hbm>>
      %dma_wait3A_2324 = arith.constant 0 : i32
      %dma_wait3A_2325 = tpu.memref_slice %arg4[%add3A_2157, %dma_wait3A_2324] : memref<51200x256xf32, #tpu.memory_space<hbm>> -> memref<80x256xf32, #tpu.memory_space<hbm>>
      tpu.wait_dma2 semaphore(%run_scoped3A : memref<!tpu.dma_semaphore, #tpu.memory_space<semaphore_mem>>) src(%arg7 : memref<80x256xf32, #tpu.memory_space<vmem>>) dst(%dma_wait3A_2325 : memref<80x256xf32, #tpu.memory_space<hbm>>)
      tpu.yield
    }) : () -> ()
    %dma_start3A_2158 = arith.constant 10 : i32
    %dma_start3A_2159 = arith.constant 0 : i32
    %dma_start3A_2160 = tpu.memref_slice %arg6[%dma_start3A_2158, %dma_start3A_2159] : memref<20x80xi32, #tpu.memory_space<vmem>> -> memref<1x80xi32, #tpu.memory_space<vmem>>
    %dma_start3A_2161 = tpu.memref_squeeze %dma_start3A_2160 : memref<1x80xi32, #tpu.memory_space<vmem>> -> memref<80xi32, #tpu.memory_space<vmem>>
    %dma_start3A_2162 = arith.constant 0 : i32
    %dma_start3A_2163 = arith.constant 0 : i32
    %dma_start3A_2164 = tpu.memref_slice %arg2[%dma_start3A_2162, %dma_start3A_2163] : memref<4800x256xf32, #tpu.memory_space<hbm>> -> memref<4800x256xf32, #tpu.memory_space<hbm>>
    tpu.enqueue_indirect_dma source(%dma_start3A_2164 : memref<4800x256xf32, #tpu.memory_space<hbm>>) target(%arg7 : memref<80x256xf32, #tpu.memory_space<vmem>>) offsets(%dma_start3A_2161 : memref<80xi32, #tpu.memory_space<vmem>>) semaphore(%arg8 : memref<!tpu.dma_semaphore, #tpu.memory_space<semaphore_mem>>)
    %dma_wait3A_2165 = arith.constant 10 : i32
    %dma_wait3A_2166 = arith.constant 0 : i32
    %dma_wait3A_2167 = tpu.memref_slice %arg6[%dma_wait3A_2165, %dma_wait3A_2166] : memref<20x80xi32, #tpu.memory_space<vmem>> -> memref<1x80xi32, #tpu.memory_space<vmem>>
    %dma_wait3A_2168 = tpu.memref_squeeze %dma_wait3A_2167 : memref<1x80xi32, #tpu.memory_space<vmem>> -> memref<80xi32, #tpu.memory_space<vmem>>
    %dma_wait3A_2169 = arith.constant 0 : i32
    %dma_wait3A_2170 = arith.constant 0 : i32
    %dma_wait3A_2171 = tpu.memref_slice %arg2[%dma_wait3A_2169, %dma_wait3A_2170] : memref<4800x256xf32, #tpu.memory_space<hbm>> -> memref<4800x256xf32, #tpu.memory_space<hbm>>
    tpu.wait_indirect_dma semaphore(%arg8 : memref<!tpu.dma_semaphore, #tpu.memory_space<semaphore_mem>>) src(%dma_wait3A_2171 : memref<4800x256xf32, #tpu.memory_space<hbm>>) dst(%arg7 : memref<80x256xf32, #tpu.memory_space<vmem>>)
    %add3A_2172 = arith.constant 800 : i32
    %add3A_2173 = arith.addi %mul3A_2, %add3A_2172 : i32
    "tpu.region"() ({
      %run_scoped3A = tpu.sem_alloc : memref<!tpu.dma_semaphore, #tpu.memory_space<semaphore_mem>>
      %dma_start3A_2318 = arith.constant 0 : i32
      %dma_start3A_2319 = tpu.memref_slice %arg4[%add3A_2173, %dma_start3A_2318] : memref<51200x256xf32, #tpu.memory_space<hbm>> -> memref<80x256xf32, #tpu.memory_space<hbm>>
      %dma_start3A_2320 = arith.constant 0 : i32
      %dma_start3A_2321 = tpu.memref_slice %arg4[%add3A_2173, %dma_start3A_2320] : memref<51200x256xf32, #tpu.memory_space<hbm>> -> memref<80x256xf32, #tpu.memory_space<hbm>>
      tpu.enqueue_dma source(%arg7 : memref<80x256xf32, #tpu.memory_space<vmem>>) target(%dma_start3A_2321 : memref<80x256xf32, #tpu.memory_space<hbm>>) target_semaphore(%run_scoped3A : memref<!tpu.dma_semaphore, #tpu.memory_space<semaphore_mem>>)
      %dma_wait3A_2322 = arith.constant 0 : i32
      %dma_wait3A_2323 = tpu.memref_slice %arg4[%add3A_2173, %dma_wait3A_2322] : memref<51200x256xf32, #tpu.memory_space<hbm>> -> memref<80x256xf32, #tpu.memory_space<hbm>>
      %dma_wait3A_2324 = arith.constant 0 : i32
      %dma_wait3A_2325 = tpu.memref_slice %arg4[%add3A_2173, %dma_wait3A_2324] : memref<51200x256xf32, #tpu.memory_space<hbm>> -> memref<80x256xf32, #tpu.memory_space<hbm>>
      tpu.wait_dma2 semaphore(%run_scoped3A : memref<!tpu.dma_semaphore, #tpu.memory_space<semaphore_mem>>) src(%arg7 : memref<80x256xf32, #tpu.memory_space<vmem>>) dst(%dma_wait3A_2325 : memref<80x256xf32, #tpu.memory_space<hbm>>)
      tpu.yield
    }) : () -> ()
    %dma_start3A_2174 = arith.constant 11 : i32
    %dma_start3A_2175 = arith.constant 0 : i32
    %dma_start3A_2176 = tpu.memref_slice %arg6[%dma_start3A_2174, %dma_start3A_2175] : memref<20x80xi32, #tpu.memory_space<vmem>> -> memref<1x80xi32, #tpu.memory_space<vmem>>
    %dma_start3A_2177 = tpu.memref_squeeze %dma_start3A_2176 : memref<1x80xi32, #tpu.memory_space<vmem>> -> memref<80xi32, #tpu.memory_space<vmem>>
    %dma_start3A_2178 = arith.constant 0 : i32
    %dma_start3A_2179 = arith.constant 0 : i32
    %dma_start3A_2180 = tpu.memref_slice %arg2[%dma_start3A_2178, %dma_start3A_2179] : memref<4800x256xf32, #tpu.memory_space<hbm>> -> memref<4800x256xf32, #tpu.memory_space<hbm>>
    tpu.enqueue_indirect_dma source(%dma_start3A_2180 : memref<4800x256xf32, #tpu.memory_space<hbm>>) target(%arg7 : memref<80x256xf32, #tpu.memory_space<vmem>>) offsets(%dma_start3A_2177 : memref<80xi32, #tpu.memory_space<vmem>>) semaphore(%arg8 : memref<!tpu.dma_semaphore, #tpu.memory_space<semaphore_mem>>)
    %dma_wait3A_2181 = arith.constant 11 : i32
    %dma_wait3A_2182 = arith.constant 0 : i32
    %dma_wait3A_2183 = tpu.memref_slice %arg6[%dma_wait3A_2181, %dma_wait3A_2182] : memref<20x80xi32, #tpu.memory_space<vmem>> -> memref<1x80xi32, #tpu.memory_space<vmem>>
    %dma_wait3A_2184 = tpu.memref_squeeze %dma_wait3A_2183 : memref<1x80xi32, #tpu.memory_space<vmem>> -> memref<80xi32, #tpu.memory_space<vmem>>
    %dma_wait3A_2185 = arith.constant 0 : i32
    %dma_wait3A_2186 = arith.constant 0 : i32
    %dma_wait3A_2187 = tpu.memref_slice %arg2[%dma_wait3A_2185, %dma_wait3A_2186] : memref<4800x256xf32, #tpu.memory_space<hbm>> -> memref<4800x256xf32, #tpu.memory_space<hbm>>
    tpu.wait_indirect_dma semaphore(%arg8 : memref<!tpu.dma_semaphore, #tpu.memory_space<semaphore_mem>>) src(%dma_wait3A_2187 : memref<4800x256xf32, #tpu.memory_space<hbm>>) dst(%arg7 : memref<80x256xf32, #tpu.memory_space<vmem>>)
    %add3A_2188 = arith.constant 880 : i32
    %add3A_2189 = arith.addi %mul3A_2, %add3A_2188 : i32
    "tpu.region"() ({
      %run_scoped3A = tpu.sem_alloc : memref<!tpu.dma_semaphore, #tpu.memory_space<semaphore_mem>>
      %dma_start3A_2318 = arith.constant 0 : i32
      %dma_start3A_2319 = tpu.memref_slice %arg4[%add3A_2189, %dma_start3A_2318] : memref<51200x256xf32, #tpu.memory_space<hbm>> -> memref<80x256xf32, #tpu.memory_space<hbm>>
      %dma_start3A_2320 = arith.constant 0 : i32
      %dma_start3A_2321 = tpu.memref_slice %arg4[%add3A_2189, %dma_start3A_2320] : memref<51200x256xf32, #tpu.memory_space<hbm>> -> memref<80x256xf32, #tpu.memory_space<hbm>>
      tpu.enqueue_dma source(%arg7 : memref<80x256xf32, #tpu.memory_space<vmem>>) target(%dma_start3A_2321 : memref<80x256xf32, #tpu.memory_space<hbm>>) target_semaphore(%run_scoped3A : memref<!tpu.dma_semaphore, #tpu.memory_space<semaphore_mem>>)
      %dma_wait3A_2322 = arith.constant 0 : i32
      %dma_wait3A_2323 = tpu.memref_slice %arg4[%add3A_2189, %dma_wait3A_2322] : memref<51200x256xf32, #tpu.memory_space<hbm>> -> memref<80x256xf32, #tpu.memory_space<hbm>>
      %dma_wait3A_2324 = arith.constant 0 : i32
      %dma_wait3A_2325 = tpu.memref_slice %arg4[%add3A_2189, %dma_wait3A_2324] : memref<51200x256xf32, #tpu.memory_space<hbm>> -> memref<80x256xf32, #tpu.memory_space<hbm>>
      tpu.wait_dma2 semaphore(%run_scoped3A : memref<!tpu.dma_semaphore, #tpu.memory_space<semaphore_mem>>) src(%arg7 : memref<80x256xf32, #tpu.memory_space<vmem>>) dst(%dma_wait3A_2325 : memref<80x256xf32, #tpu.memory_space<hbm>>)
      tpu.yield
    }) : () -> ()
    %dma_start3A_2190 = arith.constant 12 : i32
    %dma_start3A_2191 = arith.constant 0 : i32
    %dma_start3A_2192 = tpu.memref_slice %arg6[%dma_start3A_2190, %dma_start3A_2191] : memref<20x80xi32, #tpu.memory_space<vmem>> -> memref<1x80xi32, #tpu.memory_space<vmem>>
    %dma_start3A_2193 = tpu.memref_squeeze %dma_start3A_2192 : memref<1x80xi32, #tpu.memory_space<vmem>> -> memref<80xi32, #tpu.memory_space<vmem>>
    %dma_start3A_2194 = arith.constant 0 : i32
    %dma_start3A_2195 = arith.constant 0 : i32
    %dma_start3A_2196 = tpu.memref_slice %arg2[%dma_start3A_2194, %dma_start3A_2195] : memref<4800x256xf32, #tpu.memory_space<hbm>> -> memref<4800x256xf32, #tpu.memory_space<hbm>>
    tpu.enqueue_indirect_dma source(%dma_start3A_2196 : memref<4800x256xf32, #tpu.memory_space<hbm>>) target(%arg7 : memref<80x256xf32, #tpu.memory_space<vmem>>) offsets(%dma_start3A_2193 : memref<80xi32, #tpu.memory_space<vmem>>) semaphore(%arg8 : memref<!tpu.dma_semaphore, #tpu.memory_space<semaphore_mem>>)
    %dma_wait3A_2197 = arith.constant 12 : i32
    %dma_wait3A_2198 = arith.constant 0 : i32
    %dma_wait3A_2199 = tpu.memref_slice %arg6[%dma_wait3A_2197, %dma_wait3A_2198] : memref<20x80xi32, #tpu.memory_space<vmem>> -> memref<1x80xi32, #tpu.memory_space<vmem>>
    %dma_wait3A_2200 = tpu.memref_squeeze %dma_wait3A_2199 : memref<1x80xi32, #tpu.memory_space<vmem>> -> memref<80xi32, #tpu.memory_space<vmem>>
    %dma_wait3A_2201 = arith.constant 0 : i32
    %dma_wait3A_2202 = arith.constant 0 : i32
    %dma_wait3A_2203 = tpu.memref_slice %arg2[%dma_wait3A_2201, %dma_wait3A_2202] : memref<4800x256xf32, #tpu.memory_space<hbm>> -> memref<4800x256xf32, #tpu.memory_space<hbm>>
    tpu.wait_indirect_dma semaphore(%arg8 : memref<!tpu.dma_semaphore, #tpu.memory_space<semaphore_mem>>) src(%dma_wait3A_2203 : memref<4800x256xf32, #tpu.memory_space<hbm>>) dst(%arg7 : memref<80x256xf32, #tpu.memory_space<vmem>>)
    %add3A_2204 = arith.constant 960 : i32
    %add3A_2205 = arith.addi %mul3A_2, %add3A_2204 : i32
    "tpu.region"() ({
      %run_scoped3A = tpu.sem_alloc : memref<!tpu.dma_semaphore, #tpu.memory_space<semaphore_mem>>
      %dma_start3A_2318 = arith.constant 0 : i32
      %dma_start3A_2319 = tpu.memref_slice %arg4[%add3A_2205, %dma_start3A_2318] : memref<51200x256xf32, #tpu.memory_space<hbm>> -> memref<80x256xf32, #tpu.memory_space<hbm>>
      %dma_start3A_2320 = arith.constant 0 : i32
      %dma_start3A_2321 = tpu.memref_slice %arg4[%add3A_2205, %dma_start3A_2320] : memref<51200x256xf32, #tpu.memory_space<hbm>> -> memref<80x256xf32, #tpu.memory_space<hbm>>
      tpu.enqueue_dma source(%arg7 : memref<80x256xf32, #tpu.memory_space<vmem>>) target(%dma_start3A_2321 : memref<80x256xf32, #tpu.memory_space<hbm>>) target_semaphore(%run_scoped3A : memref<!tpu.dma_semaphore, #tpu.memory_space<semaphore_mem>>)
      %dma_wait3A_2322 = arith.constant 0 : i32
      %dma_wait3A_2323 = tpu.memref_slice %arg4[%add3A_2205, %dma_wait3A_2322] : memref<51200x256xf32, #tpu.memory_space<hbm>> -> memref<80x256xf32, #tpu.memory_space<hbm>>
      %dma_wait3A_2324 = arith.constant 0 : i32
      %dma_wait3A_2325 = tpu.memref_slice %arg4[%add3A_2205, %dma_wait3A_2324] : memref<51200x256xf32, #tpu.memory_space<hbm>> -> memref<80x256xf32, #tpu.memory_space<hbm>>
      tpu.wait_dma2 semaphore(%run_scoped3A : memref<!tpu.dma_semaphore, #tpu.memory_space<semaphore_mem>>) src(%arg7 : memref<80x256xf32, #tpu.memory_space<vmem>>) dst(%dma_wait3A_2325 : memref<80x256xf32, #tpu.memory_space<hbm>>)
      tpu.yield
    }) : () -> ()
    %dma_start3A_2206 = arith.constant 13 : i32
    %dma_start3A_2207 = arith.constant 0 : i32
    %dma_start3A_2208 = tpu.memref_slice %arg6[%dma_start3A_2206, %dma_start3A_2207] : memref<20x80xi32, #tpu.memory_space<vmem>> -> memref<1x80xi32, #tpu.memory_space<vmem>>
    %dma_start3A_2209 = tpu.memref_squeeze %dma_start3A_2208 : memref<1x80xi32, #tpu.memory_space<vmem>> -> memref<80xi32, #tpu.memory_space<vmem>>
    %dma_start3A_2210 = arith.constant 0 : i32
    %dma_start3A_2211 = arith.constant 0 : i32
    %dma_start3A_2212 = tpu.memref_slice %arg2[%dma_start3A_2210, %dma_start3A_2211] : memref<4800x256xf32, #tpu.memory_space<hbm>> -> memref<4800x256xf32, #tpu.memory_space<hbm>>
    tpu.enqueue_indirect_dma source(%dma_start3A_2212 : memref<4800x256xf32, #tpu.memory_space<hbm>>) target(%arg7 : memref<80x256xf32, #tpu.memory_space<vmem>>) offsets(%dma_start3A_2209 : memref<80xi32, #tpu.memory_space<vmem>>) semaphore(%arg8 : memref<!tpu.dma_semaphore, #tpu.memory_space<semaphore_mem>>)
    %dma_wait3A_2213 = arith.constant 13 : i32
    %dma_wait3A_2214 = arith.constant 0 : i32
    %dma_wait3A_2215 = tpu.memref_slice %arg6[%dma_wait3A_2213, %dma_wait3A_2214] : memref<20x80xi32, #tpu.memory_space<vmem>> -> memref<1x80xi32, #tpu.memory_space<vmem>>
    %dma_wait3A_2216 = tpu.memref_squeeze %dma_wait3A_2215 : memref<1x80xi32, #tpu.memory_space<vmem>> -> memref<80xi32, #tpu.memory_space<vmem>>
    %dma_wait3A_2217 = arith.constant 0 : i32
    %dma_wait3A_2218 = arith.constant 0 : i32
    %dma_wait3A_2219 = tpu.memref_slice %arg2[%dma_wait3A_2217, %dma_wait3A_2218] : memref<4800x256xf32, #tpu.memory_space<hbm>> -> memref<4800x256xf32, #tpu.memory_space<hbm>>
    tpu.wait_indirect_dma semaphore(%arg8 : memref<!tpu.dma_semaphore, #tpu.memory_space<semaphore_mem>>) src(%dma_wait3A_2219 : memref<4800x256xf32, #tpu.memory_space<hbm>>) dst(%arg7 : memref<80x256xf32, #tpu.memory_space<vmem>>)
    %add3A_2220 = arith.constant 1040 : i32
    %add3A_2221 = arith.addi %mul3A_2, %add3A_2220 : i32
    "tpu.region"() ({
      %run_scoped3A = tpu.sem_alloc : memref<!tpu.dma_semaphore, #tpu.memory_space<semaphore_mem>>
      %dma_start3A_2318 = arith.constant 0 : i32
      %dma_start3A_2319 = tpu.memref_slice %arg4[%add3A_2221, %dma_start3A_2318] : memref<51200x256xf32, #tpu.memory_space<hbm>> -> memref<80x256xf32, #tpu.memory_space<hbm>>
      %dma_start3A_2320 = arith.constant 0 : i32
      %dma_start3A_2321 = tpu.memref_slice %arg4[%add3A_2221, %dma_start3A_2320] : memref<51200x256xf32, #tpu.memory_space<hbm>> -> memref<80x256xf32, #tpu.memory_space<hbm>>
      tpu.enqueue_dma source(%arg7 : memref<80x256xf32, #tpu.memory_space<vmem>>) target(%dma_start3A_2321 : memref<80x256xf32, #tpu.memory_space<hbm>>) target_semaphore(%run_scoped3A : memref<!tpu.dma_semaphore, #tpu.memory_space<semaphore_mem>>)
      %dma_wait3A_2322 = arith.constant 0 : i32
      %dma_wait3A_2323 = tpu.memref_slice %arg4[%add3A_2221, %dma_wait3A_2322] : memref<51200x256xf32, #tpu.memory_space<hbm>> -> memref<80x256xf32, #tpu.memory_space<hbm>>
      %dma_wait3A_2324 = arith.constant 0 : i32
      %dma_wait3A_2325 = tpu.memref_slice %arg4[%add3A_2221, %dma_wait3A_2324] : memref<51200x256xf32, #tpu.memory_space<hbm>> -> memref<80x256xf32, #tpu.memory_space<hbm>>
      tpu.wait_dma2 semaphore(%run_scoped3A : memref<!tpu.dma_semaphore, #tpu.memory_space<semaphore_mem>>) src(%arg7 : memref<80x256xf32, #tpu.memory_space<vmem>>) dst(%dma_wait3A_2325 : memref<80x256xf32, #tpu.memory_space<hbm>>)
      tpu.yield
    }) : () -> ()
    %dma_start3A_2222 = arith.constant 14 : i32
    %dma_start3A_2223 = arith.constant 0 : i32
    %dma_start3A_2224 = tpu.memref_slice %arg6[%dma_start3A_2222, %dma_start3A_2223] : memref<20x80xi32, #tpu.memory_space<vmem>> -> memref<1x80xi32, #tpu.memory_space<vmem>>
    %dma_start3A_2225 = tpu.memref_squeeze %dma_start3A_2224 : memref<1x80xi32, #tpu.memory_space<vmem>> -> memref<80xi32, #tpu.memory_space<vmem>>
    %dma_start3A_2226 = arith.constant 0 : i32
    %dma_start3A_2227 = arith.constant 0 : i32
    %dma_start3A_2228 = tpu.memref_slice %arg2[%dma_start3A_2226, %dma_start3A_2227] : memref<4800x256xf32, #tpu.memory_space<hbm>> -> memref<4800x256xf32, #tpu.memory_space<hbm>>
    tpu.enqueue_indirect_dma source(%dma_start3A_2228 : memref<4800x256xf32, #tpu.memory_space<hbm>>) target(%arg7 : memref<80x256xf32, #tpu.memory_space<vmem>>) offsets(%dma_start3A_2225 : memref<80xi32, #tpu.memory_space<vmem>>) semaphore(%arg8 : memref<!tpu.dma_semaphore, #tpu.memory_space<semaphore_mem>>)
    %dma_wait3A_2229 = arith.constant 14 : i32
    %dma_wait3A_2230 = arith.constant 0 : i32
    %dma_wait3A_2231 = tpu.memref_slice %arg6[%dma_wait3A_2229, %dma_wait3A_2230] : memref<20x80xi32, #tpu.memory_space<vmem>> -> memref<1x80xi32, #tpu.memory_space<vmem>>
    %dma_wait3A_2232 = tpu.memref_squeeze %dma_wait3A_2231 : memref<1x80xi32, #tpu.memory_space<vmem>> -> memref<80xi32, #tpu.memory_space<vmem>>
    %dma_wait3A_2233 = arith.constant 0 : i32
    %dma_wait3A_2234 = arith.constant 0 : i32
    %dma_wait3A_2235 = tpu.memref_slice %arg2[%dma_wait3A_2233, %dma_wait3A_2234] : memref<4800x256xf32, #tpu.memory_space<hbm>> -> memref<4800x256xf32, #tpu.memory_space<hbm>>
    tpu.wait_indirect_dma semaphore(%arg8 : memref<!tpu.dma_semaphore, #tpu.memory_space<semaphore_mem>>) src(%dma_wait3A_2235 : memref<4800x256xf32, #tpu.memory_space<hbm>>) dst(%arg7 : memref<80x256xf32, #tpu.memory_space<vmem>>)
    %add3A_2236 = arith.constant 1120 : i32
    %add3A_2237 = arith.addi %mul3A_2, %add3A_2236 : i32
    "tpu.region"() ({
      %run_scoped3A = tpu.sem_alloc : memref<!tpu.dma_semaphore, #tpu.memory_space<semaphore_mem>>
      %dma_start3A_2318 = arith.constant 0 : i32
      %dma_start3A_2319 = tpu.memref_slice %arg4[%add3A_2237, %dma_start3A_2318] : memref<51200x256xf32, #tpu.memory_space<hbm>> -> memref<80x256xf32, #tpu.memory_space<hbm>>
      %dma_start3A_2320 = arith.constant 0 : i32
      %dma_start3A_2321 = tpu.memref_slice %arg4[%add3A_2237, %dma_start3A_2320] : memref<51200x256xf32, #tpu.memory_space<hbm>> -> memref<80x256xf32, #tpu.memory_space<hbm>>
      tpu.enqueue_dma source(%arg7 : memref<80x256xf32, #tpu.memory_space<vmem>>) target(%dma_start3A_2321 : memref<80x256xf32, #tpu.memory_space<hbm>>) target_semaphore(%run_scoped3A : memref<!tpu.dma_semaphore, #tpu.memory_space<semaphore_mem>>)
      %dma_wait3A_2322 = arith.constant 0 : i32
      %dma_wait3A_2323 = tpu.memref_slice %arg4[%add3A_2237, %dma_wait3A_2322] : memref<51200x256xf32, #tpu.memory_space<hbm>> -> memref<80x256xf32, #tpu.memory_space<hbm>>
      %dma_wait3A_2324 = arith.constant 0 : i32
      %dma_wait3A_2325 = tpu.memref_slice %arg4[%add3A_2237, %dma_wait3A_2324] : memref<51200x256xf32, #tpu.memory_space<hbm>> -> memref<80x256xf32, #tpu.memory_space<hbm>>
      tpu.wait_dma2 semaphore(%run_scoped3A : memref<!tpu.dma_semaphore, #tpu.memory_space<semaphore_mem>>) src(%arg7 : memref<80x256xf32, #tpu.memory_space<vmem>>) dst(%dma_wait3A_2325 : memref<80x256xf32, #tpu.memory_space<hbm>>)
      tpu.yield
    }) : () -> ()
    %dma_start3A_2238 = arith.constant 15 : i32
    %dma_start3A_2239 = arith.constant 0 : i32
    %dma_start3A_2240 = tpu.memref_slice %arg6[%dma_start3A_2238, %dma_start3A_2239] : memref<20x80xi32, #tpu.memory_space<vmem>> -> memref<1x80xi32, #tpu.memory_space<vmem>>
    %dma_start3A_2241 = tpu.memref_squeeze %dma_start3A_2240 : memref<1x80xi32, #tpu.memory_space<vmem>> -> memref<80xi32, #tpu.memory_space<vmem>>
    %dma_start3A_2242 = arith.constant 0 : i32
    %dma_start3A_2243 = arith.constant 0 : i32
    %dma_start3A_2244 = tpu.memref_slice %arg2[%dma_start3A_2242, %dma_start3A_2243] : memref<4800x256xf32, #tpu.memory_space<hbm>> -> memref<4800x256xf32, #tpu.memory_space<hbm>>
    tpu.enqueue_indirect_dma source(%dma_start3A_2244 : memref<4800x256xf32, #tpu.memory_space<hbm>>) target(%arg7 : memref<80x256xf32, #tpu.memory_space<vmem>>) offsets(%dma_start3A_2241 : memref<80xi32, #tpu.memory_space<vmem>>) semaphore(%arg8 : memref<!tpu.dma_semaphore, #tpu.memory_space<semaphore_mem>>)
    %dma_wait3A_2245 = arith.constant 15 : i32
    %dma_wait3A_2246 = arith.constant 0 : i32
    %dma_wait3A_2247 = tpu.memref_slice %arg6[%dma_wait3A_2245, %dma_wait3A_2246] : memref<20x80xi32, #tpu.memory_space<vmem>> -> memref<1x80xi32, #tpu.memory_space<vmem>>
    %dma_wait3A_2248 = tpu.memref_squeeze %dma_wait3A_2247 : memref<1x80xi32, #tpu.memory_space<vmem>> -> memref<80xi32, #tpu.memory_space<vmem>>
    %dma_wait3A_2249 = arith.constant 0 : i32
    %dma_wait3A_2250 = arith.constant 0 : i32
    %dma_wait3A_2251 = tpu.memref_slice %arg2[%dma_wait3A_2249, %dma_wait3A_2250] : memref<4800x256xf32, #tpu.memory_space<hbm>> -> memref<4800x256xf32, #tpu.memory_space<hbm>>
    tpu.wait_indirect_dma semaphore(%arg8 : memref<!tpu.dma_semaphore, #tpu.memory_space<semaphore_mem>>) src(%dma_wait3A_2251 : memref<4800x256xf32, #tpu.memory_space<hbm>>) dst(%arg7 : memref<80x256xf32, #tpu.memory_space<vmem>>)
    %add3A_2252 = arith.constant 1200 : i32
    %add3A_2253 = arith.addi %mul3A_2, %add3A_2252 : i32
    "tpu.region"() ({
      %run_scoped3A = tpu.sem_alloc : memref<!tpu.dma_semaphore, #tpu.memory_space<semaphore_mem>>
      %dma_start3A_2318 = arith.constant 0 : i32
      %dma_start3A_2319 = tpu.memref_slice %arg4[%add3A_2253, %dma_start3A_2318] : memref<51200x256xf32, #tpu.memory_space<hbm>> -> memref<80x256xf32, #tpu.memory_space<hbm>>
      %dma_start3A_2320 = arith.constant 0 : i32
      %dma_start3A_2321 = tpu.memref_slice %arg4[%add3A_2253, %dma_start3A_2320] : memref<51200x256xf32, #tpu.memory_space<hbm>> -> memref<80x256xf32, #tpu.memory_space<hbm>>
      tpu.enqueue_dma source(%arg7 : memref<80x256xf32, #tpu.memory_space<vmem>>) target(%dma_start3A_2321 : memref<80x256xf32, #tpu.memory_space<hbm>>) target_semaphore(%run_scoped3A : memref<!tpu.dma_semaphore, #tpu.memory_space<semaphore_mem>>)
      %dma_wait3A_2322 = arith.constant 0 : i32
      %dma_wait3A_2323 = tpu.memref_slice %arg4[%add3A_2253, %dma_wait3A_2322] : memref<51200x256xf32, #tpu.memory_space<hbm>> -> memref<80x256xf32, #tpu.memory_space<hbm>>
      %dma_wait3A_2324 = arith.constant 0 : i32
      %dma_wait3A_2325 = tpu.memref_slice %arg4[%add3A_2253, %dma_wait3A_2324] : memref<51200x256xf32, #tpu.memory_space<hbm>> -> memref<80x256xf32, #tpu.memory_space<hbm>>
      tpu.wait_dma2 semaphore(%run_scoped3A : memref<!tpu.dma_semaphore, #tpu.memory_space<semaphore_mem>>) src(%arg7 : memref<80x256xf32, #tpu.memory_space<vmem>>) dst(%dma_wait3A_2325 : memref<80x256xf32, #tpu.memory_space<hbm>>)
      tpu.yield
    }) : () -> ()
    %dma_start3A_2254 = arith.constant 16 : i32
    %dma_start3A_2255 = arith.constant 0 : i32
    %dma_start3A_2256 = tpu.memref_slice %arg6[%dma_start3A_2254, %dma_start3A_2255] : memref<20x80xi32, #tpu.memory_space<vmem>> -> memref<1x80xi32, #tpu.memory_space<vmem>>
    %dma_start3A_2257 = tpu.memref_squeeze %dma_start3A_2256 : memref<1x80xi32, #tpu.memory_space<vmem>> -> memref<80xi32, #tpu.memory_space<vmem>>
    %dma_start3A_2258 = arith.constant 0 : i32
    %dma_start3A_2259 = arith.constant 0 : i32
    %dma_start3A_2260 = tpu.memref_slice %arg2[%dma_start3A_2258, %dma_start3A_2259] : memref<4800x256xf32, #tpu.memory_space<hbm>> -> memref<4800x256xf32, #tpu.memory_space<hbm>>
    tpu.enqueue_indirect_dma source(%dma_start3A_2260 : memref<4800x256xf32, #tpu.memory_space<hbm>>) target(%arg7 : memref<80x256xf32, #tpu.memory_space<vmem>>) offsets(%dma_start3A_2257 : memref<80xi32, #tpu.memory_space<vmem>>) semaphore(%arg8 : memref<!tpu.dma_semaphore, #tpu.memory_space<semaphore_mem>>)
    %dma_wait3A_2261 = arith.constant 16 : i32
    %dma_wait3A_2262 = arith.constant 0 : i32
    %dma_wait3A_2263 = tpu.memref_slice %arg6[%dma_wait3A_2261, %dma_wait3A_2262] : memref<20x80xi32, #tpu.memory_space<vmem>> -> memref<1x80xi32, #tpu.memory_space<vmem>>
    %dma_wait3A_2264 = tpu.memref_squeeze %dma_wait3A_2263 : memref<1x80xi32, #tpu.memory_space<vmem>> -> memref<80xi32, #tpu.memory_space<vmem>>
    %dma_wait3A_2265 = arith.constant 0 : i32
    %dma_wait3A_2266 = arith.constant 0 : i32
    %dma_wait3A_2267 = tpu.memref_slice %arg2[%dma_wait3A_2265, %dma_wait3A_2266] : memref<4800x256xf32, #tpu.memory_space<hbm>> -> memref<4800x256xf32, #tpu.memory_space<hbm>>
    tpu.wait_indirect_dma semaphore(%arg8 : memref<!tpu.dma_semaphore, #tpu.memory_space<semaphore_mem>>) src(%dma_wait3A_2267 : memref<4800x256xf32, #tpu.memory_space<hbm>>) dst(%arg7 : memref<80x256xf32, #tpu.memory_space<vmem>>)
    %add3A_2268 = arith.constant 1280 : i32
    %add3A_2269 = arith.addi %mul3A_2, %add3A_2268 : i32
    "tpu.region"() ({
      %run_scoped3A = tpu.sem_alloc : memref<!tpu.dma_semaphore, #tpu.memory_space<semaphore_mem>>
      %dma_start3A_2318 = arith.constant 0 : i32
      %dma_start3A_2319 = tpu.memref_slice %arg4[%add3A_2269, %dma_start3A_2318] : memref<51200x256xf32, #tpu.memory_space<hbm>> -> memref<80x256xf32, #tpu.memory_space<hbm>>
      %dma_start3A_2320 = arith.constant 0 : i32
      %dma_start3A_2321 = tpu.memref_slice %arg4[%add3A_2269, %dma_start3A_2320] : memref<51200x256xf32, #tpu.memory_space<hbm>> -> memref<80x256xf32, #tpu.memory_space<hbm>>
      tpu.enqueue_dma source(%arg7 : memref<80x256xf32, #tpu.memory_space<vmem>>) target(%dma_start3A_2321 : memref<80x256xf32, #tpu.memory_space<hbm>>) target_semaphore(%run_scoped3A : memref<!tpu.dma_semaphore, #tpu.memory_space<semaphore_mem>>)
      %dma_wait3A_2322 = arith.constant 0 : i32
      %dma_wait3A_2323 = tpu.memref_slice %arg4[%add3A_2269, %dma_wait3A_2322] : memref<51200x256xf32, #tpu.memory_space<hbm>> -> memref<80x256xf32, #tpu.memory_space<hbm>>
      %dma_wait3A_2324 = arith.constant 0 : i32
      %dma_wait3A_2325 = tpu.memref_slice %arg4[%add3A_2269, %dma_wait3A_2324] : memref<51200x256xf32, #tpu.memory_space<hbm>> -> memref<80x256xf32, #tpu.memory_space<hbm>>
      tpu.wait_dma2 semaphore(%run_scoped3A : memref<!tpu.dma_semaphore, #tpu.memory_space<semaphore_mem>>) src(%arg7 : memref<80x256xf32, #tpu.memory_space<vmem>>) dst(%dma_wait3A_2325 : memref<80x256xf32, #tpu.memory_space<hbm>>)
      tpu.yield
    }) : () -> ()
    %dma_start3A_2270 = arith.constant 17 : i32
    %dma_start3A_2271 = arith.constant 0 : i32
    %dma_start3A_2272 = tpu.memref_slice %arg6[%dma_start3A_2270, %dma_start3A_2271] : memref<20x80xi32, #tpu.memory_space<vmem>> -> memref<1x80xi32, #tpu.memory_space<vmem>>
    %dma_start3A_2273 = tpu.memref_squeeze %dma_start3A_2272 : memref<1x80xi32, #tpu.memory_space<vmem>> -> memref<80xi32, #tpu.memory_space<vmem>>
    %dma_start3A_2274 = arith.constant 0 : i32
    %dma_start3A_2275 = arith.constant 0 : i32
    %dma_start3A_2276 = tpu.memref_slice %arg2[%dma_start3A_2274, %dma_start3A_2275] : memref<4800x256xf32, #tpu.memory_space<hbm>> -> memref<4800x256xf32, #tpu.memory_space<hbm>>
    tpu.enqueue_indirect_dma source(%dma_start3A_2276 : memref<4800x256xf32, #tpu.memory_space<hbm>>) target(%arg7 : memref<80x256xf32, #tpu.memory_space<vmem>>) offsets(%dma_start3A_2273 : memref<80xi32, #tpu.memory_space<vmem>>) semaphore(%arg8 : memref<!tpu.dma_semaphore, #tpu.memory_space<semaphore_mem>>)
    %dma_wait3A_2277 = arith.constant 17 : i32
    %dma_wait3A_2278 = arith.constant 0 : i32
    %dma_wait3A_2279 = tpu.memref_slice %arg6[%dma_wait3A_2277, %dma_wait3A_2278] : memref<20x80xi32, #tpu.memory_space<vmem>> -> memref<1x80xi32, #tpu.memory_space<vmem>>
    %dma_wait3A_2280 = tpu.memref_squeeze %dma_wait3A_2279 : memref<1x80xi32, #tpu.memory_space<vmem>> -> memref<80xi32, #tpu.memory_space<vmem>>
    %dma_wait3A_2281 = arith.constant 0 : i32
    %dma_wait3A_2282 = arith.constant 0 : i32
    %dma_wait3A_2283 = tpu.memref_slice %arg2[%dma_wait3A_2281, %dma_wait3A_2282] : memref<4800x256xf32, #tpu.memory_space<hbm>> -> memref<4800x256xf32, #tpu.memory_space<hbm>>
    tpu.wait_indirect_dma semaphore(%arg8 : memref<!tpu.dma_semaphore, #tpu.memory_space<semaphore_mem>>) src(%dma_wait3A_2283 : memref<4800x256xf32, #tpu.memory_space<hbm>>) dst(%arg7 : memref<80x256xf32, #tpu.memory_space<vmem>>)
    %add3A_2284 = arith.constant 1360 : i32
    %add3A_2285 = arith.addi %mul3A_2, %add3A_2284 : i32
    "tpu.region"() ({
      %run_scoped3A = tpu.sem_alloc : memref<!tpu.dma_semaphore, #tpu.memory_space<semaphore_mem>>
      %dma_start3A_2318 = arith.constant 0 : i32
      %dma_start3A_2319 = tpu.memref_slice %arg4[%add3A_2285, %dma_start3A_2318] : memref<51200x256xf32, #tpu.memory_space<hbm>> -> memref<80x256xf32, #tpu.memory_space<hbm>>
      %dma_start3A_2320 = arith.constant 0 : i32
      %dma_start3A_2321 = tpu.memref_slice %arg4[%add3A_2285, %dma_start3A_2320] : memref<51200x256xf32, #tpu.memory_space<hbm>> -> memref<80x256xf32, #tpu.memory_space<hbm>>
      tpu.enqueue_dma source(%arg7 : memref<80x256xf32, #tpu.memory_space<vmem>>) target(%dma_start3A_2321 : memref<80x256xf32, #tpu.memory_space<hbm>>) target_semaphore(%run_scoped3A : memref<!tpu.dma_semaphore, #tpu.memory_space<semaphore_mem>>)
      %dma_wait3A_2322 = arith.constant 0 : i32
      %dma_wait3A_2323 = tpu.memref_slice %arg4[%add3A_2285, %dma_wait3A_2322] : memref<51200x256xf32, #tpu.memory_space<hbm>> -> memref<80x256xf32, #tpu.memory_space<hbm>>
      %dma_wait3A_2324 = arith.constant 0 : i32
      %dma_wait3A_2325 = tpu.memref_slice %arg4[%add3A_2285, %dma_wait3A_2324] : memref<51200x256xf32, #tpu.memory_space<hbm>> -> memref<80x256xf32, #tpu.memory_space<hbm>>
      tpu.wait_dma2 semaphore(%run_scoped3A : memref<!tpu.dma_semaphore, #tpu.memory_space<semaphore_mem>>) src(%arg7 : memref<80x256xf32, #tpu.memory_space<vmem>>) dst(%dma_wait3A_2325 : memref<80x256xf32, #tpu.memory_space<hbm>>)
      tpu.yield
    }) : () -> ()
    %dma_start3A_2286 = arith.constant 18 : i32
    %dma_start3A_2287 = arith.constant 0 : i32
    %dma_start3A_2288 = tpu.memref_slice %arg6[%dma_start3A_2286, %dma_start3A_2287] : memref<20x80xi32, #tpu.memory_space<vmem>> -> memref<1x80xi32, #tpu.memory_space<vmem>>
    %dma_start3A_2289 = tpu.memref_squeeze %dma_start3A_2288 : memref<1x80xi32, #tpu.memory_space<vmem>> -> memref<80xi32, #tpu.memory_space<vmem>>
    %dma_start3A_2290 = arith.constant 0 : i32
    %dma_start3A_2291 = arith.constant 0 : i32
    %dma_start3A_2292 = tpu.memref_slice %arg2[%dma_start3A_2290, %dma_start3A_2291] : memref<4800x256xf32, #tpu.memory_space<hbm>> -> memref<4800x256xf32, #tpu.memory_space<hbm>>
    tpu.enqueue_indirect_dma source(%dma_start3A_2292 : memref<4800x256xf32, #tpu.memory_space<hbm>>) target(%arg7 : memref<80x256xf32, #tpu.memory_space<vmem>>) offsets(%dma_start3A_2289 : memref<80xi32, #tpu.memory_space<vmem>>) semaphore(%arg8 : memref<!tpu.dma_semaphore, #tpu.memory_space<semaphore_mem>>)
    %dma_wait3A_2293 = arith.constant 18 : i32
    %dma_wait3A_2294 = arith.constant 0 : i32
    %dma_wait3A_2295 = tpu.memref_slice %arg6[%dma_wait3A_2293, %dma_wait3A_2294] : memref<20x80xi32, #tpu.memory_space<vmem>> -> memref<1x80xi32, #tpu.memory_space<vmem>>
    %dma_wait3A_2296 = tpu.memref_squeeze %dma_wait3A_2295 : memref<1x80xi32, #tpu.memory_space<vmem>> -> memref<80xi32, #tpu.memory_space<vmem>>
    %dma_wait3A_2297 = arith.constant 0 : i32
    %dma_wait3A_2298 = arith.constant 0 : i32
    %dma_wait3A_2299 = tpu.memref_slice %arg2[%dma_wait3A_2297, %dma_wait3A_2298] : memref<4800x256xf32, #tpu.memory_space<hbm>> -> memref<4800x256xf32, #tpu.memory_space<hbm>>
    tpu.wait_indirect_dma semaphore(%arg8 : memref<!tpu.dma_semaphore, #tpu.memory_space<semaphore_mem>>) src(%dma_wait3A_2299 : memref<4800x256xf32, #tpu.memory_space<hbm>>) dst(%arg7 : memref<80x256xf32, #tpu.memory_space<vmem>>)
    %add3A_2300 = arith.constant 1440 : i32
    %add3A_2301 = arith.addi %mul3A_2, %add3A_2300 : i32
    "tpu.region"() ({
      %run_scoped3A = tpu.sem_alloc : memref<!tpu.dma_semaphore, #tpu.memory_space<semaphore_mem>>
      %dma_start3A_2318 = arith.constant 0 : i32
      %dma_start3A_2319 = tpu.memref_slice %arg4[%add3A_2301, %dma_start3A_2318] : memref<51200x256xf32, #tpu.memory_space<hbm>> -> memref<80x256xf32, #tpu.memory_space<hbm>>
      %dma_start3A_2320 = arith.constant 0 : i32
      %dma_start3A_2321 = tpu.memref_slice %arg4[%add3A_2301, %dma_start3A_2320] : memref<51200x256xf32, #tpu.memory_space<hbm>> -> memref<80x256xf32, #tpu.memory_space<hbm>>
      tpu.enqueue_dma source(%arg7 : memref<80x256xf32, #tpu.memory_space<vmem>>) target(%dma_start3A_2321 : memref<80x256xf32, #tpu.memory_space<hbm>>) target_semaphore(%run_scoped3A : memref<!tpu.dma_semaphore, #tpu.memory_space<semaphore_mem>>)
      %dma_wait3A_2322 = arith.constant 0 : i32
      %dma_wait3A_2323 = tpu.memref_slice %arg4[%add3A_2301, %dma_wait3A_2322] : memref<51200x256xf32, #tpu.memory_space<hbm>> -> memref<80x256xf32, #tpu.memory_space<hbm>>
      %dma_wait3A_2324 = arith.constant 0 : i32
      %dma_wait3A_2325 = tpu.memref_slice %arg4[%add3A_2301, %dma_wait3A_2324] : memref<51200x256xf32, #tpu.memory_space<hbm>> -> memref<80x256xf32, #tpu.memory_space<hbm>>
      tpu.wait_dma2 semaphore(%run_scoped3A : memref<!tpu.dma_semaphore, #tpu.memory_space<semaphore_mem>>) src(%arg7 : memref<80x256xf32, #tpu.memory_space<vmem>>) dst(%dma_wait3A_2325 : memref<80x256xf32, #tpu.memory_space<hbm>>)
      tpu.yield
    }) : () -> ()
    %dma_start3A_2302 = arith.constant 19 : i32
    %dma_start3A_2303 = arith.constant 0 : i32
    %dma_start3A_2304 = tpu.memref_slice %arg6[%dma_start3A_2302, %dma_start3A_2303] : memref<20x80xi32, #tpu.memory_space<vmem>> -> memref<1x80xi32, #tpu.memory_space<vmem>>
    %dma_start3A_2305 = tpu.memref_squeeze %dma_start3A_2304 : memref<1x80xi32, #tpu.memory_space<vmem>> -> memref<80xi32, #tpu.memory_space<vmem>>
    %dma_start3A_2306 = arith.constant 0 : i32
    %dma_start3A_2307 = arith.constant 0 : i32
    %dma_start3A_2308 = tpu.memref_slice %arg2[%dma_start3A_2306, %dma_start3A_2307] : memref<4800x256xf32, #tpu.memory_space<hbm>> -> memref<4800x256xf32, #tpu.memory_space<hbm>>
    tpu.enqueue_indirect_dma source(%dma_start3A_2308 : memref<4800x256xf32, #tpu.memory_space<hbm>>) target(%arg7 : memref<80x256xf32, #tpu.memory_space<vmem>>) offsets(%dma_start3A_2305 : memref<80xi32, #tpu.memory_space<vmem>>) semaphore(%arg8 : memref<!tpu.dma_semaphore, #tpu.memory_space<semaphore_mem>>)
    %dma_wait3A_2309 = arith.constant 19 : i32
    %dma_wait3A_2310 = arith.constant 0 : i32
    %dma_wait3A_2311 = tpu.memref_slice %arg6[%dma_wait3A_2309, %dma_wait3A_2310] : memref<20x80xi32, #tpu.memory_space<vmem>> -> memref<1x80xi32, #tpu.memory_space<vmem>>
    %dma_wait3A_2312 = tpu.memref_squeeze %dma_wait3A_2311 : memref<1x80xi32, #tpu.memory_space<vmem>> -> memref<80xi32, #tpu.memory_space<vmem>>
    %dma_wait3A_2313 = arith.constant 0 : i32
    %dma_wait3A_2314 = arith.constant 0 : i32
    %dma_wait3A_2315 = tpu.memref_slice %arg2[%dma_wait3A_2313, %dma_wait3A_2314] : memref<4800x256xf32, #tpu.memory_space<hbm>> -> memref<4800x256xf32, #tpu.memory_space<hbm>>
    tpu.wait_indirect_dma semaphore(%arg8 : memref<!tpu.dma_semaphore, #tpu.memory_space<semaphore_mem>>) src(%dma_wait3A_2315 : memref<4800x256xf32, #tpu.memory_space<hbm>>) dst(%arg7 : memref<80x256xf32, #tpu.memory_space<vmem>>)
    %add3A_2316 = arith.constant 1520 : i32
    %add3A_2317 = arith.addi %mul3A_2, %add3A_2316 : i32
    "tpu.region"() ({
      %run_scoped3A = tpu.sem_alloc : memref<!tpu.dma_semaphore, #tpu.memory_space<semaphore_mem>>
      %dma_start3A_2318 = arith.constant 0 : i32
      %dma_start3A_2319 = tpu.memref_slice %arg4[%add3A_2317, %dma_start3A_2318] : memref<51200x256xf32, #tpu.memory_space<hbm>> -> memref<80x256xf32, #tpu.memory_space<hbm>>
      %dma_start3A_2320 = arith.constant 0 : i32
      %dma_start3A_2321 = tpu.memref_slice %arg4[%add3A_2317, %dma_start3A_2320] : memref<51200x256xf32, #tpu.memory_space<hbm>> -> memref<80x256xf32, #tpu.memory_space<hbm>>
      tpu.enqueue_dma source(%arg7 : memref<80x256xf32, #tpu.memory_space<vmem>>) target(%dma_start3A_2321 : memref<80x256xf32, #tpu.memory_space<hbm>>) target_semaphore(%run_scoped3A : memref<!tpu.dma_semaphore, #tpu.memory_space<semaphore_mem>>)
      %dma_wait3A_2322 = arith.constant 0 : i32
      %dma_wait3A_2323 = tpu.memref_slice %arg4[%add3A_2317, %dma_wait3A_2322] : memref<51200x256xf32, #tpu.memory_space<hbm>> -> memref<80x256xf32, #tpu.memory_space<hbm>>
      %dma_wait3A_2324 = arith.constant 0 : i32
      %dma_wait3A_2325 = tpu.memref_slice %arg4[%add3A_2317, %dma_wait3A_2324] : memref<51200x256xf32, #tpu.memory_space<hbm>> -> memref<80x256xf32, #tpu.memory_space<hbm>>
      tpu.wait_dma2 semaphore(%run_scoped3A : memref<!tpu.dma_semaphore, #tpu.memory_space<semaphore_mem>>) src(%arg7 : memref<80x256xf32, #tpu.memory_space<vmem>>) dst(%dma_wait3A_2325 : memref<80x256xf32, #tpu.memory_space<hbm>>)
      tpu.yield
    }) : () -> ()
    return
  }
}

module attributes {stable_mosaic.version = 14 : i64} {
  func.func @_table_body(%arg0: i32, %arg1: memref<480x8xf32, #tpu.memory_space<vmem>>, %arg2: memref<480x256xf32, #tpu.memory_space<vmem>>) attributes {dimension_semantics = [#tpu.dimension_semantics<arbitrary>], iteration_bounds = array<i64: 10>, scalar_prefetch = 0 : i64, scratch_operands = 0 : i64, tpu.core_type = #tpu.core_type<tc>, window_params = [{transform_indices = @transform_0, window_bounds = array<i64: 480, 8>}, {transform_indices = @transform_1, window_bounds = array<i64: 480, 256>}]} {
    %get3A = arith.constant 0 : index
    %get3A_0 = arith.constant 0 : index
    %get3A_1 = vector.load %arg1[%get3A, %get3A_0] : memref<480x8xf32, #tpu.memory_space<vmem>>, vector<480x8xf32>
    %slice3A = vector.extract_strided_slice %get3A_1 {offsets = [0, 0], sizes = [480, 1], strides = [1, 1]} : vector<480x8xf32> to vector<480x1xf32>
    %mul3A = arith.constant 2.000000e+00 : f32
    %mul3A_2 = vector.broadcast %mul3A : f32 to vector<480x1xf32>
    %mul3A_3 = arith.mulf %slice3A, %mul3A_2 : vector<480x1xf32>
    %slice3A_4 = vector.extract_strided_slice %get3A_1 {offsets = [0, 1], sizes = [480, 1], strides = [1, 1]} : vector<480x8xf32> to vector<480x1xf32>
    %slice3A_5 = vector.extract_strided_slice %get3A_1 {offsets = [0, 2], sizes = [480, 1], strides = [1, 1]} : vector<480x8xf32> to vector<480x1xf32>
    %slice3A_6 = vector.extract_strided_slice %get3A_1 {offsets = [0, 3], sizes = [480, 1], strides = [1, 1]} : vector<480x8xf32> to vector<480x1xf32>
    %slice3A_7 = vector.extract_strided_slice %get3A_1 {offsets = [0, 4], sizes = [480, 1], strides = [1, 1]} : vector<480x8xf32> to vector<480x1xf32>
    %slice3A_8 = vector.extract_strided_slice %get3A_1 {offsets = [0, 5], sizes = [480, 1], strides = [1, 1]} : vector<480x8xf32> to vector<480x1xf32>
    %neg3A = arith.constant 0.000000e+00 : f32
    %neg3A_9 = vector.broadcast %neg3A : f32 to vector<480x1xf32>
    %neg3A_10 = arith.subf %neg3A_9, %slice3A_8 : vector<480x1xf32>
    %exp3A = math.exp %neg3A_10 : vector<480x1xf32>
    %add3A = arith.constant 1.000000e+00 : f32
    %add3A_11 = vector.broadcast %add3A : f32 to vector<480x1xf32>
    %add3A_12 = arith.addf %add3A_11, %exp3A : vector<480x1xf32>
    %div3A = arith.constant 1.000000e+00 : f32
    %div3A_13 = vector.broadcast %div3A : f32 to vector<480x1xf32>
    %div3A_14 = arith.divf %div3A_13, %add3A_12 : vector<480x1xf32>
    %slice3A_15 = vector.extract_strided_slice %get3A_1 {offsets = [0, 6], sizes = [480, 1], strides = [1, 1]} : vector<480x8xf32> to vector<480x1xf32>
    %mul3A_16 = arith.constant 3.14159274 : f32
    %mul3A_17 = vector.broadcast %mul3A_16 : f32 to vector<480x1xf32>
    %mul3A_18 = arith.mulf %slice3A_15, %mul3A_17 : vector<480x1xf32>
    %iota3A = tpu.iota {dimensions = array<i32: 1>} : vector<480x64xi32>
    %convert_element_type3A = arith.sitofp %iota3A : vector<480x64xi32> to vector<480x64xf32>
    %mul3A_19 = arith.constant 480 : i32
    %mul3A_20 = arith.muli %arg0, %mul3A_19 : i32
    %iota3A_21 = tpu.iota {dimensions = array<i32: 0>} : vector<480x1xi32>
    %add3A_22 = vector.broadcast %mul3A_20 : i32 to vector<480x1xi32>
    %add3A_23 = arith.addi %add3A_22, %iota3A_21 : vector<480x1xi32>
    %jit3A = arith.constant 50 : i32
    %eq3A = arith.constant 0 : i32
    %eq3A_24 = arith.cmpi eq, %jit3A, %eq3A : i32
    %jit3A_25 = arith.constant 1 : i32
    %select_n3A = arith.select %eq3A_24, %jit3A_25, %jit3A : i32
    %rem3A = vector.broadcast %select_n3A : i32 to vector<480x1xi32>
    %rem3A_26 = arith.remsi %add3A_23, %rem3A : vector<480x1xi32>
    %ne3A = arith.constant 0 : i32
    %ne3A_27 = vector.broadcast %ne3A : i32 to vector<480x1xi32>
    %ne3A_28 = arith.cmpi ne, %rem3A_26, %ne3A_27 : vector<480x1xi32>
    %lt3A = arith.constant 0 : i32
    %lt3A_29 = vector.broadcast %lt3A : i32 to vector<480x1xi32>
    %lt3A_30 = arith.cmpi slt, %rem3A_26, %lt3A_29 : vector<480x1xi32>
    %lt3A_31 = arith.constant 0 : i32
    %lt3A_32 = arith.cmpi slt, %select_n3A, %lt3A_31 : i32
    %ne3A_33 = vector.broadcast %lt3A_32 : i1 to vector<480x1xi1>
    %ne3A_34 = vector.broadcast %ne3A_33 : vector<480x1xi1> to vector<480x1xi1>
    %ne3A_35 = arith.xori %lt3A_30, %ne3A_34 : vector<480x1xi1>
    %and3A = arith.andi %ne3A_35, %ne3A_28 : vector<480x1xi1>
    %add3A_36 = vector.broadcast %select_n3A : i32 to vector<480x1xi32>
    %add3A_37 = arith.addi %rem3A_26, %add3A_36 : vector<480x1xi32>
    %select_n3A_38 = arith.select %and3A, %add3A_37, %rem3A_26 : vector<480x1xi1>, vector<480x1xi32>
    %convert_element_type3A_39 = arith.sitofp %select_n3A_38 : vector<480x1xi32> to vector<480x1xf32>
    %mul3A_40 = arith.constant 0.314159274 : f32
    %mul3A_41 = vector.broadcast %mul3A_40 : f32 to vector<480x1xf32>
    %mul3A_42 = arith.mulf %convert_element_type3A_39, %mul3A_41 : vector<480x1xf32>
    %sin3A = math.sin %mul3A_42 : vector<480x1xf32>
    %sin3A_43 = math.sin %mul3A_3 : vector<480x1xf32>
    %cos3A = math.cos %mul3A_3 : vector<480x1xf32>
    %exp3A_44 = math.exp %div3A_14 : vector<480x1xf32>
    %mul3A_45 = vector.broadcast %mul3A_3 : vector<480x1xf32> to vector<480x64xf32>
    %mul3A_46 = arith.mulf %mul3A_45, %convert_element_type3A : vector<480x64xf32>
    %add3A_47 = vector.broadcast %mul3A_18 : vector<480x1xf32> to vector<480x64xf32>
    %add3A_48 = arith.addf %mul3A_46, %add3A_47 : vector<480x64xf32>
    %sin3A_49 = math.sin %add3A_48 : vector<480x64xf32>
    %cos3A_50 = math.cos %add3A_48 : vector<480x64xf32>
    %neg3A_51 = arith.constant 0.000000e+00 : f32
    %neg3A_52 = vector.broadcast %neg3A_51 : f32 to vector<480x1xf32>
    %neg3A_53 = arith.subf %neg3A_52, %div3A_14 : vector<480x1xf32>
    %mul3A_54 = vector.broadcast %neg3A_53 : vector<480x1xf32> to vector<480x64xf32>
    %mul3A_55 = arith.mulf %mul3A_54, %convert_element_type3A : vector<480x64xf32>
    %exp3A_56 = math.exp %mul3A_55 : vector<480x64xf32>
    %mul3A_57 = vector.broadcast %slice3A_4 : vector<480x1xf32> to vector<480x64xf32>
    %mul3A_58 = arith.mulf %mul3A_57, %sin3A_49 : vector<480x64xf32>
    %mul3A_59 = arith.constant 2.000000e+00 : f32
    %mul3A_60 = vector.broadcast %mul3A_59 : f32 to vector<480x64xf32>
    %mul3A_61 = arith.mulf %mul3A_60, %sin3A_49 : vector<480x64xf32>
    %mul3A_62 = arith.mulf %mul3A_61, %cos3A_50 : vector<480x64xf32>
    %mul3A_63 = vector.broadcast %slice3A_5 : vector<480x1xf32> to vector<480x64xf32>
    %mul3A_64 = arith.mulf %mul3A_63, %mul3A_62 : vector<480x64xf32>
    %add3A_65 = arith.addf %mul3A_58, %mul3A_64 : vector<480x64xf32>
    %mul3A_66 = arith.constant 4.000000e+00 : f32
    %mul3A_67 = vector.broadcast %mul3A_66 : f32 to vector<480x64xf32>
    %mul3A_68 = arith.mulf %mul3A_67, %sin3A_49 : vector<480x64xf32>
    %mul3A_69 = arith.mulf %mul3A_68, %sin3A_49 : vector<480x64xf32>
    %sub3A = arith.constant 3.000000e+00 : f32
    %sub3A_70 = vector.broadcast %sub3A : f32 to vector<480x64xf32>
    %sub3A_71 = arith.subf %sub3A_70, %mul3A_69 : vector<480x64xf32>
    %mul3A_72 = arith.mulf %sin3A_49, %sub3A_71 : vector<480x64xf32>
    %mul3A_73 = vector.broadcast %slice3A_6 : vector<480x1xf32> to vector<480x64xf32>
    %mul3A_74 = arith.mulf %mul3A_73, %mul3A_72 : vector<480x64xf32>
    %add3A_75 = arith.addf %add3A_65, %mul3A_74 : vector<480x64xf32>
    %mul3A_76 = arith.mulf %add3A_75, %exp3A_56 : vector<480x64xf32>
    %mul3A_77 = vector.broadcast %slice3A_7 : vector<480x1xf32> to vector<480x64xf32>
    %mul3A_78 = arith.mulf %mul3A_77, %convert_element_type3A : vector<480x64xf32>
    %mul3A_79 = vector.broadcast %sin3A : vector<480x1xf32> to vector<480x64xf32>
    %mul3A_80 = arith.mulf %mul3A_78, %mul3A_79 : vector<480x64xf32>
    %add3A_81 = arith.addf %mul3A_76, %mul3A_80 : vector<480x64xf32>
    %mul3A_82 = vector.broadcast %cos3A : vector<480x1xf32> to vector<480x64xf32>
    %mul3A_83 = arith.mulf %sin3A_49, %mul3A_82 : vector<480x64xf32>
    %mul3A_84 = vector.broadcast %sin3A_43 : vector<480x1xf32> to vector<480x64xf32>
    %mul3A_85 = arith.mulf %cos3A_50, %mul3A_84 : vector<480x64xf32>
    %sub3A_86 = arith.subf %mul3A_83, %mul3A_85 : vector<480x64xf32>
    %mul3A_87 = vector.broadcast %cos3A : vector<480x1xf32> to vector<480x64xf32>
    %mul3A_88 = arith.mulf %cos3A_50, %mul3A_87 : vector<480x64xf32>
    %mul3A_89 = vector.broadcast %sin3A_43 : vector<480x1xf32> to vector<480x64xf32>
    %mul3A_90 = arith.mulf %sin3A_49, %mul3A_89 : vector<480x64xf32>
    %add3A_91 = arith.addf %mul3A_88, %mul3A_90 : vector<480x64xf32>
    %mul3A_92 = vector.broadcast %exp3A_44 : vector<480x1xf32> to vector<480x64xf32>
    %mul3A_93 = arith.mulf %exp3A_56, %mul3A_92 : vector<480x64xf32>
    %mul3A_94 = vector.broadcast %slice3A_4 : vector<480x1xf32> to vector<480x64xf32>
    %mul3A_95 = arith.mulf %mul3A_94, %sub3A_86 : vector<480x64xf32>
    %mul3A_96 = arith.constant 2.000000e+00 : f32
    %mul3A_97 = vector.broadcast %mul3A_96 : f32 to vector<480x64xf32>
    %mul3A_98 = arith.mulf %mul3A_97, %sub3A_86 : vector<480x64xf32>
    %mul3A_99 = arith.mulf %mul3A_98, %add3A_91 : vector<480x64xf32>
    %mul3A_100 = vector.broadcast %slice3A_5 : vector<480x1xf32> to vector<480x64xf32>
    %mul3A_101 = arith.mulf %mul3A_100, %mul3A_99 : vector<480x64xf32>
    %add3A_102 = arith.addf %mul3A_95, %mul3A_101 : vector<480x64xf32>
    %mul3A_103 = arith.constant 4.000000e+00 : f32
    %mul3A_104 = vector.broadcast %mul3A_103 : f32 to vector<480x64xf32>
    %mul3A_105 = arith.mulf %mul3A_104, %sub3A_86 : vector<480x64xf32>
    %mul3A_106 = arith.mulf %mul3A_105, %sub3A_86 : vector<480x64xf32>
    %sub3A_107 = arith.constant 3.000000e+00 : f32
    %sub3A_108 = vector.broadcast %sub3A_107 : f32 to vector<480x64xf32>
    %sub3A_109 = arith.subf %sub3A_108, %mul3A_106 : vector<480x64xf32>
    %mul3A_110 = arith.mulf %sub3A_86, %sub3A_109 : vector<480x64xf32>
    %mul3A_111 = vector.broadcast %slice3A_6 : vector<480x1xf32> to vector<480x64xf32>
    %mul3A_112 = arith.mulf %mul3A_111, %mul3A_110 : vector<480x64xf32>
    %add3A_113 = arith.addf %add3A_102, %mul3A_112 : vector<480x64xf32>
    %mul3A_114 = arith.mulf %add3A_113, %mul3A_93 : vector<480x64xf32>
    %sub3A_115 = arith.constant 1.000000e+00 : f32
    %sub3A_116 = vector.broadcast %sub3A_115 : f32 to vector<480x64xf32>
    %sub3A_117 = arith.subf %convert_element_type3A, %sub3A_116 : vector<480x64xf32>
    %mul3A_118 = vector.broadcast %slice3A_7 : vector<480x1xf32> to vector<480x64xf32>
    %mul3A_119 = arith.mulf %mul3A_118, %sub3A_117 : vector<480x64xf32>
    %mul3A_120 = vector.broadcast %sin3A : vector<480x1xf32> to vector<480x64xf32>
    %mul3A_121 = arith.mulf %mul3A_119, %mul3A_120 : vector<480x64xf32>
    %add3A_122 = arith.addf %mul3A_114, %mul3A_121 : vector<480x64xf32>
    %mul3A_123 = arith.constant 6.300000e+01 : f32
    %mul3A_124 = vector.broadcast %mul3A_123 : f32 to vector<480x1xf32>
    %mul3A_125 = arith.mulf %mul3A_3, %mul3A_124 : vector<480x1xf32>
    %add3A_126 = arith.addf %mul3A_125, %mul3A_18 : vector<480x1xf32>
    %sin3A_127 = math.sin %add3A_126 : vector<480x1xf32>
    %cos3A_128 = math.cos %add3A_126 : vector<480x1xf32>
    %mul3A_129 = arith.constant -6.300000e+01 : f32
    %mul3A_130 = vector.broadcast %mul3A_129 : f32 to vector<480x1xf32>
    %mul3A_131 = arith.mulf %div3A_14, %mul3A_130 : vector<480x1xf32>
    %exp3A_132 = math.exp %mul3A_131 : vector<480x1xf32>
    %mul3A_133 = arith.mulf %slice3A_4, %sin3A_127 : vector<480x1xf32>
    %mul3A_134 = arith.constant 2.000000e+00 : f32
    %mul3A_135 = vector.broadcast %mul3A_134 : f32 to vector<480x1xf32>
    %mul3A_136 = arith.mulf %mul3A_135, %sin3A_127 : vector<480x1xf32>
    %mul3A_137 = arith.mulf %mul3A_136, %cos3A_128 : vector<480x1xf32>
    %mul3A_138 = arith.mulf %slice3A_5, %mul3A_137 : vector<480x1xf32>
    %add3A_139 = arith.addf %mul3A_133, %mul3A_138 : vector<480x1xf32>
    %mul3A_140 = arith.constant 4.000000e+00 : f32
    %mul3A_141 = vector.broadcast %mul3A_140 : f32 to vector<480x1xf32>
    %mul3A_142 = arith.mulf %mul3A_141, %sin3A_127 : vector<480x1xf32>
    %mul3A_143 = arith.mulf %mul3A_142, %sin3A_127 : vector<480x1xf32>
    %sub3A_144 = arith.constant 3.000000e+00 : f32
    %sub3A_145 = vector.broadcast %sub3A_144 : f32 to vector<480x1xf32>
    %sub3A_146 = arith.subf %sub3A_145, %mul3A_143 : vector<480x1xf32>
    %mul3A_147 = arith.mulf %sin3A_127, %sub3A_146 : vector<480x1xf32>
    %mul3A_148 = arith.mulf %slice3A_6, %mul3A_147 : vector<480x1xf32>
    %add3A_149 = arith.addf %add3A_139, %mul3A_148 : vector<480x1xf32>
    %mul3A_150 = arith.mulf %add3A_149, %exp3A_132 : vector<480x1xf32>
    %mul3A_151 = arith.constant 6.300000e+01 : f32
    %mul3A_152 = vector.broadcast %mul3A_151 : f32 to vector<480x1xf32>
    %mul3A_153 = arith.mulf %mul3A_152, %sin3A : vector<480x1xf32>
    %mul3A_154 = arith.mulf %slice3A_7, %mul3A_153 : vector<480x1xf32>
    %add3A_155 = arith.addf %mul3A_150, %mul3A_154 : vector<480x1xf32>
    %eq3A_156 = arith.constant 0 : i32
    %eq3A_157 = vector.broadcast %eq3A_156 : i32 to vector<480x64xi32>
    %eq3A_158 = arith.cmpi eq, %iota3A, %eq3A_157 : vector<480x64xi32>
    %broadcast_in_dim3A = vector.shape_cast %add3A_155 : vector<480x1xf32> to vector<480x1xf32>
    %broadcast_in_dim3A_159 = vector.broadcast %broadcast_in_dim3A : vector<480x1xf32> to vector<480x64xf32>
    %select_n3A_160 = arith.select %eq3A_158, %broadcast_in_dim3A_159, %add3A_122 : vector<480x64xi1>, vector<480x64xf32>
    %add3A_161 = arith.constant 1.57079637 : f32
    %add3A_162 = vector.broadcast %add3A_161 : f32 to vector<480x64xf32>
    %add3A_163 = arith.addf %add3A_81, %add3A_162 : vector<480x64xf32>
    %concatenate3A = tpu.concatenate %add3A_81, %add3A_163 in 1 : vector<480x64xf32>, vector<480x64xf32> -> vector<480x128xf32>
    %sin3A_164 = math.sin %concatenate3A : vector<480x128xf32>
    %iota3A_165 = tpu.iota {dimensions = array<i32: 0>} : vector<128x256xi32>
    %iota3A_166 = tpu.iota {dimensions = array<i32: 1>} : vector<128x256xi32>
    %jit3A_167 = arith.constant 4 : i32
    %div3A_168 = vector.broadcast %jit3A_167 : i32 to vector<128x256xi32>
    %div3A_169 = arith.divsi %iota3A_166, %div3A_168 : vector<128x256xi32>
    %sign3A = arith.constant 0 : i32
    %sign3A_170 = vector.broadcast %sign3A : i32 to vector<128x256xi32>
    %sign3A_171 = arith.cmpi sgt, %iota3A_166, %sign3A_170 : vector<128x256xi32>
    %sign3A_172 = arith.extui %sign3A_171 : vector<128x256xi1> to vector<128x256xi32>
    %sign3A_173 = arith.constant 0 : i32
    %sign3A_174 = vector.broadcast %sign3A_173 : i32 to vector<128x256xi32>
    %sign3A_175 = arith.cmpi slt, %iota3A_166, %sign3A_174 : vector<128x256xi32>
    %sign3A_176 = arith.extui %sign3A_175 : vector<128x256xi1> to vector<128x256xi32>
    %sign3A_177 = arith.subi %sign3A_172, %sign3A_176 : vector<128x256xi32>
    %sign3A_178 = arith.constant 0 : i32
    %sign3A_179 = arith.cmpi sgt, %jit3A_167, %sign3A_178 : i32
    %sign3A_180 = arith.extui %sign3A_179 : i1 to i32
    %sign3A_181 = arith.constant 0 : i32
    %sign3A_182 = arith.cmpi slt, %jit3A_167, %sign3A_181 : i32
    %sign3A_183 = arith.extui %sign3A_182 : i1 to i32
    %sign3A_184 = arith.subi %sign3A_180, %sign3A_183 : i32
    %ne3A_185 = vector.broadcast %sign3A_184 : i32 to vector<128x256xi32>
    %ne3A_186 = arith.cmpi ne, %sign3A_177, %ne3A_185 : vector<128x256xi32>
    %rem3A_187 = vector.broadcast %jit3A_167 : i32 to vector<128x256xi32>
    %rem3A_188 = arith.remsi %iota3A_166, %rem3A_187 : vector<128x256xi32>
    %ne3A_189 = arith.constant 0 : i32
    %ne3A_190 = vector.broadcast %ne3A_189 : i32 to vector<128x256xi32>
    %ne3A_191 = arith.cmpi ne, %rem3A_188, %ne3A_190 : vector<128x256xi32>
    %and3A_192 = arith.andi %ne3A_186, %ne3A_191 : vector<128x256xi1>
    %sub3A_193 = arith.constant 1 : i32
    %sub3A_194 = vector.broadcast %sub3A_193 : i32 to vector<128x256xi32>
    %sub3A_195 = arith.subi %div3A_169, %sub3A_194 : vector<128x256xi32>
    %select_n3A_196 = arith.select %and3A_192, %sub3A_195, %div3A_169 : vector<128x256xi1>, vector<128x256xi32>
    %jit3A_197 = arith.constant 4 : i32
    %eq3A_198 = arith.constant 0 : i32
    %eq3A_199 = arith.cmpi eq, %jit3A_197, %eq3A_198 : i32
    %jit3A_200 = arith.constant 1 : i32
    %select_n3A_201 = arith.select %eq3A_199, %jit3A_200, %jit3A_197 : i32
    %rem3A_202 = vector.broadcast %select_n3A_201 : i32 to vector<128x256xi32>
    %rem3A_203 = arith.remsi %iota3A_166, %rem3A_202 : vector<128x256xi32>
    %ne3A_204 = arith.constant 0 : i32
    %ne3A_205 = vector.broadcast %ne3A_204 : i32 to vector<128x256xi32>
    %ne3A_206 = arith.cmpi ne, %rem3A_203, %ne3A_205 : vector<128x256xi32>
    %lt3A_207 = arith.constant 0 : i32
    %lt3A_208 = vector.broadcast %lt3A_207 : i32 to vector<128x256xi32>
    %lt3A_209 = arith.cmpi slt, %rem3A_203, %lt3A_208 : vector<128x256xi32>
    %lt3A_210 = arith.constant 0 : i32
    %lt3A_211 = arith.cmpi slt, %select_n3A_201, %lt3A_210 : i32
    %ne3A_212 = vector.broadcast %lt3A_211 : i1 to vector<128x256xi1>
    %ne3A_213 = vector.broadcast %ne3A_212 : vector<128x256xi1> to vector<128x256xi1>
    %ne3A_214 = arith.xori %lt3A_209, %ne3A_213 : vector<128x256xi1>
    %and3A_215 = arith.andi %ne3A_214, %ne3A_206 : vector<128x256xi1>
    %add3A_216 = vector.broadcast %select_n3A_201 : i32 to vector<128x256xi32>
    %add3A_217 = arith.addi %rem3A_203, %add3A_216 : vector<128x256xi32>
    %select_n3A_218 = arith.select %and3A_215, %add3A_217, %rem3A_203 : vector<128x256xi1>, vector<128x256xi32>
    %eq3A_219 = arith.cmpi eq, %iota3A_165, %select_n3A_196 : vector<128x256xi32>
    %eq3A_220 = arith.constant 0 : i32
    %eq3A_221 = vector.broadcast %eq3A_220 : i32 to vector<128x256xi32>
    %eq3A_222 = arith.cmpi eq, %select_n3A_218, %eq3A_221 : vector<128x256xi32>
    %and3A_223 = arith.andi %eq3A_219, %eq3A_222 : vector<128x256xi1>
    %add3A_224 = arith.constant 64 : i32
    %add3A_225 = vector.broadcast %add3A_224 : i32 to vector<128x256xi32>
    %add3A_226 = arith.addi %select_n3A_196, %add3A_225 : vector<128x256xi32>
    %eq3A_227 = arith.cmpi eq, %iota3A_165, %add3A_226 : vector<128x256xi32>
    %eq3A_228 = arith.constant 1 : i32
    %eq3A_229 = vector.broadcast %eq3A_228 : i32 to vector<128x256xi32>
    %eq3A_230 = arith.cmpi eq, %select_n3A_218, %eq3A_229 : vector<128x256xi32>
    %and3A_231 = arith.andi %eq3A_227, %eq3A_230 : vector<128x256xi1>
    %or3A = arith.ori %and3A_223, %and3A_231 : vector<128x256xi1>
    %convert_element_type3A_232 = arith.extui %or3A : vector<128x256xi1> to vector<128x256xi32>
    %convert_element_type3A_233 = arith.sitofp %convert_element_type3A_232 : vector<128x256xi32> to vector<128x256xf32>
    %eq3A_234 = arith.cmpi eq, %iota3A_165, %select_n3A_196 : vector<128x256xi32>
    %eq3A_235 = arith.constant 2 : i32
    %eq3A_236 = vector.broadcast %eq3A_235 : i32 to vector<128x256xi32>
    %eq3A_237 = arith.cmpi eq, %select_n3A_218, %eq3A_236 : vector<128x256xi32>
    %and3A_238 = arith.andi %eq3A_234, %eq3A_237 : vector<128x256xi1>
    %add3A_239 = arith.constant 64 : i32
    %add3A_240 = vector.broadcast %add3A_239 : i32 to vector<128x256xi32>
    %add3A_241 = arith.addi %select_n3A_196, %add3A_240 : vector<128x256xi32>
    %eq3A_242 = arith.cmpi eq, %iota3A_165, %add3A_241 : vector<128x256xi32>
    %eq3A_243 = arith.constant 3 : i32
    %eq3A_244 = vector.broadcast %eq3A_243 : i32 to vector<128x256xi32>
    %eq3A_245 = arith.cmpi eq, %select_n3A_218, %eq3A_244 : vector<128x256xi32>
    %and3A_246 = arith.andi %eq3A_242, %eq3A_245 : vector<128x256xi1>
    %or3A_247 = arith.ori %and3A_238, %and3A_246 : vector<128x256xi1>
    %convert_element_type3A_248 = arith.extui %or3A_247 : vector<128x256xi1> to vector<128x256xi32>
    %convert_element_type3A_249 = arith.sitofp %convert_element_type3A_248 : vector<128x256xi32> to vector<128x256xf32>
    %concatenate3A_250 = tpu.concatenate %add3A_81, %select_n3A_160 in 1 : vector<480x64xf32>, vector<480x64xf32> -> vector<480x128xf32>
    %dot_general3A = arith.constant dense<0.000000e+00> : vector<480x256xf32>
    %dot_general3A_251 = tpu.matmul %concatenate3A_250, %convert_element_type3A_233, %dot_general3A {dimension_numbers = #tpu.dot_dimension_numbers<[1], [0], [0], [1], [0, 0, 1, 1], [], []>, precision = #tpu.contract_precision<fp32>, transpose_lhs_hint = false} : vector<480x128xf32>, vector<128x256xf32>, vector<480x256xf32> -> vector<480x256xf32>
    %dot_general3A_252 = arith.constant dense<0.000000e+00> : vector<480x256xf32>
    %dot_general3A_253 = tpu.matmul %sin3A_164, %convert_element_type3A_249, %dot_general3A_252 {dimension_numbers = #tpu.dot_dimension_numbers<[1], [0], [0], [1], [0, 0, 1, 1], [], []>, precision = #tpu.contract_precision<fp32>, transpose_lhs_hint = false} : vector<480x128xf32>, vector<128x256xf32>, vector<480x256xf32> -> vector<480x256xf32>
    %add3A_254 = arith.addf %dot_general3A_251, %dot_general3A_253 : vector<480x256xf32>
    %swap3A = arith.constant 0 : index
    %swap3A_255 = arith.constant 0 : index
    %swap3A_256 = vector.load %arg2[%swap3A, %swap3A_255] : memref<480x256xf32, #tpu.memory_space<vmem>>, vector<480x256xf32>
    tpu.vector_store %arg2[%swap3A, %swap3A_255], %add3A_254 {strides = array<i32>} : memref<480x256xf32, #tpu.memory_space<vmem>>, vector<480x256xf32>,
    return
  }
  func.func @transform_0(%arg0: i32) -> (i32, i32) {
    %c0_i32 = arith.constant 0 : i32
    %c0_i32_0 = arith.constant 0 : i32
    return %arg0, %c0_i32 : i32, i32
  }
  func.func @transform_1(%arg0: i32) -> (i32, i32) {
    %c0_i32 = arith.constant 0 : i32
    %c0_i32_0 = arith.constant 0 : i32
    return %arg0, %c0_i32 : i32, i32
  }
}

</mosaic_0001>

<sc_bundles>
// kernel: kernel.4.cloned.1.call-start
scs
__scs_entry_jumppad:
0x0: {  	(pc) =	sbr.rel $0x88, $3  }
0x1: {  	(tag) =	ssettag $0x0;
	lr =	simm.s32 $0x1  }
0x2: {  	[smem:$0x3F9F] =	sst lr;
	_ =	strace $0xD0000000  }
0x3: {  	_ = 	snop  }
0x4: {  	_ = 	snop  }
0x5: {  	_ = 	snop  }
0x6: {  	_ = 	snop  }
0x7: {  	_ = 	snop  }
__scs_overlays_trampoline_lowered:
0x8: {  	[smem:$0x3FAE] =	sst s0  }
0x9: {  	[smem:$0x3FAF] =	sst s1  }
0xa: {  	[smem:$0x3FB0] =	sst s2  }
0xb: {  	[smem:$0x3FB1] =	sst s3  }
0xc: {  	[smem:$0x3FB2] =	sst s4  }
0xd: {  	[smem:$0x3FB3] =	sst s5  }
0xe: {  	[smem:$0x3FB4] =	sst s6  }
0xf: {  	[smem:$0x3FB5] =	sst s7  }
0x10: {  	[smem:$0x3FB6] =	sst s8  }
0x11: {  	[smem:$0x3FB7] =	sst s9;
	s0 =	simm.s32 @!p0 $0x0  }
0x12: {  	s1 =	sld [smem:$0x3F9D];
	s0 =	simm.s32 @p0 $0x1  }
0x13: {  	[smem:$0x3FB8] =	sst s0;
	s0 =	simm.s32 @!p1 $0x0  }
0x14: {  	s2 =	sld [smem:$0x3F9C];
	s0 =	simm.s32 @p1 $0x1  }
0x15: {  	[smem:$0x3FB9] =	sst s0;
	s0 =	simm.s32 @!p2 $0x0  }
0x16: {  	s3 =	sld [smem:$0x3FDB];
	s0 =	simm.s32 @p2 $0x1  }
0x17: {  	s4 =	simm.s32 $0x1BF5;
	[smem:$0x3FBB] =	sst s0  }
0x18: {  	s0 =	sld [smem:$0x3F9E];
	_ =	swait.ge [sflag:s4], $0x0  }
0x19: {  	s7 =	sld [smem:$0x3F9F]  }
0x1a: {  	s8 =	sadd.s32 $0xFFFFE003, lr  }
0x1b: {  	s9 =	sadd.s32 $0xFFFFFEF7, lr;
	s5 =	simm.s32 $0xFFFFFFFF;
	p2 =	slt.u32 s8, $0xFFFFF086  }
0x1c: {  	p1 =	slt.u32 s9, $0xF7A;
	s5 =	simm.s32 @!p2 $0x0  }
0x1d: {  	s5 =	simm.s32 @p1 $0x1;
	p0 =	seq.s32 s7, s2  }
0x1e: {  	s7 =	smul.u32 @!p0 $0xF7A, s2;
	p2 =	seq.s32 @!p0 s5, $0x0  }
0x1f: {  	s9 =	smul.u32 $0xF7A, s1;
	s8 =	simm.s32 @!p0 $0x1BF5;
	p2 =	por !p2, p0  }
0x20: {  	[sflag:s8] =	ssyncset.s32 @!p0 $0xFFFFF086;
	s6 =	sadd.s32 @!p0 s3, s7;
	s7 =	simm.s32 @!p0 $0x108  }
0x21: {  	s3 =	sadd.s32 s3, s9;
	s6 =	sadd.s32 @!p0 $0x88, s6;
	s7 =	simm.s32 @p2 $0x1082  }
0x22: {  	[simem:s7], [sflag:s8] =	dma.local @!p0 [hbm:s6], $0xF7A  }
0x23: {  	s9 =	sor.u32 $0xD0000000, s2;
	s6 =	simm.s32 $0x108;
	_ =	swait.ge @!p0 [sflag:s8], $0x0  }
0x24: {  	s3 =	sadd.s32 $0x88, s3;
	s6 =	simm.s32 @!p1 $0x1082;
	[sflag:s4] =	ssyncset.s32 $0xFFFFF086  }
0x25: {  	[simem:s6], [sflag:s4] =	dma.local [hbm:s3], $0xF7A  }
0x26: {  	[smem:$0x3F9F] =	sst s1;
	(tag) =	ssettag s2;
	_ =	strace s9  }
0x27: {  	s1 =	sld [smem:$0x3FAF]  }
0x28: {  	s2 =	sld [smem:$0x3FB0]  }
0x29: {  	s4 =	sld [smem:$0x3FB2]  }
0x2a: {  	p0 =	seq.s32 s5, $0x0;
	s5 =	sld [smem:$0x3FB3]  }
0x2b: {  	s6 =	sld [smem:$0x3FB4]  }
0x2c: {  	s7 =	sld [smem:$0x3FB5]  }
0x2d: {  	s3 =	simm.s32 $0x108;
	s8 =	sld [smem:$0x3FB6]  }
0x2e: {  	s3 =	simm.s32 @!p0 $0x1082;
	s9 =	sld [smem:$0x3FB7]  }
0x2f: {  	lr =	sadd.s32 s0, s3;
	s0 =	sld [smem:$0x3FAE]  }
0x30: {  	s3 =	sld [smem:$0x3FB1]  }
0x31: {  	[smem:$0x3FBA] =	sst s10  }
0x32: {  	s10 =	sld [smem:$0x3FB8];
	_ =	sdelay $0x3  }
0x33: {  	p0 =	seq.s32 s10, $0x1;
	s10 =	sld [smem:$0x3FBA];
	_ =	sdelay $0x3  }
0x34: {  	[smem:$0x3FBA] =	sst s10  }
0x35: {  	s10 =	sld [smem:$0x3FB9];
	_ =	sdelay $0x3  }
0x36: {  	p1 =	seq.s32 s10, $0x1;
	s10 =	sld [smem:$0x3FBA];
	_ =	sdelay $0x3  }
0x37: {  	[smem:$0x3FBA] =	sst s10  }
0x38: {  	s10 =	sld [smem:$0x3FBB]  }
0x39: {  	_ = 	snop;
	(pc) =	sbr.ind lr, $3  }
0x3a: {  	_ = 	snop  }
0x3b: {  	_ = 	snop  }
0x3c: {  	p2 =	seq.s32 s10, $0x1;
	s10 =	sld [smem:$0x3FBA]  }
0x3d: {  	_ =	shalt  }
0x3e: {  	_ =	shalt  }
0x3f: {  	_ =	shalt  }
0x40: {  	_ =	shalt  }
0x41: {  	_ =	shalt  }
0x42: {  	_ =	shalt  }
0x43: {  	_ =	shalt  }
0x44: {  	_ =	shalt  }
0x45: {  	_ =	shalt  }
0x46: {  	_ =	shalt  }
0x47: {  	_ =	shalt  }
0x48: {  	_ =	shalt  }
0x49: {  	_ =	shalt  }
0x4a: {  	_ =	shalt  }
0x4b: {  	_ =	shalt  }
0x4c: {  	_ =	shalt  }
0x4d: {  	_ =	shalt  }
0x4e: {  	_ =	shalt  }
0x4f: {  	_ =	shalt  }
0x50: {  	_ =	shalt  }
0x51: {  	_ =	shalt  }
0x52: {  	_ =	shalt  }
0x53: {  	_ =	shalt  }
0x54: {  	_ =	shalt  }
0x55: {  	_ =	shalt  }
0x56: {  	_ =	shalt  }
0x57: {  	_ =	shalt  }
0x58: {  	_ =	shalt  }
0x59: {  	_ =	shalt  }
0x5a: {  	_ =	shalt  }
0x5b: {  	_ =	shalt  }
0x5c: {  	_ =	shalt  }
0x5d: {  	_ =	shalt  }
0x5e: {  	_ =	shalt  }
0x5f: {  	_ =	shalt  }
0x60: {  	_ =	shalt  }
0x61: {  	_ =	shalt  }
0x62: {  	_ =	shalt  }
0x63: {  	_ =	shalt  }
0x64: {  	_ =	shalt  }
0x65: {  	_ =	shalt  }
0x66: {  	_ =	shalt  }
0x67: {  	_ =	shalt  }
0x68: {  	_ =	shalt  }
0x69: {  	_ =	shalt  }
0x6a: {  	_ =	shalt  }
0x6b: {  	_ =	shalt  }
0x6c: {  	_ =	shalt  }
0x6d: {  	_ =	shalt  }
0x6e: {  	_ =	shalt  }
0x6f: {  	_ =	shalt  }
0x70: {  	_ =	shalt  }
0x71: {  	_ =	shalt  }
0x72: {  	_ =	shalt  }
0x73: {  	_ =	shalt  }
0x74: {  	_ =	shalt  }
0x75: {  	_ =	shalt  }
0x76: {  	_ =	shalt  }
0x77: {  	_ =	shalt  }
0x78: {  	_ =	shalt  }
0x79: {  	_ =	shalt  }
0x7a: {  	_ =	shalt  }
0x7b: {  	_ =	shalt  }
0x7c: {  	_ =	shalt  }
0x7d: {  	_ =	shalt  }
0x7e: {  	_ =	shalt  }
0x7f: {  	_ =	shalt  }
0x80: {  	_ =	shalt  }
0x81: {  	_ =	shalt  }
0x82: {  	_ =	shalt  }
0x83: {  	_ =	shalt  }
0x84: {  	_ =	shalt  }
0x85: {  	_ =	shalt  }
0x86: {  	_ =	shalt  }
0x87: {  	_ =	shalt  }
.Lfunc_end0:
.L_simem_size_0:
called_computation.1_lowered:
.L_overlay_start_0:
0x88: {  	s2 =	sld [smem:$0x3FD9]  }
0x89: {  	s3 =	sld [smem:$0x3FFE];
	_ =	sdelay $0x1  }
0x8a: {  	s1 =	srdreg.scid  }
0x8b: {  	s0 =	sand.u32 $0x1, s1  }
0x8c: {  	s17 =	sshll.u32 s0, $0xA;
	s2 =	sadd.s32 s3, s2  }
0x8d: {  	s2 =	sadd.s32 s2, s17  }
0x8e: {  	[smem:$0x3FC6] =	sst s2  }
0x8f: {  	_ = 	snop  }
0x90: {  	s2 =	sld [smem:$0x3FD0];
	(tm) =	ssettm $0x1  }
0x91: {  	s18 =	sld [smem:$0x3FFB];
	_ =	sdelay $0x3  }
0x92: {  	_ =	strace s18  }
0x93: {  	s3 =	sld [smem:$0x3FFC];
	_ =	sdelay $0x3  }
0x94: {  	_ =	strace s3  }
0x95: {  	s3 =	sld [smem:$0x3FFD];
	_ =	sdelay $0x3  }
0x96: {  	_ =	strace s3  }
0x97: {  	_ =	strace $0x8FFFFFFF  }
0x98: {  	s19 =	sld [smem:$0x3FDB];
	_ =	sdelay $0x1  }
0x99: {  	s4 =	simm.s32 $_scs_section_size  }
0x9a: {  	s5 =	simm.s32 $_size__tile_overlayer_lowered;
	s6 =	simm.s32 $_tile_overlayer_lowered  }
0x9b: {  	s22 =	simm.s32 $0x1BFF;
	s21 =	sshll.u32 s6, $0x1;
	s3 =	sadd.s32 s4, s19  }
0x9c: {  	s7 =	simm.s32 $0x0;
	s20 =	sshll.u32 s5, $0x1;
	s5 =	sadd.s32 s21, s3  }
0x9d: {  	[timem:s7], [sflag:s22] =	dma.local [hbm:s5], s20  }
0x9e: {  	_ =	swait.ge [sflag:s22], s20  }
0x9f: {  	s4 =	ssub.s32 $0x0, s20;
	[sflag:s22] =	ssyncset.done $0x0  }
0xa0: {  	[sflag:s22] =	ssyncadd.s32 s4;
	_ =	sdelay $0x1  }
0xa1: {  	s23 =	simm.s32 $0x1B8B  }
0xa2: {  	_ =	swait.ge [sflag:s23], $0x1  }
0xa3: {  	[sflag:s23] =	ssyncset.done $0x0  }
0xa4: {  	s25 =	simm.s32 $0x1B8E;
	s24 =	sld [smem:$0x3FFE];
	[sflag:s23] =	ssyncadd.s32 $0xFFFFFFFF  }
0xa5: {  	s26 =	simm.s32 $execute0_lowered;
	[smem:$0x3FD2] =	sst s25  }
0xa6: {  	s5 =	sshll.u32 s26, $0x1;
	_ =	strace $0x80000046;
	[dreg:$0x1] =	wrdreg $0xFFFFFFFF  }
0xa7: {  	s28 =	simm.s32 $_size_execute0_lowered;
	s3 =	sadd.s32 s3, s5;
	[dreg:$0x0] =	wrdreg $0x0  }
0xa8: {  	s5 =	sshll.u32 s28, $0x1;
	[dreg:$0x2] =	wrdreg s3  }
0xa9: {  	[dreg:$0x3] =	wrdreg s5  }
0xaa: {  	[dreg:$0x4] =	wrdreg $0xC0  }
0xab: {  	_ =	task [dreg:s7], $0x5FFFF  }
0xac: {  	[dreg:$0x1] =	wrdreg $0xFFFFFFFF  }
0xad: {  	[dreg:$0x0] =	wrdreg $0x60  }
0xae: {  	[dreg:$0x2] =	wrdreg s2  }
0xaf: {  	[dreg:$0x3] =	wrdreg s24  }
0xb0: {  	[dreg:$0x4] =	wrdreg $0x9  }
0xb1: {  	_ =	task.clear_ibuf [dreg:s7], $0x5FFFF;
	_ =	strace $0x90000046  }
0xb2: {  	s29 =	simm.s32 $0x9;
	_ =	strace $0x80000048  }
0xb3: {  	_ =	swait.ge [sflag:s29], $0x1  }
0xb4: {  	[sflag:s29] =	ssyncadd.s32 $0xFFFFFFFF  }
0xb5: {  	_ =	strace $0x90000048  }
0xb6: {  	_ =	sfence  }
0xb7: {  	s30 =	sld [smem:$0x0];
	_ =	sdelay $0x2  }
0xb8: {  	s31 =	sshll.u32 s1, $0xD;
	s1 =	sshrl.u32 s1, $0x2  }
0xb9: {  	s3 =	sand.u32 $0x4000, s31;
	s1 =	sadd.s32 s1, s30  }
0xba: {  	s0 =	sor.u32 s3, s0;
	s1 =	sshll.u32 s1, $0x11  }
0xbb: {  	s0 =	sor.u32 s1, s0  }
0xbc: {  	s0 =	sadd.s32 $0x8F2B, s0  }
0xbd: {  	[sflag:s0] =	ssyncadd.remote.s32 $0x1  }
0xbe: {  	_ =	sfence.sel $0xFFFF  }
0xbf: {  	[dreg:$0x0] =	wrdreg $0xFFFFFFFF;
	(pc) =	sbr.abs _section_cstart, $3  }
0xc0: {  	[dreg:$0x1] =	wrdreg $0xFFFFFFFF  }
0xc1: {  	_ =	task.clear_ibuf [dreg:s7], $0x2FFFF;
	_ =	strace $0x9FFFFFFF  }
0xc2: {  	(tm) =	ssettm $0x7FFFFFFF  }
0xc3: {  	_ =	shalt  }
tec
execute0_lowered:
.L_overlay_start_1:
0x0: {  	(tag) =	ssettag $0x1  }
0x1: {  	s1 =	srdreg.scid;
	s0 =	stileid.u32  }
0x2: {  	s4 =	sand.u32 $0x1, s1;
	s10 =	sshll.u32 s0, $0x1  }
0x3: {  	s5 =	sor.u32 s4, s10  }
0x4: {  	s2 =	smul.u32 $0x640, s5  }
0x5: {  	v0 =	vlaneseq.u32  }
0x6: {  	v1 =	vor.u32 s2, v0;
	s11 =	sor.u32 $0x10, s2  }
0x7: {  	s12 =	sor.u32 $0x20, s2;
	v2 =	vmulhi.u32 $0x51EB851F, v1;
	v3 =	vor.u32 s11, v0  }
0x8: {  	s13 =	sor.u32 $0x30, s2;
	v5 =	vor.u32 s12, v0;
	v4 =	vmulhi.u32 $0x51EB851F, v3  }
0x9: {  	v7 =	vor.u32 s13, v0;
	v6 =	vmulhi.u32 $0x51EB851F, v5;
	v2 =	vshrl.u32 v2, $0x4  }
0xa: {  	v8 =	vmulhi.u32 $0x51EB851F, v7;
	v2 =	vmul.u32 $0x32, v2;
	v4 =	vshrl.u32 v4, $0x4  }
0xb: {  	v6 =	vshrl.u32 v6, $0x4;
	v4 =	vmul.u32 $0x32, v4  }
0xc: {  	v8 =	vshrl.u32 v8, $0x4;
	v6 =	vmul.u32 $0x32, v6;
	v1 =	vsub.s32 v1, v2  }
0xd: {  	v8 =	vmul.u32 $0x32, v8;
	[tilespmem:$0x1FCF0] =	vst v1;
	v1 =	vsub.s32 v3, v4  }
0xe: {  	s14 =	sadd.s32 $0x40, s2;
	v2 =	vsub.s32 v5, v6;
	[tilespmem:$0x1FD00] =	vst v1  }
0xf: {  	s6 =	sadd.s32 $0x50, s2;
	v9 =	vor.u32 s14, v0;
	[tilespmem:$0x1FD10] =	vst v2;
	v2 =	vsub.s32 v7, v8  }
0x10: {  	v1 =	vmulhi.u32 $0x51EB851F, v9;
	[tilespmem:$0x1FD20] =	vst v2;
	v2 =	vor.u32 s6, v0  }
0x11: {  	s18 =	sadd.s32 $0x90, s2;
	v3 =	vmulhi.u32 $0x51EB851F, v2  }
0x12: {  	s15 =	sadd.s32 $0x60, s2;
	v11 =	vor.u32 s18, v0;
	v1 =	vshrl.u32 v1, $0x4  }
0x13: {  	s16 =	sadd.s32 $0x70, s2;
	v4 =	vor.u32 s15, v0;
	v1 =	vmul.u32 $0x32, v1;
	v3 =	vshrl.u32 v3, $0x4  }
0x14: {  	s17 =	sadd.s32 $0x80, s2;
	v6 =	vor.u32 s16, v0;
	v5 =	vmulhi.u32 $0x51EB851F, v4;
	v3 =	vmul.u32 $0x32, v3  }
0x15: {  	v7 =	vmulhi.u32 $0x51EB851F, v6;
	v8 =	vor.u32 s17, v0;
	v1 =	vsub.s32 v9, v1  }
0x16: {  	v10 =	vmulhi.u32 $0x51EB851F, v8;
	[tilespmem:$0x1FD30] =	vst v1;
	v1 =	vshrl.u32 v5, $0x4;
	v2 =	vsub.s32 v2, v3  }
0x17: {  	v5 =	vmulhi.u32 $0x51EB851F, v11;
	v1 =	vmul.u32 $0x32, v1;
	[tilespmem:$0x1FD40] =	vst v2;
	v2 =	vshrl.u32 v7, $0x4  }
0x18: {  	v3 =	vshrl.u32 v10, $0x4;
	v2 =	vmul.u32 $0x32, v2  }
0x19: {  	v5 =	vshrl.u32 v5, $0x4;
	v3 =	vmul.u32 $0x32, v3;
	v1 =	vsub.s32 v4, v1  }
0x1a: {  	v5 =	vmul.u32 $0x32, v5;
	[tilespmem:$0x1FD50] =	vst v1;
	v1 =	vsub.s32 v6, v2  }
0x1b: {  	s7 =	sadd.s32 $0xA0, s2;
	v2 =	vsub.s32 v8, v3;
	[tilespmem:$0x1FD60] =	vst v1  }
0x1c: {  	s19 =	sadd.s32 $0xB0, s2;
	v7 =	vor.u32 s7, v0;
	[tilespmem:$0x1FD70] =	vst v2;
	v2 =	vsub.s32 v11, v5  }
0x1d: {  	s22 =	sadd.s32 $0xE0, s2;
	v1 =	vmulhi.u32 $0x51EB851F, v7;
	[tilespmem:$0x1FD80] =	vst v2;
	v2 =	vor.u32 s19, v0  }
0x1e: {  	v9 =	vor.u32 s22, v0;
	v3 =	vmulhi.u32 $0x51EB851F, v2  }
0x1f: {  	s20 =	sadd.s32 $0xC0, s2;
	v10 =	vmulhi.u32 $0x51EB851F, v9;
	v1 =	vshrl.u32 v1, $0x4  }
0x20: {  	s21 =	sadd.s32 $0xD0, s2;
	v4 =	vor.u32 s20, v0;
	v1 =	vmul.u32 $0x32, v1;
	v3 =	vshrl.u32 v3, $0x4  }
0x21: {  	v6 =	vor.u32 s21, v0;
	v5 =	vmulhi.u32 $0x51EB851F, v4;
	v3 =	vmul.u32 $0x32, v3  }
0x22: {  	s8 =	sadd.s32 $0xF0, s2;
	v8 =	vmulhi.u32 $0x51EB851F, v6;
	v1 =	vsub.s32 v7, v1  }
0x23: {  	v11 =	vor.u32 s8, v0;
	[tilespmem:$0x1FD90] =	vst v1;
	v1 =	vshrl.u32 v5, $0x4;
	v2 =	vsub.s32 v2, v3  }
0x24: {  	v5 =	vmulhi.u32 $0x51EB851F, v11;
	v1 =	vmul.u32 $0x32, v1;
	[tilespmem:$0x1FDA0] =	vst v2;
	v2 =	vshrl.u32 v8, $0x4  }
0x25: {  	v3 =	vshrl.u32 v10, $0x4;
	v2 =	vmul.u32 $0x32, v2  }
0x26: {  	v5 =	vshrl.u32 v5, $0x4;
	v3 =	vmul.u32 $0x32, v3;
	v1 =	vsub.s32 v4, v1  }
0x27: {  	v5 =	vmul.u32 $0x32, v5;
	[tilespmem:$0x1FDB0] =	vst v1;
	v1 =	vsub.s32 v6, v2  }
0x28: {  	s23 =	sadd.s32 $0x100, s2;
	v2 =	vsub.s32 v9, v3;
	[tilespmem:$0x1FDC0] =	vst v1  }
0x29: {  	s24 =	sadd.s32 $0x110, s2;
	v7 =	vor.u32 s23, v0;
	[tilespmem:$0x1FDD0] =	vst v2;
	v2 =	vsub.s32 v11, v5  }
0x2a: {  	v1 =	vmulhi.u32 $0x51EB851F, v7;
	[tilespmem:$0x1FDE0] =	vst v2;
	v2 =	vor.u32 s24, v0  }
0x2b: {  	s25 =	sadd.s32 $0x120, s2;
	s26 =	sadd.s32 $0x130, s2;
	v3 =	vmulhi.u32 $0x51EB851F, v2  }
0x2c: {  	v4 =	vor.u32 s25, v0;
	v6 =	vor.u32 s26, v0;
	v1 =	vshrl.u32 v1, $0x4  }
0x2d: {  	s9 =	sadd.s32 $0x140, s2;
	v5 =	vmulhi.u32 $0x51EB851F, v4;
	v1 =	vmul.u32 $0x32, v1;
	v3 =	vshrl.u32 v3, $0x4  }
0x2e: {  	v9 =	vor.u32 s9, v0;
	v8 =	vmulhi.u32 $0x51EB851F, v6;
	v3 =	vmul.u32 $0x32, v3  }
0x2f: {  	s0 =	sadd.s32 $0x150, s2;
	v10 =	vmulhi.u32 $0x51EB851F, v9;
	v1 =	vsub.s32 v7, v1  }
0x30: {  	v11 =	vor.u32 s0, v0;
	[tilespmem:$0x1FDF0] =	vst v1;
	v1 =	vshrl.u32 v5, $0x4;
	v2 =	vsub.s32 v2, v3  }
0x31: {  	v5 =	vmulhi.u32 $0x51EB851F, v11;
	v1 =	vmul.u32 $0x32, v1;
	[tilespmem:$0x1FE00] =	vst v2;
	v2 =	vshrl.u32 v8, $0x4  }
0x32: {  	v3 =	vshrl.u32 v10, $0x4;
	v2 =	vmul.u32 $0x32, v2  }
0x33: {  	v5 =	vshrl.u32 v5, $0x4;
	v3 =	vmul.u32 $0x32, v3;
	v1 =	vsub.s32 v4, v1  }
0x34: {  	v5 =	vmul.u32 $0x32, v5;
	[tilespmem:$0x1FE10] =	vst v1;
	v1 =	vsub.s32 v6, v2  }
0x35: {  	s3 =	sadd.s32 $0x160, s2;
	v2 =	vsub.s32 v9, v3;
	[tilespmem:$0x1FE20] =	vst v1  }
0x36: {  	s10 =	sadd.s32 $0x170, s2;
	v7 =	vor.u32 s3, v0;
	[tilespmem:$0x1FE30] =	vst v2;
	v2 =	vsub.s32 v11, v5  }
0x37: {  	v1 =	vmulhi.u32 $0x51EB851F, v7;
	[tilespmem:$0x1FE40] =	vst v2;
	v2 =	vor.u32 s10, v0  }
0x38: {  	s11 =	sadd.s32 $0x180, s2;
	s12 =	sadd.s32 $0x1A0, s2;
	v3 =	vmulhi.u32 $0x51EB851F, v2  }
0x39: {  	v4 =	vor.u32 s11, v0;
	v9 =	vor.u32 s12, v0;
	v1 =	vshrl.u32 v1, $0x4  }
0x3a: {  	v5 =	vmulhi.u32 $0x51EB851F, v4;
	s10 =	sadd.s32 $0x190, s2;
	v1 =	vmul.u32 $0x32, v1;
	v3 =	vshrl.u32 v3, $0x4  }
0x3b: {  	v10 =	vmulhi.u32 $0x51EB851F, v9;
	v6 =	vor.u32 s10, v0;
	v3 =	vmul.u32 $0x32, v3  }
0x3c: {  	s13 =	sadd.s32 $0x1B0, s2;
	v8 =	vmulhi.u32 $0x51EB851F, v6;
	v1 =	vsub.s32 v7, v1  }
0x3d: {  	v11 =	vor.u32 s13, v0;
	[tilespmem:$0x1FE50] =	vst v1;
	v1 =	vshrl.u32 v5, $0x4;
	v2 =	vsub.s32 v2, v3  }
0x3e: {  	v5 =	vmulhi.u32 $0x51EB851F, v11;
	v1 =	vmul.u32 $0x32, v1;
	[tilespmem:$0x1FE60] =	vst v2;
	v2 =	vshrl.u32 v8, $0x4  }
0x3f: {  	v3 =	vshrl.u32 v10, $0x4;
	v2 =	vmul.u32 $0x32, v2  }
0x40: {  	v5 =	vshrl.u32 v5, $0x4;
	v3 =	vmul.u32 $0x32, v3;
	v1 =	vsub.s32 v4, v1  }
0x41: {  	v5 =	vmul.u32 $0x32, v5;
	[tilespmem:$0x1FE70] =	vst v1;
	v1 =	vsub.s32 v6, v2  }
0x42: {  	s14 =	sadd.s32 $0x1C0, s2;
	v2 =	vsub.s32 v9, v3;
	[tilespmem:$0x1FE80] =	vst v1  }
0x43: {  	s15 =	sadd.s32 $0x1D0, s2;
	v7 =	vor.u32 s14, v0;
	[tilespmem:$0x1FE90] =	vst v2;
	v2 =	vsub.s32 v11, v5  }
0x44: {  	v1 =	vmulhi.u32 $0x51EB851F, v7;
	[tilespmem:$0x1FEA0] =	vst v2;
	v2 =	vor.u32 s15, v0  }
0x45: {  	s16 =	sadd.s32 $0x1F0, s2;
	s11 =	sadd.s32 $0x1E0, s2;
	v3 =	vmulhi.u32 $0x51EB851F, v2  }
0x46: {  	v4 =	vor.u32 s11, v0;
	v6 =	vor.u32 s16, v0;
	v1 =	vshrl.u32 v1, $0x4  }
0x47: {  	s17 =	sadd.s32 $0x200, s2;
	v5 =	vmulhi.u32 $0x51EB851F, v4;
	v1 =	vmul.u32 $0x32, v1;
	v3 =	vshrl.u32 v3, $0x4  }
0x48: {  	v9 =	vor.u32 s17, v0;
	v8 =	vmulhi.u32 $0x51EB851F, v6;
	v3 =	vmul.u32 $0x32, v3  }
0x49: {  	s18 =	sadd.s32 $0x210, s2;
	v10 =	vmulhi.u32 $0x51EB851F, v9;
	v1 =	vsub.s32 v7, v1  }
0x4a: {  	v11 =	vor.u32 s18, v0;
	[tilespmem:$0x1FEB0] =	vst v1;
	v1 =	vshrl.u32 v5, $0x4;
	v2 =	vsub.s32 v2, v3  }
0x4b: {  	v5 =	vmulhi.u32 $0x51EB851F, v11;
	v1 =	vmul.u32 $0x32, v1;
	[tilespmem:$0x1FEC0] =	vst v2;
	v2 =	vshrl.u32 v8, $0x4  }
0x4c: {  	v3 =	vshrl.u32 v10, $0x4;
	v2 =	vmul.u32 $0x32, v2  }
0x4d: {  	v5 =	vshrl.u32 v5, $0x4;
	v3 =	vmul.u32 $0x32, v3;
	v1 =	vsub.s32 v4, v1  }
0x4e: {  	v5 =	vmul.u32 $0x32, v5;
	[tilespmem:$0x1FED0] =	vst v1;
	v1 =	vsub.s32 v6, v2  }
0x4f: {  	s19 =	sadd.s32 $0x220, s2;
	v2 =	vsub.s32 v9, v3;
	[tilespmem:$0x1FEE0] =	vst v1  }
0x50: {  	s12 =	sadd.s32 $0x230, s2;
	v7 =	vor.u32 s19, v0;
	[tilespmem:$0x1FEF0] =	vst v2;
	v2 =	vsub.s32 v11, v5  }
0x51: {  	v1 =	vmulhi.u32 $0x51EB851F, v7;
	[tilespmem:$0x1FF00] =	vst v2;
	v2 =	vor.u32 s12, v0  }
0x52: {  	s20 =	sadd.s32 $0x240, s2;
	s21 =	sadd.s32 $0x250, s2;
	v3 =	vmulhi.u32 $0x51EB851F, v2  }
0x53: {  	v4 =	vor.u32 s20, v0;
	v6 =	vor.u32 s21, v0;
	v1 =	vshrl.u32 v1, $0x4  }
0x54: {  	s22 =	sadd.s32 $0x260, s2;
	v5 =	vmulhi.u32 $0x51EB851F, v4;
	v1 =	vmul.u32 $0x32, v1;
	v3 =	vshrl.u32 v3, $0x4  }
0x55: {  	v9 =	vor.u32 s22, v0;
	v8 =	vmulhi.u32 $0x51EB851F, v6;
	v3 =	vmul.u32 $0x32, v3  }
0x56: {  	s23 =	sadd.s32 $0x270, s2;
	v10 =	vmulhi.u32 $0x51EB851F, v9;
	v1 =	vsub.s32 v7, v1  }
0x57: {  	v11 =	vor.u32 s23, v0;
	[tilespmem:$0x1FF10] =	vst v1;
	v1 =	vshrl.u32 v5, $0x4;
	v2 =	vsub.s32 v2, v3  }
0x58: {  	v5 =	vmulhi.u32 $0x51EB851F, v11;
	v1 =	vmul.u32 $0x32, v1;
	[tilespmem:$0x1FF20] =	vst v2;
	v2 =	vshrl.u32 v8, $0x4  }
0x59: {  	v3 =	vshrl.u32 v10, $0x4;
	v2 =	vmul.u32 $0x32, v2  }
0x5a: {  	v5 =	vshrl.u32 v5, $0x4;
	v3 =	vmul.u32 $0x32, v3;
	v1 =	vsub.s32 v4, v1  }
0x5b: {  	v5 =	vmul.u32 $0x32, v5;
	[tilespmem:$0x1FF30] =	vst v1;
	v1 =	vsub.s32 v6, v2  }
0x5c: {  	s13 =	sadd.s32 $0x280, s2;
	v2 =	vsub.s32 v9, v3;
	[tilespmem:$0x1FF40] =	vst v1  }
0x5d: {  	s24 =	sadd.s32 $0x290, s2;
	v7 =	vor.u32 s13, v0;
	[tilespmem:$0x1FF50] =	vst v2;
	v2 =	vsub.s32 v11, v5  }
0x5e: {  	v1 =	vmulhi.u32 $0x51EB851F, v7;
	[tilespmem:$0x1FF60] =	vst v2;
	v2 =	vor.u32 s24, v0  }
0x5f: {  	s25 =	sadd.s32 $0x2A0, s2;
	s26 =	sadd.s32 $0x2B0, s2;
	v3 =	vmulhi.u32 $0x51EB851F, v2  }
0x60: {  	v4 =	vor.u32 s25, v0;
	v6 =	vor.u32 s26, v0;
	v1 =	vshrl.u32 v1, $0x4  }
0x61: {  	s0 =	sadd.s32 $0x2C0, s2;
	v5 =	vmulhi.u32 $0x51EB851F, v4;
	v1 =	vmul.u32 $0x32, v1;
	v3 =	vshrl.u32 v3, $0x4  }
0x62: {  	s28 =	sadd.s32 $0x600, s2;
	v9 =	vor.u32 s0, v0;
	v8 =	vmulhi.u32 $0x51EB851F, v6;
	v3 =	vmul.u32 $0x32, v3  }
0x63: {  	v38 =	vor.u32 s28, v0;
	s14 =	sadd.s32 $0x2D0, s2;
	v10 =	vmulhi.u32 $0x51EB851F, v9;
	v1 =	vsub.s32 v7, v1  }
0x64: {  	v11 =	vor.u32 s14, v0;
	[tilespmem:$0x1FF70] =	vst v1;
	v1 =	vshrl.u32 v5, $0x4;
	v2 =	vsub.s32 v2, v3  }
0x65: {  	s29 =	sadd.s32 $0x610, s2;
	v5 =	vmulhi.u32 $0x51EB851F, v11;
	v1 =	vmul.u32 $0x32, v1;
	[tilespmem:$0x1FF80] =	vst v2;
	v2 =	vshrl.u32 v8, $0x4  }
0x66: {  	v39 =	vor.u32 s29, v0;
	v3 =	vshrl.u32 v10, $0x4;
	v2 =	vmul.u32 $0x32, v2  }
0x67: {  	v5 =	vshrl.u32 v5, $0x4;
	v3 =	vmul.u32 $0x32, v3;
	v1 =	vsub.s32 v4, v1  }
0x68: {  	s30 =	sadd.s32 $0x620, s2;
	v48 =	vmulhi.u32 $0x51EB851F, v38;
	v5 =	vmul.u32 $0x32, v5;
	[tilespmem:$0x1FF90] =	vst v1;
	v1 =	vsub.s32 v6, v2  }
0x69: {  	v40 =	vor.u32 s30, v0;
	v49 =	vmulhi.u32 $0x51EB851F, v39;
	s3 =	sadd.s32 $0x2E0, s2;
	v2 =	vsub.s32 v9, v3;
	[tilespmem:$0x1FFA0] =	vst v1  }
0x6a: {  	v41 =	vmulhi.u32 $0x51EB851F, v40;
	s15 =	sadd.s32 $0x2F0, s2;
	v7 =	vor.u32 s3, v0;
	[tilespmem:$0x1FFB0] =	vst v2;
	v2 =	vsub.s32 v11, v5  }
0x6b: {  	v1 =	vmulhi.u32 $0x51EB851F, v7;
	[tilespmem:$0x1FFC0] =	vst v2;
	v2 =	vor.u32 s15, v0  }
0x6c: {  	s16 =	sadd.s32 $0x300, s2;
	s17 =	sadd.s32 $0x310, s2;
	v3 =	vmulhi.u32 $0x51EB851F, v2  }
0x6d: {  	v4 =	vor.u32 s16, v0;
	v6 =	vor.u32 s17, v0;
	v1 =	vshrl.u32 v1, $0x4  }
0x6e: {  	v5 =	vmulhi.u32 $0x51EB851F, v4;
	s15 =	sadd.s32 $0x320, s2;
	v1 =	vmul.u32 $0x32, v1;
	v3 =	vshrl.u32 v3, $0x4  }
0x6f: {  	s18 =	sadd.s32 $0x330, s2;
	v8 =	vmulhi.u32 $0x51EB851F, v6;
	v9 =	vor.u32 s15, v0;
	v3 =	vmul.u32 $0x32, v3  }
0x70: {  	v11 =	vor.u32 s18, v0;
	v10 =	vmulhi.u32 $0x51EB851F, v9;
	v1 =	vsub.s32 v7, v1  }
0x71: {  	s19 =	sadd.s32 $0x340, s2;
	[tilespmem:$0x1FFD0] =	vst v1;
	v1 =	vshrl.u32 v5, $0x4;
	v5 =	vmulhi.u32 $0x51EB851F, v11;
	v2 =	vsub.s32 v2, v3  }
0x72: {  	v7 =	vor.u32 s19, v0;
	v1 =	vmul.u32 $0x32, v1;
	[tilespmem:$0x1FFE0] =	vst v2;
	v2 =	vshrl.u32 v8, $0x4  }
0x73: {  	v3 =	vshrl.u32 v10, $0x4;
	v5 =	vshrl.u32 v5, $0x4;
	v2 =	vmul.u32 $0x32, v2  }
0x74: {  	s21 =	sadd.s32 $0x360, s2;
	v3 =	vmul.u32 $0x32, v3;
	v5 =	vmul.u32 $0x32, v5;
	v1 =	vsub.s32 v4, v1  }
0x75: {  	s20 =	sadd.s32 $0x350, s2;
	v4 =	vor.u32 s21, v0;
	[tilespmem:$0x1FFF0] =	vst v1;
	v1 =	vmulhi.u32 $0x51EB851F, v7;
	v50 =	vsub.s32 v6, v2  }
0x76: {  	s22 =	sadd.s32 $0x380, s2;
	v52 =	vsub.s32 v11, v5;
	v2 =	vor.u32 s20, v0;
	v5 =	vmulhi.u32 $0x51EB851F, v4  }
0x77: {  	s16 =	sadd.s32 $0x370, s2;
	v51 =	vsub.s32 v9, v3;
	v9 =	vor.u32 s22, v0;
	v3 =	vmulhi.u32 $0x51EB851F, v2  }
0x78: {  	s23 =	sadd.s32 $0x390, s2;
	v6 =	vor.u32 s16, v0;
	v10 =	vmulhi.u32 $0x51EB851F, v9;
	v1 =	vshrl.u32 v1, $0x4  }
0x79: {  	s22 =	sadd.s32 $0x450, s2;
	v11 =	vor.u32 s23, v0;
	v1 =	vmul.u32 $0x32, v1;
	v3 =	vshrl.u32 v3, $0x4  }
0x7a: {  	v12 =	vor.u32 s22, v0;
	v8 =	vmulhi.u32 $0x51EB851F, v6;
	v3 =	vmul.u32 $0x32, v3  }
0x7b: {  	s24 =	sadd.s32 $0x3A0, s2;
	v53 =	vsub.s32 v7, v1;
	v1 =	vshrl.u32 v5, $0x4;
	v5 =	vmulhi.u32 $0x51EB851F, v11  }
0x7c: {  	v7 =	vor.u32 s24, v0;
	v1 =	vmul.u32 $0x32, v1;
	v54 =	vsub.s32 v2, v3  }
0x7d: {  	v2 =	vshrl.u32 v8, $0x4;
	v3 =	vshrl.u32 v10, $0x4;
	v5 =	vshrl.u32 v5, $0x4  }
0x7e: {  	s17 =	sadd.s32 $0x3C0, s2;
	v2 =	vmul.u32 $0x32, v2;
	v3 =	vmul.u32 $0x32, v3;
	v5 =	vmul.u32 $0x32, v5  }
0x7f: {  	s25 =	sadd.s32 $0x3B0, s2;
	v55 =	vsub.s32 v4, v1;
	v1 =	vmulhi.u32 $0x51EB851F, v7;
	v4 =	vor.u32 s17, v0  }
0x80: {  	v56 =	vsub.s32 v6, v2;
	v57 =	vsub.s32 v9, v3;
	v2 =	vor.u32 s25, v0  }
0x81: {  	s26 =	sadd.s32 $0x3D0, s2;
	s3 =	sadd.s32 $0x3E0, s2;
	v58 =	vsub.s32 v11, v5;
	v1 =	vshrl.u32 v1, $0x4;
	v3 =	vmulhi.u32 $0x51EB851F, v2  }
0x82: {  	v5 =	vmulhi.u32 $0x51EB851F, v4;
	v6 =	vor.u32 s26, v0;
	v9 =	vor.u32 s3, v0  }
0x83: {  	s0 =	sadd.s32 $0x3F0, s2;
	v1 =	vmul.u32 $0x32, v1;
	v8 =	vmulhi.u32 $0x51EB851F, v6;
	v3 =	vshrl.u32 v3, $0x4  }
0x84: {  	v11 =	vor.u32 s0, v0;
	v10 =	vmulhi.u32 $0x51EB851F, v9;
	v3 =	vmul.u32 $0x32, v3  }
0x85: {  	v59 =	vsub.s32 v7, v1;
	v1 =	vshrl.u32 v5, $0x4;
	v5 =	vmulhi.u32 $0x51EB851F, v11  }
0x86: {  	v1 =	vmul.u32 $0x32, v1;
	v60 =	vsub.s32 v2, v3;
	v2 =	vshrl.u32 v8, $0x4  }
0x87: {  	s18 =	sadd.s32 $0x400, s2;
	v5 =	vshrl.u32 v5, $0x4;
	v3 =	vshrl.u32 v10, $0x4;
	v2 =	vmul.u32 $0x32, v2  }
0x88: {  	s20 =	sadd.s32 $0x430, s2;
	v7 =	vor.u32 s18, v0;
	v5 =	vmul.u32 $0x32, v5;
	v3 =	vmul.u32 $0x32, v3  }
0x89: {  	s18 =	sadd.s32 $0x410, s2;
	v61 =	vsub.s32 v4, v1;
	v8 =	vor.u32 s20, v0;
	v62 =	vsub.s32 v6, v2  }
0x8a: {  	s21 =	sadd.s32 $0x440, s2;
	v2 =	vmulhi.u32 $0x51EB851F, v7;
	v63 =	vsub.s32 v9, v3;
	v3 =	vor.u32 s18, v0  }
0x8b: {  	s19 =	sadd.s32 $0x420, s2;
	v10 =	vor.u32 s21, v0;
	v1 =	vsub.s32 v11, v5;
	v4 =	vmulhi.u32 $0x51EB851F, v3  }
0x8c: {  	v5 =	vor.u32 s19, v0;
	v11 =	vmulhi.u32 $0x51EB851F, v10;
	v2 =	vshrl.u32 v2, $0x4  }
0x8d: {  	s25 =	sadd.s32 $0x490, s2;
	v6 =	vmulhi.u32 $0x51EB851F, v5;
	v2 =	vmul.u32 $0x32, v2;
	v4 =	vshrl.u32 v4, $0x4  }
0x8e: {  	v14 =	vor.u32 s25, v0;
	v9 =	vmulhi.u32 $0x51EB851F, v8;
	v4 =	vmul.u32 $0x32, v4  }
0x8f: {  	v6 =	vshrl.u32 v6, $0x4;
	v2 =	vsub.s32 v7, v2;
	v7 =	vmulhi.u32 $0x51EB851F, v12  }
0x90: {  	v3 =	vsub.s32 v3, v4;
	v4 =	vmul.u32 $0x32, v6;
	v6 =	vshrl.u32 v9, $0x4  }
0x91: {  	v15 =	vmulhi.u32 $0x51EB851F, v14;
	s19 =	sadd.s32 $0x460, s2;
	v9 =	vshrl.u32 v11, $0x4;
	v6 =	vmul.u32 $0x32, v6  }
0x92: {  	v11 =	vor.u32 s19, v0;
	v7 =	vshrl.u32 v7, $0x4;
	v9 =	vmul.u32 $0x32, v9  }
0x93: {  	s23 =	sadd.s32 $0x470, s2;
	v7 =	vmul.u32 $0x32, v7;
	v4 =	vsub.s32 v5, v4;
	v5 =	vsub.s32 v8, v6  }
0x94: {  	s22 =	sadd.s32 $0x4F0, s2;
	s26 =	sadd.s32 $0x4A0, s2;
	v8 =	vmulhi.u32 $0x51EB851F, v11;
	v6 =	vsub.s32 v10, v9;
	v9 =	vor.u32 s23, v0  }
0x95: {  	v20 =	vor.u32 s22, v0;
	s24 =	sadd.s32 $0x480, s2;
	v16 =	vor.u32 s26, v0;
	v10 =	vmulhi.u32 $0x51EB851F, v9  }
0x96: {  	v7 =	vsub.s32 v12, v7;
	v12 =	vor.u32 s24, v0;
	v8 =	vshrl.u32 v8, $0x4  }
0x97: {  	s20 =	sadd.s32 $0x4B0, s2;
	v13 =	vmulhi.u32 $0x51EB851F, v12;
	v8 =	vmul.u32 $0x32, v8;
	v10 =	vshrl.u32 v10, $0x4  }
0x98: {  	v17 =	vmulhi.u32 $0x51EB851F, v16;
	v18 =	vor.u32 s20, v0;
	v10 =	vmul.u32 $0x32, v10  }
0x99: {  	v8 =	vsub.s32 v11, v8;
	v11 =	vshrl.u32 v13, $0x4;
	v13 =	vmulhi.u32 $0x51EB851F, v18  }
0x9a: {  	v9 =	vsub.s32 v9, v10;
	v10 =	vmul.u32 $0x32, v11;
	v11 =	vshrl.u32 v15, $0x4  }
0x9b: {  	v21 =	vmulhi.u32 $0x51EB851F, v20;
	s0 =	sadd.s32 $0x4C0, s2;
	v15 =	vshrl.u32 v17, $0x4;
	v11 =	vmul.u32 $0x32, v11  }
0x9c: {  	v17 =	vor.u32 s0, v0;
	v13 =	vshrl.u32 v13, $0x4;
	v15 =	vmul.u32 $0x32, v15  }
0x9d: {  	s3 =	sadd.s32 $0x4D0, s2;
	v13 =	vmul.u32 $0x32, v13;
	v10 =	vsub.s32 v12, v10;
	v11 =	vsub.s32 v14, v11  }
0x9e: {  	s21 =	sadd.s32 $0x4E0, s2;
	v14 =	vmulhi.u32 $0x51EB851F, v17;
	v12 =	vsub.s32 v16, v15;
	v15 =	vor.u32 s3, v0  }
0x9f: {  	s22 =	sadd.s32 $0x550, s2;
	v13 =	vsub.s32 v18, v13;
	v16 =	vmulhi.u32 $0x51EB851F, v15;
	v18 =	vor.u32 s21, v0  }
0xa0: {  	v26 =	vor.u32 s22, v0;
	s21 =	sadd.s32 $0x500, s2;
	v14 =	vshrl.u32 v14, $0x4;
	v19 =	vmulhi.u32 $0x51EB851F, v18  }
0xa1: {  	s23 =	sadd.s32 $0x510, s2;
	v22 =	vor.u32 s21, v0;
	v14 =	vmul.u32 $0x32, v14;
	v16 =	vshrl.u32 v16, $0x4  }
0xa2: {  	v24 =	vor.u32 s23, v0;
	v23 =	vmulhi.u32 $0x51EB851F, v22;
	v16 =	vmul.u32 $0x32, v16  }
0xa3: {  	v14 =	vsub.s32 v17, v14;
	v17 =	vshrl.u32 v19, $0x4;
	v19 =	vmulhi.u32 $0x51EB851F, v24  }
0xa4: {  	v15 =	vsub.s32 v15, v16;
	v16 =	vmul.u32 $0x32, v17;
	v17 =	vshrl.u32 v21, $0x4  }
0xa5: {  	v28 =	vmulhi.u32 $0x51EB851F, v26;
	s24 =	sadd.s32 $0x520, s2;
	v21 =	vshrl.u32 v23, $0x4;
	v17 =	vmul.u32 $0x32, v17  }
0xa6: {  	s1 =	rddreg [dreg:$0x0];
	v23 =	vor.u32 s24, v0;
	v19 =	vshrl.u32 v19, $0x4;
	v21 =	vmul.u32 $0x32, v21  }
0xa7: {  	s4 =	ssub.s32 $0x2, s4;
	s6 =	sshll.u32 s6, $0x5;
	s25 =	sadd.s32 $0x530, s2;
	v19 =	vmul.u32 $0x32, v19;
	v16 =	vsub.s32 v18, v16;
	v17 =	vsub.s32 v20, v17  }
0xa8: {  	s23 =	rddreg [dreg:$0x1];
	s0 =	sshrl.u32 s2, $0x3;
	s3 =	simm.s32 $0x0;
	v20 =	vmulhi.u32 $0x51EB851F, v23;
	v18 =	vsub.s32 v22, v21;
	v21 =	vor.u32 s25, v0  }
0xa9: {  	vm0 =	vmmov $0xffff;
	[smem:$0x7FF] =	sst s3;
	s24 =	sadd.s32 $0x540, s2;
	s25 =	sadd.s32 $0x570, s2;
	v19 =	vsub.s32 v24, v19;
	v22 =	vmulhi.u32 $0x51EB851F, v21  }
0xaa: {  	s26 =	sadd.s32 $0x560, s2;
	_ =	strace $0x80000047;
	v24 =	vor.u32 s24, v0;
	s24 =	sadd.s32 s0, s23;
	v29 =	vor.u32 s25, v0;
	v20 =	vshrl.u32 v20, $0x4  }
0xab: {  	s23 =	sadd.s32 $0x2400, s23;
	s25 =	sshrl.u32 s4, $0x1;
	v25 =	vmulhi.u32 $0x51EB851F, v24;
	s24 =	sadd.s32 $0xA00, s24;
	v20 =	vmul.u32 $0x32, v20;
	v22 =	vshrl.u32 v22, $0x4  }
0xac: {  	v41 =	vshrl.u32 v41, $0x4;
	v27 =	vor.u32 s26, v0;
	[dreg:$0x3] =	wrdreg s24;
	s24 =	ssub.s32 s4, s25;
	s4 =	sadd.s32 s23, s6;
	v22 =	vmul.u32 $0x32, v22  }
0xad: {  	[dreg:$0x5] =	wrdreg s4;
	s4 =	sadd.s32 $0x5C0, s2;
	v20 =	vsub.s32 v23, v20;
	v23 =	vshrl.u32 v25, $0x4;
	v25 =	vshrl.u32 v28, $0x4  }
0xae: {  	v28 =	vmulhi.u32 $0x51EB851F, v27;
	v34 =	vor.u32 s4, v0;
	v23 =	vmul.u32 $0x32, v23  }
0xaf: {  	s31 =	simm.s32 $0x5A80;
	s5 =	smul.u32 $0xC800, s5;
	s28 =	simm.s32 $0x4280;
	v21 =	vsub.s32 v21, v22;
	v25 =	vmul.u32 $0x32, v25;
	v36 =	vmulhi.u32 $0x51EB851F, v34  }
0xb0: {  	s29 =	simm.s32 $0x4A80;
	s30 =	simm.s32 $0x5280;
	s26 =	sadd.s32 $0x580, s2;
	v22 =	vsub.s32 v24, v23;
	v24 =	vshrl.u32 v28, $0x4;
	v28 =	vmulhi.u32 $0x51EB851F, v29  }
0xb1: {  	s10 =	sshll.u32 s10, $0x5;
	s0 =	sadd.s32 $0x590, s2;
	v23 =	vsub.s32 v26, v25;
	v26 =	vor.u32 s26, v0;
	s26 =	sshll.u32 s7, $0x5;
	v24 =	vmul.u32 $0x32, v24  }
0xb2: {  	s11 =	sshll.u32 s11, $0x5;
	s25 =	sadd.s32 $0x5A0, s2;
	v30 =	vmulhi.u32 $0x51EB851F, v26;
	s6 =	sadd.s32 s23, s26;
	v25 =	vshrl.u32 v28, $0x4;
	v28 =	vor.u32 s0, v0  }
0xb3: {  	s12 =	sshll.u32 s12, $0x5;
	v32 =	vor.u32 s25, v0;
	[dreg:$0x6] =	wrdreg s6;
	s6 =	sadd.s32 $0x5D0, s2;
	v31 =	vmulhi.u32 $0x51EB851F, v28;
	v24 =	vsub.s32 v27, v24  }
0xb4: {  	s13 =	sshll.u32 s13, $0x5;
	s0 =	sshll.u32 s8, $0x5;
	s8 =	sadd.s32 $0x5E0, s2;
	v27 =	vshrl.u32 v30, $0x4;
	v30 =	vmulhi.u32 $0x51EB851F, v32;
	v35 =	vor.u32 s6, v0  }
0xb5: {  	s14 =	sshll.u32 s14, $0x5;
	s15 =	sshll.u32 s15, $0x5;
	s5 =	sadd.s32 s23, s5;
	v25 =	vmul.u32 $0x32, v25;
	v45 =	vor.u32 s8, v0;
	v44 =	vmulhi.u32 $0x51EB851F, v35  }
0xb6: {  	v41 =	vmul.u32 $0x32, v41;
	[dreg:$0x4] =	wrdreg s5;
	s5 =	sadd.s32 $0x5B0, s2;
	s26 =	sadd.s32 s23, s0;
	v27 =	vmul.u32 $0x32, v27;
	v46 =	vmulhi.u32 $0x51EB851F, v45  }
0xb7: {  	s16 =	sshll.u32 s16, $0x5;
	[dreg:$0x7] =	wrdreg s26;
	s26 =	sadd.s32 $0x5F0, s2;
	v25 =	vsub.s32 v29, v25;
	v29 =	vor.u32 s5, v0;
	v31 =	vshrl.u32 v31, $0x4  }
0xb8: {  	s22 =	sshll.u32 s22, $0x5;
	s17 =	sshll.u32 s17, $0x5;
	s2 =	sadd.s32 $0x630, s2;
	v30 =	vshrl.u32 v30, $0x4;
	v47 =	vor.u32 s26, v0;
	v33 =	vmulhi.u32 $0x51EB851F, v29  }
0xb9: {  	s20 =	sshll.u32 s20, $0x5;
	s18 =	sshll.u32 s18, $0x5;
	s19 =	sshll.u32 s19, $0x5;
	v42 =	vor.u32 s2, v0;
	v31 =	vmul.u32 $0x32, v31;
	v30 =	vmul.u32 $0x32, v30  }
0xba: {  	s21 =	sshll.u32 s21, $0x5;
	s25 =	sshll.u32 s25, $0x5;
	s4 =	sadd.s32 s23, s10;
	v26 =	vsub.s32 v26, v27;
	v37 =	vmulhi.u32 $0x51EB851F, v47;
	v33 =	vshrl.u32 v33, $0x4  }
0xbb: {  	s10 =	sadd.s32 s23, s16;
	s16 =	sadd.s32 s23, s22;
	s22 =	simm.s32 $0x1A80;
	v43 =	vmulhi.u32 $0x51EB851F, v42;
	v27 =	vsub.s32 v28, v31;
	v31 =	vmul.u32 $0x32, v33  }
0xbc: {  	s7 =	sadd.s32 s23, s13;
	s13 =	sadd.s32 s23, s19;
	s19 =	smax.u32 s24, $0x1;
	v28 =	vsub.s32 v32, v30;
	v30 =	vshrl.u32 v36, $0x4;
	v32 =	vshrl.u32 v46, $0x4  }
0xbd: {  	s24 =	simm.s32 $0x2A80;
	s0 =	sshll.u32 s9, $0x5;
	s6 =	sadd.s32 s23, s12;
	v30 =	vmul.u32 $0x32, v30;
	v29 =	vsub.s32 v29, v31;
	v31 =	vshrl.u32 v44, $0x4  }
0xbe: {  	s8 =	sadd.s32 s23, s14;
	s12 =	sadd.s32 s23, s18;
	s9 =	sadd.s32 s23, s0;
	v37 =	vshrl.u32 v37, $0x4;
	v43 =	vshrl.u32 v43, $0x4;
	v31 =	vmul.u32 $0x32, v31  }
0xbf: {  	s14 =	sadd.s32 s23, s20;
	s20 =	simm.s32 $0x2;
	[dreg:$0x8] =	wrdreg s9;
	v32 =	vmul.u32 $0x32, v32;
	v37 =	vmul.u32 $0x32, v37;
	v30 =	vsub.s32 v34, v30  }
0xc0: {  	s5 =	sadd.s32 s23, s11;
	s9 =	sadd.s32 s23, s15;
	s11 =	sadd.s32 s23, s17;
	v34 =	vshrl.u32 v48, $0x4;
	v31 =	vsub.s32 v35, v31;
	v35 =	vshrl.u32 v49, $0x4  }
0xc1: {  	s15 =	sadd.s32 s23, s21;
	s26 =	sshll.u32 s26, $0x5;
	s17 =	sadd.s32 s23, s25;
	v43 =	vmul.u32 $0x32, v43;
	v34 =	vmul.u32 $0x32, v34;
	v35 =	vmul.u32 $0x32, v35  }
0xc2: {  	s21 =	simm.s32 $0x1280;
	s25 =	simm.s32 $0x3280;
	s2 =	simm.s32 $0x1;
	v36 =	vsub.s32 v40, v41;
	v32 =	vsub.s32 v45, v32;
	v33 =	vsub.s32 v47, v37  }
0xc3: {  	s18 =	sadd.s32 s23, s26;
	s23 =	simm.s32 $0x2280;
	s26 =	simm.s32 $0x3A80;
	v37 =	vsub.s32 v42, v43;
	v34 =	vsub.s32 v38, v34;
	v35 =	vsub.s32 v39, v35  }
.LBB2_1:
0xc4: {  	s0 =	rddreg [dreg:$0x3]  }
0xc5: {  	[tilespmem:s3], [sflag:$0x2] =	stream.linear.gather [hbm4b:s0+s3], $0x640, $0x38;
	[tilespmem:$0x6280] =	vst v63  }
0xc6: {  	_ =	swait.ge [sflag:s20], $0x640  }
0xc7: {  	[sflag:s20] =	ssyncset.done $0x0;
	v45 =	vld [tilespmem:$0x1FCF0]  }
0xc8: {  	v46 =	vld [tilespmem:$0x1FD00];
	[sflag:s20] =	ssyncadd.s32 $0xFFFFF9C0  }
0xc9: {  	v39 =	vld [tilespmem:$0x10]  }
0xca: {  	v40 =	vld [tilespmem:$0x20]  }
0xcb: {  	v41 =	vld [tilespmem:$0x30]  }
0xcc: {  	v49 =	vld [tilespmem:$0x1FD10]  }
0xcd: {  	v47 =	vld [tilespmem:$0x1FD20]  }
0xce: {  	v38 =	vld [tilespmem:$0x0];
	v39 =	vmul.u32 $0x32, v39  }
0xcf: {  	v42 =	vld [tilespmem:$0x40];
	v40 =	vmul.u32 $0x32, v40  }
0xd0: {  	v43 =	vld [tilespmem:$0x50];
	v41 =	vmul.u32 $0x32, v41;
	v39 =	vadd.s32 v46, v39  }
0xd1: {  	[tilespmem:$0x690] =	vst v39;
	v39 =	vadd.s32 v49, v40;
	v49 =	vld [tilespmem:$0x1FD30]  }
0xd2: {  	[tilespmem:$0x6A0] =	vst v39;
	v39 =	vadd.s32 v47, v41;
	v47 =	vld [tilespmem:$0x1FD40]  }
0xd3: {  	v38 =	vmul.u32 $0x32, v38  }
0xd4: {  	v44 =	vld [tilespmem:$0x60];
	v40 =	vmul.u32 $0x32, v42  }
0xd5: {  	v48 =	vmul.u32 $0x32, v43;
	v38 =	vadd.s32 v45, v38;
	v45 =	vld [tilespmem:$0x70]  }
0xd6: {  	[tilespmem:$0x6B0] =	vst v39;
	v39 =	vadd.s32 v49, v40;
	v49 =	vld [tilespmem:$0x1FD50]  }
0xd7: {  	[tilespmem:$0x6C0] =	vst v39;
	v39 =	vadd.s32 v47, v48;
	v47 =	vld [tilespmem:$0x1FD60];
	_ =	sdelay $0x1  }
0xd8: {  	v46 =	vld [tilespmem:$0x80];
	v40 =	vmul.u32 $0x32, v44  }
0xd9: {  	v42 =	vld [tilespmem:$0x90];
	v48 =	vmul.u32 $0x32, v45  }
0xda: {  	[tilespmem:$0x700] =	vst v39;
	v39 =	vadd.s32 v49, v40;
	v49 =	vld [tilespmem:$0x1FD70]  }
0xdb: {  	[tilespmem:$0x710] =	vst v39;
	v39 =	vadd.s32 v47, v48;
	v47 =	vld [tilespmem:$0x1FD80];
	_ =	sdelay $0x1  }
0xdc: {  	v43 =	vld [tilespmem:$0xA0];
	v40 =	vmul.u32 $0x32, v46  }
0xdd: {  	v44 =	vld [tilespmem:$0xB0];
	v48 =	vmul.u32 $0x32, v42  }
0xde: {  	[tilespmem:$0x720] =	vst v39;
	v39 =	vadd.s32 v49, v40;
	v49 =	vld [tilespmem:$0x1FD90]  }
0xdf: {  	[tilespmem:$0x730] =	vst v39;
	v39 =	vadd.s32 v47, v48;
	v47 =	vld [tilespmem:$0x1FDA0];
	_ =	sdelay $0x1  }
0xe0: {  	v45 =	vld [tilespmem:$0xC0];
	v40 =	vmul.u32 $0x32, v43  }
0xe1: {  	v46 =	vld [tilespmem:$0xD0];
	v48 =	vmul.u32 $0x32, v44  }
0xe2: {  	[tilespmem:$0x740] =	vst v39;
	v39 =	vadd.s32 v49, v40;
	v49 =	vld [tilespmem:$0x1FDB0]  }
0xe3: {  	[tilespmem:$0x780] =	vst v39;
	v39 =	vadd.s32 v47, v48;
	v47 =	vld [tilespmem:$0x1FDC0];
	_ =	sdelay $0x1  }
0xe4: {  	v42 =	vld [tilespmem:$0xE0];
	v40 =	vmul.u32 $0x32, v45  }
0xe5: {  	v43 =	vld [tilespmem:$0xF0];
	v48 =	vmul.u32 $0x32, v46  }
0xe6: {  	[tilespmem:$0x790] =	vst v39;
	v39 =	vadd.s32 v49, v40;
	v49 =	vld [tilespmem:$0x1FDD0]  }
0xe7: {  	[tilespmem:$0x7A0] =	vst v39;
	v39 =	vadd.s32 v47, v48;
	v47 =	vld [tilespmem:$0x1FDE0];
	_ =	sdelay $0x1  }
0xe8: {  	v44 =	vld [tilespmem:$0x100];
	v40 =	vmul.u32 $0x32, v42  }
0xe9: {  	v45 =	vld [tilespmem:$0x110];
	v48 =	vmul.u32 $0x32, v43  }
0xea: {  	[tilespmem:$0x7B0] =	vst v39;
	v39 =	vadd.s32 v49, v40;
	v49 =	vld [tilespmem:$0x1FDF0]  }
0xeb: {  	[tilespmem:$0x7C0] =	vst v39;
	v39 =	vadd.s32 v47, v48;
	v47 =	vld [tilespmem:$0x1FE00];
	_ =	sdelay $0x1  }
0xec: {  	v46 =	vld [tilespmem:$0x120];
	v40 =	vmul.u32 $0x32, v44  }
0xed: {  	v42 =	vld [tilespmem:$0x130];
	v48 =	vmul.u32 $0x32, v45  }
0xee: {  	[tilespmem:$0x800] =	vst v39;
	v39 =	vadd.s32 v49, v40;
	v49 =	vld [tilespmem:$0x1FE10]  }
0xef: {  	[tilespmem:$0x810] =	vst v39;
	v39 =	vadd.s32 v47, v48;
	v47 =	vld [tilespmem:$0x1FE20];
	_ =	sdelay $0x1  }
0xf0: {  	v43 =	vld [tilespmem:$0x140];
	v40 =	vmul.u32 $0x32, v46  }
0xf1: {  	v44 =	vld [tilespmem:$0x150];
	v48 =	vmul.u32 $0x32, v42  }
0xf2: {  	[tilespmem:$0x820] =	vst v39;
	v39 =	vadd.s32 v49, v40;
	v49 =	vld [tilespmem:$0x1FE30]  }
0xf3: {  	[tilespmem:$0x830] =	vst v39;
	v39 =	vadd.s32 v47, v48;
	v47 =	vld [tilespmem:$0x1FE40];
	_ =	sdelay $0x1  }
0xf4: {  	v45 =	vld [tilespmem:$0x160];
	v40 =	vmul.u32 $0x32, v43  }
0xf5: {  	v46 =	vld [tilespmem:$0x170];
	v48 =	vmul.u32 $0x32, v44  }
0xf6: {  	[tilespmem:$0x840] =	vst v39;
	v39 =	vadd.s32 v49, v40;
	v49 =	vld [tilespmem:$0x1FE50]  }
0xf7: {  	[tilespmem:$0x880] =	vst v39;
	v39 =	vadd.s32 v47, v48;
	v47 =	vld [tilespmem:$0x1FE60];
	_ =	sdelay $0x1  }
0xf8: {  	v42 =	vld [tilespmem:$0x180];
	v40 =	vmul.u32 $0x32, v45  }
0xf9: {  	v43 =	vld [tilespmem:$0x190];
	v48 =	vmul.u32 $0x32, v46  }
0xfa: {  	[tilespmem:$0x890] =	vst v39;
	v39 =	vadd.s32 v49, v40;
	v49 =	vld [tilespmem:$0x1FE70]  }
0xfb: {  	[tilespmem:$0x8A0] =	vst v39;
	v39 =	vadd.s32 v47, v48;
	v47 =	vld [tilespmem:$0x1FE80];
	_ =	sdelay $0x1  }
0xfc: {  	v44 =	vld [tilespmem:$0x1A0];
	v40 =	vmul.u32 $0x32, v42  }
0xfd: {  	v45 =	vld [tilespmem:$0x1B0];
	v48 =	vmul.u32 $0x32, v43  }
0xfe: {  	[tilespmem:$0x8B0] =	vst v39;
	v39 =	vadd.s32 v49, v40;
	v49 =	vld [tilespmem:$0x1FE90]  }
0xff: {  	[tilespmem:$0x8C0] =	vst v39;
	v39 =	vadd.s32 v47, v48;
	v47 =	vld [tilespmem:$0x1FEA0];
	_ =	sdelay $0x1  }
0x100: {  	v46 =	vld [tilespmem:$0x1C0];
	v40 =	vmul.u32 $0x32, v44  }
0x101: {  	v42 =	vld [tilespmem:$0x1D0];
	v48 =	vmul.u32 $0x32, v45  }
0x102: {  	[tilespmem:$0x900] =	vst v39;
	v39 =	vadd.s32 v49, v40;
	v49 =	vld [tilespmem:$0x1FEB0]  }
0x103: {  	[tilespmem:$0x910] =	vst v39;
	v39 =	vadd.s32 v47, v48;
	v47 =	vld [tilespmem:$0x1FEC0];
	_ =	sdelay $0x1  }
0x104: {  	v43 =	vld [tilespmem:$0x1E0];
	v40 =	vmul.u32 $0x32, v46  }
0x105: {  	v44 =	vld [tilespmem:$0x1F0];
	v48 =	vmul.u32 $0x32, v42  }
0x106: {  	[tilespmem:$0x920] =	vst v39;
	v39 =	vadd.s32 v49, v40;
	v49 =	vld [tilespmem:$0x1FED0]  }
0x107: {  	[tilespmem:$0x930] =	vst v39;
	v39 =	vadd.s32 v47, v48;
	v47 =	vld [tilespmem:$0x1FEE0];
	_ =	sdelay $0x1  }
0x108: {  	v45 =	vld [tilespmem:$0x200];
	v40 =	vmul.u32 $0x32, v43  }
0x109: {  	v46 =	vld [tilespmem:$0x210];
	v48 =	vmul.u32 $0x32, v44  }
0x10a: {  	[tilespmem:$0x940] =	vst v39;
	v39 =	vadd.s32 v49, v40;
	v49 =	vld [tilespmem:$0x1FEF0]  }
0x10b: {  	[tilespmem:$0x980] =	vst v39;
	v39 =	vadd.s32 v47, v48;
	v47 =	vld [tilespmem:$0x1FF00];
	_ =	sdelay $0x1  }
0x10c: {  	v42 =	vld [tilespmem:$0x220];
	v40 =	vmul.u32 $0x32, v45  }
0x10d: {  	v43 =	vld [tilespmem:$0x230];
	v48 =	vmul.u32 $0x32, v46  }
0x10e: {  	[tilespmem:$0x990] =	vst v39;
	v39 =	vadd.s32 v49, v40;
	v49 =	vld [tilespmem:$0x1FF10]  }
0x10f: {  	[tilespmem:$0x9A0] =	vst v39;
	v39 =	vadd.s32 v47, v48;
	v47 =	vld [tilespmem:$0x1FF20];
	_ =	sdelay $0x1  }
0x110: {  	v44 =	vld [tilespmem:$0x240];
	v40 =	vmul.u32 $0x32, v42  }
0x111: {  	v45 =	vld [tilespmem:$0x250];
	v48 =	vmul.u32 $0x32, v43  }
0x112: {  	[tilespmem:$0x9B0] =	vst v39;
	v39 =	vadd.s32 v49, v40;
	v49 =	vld [tilespmem:$0x1FF30]  }
0x113: {  	[tilespmem:$0x9C0] =	vst v39;
	v39 =	vadd.s32 v47, v48;
	v47 =	vld [tilespmem:$0x1FF40];
	_ =	sdelay $0x1  }
0x114: {  	v46 =	vld [tilespmem:$0x260];
	v40 =	vmul.u32 $0x32, v44  }
0x115: {  	v42 =	vld [tilespmem:$0x270];
	v48 =	vmul.u32 $0x32, v45  }
0x116: {  	[tilespmem:$0xA00] =	vst v39;
	v39 =	vadd.s32 v49, v40;
	v49 =	vld [tilespmem:$0x1FF50]  }
0x117: {  	[tilespmem:$0xA10] =	vst v39;
	v39 =	vadd.s32 v47, v48;
	v47 =	vld [tilespmem:$0x1FF60];
	_ =	sdelay $0x1  }
0x118: {  	v43 =	vld [tilespmem:$0x280];
	v40 =	vmul.u32 $0x32, v46  }
0x119: {  	v44 =	vld [tilespmem:$0x290];
	v48 =	vmul.u32 $0x32, v42  }
0x11a: {  	[tilespmem:$0xA20] =	vst v39;
	v39 =	vadd.s32 v49, v40;
	v49 =	vld [tilespmem:$0x1FF70]  }
0x11b: {  	[tilespmem:$0xA30] =	vst v39;
	v39 =	vadd.s32 v47, v48;
	v47 =	vld [tilespmem:$0x1FF80]  }
0x11c: {  	v45 =	vld [tilespmem:$0x2A0]  }
0x11d: {  	v46 =	vld [tilespmem:$0x2B0];
	v40 =	vmul.u32 $0x32, v43  }
0x11e: {  	v42 =	vld [tilespmem:$0x2C0];
	v48 =	vmul.u32 $0x32, v44  }
0x11f: {  	[tilespmem:$0xA40] =	vst v39;
	v39 =	vadd.s32 v49, v40;
	v49 =	vld [tilespmem:$0x1FF90]  }
0x120: {  	[tilespmem:$0xA80] =	vst v39;
	v39 =	vadd.s32 v47, v48;
	v47 =	vld [tilespmem:$0x1FFA0]  }
0x121: {  	v43 =	vld [tilespmem:$0x2D0]  }
0x122: {  	v40 =	vmul.u32 $0x32, v45;
	v45 =	vld [tilespmem:$0x2F0]  }
0x123: {  	v48 =	vmul.u32 $0x32, v46;
	v46 =	vld [tilespmem:$0x300]  }
0x124: {  	[tilespmem:$0xA90] =	vst v39;
	v39 =	vadd.s32 v49, v40;
	v49 =	vld [tilespmem:$0x1FFB0]  }
0x125: {  	[tilespmem:$0xAA0] =	vst v39;
	v39 =	vadd.s32 v47, v48;
	v47 =	vld [tilespmem:$0x1FFC0];
	_ =	sdelay $0x1  }
0x126: {  	v44 =	vld [tilespmem:$0x2E0];
	v40 =	vmul.u32 $0x32, v42  }
0x127: {  	v48 =	vmul.u32 $0x32, v43  }
0x128: {  	[tilespmem:$0xAB0] =	vst v39;
	v39 =	vadd.s32 v49, v40;
	v49 =	vld [tilespmem:$0x1FFD0]  }
0x129: {  	[tilespmem:$0xAC0] =	vst v39;
	v39 =	vadd.s32 v47, v48;
	v48 =	vmul.u32 $0x32, v45;
	v45 =	vmul.u32 $0x32, v46;
	v46 =	vld [tilespmem:$0x1FFE0];
	_ =	sdelay $0x1  }
0x12a: {  	v40 =	vmul.u32 $0x32, v44  }
0x12b: {  	v42 =	vld [tilespmem:$0x310]  }
0x12c: {  	v43 =	vld [tilespmem:$0x320];
	[tilespmem:$0xB00] =	vst v39;
	v39 =	vadd.s32 v49, v40  }
0x12d: {  	[tilespmem:$0xB10] =	vst v39;
	v39 =	vadd.s32 v46, v48;
	v48 =	vld [tilespmem:$0x1FFF0]  }
0x12e: {  	v44 =	vld [tilespmem:$0x330];
	_ =	sdelay $0x2  }
0x12f: {  	[tilespmem:$0x680] =	vst v38;
	v47 =	vmul.u32 $0x32, v42  }
0x130: {  	v49 =	vmul.u32 $0x32, v43;
	[tilespmem:$0xB20] =	vst v39;
	v39 =	vadd.s32 v48, v45  }
0x131: {  	v46 =	vmul.u32 $0x32, v44;
	v45 =	vadd.s32 v50, v47;
	[tilespmem:$0xB30] =	vst v39  }
0x132: {  	v47 =	vadd.s32 v51, v49;
	[tilespmem:$0xB40] =	vst v45  }
0x133: {  	v48 =	vadd.s32 v52, v46;
	[tilespmem:$0xB80] =	vst v47  }
0x134: {  	[tilespmem:$0xB90] =	vst v48  }
0x135: {  	v39 =	vld [tilespmem:$0x340]  }
0x136: {  	v49 =	vld [tilespmem:$0x350]  }
0x137: {  	v41 =	vld [tilespmem:$0x360]  }
0x138: {  	v42 =	vld [tilespmem:$0x370]  }
0x139: {  	v43 =	vld [tilespmem:$0x380]  }
0x13a: {  	v44 =	vld [tilespmem:$0x390]  }
0x13b: {  	v45 =	vld [tilespmem:$0x3A0]  }
0x13c: {  	v46 =	vld [tilespmem:$0x3B0];
	v39 =	vmul.u32 $0x32, v39  }
0x13d: {  	v47 =	vld [tilespmem:$0x3C0];
	v40 =	vmul.u32 $0x32, v49  }
0x13e: {  	v48 =	vld [tilespmem:$0x3D0];
	v41 =	vmul.u32 $0x32, v41;
	v39 =	vadd.s32 v53, v39  }
0x13f: {  	v49 =	vld [tilespmem:$0x3E0];
	[tilespmem:$0xBA0] =	vst v39;
	v39 =	vadd.s32 v54, v40;
	v40 =	vmul.u32 $0x32, v42  }
0x140: {  	v42 =	vld [tilespmem:$0x3F0];
	[tilespmem:$0xBB0] =	vst v39;
	v39 =	vadd.s32 v55, v41;
	v41 =	vmul.u32 $0x32, v43  }
0x141: {  	v43 =	vld [tilespmem:$0x400];
	[tilespmem:$0xBC0] =	vst v39;
	v39 =	vadd.s32 v56, v40;
	v40 =	vmul.u32 $0x32, v44  }
0x142: {  	v44 =	vld [tilespmem:$0x410];
	[tilespmem:$0xC00] =	vst v39;
	v39 =	vadd.s32 v57, v41;
	v41 =	vmul.u32 $0x32, v45  }
0x143: {  	v45 =	vld [tilespmem:$0x420];
	[tilespmem:$0xC10] =	vst v39;
	v39 =	vadd.s32 v58, v40;
	v40 =	vmul.u32 $0x32, v46  }
0x144: {  	v46 =	vld [tilespmem:$0x430];
	[tilespmem:$0xC20] =	vst v39;
	v39 =	vadd.s32 v59, v41;
	v41 =	vmul.u32 $0x32, v47  }
0x145: {  	v47 =	vld [tilespmem:$0x440];
	[tilespmem:$0xC30] =	vst v39;
	v39 =	vadd.s32 v60, v40;
	v40 =	vmul.u32 $0x32, v48  }
0x146: {  	v48 =	vld [tilespmem:$0x450];
	[tilespmem:$0xC40] =	vst v39;
	v39 =	vadd.s32 v61, v41;
	v41 =	vmul.u32 $0x32, v49  }
0x147: {  	v49 =	vld [tilespmem:$0x460];
	[tilespmem:$0xC80] =	vst v39;
	v39 =	vadd.s32 v62, v40;
	v40 =	vmul.u32 $0x32, v42  }
0x148: {  	v42 =	vld [tilespmem:$0x470];
	[tilespmem:$0xC90] =	vst v39;
	v39 =	vadd.s32 v63, v41;
	v41 =	vmul.u32 $0x32, v43  }
0x149: {  	v43 =	vld [tilespmem:$0x480];
	[tilespmem:$0xCA0] =	vst v39;
	v39 =	vadd.s32 v1, v40;
	v40 =	vmul.u32 $0x32, v44  }
0x14a: {  	v44 =	vld [tilespmem:$0x490];
	[tilespmem:$0xCB0] =	vst v39;
	v39 =	vadd.s32 v2, v41;
	v41 =	vmul.u32 $0x32, v45  }
0x14b: {  	v45 =	vld [tilespmem:$0x4A0];
	[tilespmem:$0xCC0] =	vst v39;
	v39 =	vadd.s32 v3, v40;
	v40 =	vmul.u32 $0x32, v46  }
0x14c: {  	v46 =	vld [tilespmem:$0x4B0];
	[tilespmem:$0xD00] =	vst v39;
	v39 =	vadd.s32 v4, v41;
	v41 =	vmul.u32 $0x32, v47  }
0x14d: {  	v47 =	vld [tilespmem:$0x4C0];
	[tilespmem:$0xD10] =	vst v39;
	v39 =	vadd.s32 v5, v40;
	v40 =	vmul.u32 $0x32, v48  }
0x14e: {  	v48 =	vld [tilespmem:$0x4D0];
	[tilespmem:$0xD20] =	vst v39;
	v39 =	vadd.s32 v6, v41;
	v41 =	vmul.u32 $0x32, v49  }
0x14f: {  	v49 =	vld [tilespmem:$0x4E0];
	[tilespmem:$0xD30] =	vst v39;
	v39 =	vadd.s32 v7, v40;
	v40 =	vmul.u32 $0x32, v42  }
0x150: {  	v42 =	vld [tilespmem:$0x4F0];
	[tilespmem:$0xD40] =	vst v39;
	v39 =	vadd.s32 v8, v41;
	v41 =	vmul.u32 $0x32, v43  }
0x151: {  	v43 =	vld [tilespmem:$0x500];
	[tilespmem:$0xD80] =	vst v39;
	v39 =	vadd.s32 v9, v40;
	v40 =	vmul.u32 $0x32, v44  }
0x152: {  	v44 =	vld [tilespmem:$0x510];
	[tilespmem:$0xD90] =	vst v39;
	v39 =	vadd.s32 v10, v41;
	v41 =	vmul.u32 $0x32, v45  }
0x153: {  	v45 =	vld [tilespmem:$0x520];
	[tilespmem:$0xDA0] =	vst v39;
	v39 =	vadd.s32 v11, v40;
	v40 =	vmul.u32 $0x32, v46  }
0x154: {  	v46 =	vld [tilespmem:$0x530];
	[tilespmem:$0xDB0] =	vst v39;
	v39 =	vadd.s32 v12, v41;
	v41 =	vmul.u32 $0x32, v47  }
0x155: {  	v47 =	vld [tilespmem:$0x540];
	[tilespmem:$0xDC0] =	vst v39;
	v39 =	vadd.s32 v13, v40;
	v40 =	vmul.u32 $0x32, v48  }
0x156: {  	v48 =	vld [tilespmem:$0x550];
	[tilespmem:$0xE00] =	vst v39;
	v39 =	vadd.s32 v14, v41;
	v41 =	vmul.u32 $0x32, v49  }
0x157: {  	v49 =	vld [tilespmem:$0x560];
	[tilespmem:$0xE10] =	vst v39;
	v39 =	vadd.s32 v15, v40;
	v40 =	vmul.u32 $0x32, v42  }
0x158: {  	v42 =	vld [tilespmem:$0x570];
	[tilespmem:$0xE20] =	vst v39;
	v39 =	vadd.s32 v16, v41;
	v41 =	vmul.u32 $0x32, v43  }
0x159: {  	v43 =	vld [tilespmem:$0x580];
	[tilespmem:$0xE30] =	vst v39;
	v39 =	vadd.s32 v17, v40;
	v40 =	vmul.u32 $0x32, v44  }
0x15a: {  	v44 =	vld [tilespmem:$0x590];
	[tilespmem:$0xE40] =	vst v39;
	v39 =	vadd.s32 v18, v41;
	v41 =	vmul.u32 $0x32, v45  }
0x15b: {  	v45 =	vld [tilespmem:$0x5A0];
	[tilespmem:$0xE80] =	vst v39;
	v39 =	vadd.s32 v19, v40;
	v40 =	vmul.u32 $0x32, v46  }
0x15c: {  	v46 =	vld [tilespmem:$0x5B0];
	[tilespmem:$0xE90] =	vst v39;
	v39 =	vadd.s32 v20, v41;
	v41 =	vmul.u32 $0x32, v47  }
0x15d: {  	v47 =	vld [tilespmem:$0x5C0];
	[tilespmem:$0xEA0] =	vst v39;
	v39 =	vadd.s32 v21, v40;
	v40 =	vmul.u32 $0x32, v48  }
0x15e: {  	v48 =	vld [tilespmem:$0x5D0];
	[tilespmem:$0xEB0] =	vst v39;
	v39 =	vadd.s32 v22, v41;
	v41 =	vmul.u32 $0x32, v49  }
0x15f: {  	v42 =	vmul.u32 $0x32, v42;
	v49 =	vld [tilespmem:$0x5E0];
	[tilespmem:$0xEC0] =	vst v39;
	v39 =	vadd.s32 v23, v40  }
0x160: {  	v40 =	vmul.u32 $0x32, v43;
	[tilespmem:$0xF00] =	vst v39;
	v39 =	vadd.s32 v24, v41  }
0x161: {  	v43 =	vmul.u32 $0x32, v45;
	v41 =	vadd.s32 v25, v42;
	[tilespmem:$0xF10] =	vst v39  }
0x162: {  	v42 =	vld [tilespmem:$0x5F0];
	v39 =	vadd.s32 v26, v40;
	v40 =	vmul.u32 $0x32, v44;
	[tilespmem:$0xF20] =	vst v41;
	v41 =	vmul.u32 $0x32, v46  }
0x163: {  	v44 =	vld [tilespmem:$0x600];
	v45 =	vmul.u32 $0x32, v47;
	v46 =	vmul.u32 $0x32, v48;
	[tilespmem:$0xF30] =	vst v39;
	v39 =	vshrl.u32 v0, $0x3  }
0x164: {  	v47 =	vadd.s32 v27, v40;
	v40 =	vadd.s32 v28, v43;
	v48 =	vmul.u32 $0x32, v49  }
0x165: {  	v49 =	vadd.s32 v29, v41;
	v41 =	vadd.s32 v30, v45;
	v43 =	vld [tilespmem:$0x620];
	v39 =	vmul.u32 $0x8, v39;
	[tilespmem:$0xF40] =	vst v47  }
0x166: {  	v45 =	vadd.s32 v31, v46;
	v46 =	vld [tilespmem:$0x610];
	[tilespmem:$0xF80] =	vst v40;
	v47 =	vshll.u32 v38, $0x1;
	v38 =	vand.u32 $0x7, v38  }
0x167: {  	[tilespmem:$0xF90] =	vst v49;
	v40 =	vadd.s32 v32, v48;
	v42 =	vmul.u32 $0x32, v42;
	v48 =	vld [tilespmem:$0x630];
	v47 =	vand.u32 $0xFFFFFFF0, v47  }
0x168: {  	[tilespmem:$0xFA0] =	vst v41;
	v44 =	vmul.u32 $0x32, v44;
	v41 =	vor.u32 v38, v47;
	v38 =	vand.u32 $0x7, v0  }
0x169: {  	[tilespmem:$0xFC0] =	vst v40;
	v40 =	vor.u32 $0x8, v0;
	v42 =	vadd.s32 v33, v42;
	v49 =	vperm.xlane v41, v38  }
0x16a: {  	v41 =	vperm.xlane v41, v40;
	[tilespmem:$0x1000] =	vst v42;
	v42 =	vmul.u32 $0x32, v43  }
0x16b: {  	[tilespmem:$0xFB0] =	vst v45;
	v44 =	vadd.s32 v34, v44;
	v46 =	vmul.u32 $0x32, v46;
	v43 =	vadd.s32 v39, v49  }
0x16c: {  	[tilespmem:$0x1010] =	vst v44;
	v49 =	vmul.u32 $0x32, v48;
	v42 =	vadd.s32 v36, v42  }
0x16d: {  	v41 =	vadd.s32 v39, v41;
	v44 =	vadd.s32 v35, v46;
	[tilespmem:$0x1030] =	vst v42  }
0x16e: {  	[tilespmem:$0x1020] =	vst v44;
	v46 =	vadd.s32 v37, v49  }
0x16f: {  	[tilespmem:$0x1040] =	vst v46  }
0x170: {  	[tilespmem:s21], [sflag:$0x1] =	stream.indirect_vreg.gather [hbm4b:s1+s3], $0x80, v43, vm0, $0xb8;
	[tilespmem:$0x6280] =	vst v63  }
0x171: {  	_ = 	snop  }
0x172: {  	[tilespmem:s22], [sflag:$0x1] =	stream.indirect_vreg.gather [hbm4b:s1+s3], $0x80, v41, vm0, $0xb8;
	[tilespmem:$0x6280] =	vst v63  }
0x173: {  	v41 =	vld [tilespmem:$0x690];
	_ =	sdelay $0x4  }
0x174: {  	v47 =	vshll.u32 v41, $0x1  }
0x175: {  	v41 =	vand.u32 $0x7, v41;
	v42 =	vand.u32 $0xFFFFFFF0, v47  }
0x176: {  	v41 =	vor.u32 v41, v42  }
0x177: {  	v42 =	vperm.xlane v41, v38;
	_ =	sdelay $0x1  }
0x178: {  	v41 =	vperm.xlane v41, v40;
	v42 =	vadd.s32 v39, v42;
	_ =	sdelay $0x1  }
0x179: {  	v41 =	vadd.s32 v39, v41;
	_ =	sdelay $0x2  }
0x17a: {  	[tilespmem:s23], [sflag:$0x1] =	stream.indirect_vreg.gather [hbm4b:s1+s3], $0x80, v42, vm0, $0xb8;
	[tilespmem:$0x6280] =	vst v63  }
0x17b: {  	_ = 	snop  }
0x17c: {  	[tilespmem:s24], [sflag:$0x1] =	stream.indirect_vreg.gather [hbm4b:s1+s3], $0x80, v41, vm0, $0xb8;
	[tilespmem:$0x6280] =	vst v63  }
0x17d: {  	v41 =	vld [tilespmem:$0x6A0];
	_ =	sdelay $0x4  }
0x17e: {  	v48 =	vshll.u32 v41, $0x1  }
0x17f: {  	v41 =	vand.u32 $0x7, v41;
	v42 =	vand.u32 $0xFFFFFFF0, v48  }
0x180: {  	v41 =	vor.u32 v41, v42  }
0x181: {  	v42 =	vperm.xlane v41, v38;
	_ =	sdelay $0x1  }
0x182: {  	v41 =	vperm.xlane v41, v40;
	v42 =	vadd.s32 v39, v42;
	_ =	sdelay $0x1  }
0x183: {  	v41 =	vadd.s32 v39, v41;
	_ =	sdelay $0x2  }
0x184: {  	[tilespmem:s25], [sflag:$0x1] =	stream.indirect_vreg.gather [hbm4b:s1+s3], $0x80, v42, vm0, $0xb8;
	[tilespmem:$0x6280] =	vst v63  }
0x185: {  	_ = 	snop  }
0x186: {  	[tilespmem:s26], [sflag:$0x1] =	stream.indirect_vreg.gather [hbm4b:s1+s3], $0x80, v41, vm0, $0xb8;
	[tilespmem:$0x6280] =	vst v63  }
0x187: {  	v41 =	vld [tilespmem:$0x6B0];
	_ =	sdelay $0x4  }
0x188: {  	v49 =	vshll.u32 v41, $0x1  }
0x189: {  	v41 =	vand.u32 $0x7, v41;
	v42 =	vand.u32 $0xFFFFFFF0, v49  }
0x18a: {  	v41 =	vor.u32 v41, v42  }
0x18b: {  	v42 =	vperm.xlane v41, v38;
	_ =	sdelay $0x1  }
0x18c: {  	v41 =	vperm.xlane v41, v40;
	v42 =	vadd.s32 v39, v42;
	_ =	sdelay $0x1  }
0x18d: {  	v41 =	vadd.s32 v39, v41;
	_ =	sdelay $0x2  }
0x18e: {  	[tilespmem:s28], [sflag:$0x1] =	stream.indirect_vreg.gather [hbm4b:s1+s3], $0x80, v42, vm0, $0xb8;
	[tilespmem:$0x6280] =	vst v63  }
0x18f: {  	_ = 	snop  }
0x190: {  	[tilespmem:s29], [sflag:$0x1] =	stream.indirect_vreg.gather [hbm4b:s1+s3], $0x80, v41, vm0, $0xb8;
	[tilespmem:$0x6280] =	vst v63  }
0x191: {  	v41 =	vld [tilespmem:$0x6C0];
	_ =	sdelay $0x4  }
0x192: {  	v45 =	vshll.u32 v41, $0x1  }
0x193: {  	v41 =	vand.u32 $0x7, v41;
	v42 =	vand.u32 $0xFFFFFFF0, v45  }
0x194: {  	v41 =	vor.u32 v41, v42  }
0x195: {  	v42 =	vperm.xlane v41, v38;
	_ =	sdelay $0x1  }
0x196: {  	v41 =	vperm.xlane v41, v40;
	v42 =	vadd.s32 v39, v42;
	_ =	sdelay $0x1  }
0x197: {  	v41 =	vadd.s32 v39, v41;
	_ =	sdelay $0x2  }
0x198: {  	[tilespmem:s30], [sflag:$0x1] =	stream.indirect_vreg.gather [hbm4b:s1+s3], $0x80, v42, vm0, $0xb8;
	[tilespmem:$0x6280] =	vst v63  }
0x199: {  	_ = 	snop  }
0x19a: {  	[tilespmem:s31], [sflag:$0x1] =	stream.indirect_vreg.gather [hbm4b:s1+s3], $0x80, v41, vm0, $0xb8;
	[tilespmem:$0x6280] =	vst v63  }
0x19b: {  	_ =	swait.ge [sflag:s2], $0x5000  }
0x19c: {  	[sflag:s2] =	ssyncset.done $0x0  }
0x19d: {  	s0 =	rddreg [dreg:$0x4];
	[sflag:s2] =	ssyncadd.s32 $0xFFFFB000  }
0x19e: {  	[hbm4b:s0+s3] =	stream.linear.scatter [tilespmem:s21], [sflag:$0x2], $0x5000, $0x38;
	[tilespmem:$0x6280] =	vst v63  }
0x19f: {  	_ =	swait.ge [sflag:s20], $0x5000  }
0x1a0: {  	[sflag:s20] =	ssyncset.done $0x0  }
0x1a1: {  	[sflag:s20] =	ssyncadd.s32 $0xFFFFB000  }
0x1a2: {  	v46 =	vld [tilespmem:$0x700];
	_ =	sdelay $0x4  }
0x1a3: {  	v47 =	vshll.u32 v46, $0x1  }
0x1a4: {  	v41 =	vand.u32 $0x7, v46;
	v42 =	vand.u32 $0xFFFFFFF0, v47  }
0x1a5: {  	v41 =	vor.u32 v41, v42  }
0x1a6: {  	v42 =	vperm.xlane v41, v38;
	_ =	sdelay $0x1  }
0x1a7: {  	v41 =	vperm.xlane v41, v40;
	v42 =	vadd.s32 v39, v42;
	_ =	sdelay $0x1  }
0x1a8: {  	v41 =	vadd.s32 v39, v41;
	_ =	sdelay $0x2  }
0x1a9: {  	[tilespmem:s21], [sflag:$0x1] =	stream.indirect_vreg.gather [hbm4b:s1+s3], $0x80, v42, vm0, $0xb8;
	[tilespmem:$0x6280] =	vst v63  }
0x1aa: {  	_ = 	snop  }
0x1ab: {  	[tilespmem:s22], [sflag:$0x1] =	stream.indirect_vreg.gather [hbm4b:s1+s3], $0x80, v41, vm0, $0xb8;
	[tilespmem:$0x6280] =	vst v63  }
0x1ac: {  	v41 =	vld [tilespmem:$0x710];
	_ =	sdelay $0x4  }
0x1ad: {  	v48 =	vshll.u32 v41, $0x1  }
0x1ae: {  	v41 =	vand.u32 $0x7, v41;
	v42 =	vand.u32 $0xFFFFFFF0, v48  }
0x1af: {  	v41 =	vor.u32 v41, v42  }
0x1b0: {  	v42 =	vperm.xlane v41, v38;
	_ =	sdelay $0x1  }
0x1b1: {  	v41 =	vperm.xlane v41, v40;
	v42 =	vadd.s32 v39, v42;
	_ =	sdelay $0x1  }
0x1b2: {  	v41 =	vadd.s32 v39, v41;
	_ =	sdelay $0x2  }
0x1b3: {  	[tilespmem:s23], [sflag:$0x1] =	stream.indirect_vreg.gather [hbm4b:s1+s3], $0x80, v42, vm0, $0xb8;
	[tilespmem:$0x6280] =	vst v63  }
0x1b4: {  	_ = 	snop  }
0x1b5: {  	[tilespmem:s24], [sflag:$0x1] =	stream.indirect_vreg.gather [hbm4b:s1+s3], $0x80, v41, vm0, $0xb8;
	[tilespmem:$0x6280] =	vst v63  }
0x1b6: {  	v41 =	vld [tilespmem:$0x720];
	_ =	sdelay $0x4  }
0x1b7: {  	v49 =	vshll.u32 v41, $0x1  }
0x1b8: {  	v41 =	vand.u32 $0x7, v41;
	v42 =	vand.u32 $0xFFFFFFF0, v49  }
0x1b9: {  	v41 =	vor.u32 v41, v42  }
0x1ba: {  	v42 =	vperm.xlane v41, v38;
	_ =	sdelay $0x1  }
0x1bb: {  	v41 =	vperm.xlane v41, v40;
	v42 =	vadd.s32 v39, v42;
	_ =	sdelay $0x1  }
0x1bc: {  	v41 =	vadd.s32 v39, v41;
	_ =	sdelay $0x2  }
0x1bd: {  	[tilespmem:s25], [sflag:$0x1] =	stream.indirect_vreg.gather [hbm4b:s1+s3], $0x80, v42, vm0, $0xb8;
	[tilespmem:$0x6280] =	vst v63  }
0x1be: {  	_ = 	snop  }
0x1bf: {  	[tilespmem:s26], [sflag:$0x1] =	stream.indirect_vreg.gather [hbm4b:s1+s3], $0x80, v41, vm0, $0xb8;
	[tilespmem:$0x6280] =	vst v63  }
0x1c0: {  	v41 =	vld [tilespmem:$0x730];
	_ =	sdelay $0x4  }
0x1c1: {  	v45 =	vshll.u32 v41, $0x1  }
0x1c2: {  	v41 =	vand.u32 $0x7, v41;
	v42 =	vand.u32 $0xFFFFFFF0, v45  }
0x1c3: {  	v41 =	vor.u32 v41, v42  }
0x1c4: {  	v42 =	vperm.xlane v41, v38;
	_ =	sdelay $0x1  }
0x1c5: {  	v41 =	vperm.xlane v41, v40;
	v42 =	vadd.s32 v39, v42;
	_ =	sdelay $0x1  }
0x1c6: {  	v41 =	vadd.s32 v39, v41;
	_ =	sdelay $0x2  }
0x1c7: {  	[tilespmem:s28], [sflag:$0x1] =	stream.indirect_vreg.gather [hbm4b:s1+s3], $0x80, v42, vm0, $0xb8;
	[tilespmem:$0x6280] =	vst v63  }
0x1c8: {  	_ = 	snop  }
0x1c9: {  	[tilespmem:s29], [sflag:$0x1] =	stream.indirect_vreg.gather [hbm4b:s1+s3], $0x80, v41, vm0, $0xb8;
	[tilespmem:$0x6280] =	vst v63  }
0x1ca: {  	v41 =	vld [tilespmem:$0x740];
	_ =	sdelay $0x4  }
0x1cb: {  	v46 =	vshll.u32 v41, $0x1  }
0x1cc: {  	v41 =	vand.u32 $0x7, v41;
	v42 =	vand.u32 $0xFFFFFFF0, v46  }
0x1cd: {  	v41 =	vor.u32 v41, v42  }
0x1ce: {  	v42 =	vperm.xlane v41, v38;
	_ =	sdelay $0x1  }
0x1cf: {  	v41 =	vperm.xlane v41, v40;
	v42 =	vadd.s32 v39, v42;
	_ =	sdelay $0x1  }
0x1d0: {  	v41 =	vadd.s32 v39, v41;
	_ =	sdelay $0x2  }
0x1d1: {  	[tilespmem:s30], [sflag:$0x1] =	stream.indirect_vreg.gather [hbm4b:s1+s3], $0x80, v42, vm0, $0xb8;
	[tilespmem:$0x6280] =	vst v63  }
0x1d2: {  	_ = 	snop  }
0x1d3: {  	[tilespmem:s31], [sflag:$0x1] =	stream.indirect_vreg.gather [hbm4b:s1+s3], $0x80, v41, vm0, $0xb8;
	[tilespmem:$0x6280] =	vst v63  }
0x1d4: {  	_ =	swait.ge [sflag:s2], $0x5000  }
0x1d5: {  	[sflag:s2] =	ssyncset.done $0x0  }
0x1d6: {  	s0 =	rddreg [dreg:$0x5];
	[sflag:s2] =	ssyncadd.s32 $0xFFFFB000  }
0x1d7: {  	[hbm4b:s0+s3] =	stream.linear.scatter [tilespmem:s21], [sflag:$0x2], $0x5000, $0x38;
	[tilespmem:$0x6280] =	vst v63  }
0x1d8: {  	_ =	swait.ge [sflag:s20], $0x5000  }
0x1d9: {  	[sflag:s20] =	ssyncset.done $0x0  }
0x1da: {  	[sflag:s20] =	ssyncadd.s32 $0xFFFFB000  }
0x1db: {  	v47 =	vld [tilespmem:$0x780];
	_ =	sdelay $0x4  }
0x1dc: {  	v48 =	vshll.u32 v47, $0x1  }
0x1dd: {  	v41 =	vand.u32 $0x7, v47;
	v42 =	vand.u32 $0xFFFFFFF0, v48  }
0x1de: {  	v41 =	vor.u32 v41, v42  }
0x1df: {  	v42 =	vperm.xlane v41, v38;
	_ =	sdelay $0x1  }
0x1e0: {  	v41 =	vperm.xlane v41, v40;
	v42 =	vadd.s32 v39, v42;
	_ =	sdelay $0x1  }
0x1e1: {  	v41 =	vadd.s32 v39, v41;
	_ =	sdelay $0x2  }
0x1e2: {  	[tilespmem:s21], [sflag:$0x1] =	stream.indirect_vreg.gather [hbm4b:s1+s3], $0x80, v42, vm0, $0xb8;
	[tilespmem:$0x6280] =	vst v63  }
0x1e3: {  	_ = 	snop  }
0x1e4: {  	[tilespmem:s22], [sflag:$0x1] =	stream.indirect_vreg.gather [hbm4b:s1+s3], $0x80, v41, vm0, $0xb8;
	[tilespmem:$0x6280] =	vst v63  }
0x1e5: {  	v41 =	vld [tilespmem:$0x790];
	_ =	sdelay $0x4  }
0x1e6: {  	v49 =	vshll.u32 v41, $0x1  }
0x1e7: {  	v41 =	vand.u32 $0x7, v41;
	v42 =	vand.u32 $0xFFFFFFF0, v49  }
0x1e8: {  	v41 =	vor.u32 v41, v42  }
0x1e9: {  	v42 =	vperm.xlane v41, v38;
	_ =	sdelay $0x1  }
0x1ea: {  	v41 =	vperm.xlane v41, v40;
	v42 =	vadd.s32 v39, v42;
	_ =	sdelay $0x1  }
0x1eb: {  	v41 =	vadd.s32 v39, v41;
	_ =	sdelay $0x2  }
0x1ec: {  	[tilespmem:s23], [sflag:$0x1] =	stream.indirect_vreg.gather [hbm4b:s1+s3], $0x80, v42, vm0, $0xb8;
	[tilespmem:$0x6280] =	vst v63  }
0x1ed: {  	_ = 	snop  }
0x1ee: {  	[tilespmem:s24], [sflag:$0x1] =	stream.indirect_vreg.gather [hbm4b:s1+s3], $0x80, v41, vm0, $0xb8;
	[tilespmem:$0x6280] =	vst v63  }
0x1ef: {  	v41 =	vld [tilespmem:$0x7A0];
	_ =	sdelay $0x4  }
0x1f0: {  	v45 =	vshll.u32 v41, $0x1  }
0x1f1: {  	v41 =	vand.u32 $0x7, v41;
	v42 =	vand.u32 $0xFFFFFFF0, v45  }
0x1f2: {  	v41 =	vor.u32 v41, v42  }
0x1f3: {  	v42 =	vperm.xlane v41, v38;
	_ =	sdelay $0x1  }
0x1f4: {  	v41 =	vperm.xlane v41, v40;
	v42 =	vadd.s32 v39, v42;
	_ =	sdelay $0x1  }
0x1f5: {  	v41 =	vadd.s32 v39, v41;
	_ =	sdelay $0x2  }
0x1f6: {  	[tilespmem:s25], [sflag:$0x1] =	stream.indirect_vreg.gather [hbm4b:s1+s3], $0x80, v42, vm0, $0xb8;
	[tilespmem:$0x6280] =	vst v63  }
0x1f7: {  	_ = 	snop  }
0x1f8: {  	[tilespmem:s26], [sflag:$0x1] =	stream.indirect_vreg.gather [hbm4b:s1+s3], $0x80, v41, vm0, $0xb8;
	[tilespmem:$0x6280] =	vst v63  }
0x1f9: {  	v41 =	vld [tilespmem:$0x7B0];
	_ =	sdelay $0x4  }
0x1fa: {  	v46 =	vshll.u32 v41, $0x1  }
0x1fb: {  	v41 =	vand.u32 $0x7, v41;
	v42 =	vand.u32 $0xFFFFFFF0, v46  }
0x1fc: {  	v41 =	vor.u32 v41, v42  }
0x1fd: {  	v42 =	vperm.xlane v41, v38;
	_ =	sdelay $0x1  }
0x1fe: {  	v41 =	vperm.xlane v41, v40;
	v42 =	vadd.s32 v39, v42;
	_ =	sdelay $0x1  }
0x1ff: {  	v41 =	vadd.s32 v39, v41;
	_ =	sdelay $0x2  }
0x200: {  	[tilespmem:s28], [sflag:$0x1] =	stream.indirect_vreg.gather [hbm4b:s1+s3], $0x80, v42, vm0, $0xb8;
	[tilespmem:$0x6280] =	vst v63  }
0x201: {  	_ = 	snop  }
0x202: {  	[tilespmem:s29], [sflag:$0x1] =	stream.indirect_vreg.gather [hbm4b:s1+s3], $0x80, v41, vm0, $0xb8;
	[tilespmem:$0x6280] =	vst v63  }
0x203: {  	v41 =	vld [tilespmem:$0x7C0];
	_ =	sdelay $0x4  }
0x204: {  	v47 =	vshll.u32 v41, $0x1  }
0x205: {  	v41 =	vand.u32 $0x7, v41;
	v42 =	vand.u32 $0xFFFFFFF0, v47  }
0x206: {  	v41 =	vor.u32 v41, v42  }
0x207: {  	v42 =	vperm.xlane v41, v38;
	_ =	sdelay $0x1  }
0x208: {  	v41 =	vperm.xlane v41, v40;
	v42 =	vadd.s32 v39, v42;
	_ =	sdelay $0x1  }
0x209: {  	v41 =	vadd.s32 v39, v41;
	_ =	sdelay $0x2  }
0x20a: {  	[tilespmem:s30], [sflag:$0x1] =	stream.indirect_vreg.gather [hbm4b:s1+s3], $0x80, v42, vm0, $0xb8;
	[tilespmem:$0x6280] =	vst v63  }
0x20b: {  	_ = 	snop  }
0x20c: {  	[tilespmem:s31], [sflag:$0x1] =	stream.indirect_vreg.gather [hbm4b:s1+s3], $0x80, v41, vm0, $0xb8;
	[tilespmem:$0x6280] =	vst v63  }
0x20d: {  	_ =	swait.ge [sflag:s2], $0x5000  }
0x20e: {  	[sflag:s2] =	ssyncset.done $0x0  }
0x20f: {  	s0 =	rddreg [dreg:$0x6];
	[sflag:s2] =	ssyncadd.s32 $0xFFFFB000  }
0x210: {  	[hbm4b:s0+s3] =	stream.linear.scatter [tilespmem:s21], [sflag:$0x2], $0x5000, $0x38;
	[tilespmem:$0x6280] =	vst v63  }
0x211: {  	_ =	swait.ge [sflag:s20], $0x5000  }
0x212: {  	[sflag:s20] =	ssyncset.done $0x0  }
0x213: {  	[sflag:s20] =	ssyncadd.s32 $0xFFFFB000  }
0x214: {  	v48 =	vld [tilespmem:$0x800];
	_ =	sdelay $0x4  }
0x215: {  	v49 =	vshll.u32 v48, $0x1  }
0x216: {  	v41 =	vand.u32 $0x7, v48;
	v42 =	vand.u32 $0xFFFFFFF0, v49  }
0x217: {  	v41 =	vor.u32 v41, v42  }
0x218: {  	v42 =	vperm.xlane v41, v38;
	_ =	sdelay $0x1  }
0x219: {  	v41 =	vperm.xlane v41, v40;
	v42 =	vadd.s32 v39, v42;
	_ =	sdelay $0x1  }
0x21a: {  	v41 =	vadd.s32 v39, v41;
	_ =	sdelay $0x2  }
0x21b: {  	[tilespmem:s21], [sflag:$0x1] =	stream.indirect_vreg.gather [hbm4b:s1+s3], $0x80, v42, vm0, $0xb8;
	[tilespmem:$0x6280] =	vst v63  }
0x21c: {  	_ = 	snop  }
0x21d: {  	[tilespmem:s22], [sflag:$0x1] =	stream.indirect_vreg.gather [hbm4b:s1+s3], $0x80, v41, vm0, $0xb8;
	[tilespmem:$0x6280] =	vst v63  }
0x21e: {  	v41 =	vld [tilespmem:$0x810];
	_ =	sdelay $0x4  }
0x21f: {  	v45 =	vshll.u32 v41, $0x1  }
0x220: {  	v41 =	vand.u32 $0x7, v41;
	v42 =	vand.u32 $0xFFFFFFF0, v45  }
0x221: {  	v41 =	vor.u32 v41, v42  }
0x222: {  	v42 =	vperm.xlane v41, v38;
	_ =	sdelay $0x1  }
0x223: {  	v41 =	vperm.xlane v41, v40;
	v42 =	vadd.s32 v39, v42;
	_ =	sdelay $0x1  }
0x224: {  	v41 =	vadd.s32 v39, v41;
	_ =	sdelay $0x2  }
0x225: {  	[tilespmem:s23], [sflag:$0x1] =	stream.indirect_vreg.gather [hbm4b:s1+s3], $0x80, v42, vm0, $0xb8;
	[tilespmem:$0x6280] =	vst v63  }
0x226: {  	_ = 	snop  }
0x227: {  	[tilespmem:s24], [sflag:$0x1] =	stream.indirect_vreg.gather [hbm4b:s1+s3], $0x80, v41, vm0, $0xb8;
	[tilespmem:$0x6280] =	vst v63  }
0x228: {  	v41 =	vld [tilespmem:$0x820];
	_ =	sdelay $0x4  }
0x229: {  	v46 =	vshll.u32 v41, $0x1  }
0x22a: {  	v41 =	vand.u32 $0x7, v41;
	v42 =	vand.u32 $0xFFFFFFF0, v46  }
0x22b: {  	v41 =	vor.u32 v41, v42  }
0x22c: {  	v42 =	vperm.xlane v41, v38;
	_ =	sdelay $0x1  }
0x22d: {  	v41 =	vperm.xlane v41, v40;
	v42 =	vadd.s32 v39, v42;
	_ =	sdelay $0x1  }
0x22e: {  	v41 =	vadd.s32 v39, v41;
	_ =	sdelay $0x2  }
0x22f: {  	[tilespmem:s25], [sflag:$0x1] =	stream.indirect_vreg.gather [hbm4b:s1+s3], $0x80, v42, vm0, $0xb8;
	[tilespmem:$0x6280] =	vst v63  }
0x230: {  	_ = 	snop  }
0x231: {  	[tilespmem:s26], [sflag:$0x1] =	stream.indirect_vreg.gather [hbm4b:s1+s3], $0x80, v41, vm0, $0xb8;
	[tilespmem:$0x6280] =	vst v63  }
0x232: {  	v41 =	vld [tilespmem:$0x830];
	_ =	sdelay $0x4  }
0x233: {  	v47 =	vshll.u32 v41, $0x1  }
0x234: {  	v41 =	vand.u32 $0x7, v41;
	v42 =	vand.u32 $0xFFFFFFF0, v47  }
0x235: {  	v41 =	vor.u32 v41, v42  }
0x236: {  	v42 =	vperm.xlane v41, v38;
	_ =	sdelay $0x1  }
0x237: {  	v41 =	vperm.xlane v41, v40;
	v42 =	vadd.s32 v39, v42;
	_ =	sdelay $0x1  }
0x238: {  	v41 =	vadd.s32 v39, v41;
	_ =	sdelay $0x2  }
0x239: {  	[tilespmem:s28], [sflag:$0x1] =	stream.indirect_vreg.gather [hbm4b:s1+s3], $0x80, v42, vm0, $0xb8;
	[tilespmem:$0x6280] =	vst v63  }
0x23a: {  	_ = 	snop  }
0x23b: {  	[tilespmem:s29], [sflag:$0x1] =	stream.indirect_vreg.gather [hbm4b:s1+s3], $0x80, v41, vm0, $0xb8;
	[tilespmem:$0x6280] =	vst v63  }
0x23c: {  	v41 =	vld [tilespmem:$0x840];
	_ =	sdelay $0x4  }
0x23d: {  	v48 =	vshll.u32 v41, $0x1  }
0x23e: {  	v41 =	vand.u32 $0x7, v41;
	v42 =	vand.u32 $0xFFFFFFF0, v48  }
0x23f: {  	v41 =	vor.u32 v41, v42  }
0x240: {  	v42 =	vperm.xlane v41, v38;
	_ =	sdelay $0x1  }
0x241: {  	v41 =	vperm.xlane v41, v40;
	v42 =	vadd.s32 v39, v42;
	_ =	sdelay $0x1  }
0x242: {  	v41 =	vadd.s32 v39, v41;
	_ =	sdelay $0x2  }
0x243: {  	[tilespmem:s30], [sflag:$0x1] =	stream.indirect_vreg.gather [hbm4b:s1+s3], $0x80, v42, vm0, $0xb8;
	[tilespmem:$0x6280] =	vst v63  }
0x244: {  	_ = 	snop  }
0x245: {  	[tilespmem:s31], [sflag:$0x1] =	stream.indirect_vreg.gather [hbm4b:s1+s3], $0x80, v41, vm0, $0xb8;
	[tilespmem:$0x6280] =	vst v63  }
0x246: {  	_ =	swait.ge [sflag:s2], $0x5000  }
0x247: {  	[sflag:s2] =	ssyncset.done $0x0  }
0x248: {  	s0 =	rddreg [dreg:$0x7];
	[sflag:s2] =	ssyncadd.s32 $0xFFFFB000  }
0x249: {  	[hbm4b:s0+s3] =	stream.linear.scatter [tilespmem:s21], [sflag:$0x2], $0x5000, $0x38;
	[tilespmem:$0x6280] =	vst v63  }
0x24a: {  	_ =	swait.ge [sflag:s20], $0x5000  }
0x24b: {  	[sflag:s20] =	ssyncset.done $0x0  }
0x24c: {  	[sflag:s20] =	ssyncadd.s32 $0xFFFFB000  }
0x24d: {  	v49 =	vld [tilespmem:$0x880];
	_ =	sdelay $0x4  }
0x24e: {  	v45 =	vshll.u32 v49, $0x1  }
0x24f: {  	v41 =	vand.u32 $0x7, v49;
	v42 =	vand.u32 $0xFFFFFFF0, v45  }
0x250: {  	v41 =	vor.u32 v41, v42  }
0x251: {  	v42 =	vperm.xlane v41, v38;
	_ =	sdelay $0x1  }
0x252: {  	v41 =	vperm.xlane v41, v40;
	v42 =	vadd.s32 v39, v42;
	_ =	sdelay $0x1  }
0x253: {  	v41 =	vadd.s32 v39, v41;
	_ =	sdelay $0x2  }
0x254: {  	[tilespmem:s21], [sflag:$0x1] =	stream.indirect_vreg.gather [hbm4b:s1+s3], $0x80, v42, vm0, $0xb8;
	[tilespmem:$0x6280] =	vst v63  }
0x255: {  	_ = 	snop  }
0x256: {  	[tilespmem:s22], [sflag:$0x1] =	stream.indirect_vreg.gather [hbm4b:s1+s3], $0x80, v41, vm0, $0xb8;
	[tilespmem:$0x6280] =	vst v63  }
0x257: {  	v41 =	vld [tilespmem:$0x890];
	_ =	sdelay $0x4  }
0x258: {  	v46 =	vshll.u32 v41, $0x1  }
0x259: {  	v41 =	vand.u32 $0x7, v41;
	v42 =	vand.u32 $0xFFFFFFF0, v46  }
0x25a: {  	v41 =	vor.u32 v41, v42  }
0x25b: {  	v42 =	vperm.xlane v41, v38;
	_ =	sdelay $0x1  }
0x25c: {  	v41 =	vperm.xlane v41, v40;
	v42 =	vadd.s32 v39, v42;
	_ =	sdelay $0x1  }
0x25d: {  	v41 =	vadd.s32 v39, v41;
	_ =	sdelay $0x2  }
0x25e: {  	[tilespmem:s23], [sflag:$0x1] =	stream.indirect_vreg.gather [hbm4b:s1+s3], $0x80, v42, vm0, $0xb8;
	[tilespmem:$0x6280] =	vst v63  }
0x25f: {  	_ = 	snop  }
0x260: {  	[tilespmem:s24], [sflag:$0x1] =	stream.indirect_vreg.gather [hbm4b:s1+s3], $0x80, v41, vm0, $0xb8;
	[tilespmem:$0x6280] =	vst v63  }
0x261: {  	v41 =	vld [tilespmem:$0x8A0];
	_ =	sdelay $0x4  }
0x262: {  	v47 =	vshll.u32 v41, $0x1  }
0x263: {  	v41 =	vand.u32 $0x7, v41;
	v42 =	vand.u32 $0xFFFFFFF0, v47  }
0x264: {  	v41 =	vor.u32 v41, v42  }
0x265: {  	v42 =	vperm.xlane v41, v38;
	_ =	sdelay $0x1  }
0x266: {  	v41 =	vperm.xlane v41, v40;
	v42 =	vadd.s32 v39, v42;
	_ =	sdelay $0x1  }
0x267: {  	v41 =	vadd.s32 v39, v41;
	_ =	sdelay $0x2  }
0x268: {  	[tilespmem:s25], [sflag:$0x1] =	stream.indirect_vreg.gather [hbm4b:s1+s3], $0x80, v42, vm0, $0xb8;
	[tilespmem:$0x6280] =	vst v63  }
0x269: {  	_ = 	snop  }
0x26a: {  	[tilespmem:s26], [sflag:$0x1] =	stream.indirect_vreg.gather [hbm4b:s1+s3], $0x80, v41, vm0, $0xb8;
	[tilespmem:$0x6280] =	vst v63  }
0x26b: {  	v41 =	vld [tilespmem:$0x8B0];
	_ =	sdelay $0x4  }
0x26c: {  	v48 =	vshll.u32 v41, $0x1  }
0x26d: {  	v41 =	vand.u32 $0x7, v41;
	v42 =	vand.u32 $0xFFFFFFF0, v48  }
0x26e: {  	v41 =	vor.u32 v41, v42  }
0x26f: {  	v42 =	vperm.xlane v41, v38;
	_ =	sdelay $0x1  }
0x270: {  	v41 =	vperm.xlane v41, v40;
	v42 =	vadd.s32 v39, v42;
	_ =	sdelay $0x1  }
0x271: {  	v41 =	vadd.s32 v39, v41;
	_ =	sdelay $0x2  }
0x272: {  	[tilespmem:s28], [sflag:$0x1] =	stream.indirect_vreg.gather [hbm4b:s1+s3], $0x80, v42, vm0, $0xb8;
	[tilespmem:$0x6280] =	vst v63  }
0x273: {  	_ = 	snop  }
0x274: {  	[tilespmem:s29], [sflag:$0x1] =	stream.indirect_vreg.gather [hbm4b:s1+s3], $0x80, v41, vm0, $0xb8;
	[tilespmem:$0x6280] =	vst v63  }
0x275: {  	v41 =	vld [tilespmem:$0x8C0];
	_ =	sdelay $0x4  }
0x276: {  	v49 =	vshll.u32 v41, $0x1  }
0x277: {  	v41 =	vand.u32 $0x7, v41;
	v42 =	vand.u32 $0xFFFFFFF0, v49  }
0x278: {  	v41 =	vor.u32 v41, v42  }
0x279: {  	v42 =	vperm.xlane v41, v38;
	_ =	sdelay $0x1  }
0x27a: {  	v41 =	vperm.xlane v41, v40;
	v42 =	vadd.s32 v39, v42;
	_ =	sdelay $0x1  }
0x27b: {  	v41 =	vadd.s32 v39, v41;
	_ =	sdelay $0x2  }
0x27c: {  	[tilespmem:s30], [sflag:$0x1] =	stream.indirect_vreg.gather [hbm4b:s1+s3], $0x80, v42, vm0, $0xb8;
	[tilespmem:$0x6280] =	vst v63  }
0x27d: {  	_ = 	snop  }
0x27e: {  	[tilespmem:s31], [sflag:$0x1] =	stream.indirect_vreg.gather [hbm4b:s1+s3], $0x80, v41, vm0, $0xb8;
	[tilespmem:$0x6280] =	vst v63  }
0x27f: {  	_ =	swait.ge [sflag:s2], $0x5000  }
0x280: {  	[sflag:s2] =	ssyncset.done $0x0  }
0x281: {  	s0 =	rddreg [dreg:$0x8];
	[sflag:s2] =	ssyncadd.s32 $0xFFFFB000  }
0x282: {  	[hbm4b:s0+s3] =	stream.linear.scatter [tilespmem:s21], [sflag:$0x2], $0x5000, $0x38;
	[tilespmem:$0x6280] =	vst v63  }
0x283: {  	_ =	swait.ge [sflag:s20], $0x5000  }
0x284: {  	[sflag:s20] =	ssyncset.done $0x0  }
0x285: {  	[sflag:s20] =	ssyncadd.s32 $0xFFFFB000  }
0x286: {  	v45 =	vld [tilespmem:$0x900];
	_ =	sdelay $0x4  }
0x287: {  	v46 =	vshll.u32 v45, $0x1  }
0x288: {  	v41 =	vand.u32 $0x7, v45;
	v42 =	vand.u32 $0xFFFFFFF0, v46  }
0x289: {  	v41 =	vor.u32 v41, v42  }
0x28a: {  	v42 =	vperm.xlane v41, v38;
	_ =	sdelay $0x1  }
0x28b: {  	v41 =	vperm.xlane v41, v40;
	v42 =	vadd.s32 v39, v42;
	_ =	sdelay $0x1  }
0x28c: {  	v41 =	vadd.s32 v39, v41;
	_ =	sdelay $0x2  }
0x28d: {  	[tilespmem:s21], [sflag:$0x1] =	stream.indirect_vreg.gather [hbm4b:s1+s3], $0x80, v42, vm0, $0xb8;
	[tilespmem:$0x6280] =	vst v63  }
0x28e: {  	_ = 	snop  }
0x28f: {  	[tilespmem:s22], [sflag:$0x1] =	stream.indirect_vreg.gather [hbm4b:s1+s3], $0x80, v41, vm0, $0xb8;
	[tilespmem:$0x6280] =	vst v63  }
0x290: {  	v41 =	vld [tilespmem:$0x910];
	_ =	sdelay $0x4  }
0x291: {  	v47 =	vshll.u32 v41, $0x1  }
0x292: {  	v41 =	vand.u32 $0x7, v41;
	v42 =	vand.u32 $0xFFFFFFF0, v47  }
0x293: {  	v41 =	vor.u32 v41, v42  }
0x294: {  	v42 =	vperm.xlane v41, v38;
	_ =	sdelay $0x1  }
0x295: {  	v41 =	vperm.xlane v41, v40;
	v42 =	vadd.s32 v39, v42;
	_ =	sdelay $0x1  }
0x296: {  	v41 =	vadd.s32 v39, v41;
	_ =	sdelay $0x2  }
0x297: {  	[tilespmem:s23], [sflag:$0x1] =	stream.indirect_vreg.gather [hbm4b:s1+s3], $0x80, v42, vm0, $0xb8;
	[tilespmem:$0x6280] =	vst v63  }
0x298: {  	_ = 	snop  }
0x299: {  	[tilespmem:s24], [sflag:$0x1] =	stream.indirect_vreg.gather [hbm4b:s1+s3], $0x80, v41, vm0, $0xb8;
	[tilespmem:$0x6280] =	vst v63  }
0x29a: {  	v41 =	vld [tilespmem:$0x920];
	_ =	sdelay $0x4  }
0x29b: {  	v48 =	vshll.u32 v41, $0x1  }
0x29c: {  	v41 =	vand.u32 $0x7, v41;
	v42 =	vand.u32 $0xFFFFFFF0, v48  }
0x29d: {  	v41 =	vor.u32 v41, v42  }
0x29e: {  	v42 =	vperm.xlane v41, v38;
	_ =	sdelay $0x1  }
0x29f: {  	v41 =	vperm.xlane v41, v40;
	v42 =	vadd.s32 v39, v42;
	_ =	sdelay $0x1  }
0x2a0: {  	v41 =	vadd.s32 v39, v41;
	_ =	sdelay $0x2  }
0x2a1: {  	[tilespmem:s25], [sflag:$0x1] =	stream.indirect_vreg.gather [hbm4b:s1+s3], $0x80, v42, vm0, $0xb8;
	[tilespmem:$0x6280] =	vst v63  }
0x2a2: {  	_ = 	snop  }
0x2a3: {  	[tilespmem:s26], [sflag:$0x1] =	stream.indirect_vreg.gather [hbm4b:s1+s3], $0x80, v41, vm0, $0xb8;
	[tilespmem:$0x6280] =	vst v63  }
0x2a4: {  	v41 =	vld [tilespmem:$0x930];
	_ =	sdelay $0x4  }
0x2a5: {  	v49 =	vshll.u32 v41, $0x1  }
0x2a6: {  	v41 =	vand.u32 $0x7, v41;
	v42 =	vand.u32 $0xFFFFFFF0, v49  }
0x2a7: {  	v41 =	vor.u32 v41, v42  }
0x2a8: {  	v42 =	vperm.xlane v41, v38;
	_ =	sdelay $0x1  }
0x2a9: {  	v41 =	vperm.xlane v41, v40;
	v42 =	vadd.s32 v39, v42;
	_ =	sdelay $0x1  }
0x2aa: {  	v41 =	vadd.s32 v39, v41;
	_ =	sdelay $0x2  }
0x2ab: {  	[tilespmem:s28], [sflag:$0x1] =	stream.indirect_vreg.gather [hbm4b:s1+s3], $0x80, v42, vm0, $0xb8;
	[tilespmem:$0x6280] =	vst v63  }
0x2ac: {  	_ = 	snop  }
0x2ad: {  	[tilespmem:s29], [sflag:$0x1] =	stream.indirect_vreg.gather [hbm4b:s1+s3], $0x80, v41, vm0, $0xb8;
	[tilespmem:$0x6280] =	vst v63  }
0x2ae: {  	v41 =	vld [tilespmem:$0x940];
	_ =	sdelay $0x4  }
0x2af: {  	v45 =	vshll.u32 v41, $0x1  }
0x2b0: {  	v41 =	vand.u32 $0x7, v41;
	v42 =	vand.u32 $0xFFFFFFF0, v45  }
0x2b1: {  	v41 =	vor.u32 v41, v42  }
0x2b2: {  	v42 =	vperm.xlane v41, v38;
	_ =	sdelay $0x1  }
0x2b3: {  	v41 =	vperm.xlane v41, v40;
	v42 =	vadd.s32 v39, v42;
	_ =	sdelay $0x1  }
0x2b4: {  	v41 =	vadd.s32 v39, v41;
	_ =	sdelay $0x2  }
0x2b5: {  	[tilespmem:s30], [sflag:$0x1] =	stream.indirect_vreg.gather [hbm4b:s1+s3], $0x80, v42, vm0, $0xb8;
	[tilespmem:$0x6280] =	vst v63  }
0x2b6: {  	_ = 	snop  }
0x2b7: {  	[tilespmem:s31], [sflag:$0x1] =	stream.indirect_vreg.gather [hbm4b:s1+s3], $0x80, v41, vm0, $0xb8;
	[tilespmem:$0x6280] =	vst v63  }
0x2b8: {  	_ =	swait.ge [sflag:s2], $0x5000  }
0x2b9: {  	[sflag:s2] =	ssyncset.done $0x0  }
0x2ba: {  	[sflag:s2] =	ssyncadd.s32 $0xFFFFB000  }
0x2bb: {  	[hbm4b:s4+s3] =	stream.linear.scatter [tilespmem:s21], [sflag:$0x2], $0x5000, $0x38;
	[tilespmem:$0x6280] =	vst v63  }
0x2bc: {  	_ =	swait.ge [sflag:s20], $0x5000  }
0x2bd: {  	[sflag:s20] =	ssyncset.done $0x0  }
0x2be: {  	[sflag:s20] =	ssyncadd.s32 $0xFFFFB000  }
0x2bf: {  	v46 =	vld [tilespmem:$0x980];
	_ =	sdelay $0x4  }
0x2c0: {  	v47 =	vshll.u32 v46, $0x1  }
0x2c1: {  	v41 =	vand.u32 $0x7, v46;
	v42 =	vand.u32 $0xFFFFFFF0, v47  }
0x2c2: {  	v41 =	vor.u32 v41, v42  }
0x2c3: {  	v42 =	vperm.xlane v41, v38;
	_ =	sdelay $0x1  }
0x2c4: {  	v41 =	vperm.xlane v41, v40;
	v42 =	vadd.s32 v39, v42;
	_ =	sdelay $0x1  }
0x2c5: {  	v41 =	vadd.s32 v39, v41;
	_ =	sdelay $0x2  }
0x2c6: {  	[tilespmem:s21], [sflag:$0x1] =	stream.indirect_vreg.gather [hbm4b:s1+s3], $0x80, v42, vm0, $0xb8;
	[tilespmem:$0x6280] =	vst v63  }
0x2c7: {  	_ = 	snop  }
0x2c8: {  	[tilespmem:s22], [sflag:$0x1] =	stream.indirect_vreg.gather [hbm4b:s1+s3], $0x80, v41, vm0, $0xb8;
	[tilespmem:$0x6280] =	vst v63  }
0x2c9: {  	v41 =	vld [tilespmem:$0x990];
	_ =	sdelay $0x4  }
0x2ca: {  	v48 =	vshll.u32 v41, $0x1  }
0x2cb: {  	v41 =	vand.u32 $0x7, v41;
	v42 =	vand.u32 $0xFFFFFFF0, v48  }
0x2cc: {  	v41 =	vor.u32 v41, v42  }
0x2cd: {  	v42 =	vperm.xlane v41, v38;
	_ =	sdelay $0x1  }
0x2ce: {  	v41 =	vperm.xlane v41, v40;
	v42 =	vadd.s32 v39, v42;
	_ =	sdelay $0x1  }
0x2cf: {  	v41 =	vadd.s32 v39, v41;
	_ =	sdelay $0x2  }
0x2d0: {  	[tilespmem:s23], [sflag:$0x1] =	stream.indirect_vreg.gather [hbm4b:s1+s3], $0x80, v42, vm0, $0xb8;
	[tilespmem:$0x6280] =	vst v63  }
0x2d1: {  	_ = 	snop  }
0x2d2: {  	[tilespmem:s24], [sflag:$0x1] =	stream.indirect_vreg.gather [hbm4b:s1+s3], $0x80, v41, vm0, $0xb8;
	[tilespmem:$0x6280] =	vst v63  }
0x2d3: {  	v41 =	vld [tilespmem:$0x9A0];
	_ =	sdelay $0x4  }
0x2d4: {  	v49 =	vshll.u32 v41, $0x1  }
0x2d5: {  	v41 =	vand.u32 $0x7, v41;
	v42 =	vand.u32 $0xFFFFFFF0, v49  }
0x2d6: {  	v41 =	vor.u32 v41, v42  }
0x2d7: {  	v42 =	vperm.xlane v41, v38;
	_ =	sdelay $0x1  }
0x2d8: {  	v41 =	vperm.xlane v41, v40;
	v42 =	vadd.s32 v39, v42;
	_ =	sdelay $0x1  }
0x2d9: {  	v41 =	vadd.s32 v39, v41;
	_ =	sdelay $0x2  }
0x2da: {  	[tilespmem:s25], [sflag:$0x1] =	stream.indirect_vreg.gather [hbm4b:s1+s3], $0x80, v42, vm0, $0xb8;
	[tilespmem:$0x6280] =	vst v63  }
0x2db: {  	_ = 	snop  }
0x2dc: {  	[tilespmem:s26], [sflag:$0x1] =	stream.indirect_vreg.gather [hbm4b:s1+s3], $0x80, v41, vm0, $0xb8;
	[tilespmem:$0x6280] =	vst v63  }
0x2dd: {  	v41 =	vld [tilespmem:$0x9B0];
	_ =	sdelay $0x4  }
0x2de: {  	v45 =	vshll.u32 v41, $0x1  }
0x2df: {  	v41 =	vand.u32 $0x7, v41;
	v42 =	vand.u32 $0xFFFFFFF0, v45  }
0x2e0: {  	v41 =	vor.u32 v41, v42  }
0x2e1: {  	v42 =	vperm.xlane v41, v38;
	_ =	sdelay $0x1  }
0x2e2: {  	v41 =	vperm.xlane v41, v40;
	v42 =	vadd.s32 v39, v42;
	_ =	sdelay $0x1  }
0x2e3: {  	v41 =	vadd.s32 v39, v41;
	_ =	sdelay $0x2  }
0x2e4: {  	[tilespmem:s28], [sflag:$0x1] =	stream.indirect_vreg.gather [hbm4b:s1+s3], $0x80, v42, vm0, $0xb8;
	[tilespmem:$0x6280] =	vst v63  }
0x2e5: {  	_ = 	snop  }
0x2e6: {  	[tilespmem:s29], [sflag:$0x1] =	stream.indirect_vreg.gather [hbm4b:s1+s3], $0x80, v41, vm0, $0xb8;
	[tilespmem:$0x6280] =	vst v63  }
0x2e7: {  	v41 =	vld [tilespmem:$0x9C0];
	_ =	sdelay $0x4  }
0x2e8: {  	v46 =	vshll.u32 v41, $0x1  }
0x2e9: {  	v41 =	vand.u32 $0x7, v41;
	v42 =	vand.u32 $0xFFFFFFF0, v46  }
0x2ea: {  	v41 =	vor.u32 v41, v42  }
0x2eb: {  	v42 =	vperm.xlane v41, v38;
	_ =	sdelay $0x1  }
0x2ec: {  	v41 =	vperm.xlane v41, v40;
	v42 =	vadd.s32 v39, v42;
	_ =	sdelay $0x1  }
0x2ed: {  	v41 =	vadd.s32 v39, v41;
	_ =	sdelay $0x2  }
0x2ee: {  	[tilespmem:s30], [sflag:$0x1] =	stream.indirect_vreg.gather [hbm4b:s1+s3], $0x80, v42, vm0, $0xb8;
	[tilespmem:$0x6280] =	vst v63  }
0x2ef: {  	_ = 	snop  }
0x2f0: {  	[tilespmem:s31], [sflag:$0x1] =	stream.indirect_vreg.gather [hbm4b:s1+s3], $0x80, v41, vm0, $0xb8;
	[tilespmem:$0x6280] =	vst v63  }
0x2f1: {  	_ =	swait.ge [sflag:s2], $0x5000  }
0x2f2: {  	[sflag:s2] =	ssyncset.done $0x0  }
0x2f3: {  	[sflag:s2] =	ssyncadd.s32 $0xFFFFB000  }
0x2f4: {  	[hbm4b:s5+s3] =	stream.linear.scatter [tilespmem:s21], [sflag:$0x2], $0x5000, $0x38;
	[tilespmem:$0x6280] =	vst v63  }
0x2f5: {  	_ =	swait.ge [sflag:s20], $0x5000  }
0x2f6: {  	[sflag:s20] =	ssyncset.done $0x0  }
0x2f7: {  	[sflag:s20] =	ssyncadd.s32 $0xFFFFB000  }
0x2f8: {  	v47 =	vld [tilespmem:$0xA00];
	_ =	sdelay $0x4  }
0x2f9: {  	v48 =	vshll.u32 v47, $0x1  }
0x2fa: {  	v41 =	vand.u32 $0x7, v47;
	v42 =	vand.u32 $0xFFFFFFF0, v48  }
0x2fb: {  	v41 =	vor.u32 v41, v42  }
0x2fc: {  	v42 =	vperm.xlane v41, v38;
	_ =	sdelay $0x1  }
0x2fd: {  	v41 =	vperm.xlane v41, v40;
	v42 =	vadd.s32 v39, v42;
	_ =	sdelay $0x1  }
0x2fe: {  	v41 =	vadd.s32 v39, v41;
	_ =	sdelay $0x2  }
0x2ff: {  	[tilespmem:s21], [sflag:$0x1] =	stream.indirect_vreg.gather [hbm4b:s1+s3], $0x80, v42, vm0, $0xb8;
	[tilespmem:$0x6280] =	vst v63  }
0x300: {  	_ = 	snop  }
0x301: {  	[tilespmem:s22], [sflag:$0x1] =	stream.indirect_vreg.gather [hbm4b:s1+s3], $0x80, v41, vm0, $0xb8;
	[tilespmem:$0x6280] =	vst v63  }
0x302: {  	v41 =	vld [tilespmem:$0xA10];
	_ =	sdelay $0x4  }
0x303: {  	v49 =	vshll.u32 v41, $0x1  }
0x304: {  	v41 =	vand.u32 $0x7, v41;
	v42 =	vand.u32 $0xFFFFFFF0, v49  }
0x305: {  	v41 =	vor.u32 v41, v42  }
0x306: {  	v42 =	vperm.xlane v41, v38;
	_ =	sdelay $0x1  }
0x307: {  	v41 =	vperm.xlane v41, v40;
	v42 =	vadd.s32 v39, v42;
	_ =	sdelay $0x1  }
0x308: {  	v41 =	vadd.s32 v39, v41;
	_ =	sdelay $0x2  }
0x309: {  	[tilespmem:s23], [sflag:$0x1] =	stream.indirect_vreg.gather [hbm4b:s1+s3], $0x80, v42, vm0, $0xb8;
	[tilespmem:$0x6280] =	vst v63  }
0x30a: {  	_ = 	snop  }
0x30b: {  	[tilespmem:s24], [sflag:$0x1] =	stream.indirect_vreg.gather [hbm4b:s1+s3], $0x80, v41, vm0, $0xb8;
	[tilespmem:$0x6280] =	vst v63  }
0x30c: {  	v41 =	vld [tilespmem:$0xA20];
	_ =	sdelay $0x4  }
0x30d: {  	v45 =	vshll.u32 v41, $0x1  }
0x30e: {  	v41 =	vand.u32 $0x7, v41;
	v42 =	vand.u32 $0xFFFFFFF0, v45  }
0x30f: {  	v41 =	vor.u32 v41, v42  }
0x310: {  	v42 =	vperm.xlane v41, v38;
	_ =	sdelay $0x1  }
0x311: {  	v41 =	vperm.xlane v41, v40;
	v42 =	vadd.s32 v39, v42;
	_ =	sdelay $0x1  }
0x312: {  	v41 =	vadd.s32 v39, v41;
	_ =	sdelay $0x2  }
0x313: {  	[tilespmem:s25], [sflag:$0x1] =	stream.indirect_vreg.gather [hbm4b:s1+s3], $0x80, v42, vm0, $0xb8;
	[tilespmem:$0x6280] =	vst v63  }
0x314: {  	_ = 	snop  }
0x315: {  	[tilespmem:s26], [sflag:$0x1] =	stream.indirect_vreg.gather [hbm4b:s1+s3], $0x80, v41, vm0, $0xb8;
	[tilespmem:$0x6280] =	vst v63  }
0x316: {  	v41 =	vld [tilespmem:$0xA30];
	_ =	sdelay $0x4  }
0x317: {  	v46 =	vshll.u32 v41, $0x1  }
0x318: {  	v41 =	vand.u32 $0x7, v41;
	v42 =	vand.u32 $0xFFFFFFF0, v46  }
0x319: {  	v41 =	vor.u32 v41, v42  }
0x31a: {  	v42 =	vperm.xlane v41, v38;
	_ =	sdelay $0x1  }
0x31b: {  	v41 =	vperm.xlane v41, v40;
	v42 =	vadd.s32 v39, v42;
	_ =	sdelay $0x1  }
0x31c: {  	v41 =	vadd.s32 v39, v41;
	_ =	sdelay $0x2  }
0x31d: {  	[tilespmem:s28], [sflag:$0x1] =	stream.indirect_vreg.gather [hbm4b:s1+s3], $0x80, v42, vm0, $0xb8;
	[tilespmem:$0x6280] =	vst v63  }
0x31e: {  	_ = 	snop  }
0x31f: {  	[tilespmem:s29], [sflag:$0x1] =	stream.indirect_vreg.gather [hbm4b:s1+s3], $0x80, v41, vm0, $0xb8;
	[tilespmem:$0x6280] =	vst v63  }
0x320: {  	v41 =	vld [tilespmem:$0xA40];
	_ =	sdelay $0x4  }
0x321: {  	v47 =	vshll.u32 v41, $0x1  }
0x322: {  	v41 =	vand.u32 $0x7, v41;
	v42 =	vand.u32 $0xFFFFFFF0, v47  }
0x323: {  	v41 =	vor.u32 v41, v42  }
0x324: {  	v42 =	vperm.xlane v41, v38;
	_ =	sdelay $0x1  }
0x325: {  	v41 =	vperm.xlane v41, v40;
	v42 =	vadd.s32 v39, v42;
	_ =	sdelay $0x1  }
0x326: {  	v41 =	vadd.s32 v39, v41;
	_ =	sdelay $0x2  }
0x327: {  	[tilespmem:s30], [sflag:$0x1] =	stream.indirect_vreg.gather [hbm4b:s1+s3], $0x80, v42, vm0, $0xb8;
	[tilespmem:$0x6280] =	vst v63  }
0x328: {  	_ = 	snop  }
0x329: {  	[tilespmem:s31], [sflag:$0x1] =	stream.indirect_vreg.gather [hbm4b:s1+s3], $0x80, v41, vm0, $0xb8;
	[tilespmem:$0x6280] =	vst v63  }
0x32a: {  	_ =	swait.ge [sflag:s2], $0x5000  }
0x32b: {  	[sflag:s2] =	ssyncset.done $0x0  }
0x32c: {  	[sflag:s2] =	ssyncadd.s32 $0xFFFFB000  }
0x32d: {  	[hbm4b:s6+s3] =	stream.linear.scatter [tilespmem:s21], [sflag:$0x2], $0x5000, $0x38;
	[tilespmem:$0x6280] =	vst v63  }
0x32e: {  	_ =	swait.ge [sflag:s20], $0x5000  }
0x32f: {  	[sflag:s20] =	ssyncset.done $0x0  }
0x330: {  	[sflag:s20] =	ssyncadd.s32 $0xFFFFB000  }
0x331: {  	v48 =	vld [tilespmem:$0xA80];
	_ =	sdelay $0x4  }
0x332: {  	v49 =	vshll.u32 v48, $0x1  }
0x333: {  	v41 =	vand.u32 $0x7, v48;
	v42 =	vand.u32 $0xFFFFFFF0, v49  }
0x334: {  	v41 =	vor.u32 v41, v42  }
0x335: {  	v42 =	vperm.xlane v41, v38;
	_ =	sdelay $0x1  }
0x336: {  	v41 =	vperm.xlane v41, v40;
	v42 =	vadd.s32 v39, v42;
	_ =	sdelay $0x1  }
0x337: {  	v41 =	vadd.s32 v39, v41;
	_ =	sdelay $0x2  }
0x338: {  	[tilespmem:s21], [sflag:$0x1] =	stream.indirect_vreg.gather [hbm4b:s1+s3], $0x80, v42, vm0, $0xb8;
	[tilespmem:$0x6280] =	vst v63  }
0x339: {  	_ = 	snop  }
0x33a: {  	[tilespmem:s22], [sflag:$0x1] =	stream.indirect_vreg.gather [hbm4b:s1+s3], $0x80, v41, vm0, $0xb8;
	[tilespmem:$0x6280] =	vst v63  }
0x33b: {  	v41 =	vld [tilespmem:$0xA90];
	_ =	sdelay $0x4  }
0x33c: {  	v45 =	vshll.u32 v41, $0x1  }
0x33d: {  	v41 =	vand.u32 $0x7, v41;
	v42 =	vand.u32 $0xFFFFFFF0, v45  }
0x33e: {  	v41 =	vor.u32 v41, v42  }
0x33f: {  	v42 =	vperm.xlane v41, v38;
	_ =	sdelay $0x1  }
0x340: {  	v41 =	vperm.xlane v41, v40;
	v42 =	vadd.s32 v39, v42;
	_ =	sdelay $0x1  }
0x341: {  	v41 =	vadd.s32 v39, v41;
	_ =	sdelay $0x2  }
0x342: {  	[tilespmem:s23], [sflag:$0x1] =	stream.indirect_vreg.gather [hbm4b:s1+s3], $0x80, v42, vm0, $0xb8;
	[tilespmem:$0x6280] =	vst v63  }
0x343: {  	_ = 	snop  }
0x344: {  	[tilespmem:s24], [sflag:$0x1] =	stream.indirect_vreg.gather [hbm4b:s1+s3], $0x80, v41, vm0, $0xb8;
	[tilespmem:$0x6280] =	vst v63  }
0x345: {  	v41 =	vld [tilespmem:$0xAA0];
	_ =	sdelay $0x4  }
0x346: {  	v46 =	vshll.u32 v41, $0x1  }
0x347: {  	v41 =	vand.u32 $0x7, v41;
	v42 =	vand.u32 $0xFFFFFFF0, v46  }
0x348: {  	v41 =	vor.u32 v41, v42  }
0x349: {  	v42 =	vperm.xlane v41, v38;
	_ =	sdelay $0x1  }
0x34a: {  	v41 =	vperm.xlane v41, v40;
	v42 =	vadd.s32 v39, v42;
	_ =	sdelay $0x1  }
0x34b: {  	v41 =	vadd.s32 v39, v41;
	_ =	sdelay $0x2  }
0x34c: {  	[tilespmem:s25], [sflag:$0x1] =	stream.indirect_vreg.gather [hbm4b:s1+s3], $0x80, v42, vm0, $0xb8;
	[tilespmem:$0x6280] =	vst v63  }
0x34d: {  	_ = 	snop  }
0x34e: {  	[tilespmem:s26], [sflag:$0x1] =	stream.indirect_vreg.gather [hbm4b:s1+s3], $0x80, v41, vm0, $0xb8;
	[tilespmem:$0x6280] =	vst v63  }
0x34f: {  	v41 =	vld [tilespmem:$0xAB0];
	_ =	sdelay $0x4  }
0x350: {  	v47 =	vshll.u32 v41, $0x1  }
0x351: {  	v41 =	vand.u32 $0x7, v41;
	v42 =	vand.u32 $0xFFFFFFF0, v47  }
0x352: {  	v41 =	vor.u32 v41, v42  }
0x353: {  	v42 =	vperm.xlane v41, v38;
	_ =	sdelay $0x1  }
0x354: {  	v41 =	vperm.xlane v41, v40;
	v42 =	vadd.s32 v39, v42;
	_ =	sdelay $0x1  }
0x355: {  	v41 =	vadd.s32 v39, v41;
	_ =	sdelay $0x2  }
0x356: {  	[tilespmem:s28], [sflag:$0x1] =	stream.indirect_vreg.gather [hbm4b:s1+s3], $0x80, v42, vm0, $0xb8;
	[tilespmem:$0x6280] =	vst v63  }
0x357: {  	_ = 	snop  }
0x358: {  	[tilespmem:s29], [sflag:$0x1] =	stream.indirect_vreg.gather [hbm4b:s1+s3], $0x80, v41, vm0, $0xb8;
	[tilespmem:$0x6280] =	vst v63  }
0x359: {  	v41 =	vld [tilespmem:$0xAC0];
	_ =	sdelay $0x4  }
0x35a: {  	v48 =	vshll.u32 v41, $0x1  }
0x35b: {  	v41 =	vand.u32 $0x7, v41;
	v42 =	vand.u32 $0xFFFFFFF0, v48  }
0x35c: {  	v41 =	vor.u32 v41, v42  }
0x35d: {  	v42 =	vperm.xlane v41, v38;
	_ =	sdelay $0x1  }
0x35e: {  	v41 =	vperm.xlane v41, v40;
	v42 =	vadd.s32 v39, v42;
	_ =	sdelay $0x1  }
0x35f: {  	v41 =	vadd.s32 v39, v41;
	_ =	sdelay $0x2  }
0x360: {  	[tilespmem:s30], [sflag:$0x1] =	stream.indirect_vreg.gather [hbm4b:s1+s3], $0x80, v42, vm0, $0xb8;
	[tilespmem:$0x6280] =	vst v63  }
0x361: {  	_ = 	snop  }
0x362: {  	[tilespmem:s31], [sflag:$0x1] =	stream.indirect_vreg.gather [hbm4b:s1+s3], $0x80, v41, vm0, $0xb8;
	[tilespmem:$0x6280] =	vst v63  }
0x363: {  	_ =	swait.ge [sflag:s2], $0x5000  }
0x364: {  	[sflag:s2] =	ssyncset.done $0x0  }
0x365: {  	[sflag:s2] =	ssyncadd.s32 $0xFFFFB000  }
0x366: {  	[hbm4b:s7+s3] =	stream.linear.scatter [tilespmem:s21], [sflag:$0x2], $0x5000, $0x38;
	[tilespmem:$0x6280] =	vst v63  }
0x367: {  	_ =	swait.ge [sflag:s20], $0x5000  }
0x368: {  	[sflag:s20] =	ssyncset.done $0x0  }
0x369: {  	[sflag:s20] =	ssyncadd.s32 $0xFFFFB000  }
0x36a: {  	v49 =	vld [tilespmem:$0xB00];
	_ =	sdelay $0x4  }
0x36b: {  	v45 =	vshll.u32 v49, $0x1  }
0x36c: {  	v41 =	vand.u32 $0x7, v49;
	v42 =	vand.u32 $0xFFFFFFF0, v45  }
0x36d: {  	v41 =	vor.u32 v41, v42  }
0x36e: {  	v42 =	vperm.xlane v41, v38;
	_ =	sdelay $0x1  }
0x36f: {  	v41 =	vperm.xlane v41, v40;
	v42 =	vadd.s32 v39, v42;
	_ =	sdelay $0x1  }
0x370: {  	v41 =	vadd.s32 v39, v41;
	_ =	sdelay $0x2  }
0x371: {  	[tilespmem:s21], [sflag:$0x1] =	stream.indirect_vreg.gather [hbm4b:s1+s3], $0x80, v42, vm0, $0xb8;
	[tilespmem:$0x6280] =	vst v63  }
0x372: {  	_ = 	snop  }
0x373: {  	[tilespmem:s22], [sflag:$0x1] =	stream.indirect_vreg.gather [hbm4b:s1+s3], $0x80, v41, vm0, $0xb8;
	[tilespmem:$0x6280] =	vst v63  }
0x374: {  	v41 =	vld [tilespmem:$0xB10];
	_ =	sdelay $0x4  }
0x375: {  	v46 =	vshll.u32 v41, $0x1  }
0x376: {  	v41 =	vand.u32 $0x7, v41;
	v42 =	vand.u32 $0xFFFFFFF0, v46  }
0x377: {  	v41 =	vor.u32 v41, v42  }
0x378: {  	v42 =	vperm.xlane v41, v38;
	_ =	sdelay $0x1  }
0x379: {  	v41 =	vperm.xlane v41, v40;
	v42 =	vadd.s32 v39, v42;
	_ =	sdelay $0x1  }
0x37a: {  	v41 =	vadd.s32 v39, v41;
	_ =	sdelay $0x2  }
0x37b: {  	[tilespmem:s23], [sflag:$0x1] =	stream.indirect_vreg.gather [hbm4b:s1+s3], $0x80, v42, vm0, $0xb8;
	[tilespmem:$0x6280] =	vst v63  }
0x37c: {  	_ = 	snop  }
0x37d: {  	[tilespmem:s24], [sflag:$0x1] =	stream.indirect_vreg.gather [hbm4b:s1+s3], $0x80, v41, vm0, $0xb8;
	[tilespmem:$0x6280] =	vst v63  }
0x37e: {  	v41 =	vld [tilespmem:$0xB20];
	_ =	sdelay $0x4  }
0x37f: {  	v47 =	vshll.u32 v41, $0x1  }
0x380: {  	v41 =	vand.u32 $0x7, v41;
	v42 =	vand.u32 $0xFFFFFFF0, v47  }
0x381: {  	v41 =	vor.u32 v41, v42  }
0x382: {  	v42 =	vperm.xlane v41, v38;
	_ =	sdelay $0x1  }
0x383: {  	v41 =	vperm.xlane v41, v40;
	v42 =	vadd.s32 v39, v42;
	_ =	sdelay $0x1  }
0x384: {  	v41 =	vadd.s32 v39, v41;
	_ =	sdelay $0x2  }
0x385: {  	[tilespmem:s25], [sflag:$0x1] =	stream.indirect_vreg.gather [hbm4b:s1+s3], $0x80, v42, vm0, $0xb8;
	[tilespmem:$0x6280] =	vst v63  }
0x386: {  	_ = 	snop  }
0x387: {  	[tilespmem:s26], [sflag:$0x1] =	stream.indirect_vreg.gather [hbm4b:s1+s3], $0x80, v41, vm0, $0xb8;
	[tilespmem:$0x6280] =	vst v63  }
0x388: {  	v41 =	vld [tilespmem:$0xB30];
	_ =	sdelay $0x4  }
0x389: {  	v48 =	vshll.u32 v41, $0x1  }
0x38a: {  	v41 =	vand.u32 $0x7, v41;
	v42 =	vand.u32 $0xFFFFFFF0, v48  }
0x38b: {  	v41 =	vor.u32 v41, v42  }
0x38c: {  	v42 =	vperm.xlane v41, v38;
	_ =	sdelay $0x1  }
0x38d: {  	v41 =	vperm.xlane v41, v40;
	v42 =	vadd.s32 v39, v42;
	_ =	sdelay $0x1  }
0x38e: {  	v41 =	vadd.s32 v39, v41;
	_ =	sdelay $0x2  }
0x38f: {  	[tilespmem:s28], [sflag:$0x1] =	stream.indirect_vreg.gather [hbm4b:s1+s3], $0x80, v42, vm0, $0xb8;
	[tilespmem:$0x6280] =	vst v63  }
0x390: {  	_ = 	snop  }
0x391: {  	[tilespmem:s29], [sflag:$0x1] =	stream.indirect_vreg.gather [hbm4b:s1+s3], $0x80, v41, vm0, $0xb8;
	[tilespmem:$0x6280] =	vst v63  }
0x392: {  	v41 =	vld [tilespmem:$0xB40];
	_ =	sdelay $0x4  }
0x393: {  	v49 =	vshll.u32 v41, $0x1  }
0x394: {  	v41 =	vand.u32 $0x7, v41;
	v42 =	vand.u32 $0xFFFFFFF0, v49  }
0x395: {  	v41 =	vor.u32 v41, v42  }
0x396: {  	v42 =	vperm.xlane v41, v38;
	_ =	sdelay $0x1  }
0x397: {  	v41 =	vperm.xlane v41, v40;
	v42 =	vadd.s32 v39, v42;
	_ =	sdelay $0x1  }
0x398: {  	v41 =	vadd.s32 v39, v41;
	_ =	sdelay $0x2  }
0x399: {  	[tilespmem:s30], [sflag:$0x1] =	stream.indirect_vreg.gather [hbm4b:s1+s3], $0x80, v42, vm0, $0xb8;
	[tilespmem:$0x6280] =	vst v63  }
0x39a: {  	_ = 	snop  }
0x39b: {  	[tilespmem:s31], [sflag:$0x1] =	stream.indirect_vreg.gather [hbm4b:s1+s3], $0x80, v41, vm0, $0xb8;
	[tilespmem:$0x6280] =	vst v63  }
0x39c: {  	_ =	swait.ge [sflag:s2], $0x5000  }
0x39d: {  	[sflag:s2] =	ssyncset.done $0x0  }
0x39e: {  	[sflag:s2] =	ssyncadd.s32 $0xFFFFB000  }
0x39f: {  	[hbm4b:s8+s3] =	stream.linear.scatter [tilespmem:s21], [sflag:$0x2], $0x5000, $0x38;
	[tilespmem:$0x6280] =	vst v63  }
0x3a0: {  	_ =	swait.ge [sflag:s20], $0x5000  }
0x3a1: {  	[sflag:s20] =	ssyncset.done $0x0  }
0x3a2: {  	[sflag:s20] =	ssyncadd.s32 $0xFFFFB000  }
0x3a3: {  	v45 =	vld [tilespmem:$0xB80];
	_ =	sdelay $0x4  }
0x3a4: {  	v46 =	vshll.u32 v45, $0x1  }
0x3a5: {  	v41 =	vand.u32 $0x7, v45;
	v42 =	vand.u32 $0xFFFFFFF0, v46  }
0x3a6: {  	v41 =	vor.u32 v41, v42  }
0x3a7: {  	v42 =	vperm.xlane v41, v38;
	_ =	sdelay $0x1  }
0x3a8: {  	v41 =	vperm.xlane v41, v40;
	v42 =	vadd.s32 v39, v42;
	_ =	sdelay $0x1  }
0x3a9: {  	v41 =	vadd.s32 v39, v41;
	_ =	sdelay $0x2  }
0x3aa: {  	[tilespmem:s21], [sflag:$0x1] =	stream.indirect_vreg.gather [hbm4b:s1+s3], $0x80, v42, vm0, $0xb8;
	[tilespmem:$0x6280] =	vst v63  }
0x3ab: {  	_ = 	snop  }
0x3ac: {  	[tilespmem:s22], [sflag:$0x1] =	stream.indirect_vreg.gather [hbm4b:s1+s3], $0x80, v41, vm0, $0xb8;
	[tilespmem:$0x6280] =	vst v63  }
0x3ad: {  	v41 =	vld [tilespmem:$0xB90];
	_ =	sdelay $0x4  }
0x3ae: {  	v47 =	vshll.u32 v41, $0x1  }
0x3af: {  	v41 =	vand.u32 $0x7, v41;
	v42 =	vand.u32 $0xFFFFFFF0, v47  }
0x3b0: {  	v41 =	vor.u32 v41, v42  }
0x3b1: {  	v42 =	vperm.xlane v41, v38;
	_ =	sdelay $0x1  }
0x3b2: {  	v41 =	vperm.xlane v41, v40;
	v42 =	vadd.s32 v39, v42;
	_ =	sdelay $0x1  }
0x3b3: {  	v41 =	vadd.s32 v39, v41;
	_ =	sdelay $0x2  }
0x3b4: {  	[tilespmem:s23], [sflag:$0x1] =	stream.indirect_vreg.gather [hbm4b:s1+s3], $0x80, v42, vm0, $0xb8;
	[tilespmem:$0x6280] =	vst v63  }
0x3b5: {  	_ = 	snop  }
0x3b6: {  	[tilespmem:s24], [sflag:$0x1] =	stream.indirect_vreg.gather [hbm4b:s1+s3], $0x80, v41, vm0, $0xb8;
	[tilespmem:$0x6280] =	vst v63  }
0x3b7: {  	v41 =	vld [tilespmem:$0xBA0];
	_ =	sdelay $0x4  }
0x3b8: {  	v48 =	vshll.u32 v41, $0x1  }
0x3b9: {  	v41 =	vand.u32 $0x7, v41;
	v42 =	vand.u32 $0xFFFFFFF0, v48  }
0x3ba: {  	v41 =	vor.u32 v41, v42  }
0x3bb: {  	v42 =	vperm.xlane v41, v38;
	_ =	sdelay $0x1  }
0x3bc: {  	v41 =	vperm.xlane v41, v40;
	v42 =	vadd.s32 v39, v42;
	_ =	sdelay $0x1  }
0x3bd: {  	v41 =	vadd.s32 v39, v41;
	_ =	sdelay $0x2  }
0x3be: {  	[tilespmem:s25], [sflag:$0x1] =	stream.indirect_vreg.gather [hbm4b:s1+s3], $0x80, v42, vm0, $0xb8;
	[tilespmem:$0x6280] =	vst v63  }
0x3bf: {  	_ = 	snop  }
0x3c0: {  	[tilespmem:s26], [sflag:$0x1] =	stream.indirect_vreg.gather [hbm4b:s1+s3], $0x80, v41, vm0, $0xb8;
	[tilespmem:$0x6280] =	vst v63  }
0x3c1: {  	v41 =	vld [tilespmem:$0xBB0];
	_ =	sdelay $0x4  }
0x3c2: {  	v49 =	vshll.u32 v41, $0x1  }
0x3c3: {  	v41 =	vand.u32 $0x7, v41;
	v42 =	vand.u32 $0xFFFFFFF0, v49  }
0x3c4: {  	v41 =	vor.u32 v41, v42  }
0x3c5: {  	v42 =	vperm.xlane v41, v38;
	_ =	sdelay $0x1  }
0x3c6: {  	v41 =	vperm.xlane v41, v40;
	v42 =	vadd.s32 v39, v42;
	_ =	sdelay $0x1  }
0x3c7: {  	v41 =	vadd.s32 v39, v41;
	_ =	sdelay $0x2  }
0x3c8: {  	[tilespmem:s28], [sflag:$0x1] =	stream.indirect_vreg.gather [hbm4b:s1+s3], $0x80, v42, vm0, $0xb8;
	[tilespmem:$0x6280] =	vst v63  }
0x3c9: {  	_ = 	snop  }
0x3ca: {  	[tilespmem:s29], [sflag:$0x1] =	stream.indirect_vreg.gather [hbm4b:s1+s3], $0x80, v41, vm0, $0xb8;
	[tilespmem:$0x6280] =	vst v63  }
0x3cb: {  	v41 =	vld [tilespmem:$0xBC0];
	_ =	sdelay $0x4  }
0x3cc: {  	v45 =	vshll.u32 v41, $0x1  }
0x3cd: {  	v41 =	vand.u32 $0x7, v41;
	v42 =	vand.u32 $0xFFFFFFF0, v45  }
0x3ce: {  	v41 =	vor.u32 v41, v42  }
0x3cf: {  	v42 =	vperm.xlane v41, v38;
	_ =	sdelay $0x1  }
0x3d0: {  	v41 =	vperm.xlane v41, v40;
	v42 =	vadd.s32 v39, v42;
	_ =	sdelay $0x1  }
0x3d1: {  	v41 =	vadd.s32 v39, v41;
	_ =	sdelay $0x2  }
0x3d2: {  	[tilespmem:s30], [sflag:$0x1] =	stream.indirect_vreg.gather [hbm4b:s1+s3], $0x80, v42, vm0, $0xb8;
	[tilespmem:$0x6280] =	vst v63  }
0x3d3: {  	_ = 	snop  }
0x3d4: {  	[tilespmem:s31], [sflag:$0x1] =	stream.indirect_vreg.gather [hbm4b:s1+s3], $0x80, v41, vm0, $0xb8;
	[tilespmem:$0x6280] =	vst v63  }
0x3d5: {  	_ =	swait.ge [sflag:s2], $0x5000  }
0x3d6: {  	[sflag:s2] =	ssyncset.done $0x0  }
0x3d7: {  	[sflag:s2] =	ssyncadd.s32 $0xFFFFB000  }
0x3d8: {  	[hbm4b:s9+s3] =	stream.linear.scatter [tilespmem:s21], [sflag:$0x2], $0x5000, $0x38;
	[tilespmem:$0x6280] =	vst v63  }
0x3d9: {  	_ =	swait.ge [sflag:s20], $0x5000  }
0x3da: {  	[sflag:s20] =	ssyncset.done $0x0  }
0x3db: {  	[sflag:s20] =	ssyncadd.s32 $0xFFFFB000  }
0x3dc: {  	v46 =	vld [tilespmem:$0xC00];
	_ =	sdelay $0x4  }
0x3dd: {  	v47 =	vshll.u32 v46, $0x1  }
0x3de: {  	v41 =	vand.u32 $0x7, v46;
	v42 =	vand.u32 $0xFFFFFFF0, v47  }
0x3df: {  	v41 =	vor.u32 v41, v42  }
0x3e0: {  	v42 =	vperm.xlane v41, v38;
	_ =	sdelay $0x1  }
0x3e1: {  	v41 =	vperm.xlane v41, v40;
	v42 =	vadd.s32 v39, v42;
	_ =	sdelay $0x1  }
0x3e2: {  	v41 =	vadd.s32 v39, v41;
	_ =	sdelay $0x2  }
0x3e3: {  	[tilespmem:s21], [sflag:$0x1] =	stream.indirect_vreg.gather [hbm4b:s1+s3], $0x80, v42, vm0, $0xb8;
	[tilespmem:$0x6280] =	vst v63  }
0x3e4: {  	_ = 	snop  }
0x3e5: {  	[tilespmem:s22], [sflag:$0x1] =	stream.indirect_vreg.gather [hbm4b:s1+s3], $0x80, v41, vm0, $0xb8;
	[tilespmem:$0x6280] =	vst v63  }
0x3e6: {  	v41 =	vld [tilespmem:$0xC10];
	_ =	sdelay $0x4  }
0x3e7: {  	v48 =	vshll.u32 v41, $0x1  }
0x3e8: {  	v41 =	vand.u32 $0x7, v41;
	v42 =	vand.u32 $0xFFFFFFF0, v48  }
0x3e9: {  	v41 =	vor.u32 v41, v42  }
0x3ea: {  	v42 =	vperm.xlane v41, v38;
	_ =	sdelay $0x1  }
0x3eb: {  	v41 =	vperm.xlane v41, v40;
	v42 =	vadd.s32 v39, v42;
	_ =	sdelay $0x1  }
0x3ec: {  	v41 =	vadd.s32 v39, v41;
	_ =	sdelay $0x2  }
0x3ed: {  	[tilespmem:s23], [sflag:$0x1] =	stream.indirect_vreg.gather [hbm4b:s1+s3], $0x80, v42, vm0, $0xb8;
	[tilespmem:$0x6280] =	vst v63  }
0x3ee: {  	_ = 	snop  }
0x3ef: {  	[tilespmem:s24], [sflag:$0x1] =	stream.indirect_vreg.gather [hbm4b:s1+s3], $0x80, v41, vm0, $0xb8;
	[tilespmem:$0x6280] =	vst v63  }
0x3f0: {  	v41 =	vld [tilespmem:$0xC20];
	_ =	sdelay $0x4  }
0x3f1: {  	v49 =	vshll.u32 v41, $0x1  }
0x3f2: {  	v41 =	vand.u32 $0x7, v41;
	v42 =	vand.u32 $0xFFFFFFF0, v49  }
0x3f3: {  	v41 =	vor.u32 v41, v42  }
0x3f4: {  	v42 =	vperm.xlane v41, v38;
	_ =	sdelay $0x1  }
0x3f5: {  	v41 =	vperm.xlane v41, v40;
	v42 =	vadd.s32 v39, v42;
	_ =	sdelay $0x1  }
0x3f6: {  	v41 =	vadd.s32 v39, v41;
	_ =	sdelay $0x2  }
0x3f7: {  	[tilespmem:s25], [sflag:$0x1] =	stream.indirect_vreg.gather [hbm4b:s1+s3], $0x80, v42, vm0, $0xb8;
	[tilespmem:$0x6280] =	vst v63  }
0x3f8: {  	_ = 	snop  }
0x3f9: {  	[tilespmem:s26], [sflag:$0x1] =	stream.indirect_vreg.gather [hbm4b:s1+s3], $0x80, v41, vm0, $0xb8;
	[tilespmem:$0x6280] =	vst v63  }
0x3fa: {  	v41 =	vld [tilespmem:$0xC30];
	_ =	sdelay $0x4  }
0x3fb: {  	v45 =	vshll.u32 v41, $0x1  }
0x3fc: {  	v41 =	vand.u32 $0x7, v41;
	v42 =	vand.u32 $0xFFFFFFF0, v45  }
0x3fd: {  	v41 =	vor.u32 v41, v42  }
0x3fe: {  	v42 =	vperm.xlane v41, v38;
	_ =	sdelay $0x1  }
0x3ff: {  	v41 =	vperm.xlane v41, v40;
	v42 =	vadd.s32 v39, v42;
	_ =	sdelay $0x1  }
0x400: {  	v41 =	vadd.s32 v39, v41;
	_ =	sdelay $0x2  }
0x401: {  	[tilespmem:s28], [sflag:$0x1] =	stream.indirect_vreg.gather [hbm4b:s1+s3], $0x80, v42, vm0, $0xb8;
	[tilespmem:$0x6280] =	vst v63  }
0x402: {  	_ = 	snop  }
0x403: {  	[tilespmem:s29], [sflag:$0x1] =	stream.indirect_vreg.gather [hbm4b:s1+s3], $0x80, v41, vm0, $0xb8;
	[tilespmem:$0x6280] =	vst v63  }
0x404: {  	v41 =	vld [tilespmem:$0xC40];
	_ =	sdelay $0x4  }
0x405: {  	v46 =	vshll.u32 v41, $0x1  }
0x406: {  	v41 =	vand.u32 $0x7, v41;
	v42 =	vand.u32 $0xFFFFFFF0, v46  }
0x407: {  	v41 =	vor.u32 v41, v42  }
0x408: {  	v42 =	vperm.xlane v41, v38;
	_ =	sdelay $0x1  }
0x409: {  	v41 =	vperm.xlane v41, v40;
	v42 =	vadd.s32 v39, v42;
	_ =	sdelay $0x1  }
0x40a: {  	v41 =	vadd.s32 v39, v41;
	_ =	sdelay $0x2  }
0x40b: {  	[tilespmem:s30], [sflag:$0x1] =	stream.indirect_vreg.gather [hbm4b:s1+s3], $0x80, v42, vm0, $0xb8;
	[tilespmem:$0x6280] =	vst v63  }
0x40c: {  	_ = 	snop  }
0x40d: {  	[tilespmem:s31], [sflag:$0x1] =	stream.indirect_vreg.gather [hbm4b:s1+s3], $0x80, v41, vm0, $0xb8;
	[tilespmem:$0x6280] =	vst v63  }
0x40e: {  	_ =	swait.ge [sflag:s2], $0x5000  }
0x40f: {  	[sflag:s2] =	ssyncset.done $0x0  }
0x410: {  	[sflag:s2] =	ssyncadd.s32 $0xFFFFB000  }
0x411: {  	[hbm4b:s10+s3] =	stream.linear.scatter [tilespmem:s21], [sflag:$0x2], $0x5000, $0x38;
	[tilespmem:$0x6280] =	vst v63  }
0x412: {  	_ =	swait.ge [sflag:s20], $0x5000  }
0x413: {  	[sflag:s20] =	ssyncset.done $0x0  }
0x414: {  	[sflag:s20] =	ssyncadd.s32 $0xFFFFB000  }
0x415: {  	v47 =	vld [tilespmem:$0xC80];
	_ =	sdelay $0x4  }
0x416: {  	v48 =	vshll.u32 v47, $0x1  }
0x417: {  	v41 =	vand.u32 $0x7, v47;
	v42 =	vand.u32 $0xFFFFFFF0, v48  }
0x418: {  	v41 =	vor.u32 v41, v42  }
0x419: {  	v42 =	vperm.xlane v41, v38;
	_ =	sdelay $0x1  }
0x41a: {  	v41 =	vperm.xlane v41, v40;
	v42 =	vadd.s32 v39, v42;
	_ =	sdelay $0x1  }
0x41b: {  	v41 =	vadd.s32 v39, v41;
	_ =	sdelay $0x2  }
0x41c: {  	[tilespmem:s21], [sflag:$0x1] =	stream.indirect_vreg.gather [hbm4b:s1+s3], $0x80, v42, vm0, $0xb8;
	[tilespmem:$0x6280] =	vst v63  }
0x41d: {  	_ = 	snop  }
0x41e: {  	[tilespmem:s22], [sflag:$0x1] =	stream.indirect_vreg.gather [hbm4b:s1+s3], $0x80, v41, vm0, $0xb8;
	[tilespmem:$0x6280] =	vst v63  }
0x41f: {  	v41 =	vld [tilespmem:$0xC90];
	_ =	sdelay $0x4  }
0x420: {  	v49 =	vshll.u32 v41, $0x1  }
0x421: {  	v41 =	vand.u32 $0x7, v41;
	v42 =	vand.u32 $0xFFFFFFF0, v49  }
0x422: {  	v41 =	vor.u32 v41, v42  }
0x423: {  	v42 =	vperm.xlane v41, v38;
	_ =	sdelay $0x1  }
0x424: {  	v41 =	vperm.xlane v41, v40;
	v42 =	vadd.s32 v39, v42;
	_ =	sdelay $0x1  }
0x425: {  	v41 =	vadd.s32 v39, v41;
	_ =	sdelay $0x2  }
0x426: {  	[tilespmem:s23], [sflag:$0x1] =	stream.indirect_vreg.gather [hbm4b:s1+s3], $0x80, v42, vm0, $0xb8;
	[tilespmem:$0x6280] =	vst v63  }
0x427: {  	_ = 	snop  }
0x428: {  	[tilespmem:s24], [sflag:$0x1] =	stream.indirect_vreg.gather [hbm4b:s1+s3], $0x80, v41, vm0, $0xb8;
	[tilespmem:$0x6280] =	vst v63  }
0x429: {  	v41 =	vld [tilespmem:$0xCA0];
	_ =	sdelay $0x4  }
0x42a: {  	v45 =	vshll.u32 v41, $0x1  }
0x42b: {  	v41 =	vand.u32 $0x7, v41;
	v42 =	vand.u32 $0xFFFFFFF0, v45  }
0x42c: {  	v41 =	vor.u32 v41, v42  }
0x42d: {  	v42 =	vperm.xlane v41, v38;
	_ =	sdelay $0x1  }
0x42e: {  	v41 =	vperm.xlane v41, v40;
	v42 =	vadd.s32 v39, v42;
	_ =	sdelay $0x1  }
0x42f: {  	v41 =	vadd.s32 v39, v41;
	_ =	sdelay $0x2  }
0x430: {  	[tilespmem:s25], [sflag:$0x1] =	stream.indirect_vreg.gather [hbm4b:s1+s3], $0x80, v42, vm0, $0xb8;
	[tilespmem:$0x6280] =	vst v63  }
0x431: {  	_ = 	snop  }
0x432: {  	[tilespmem:s26], [sflag:$0x1] =	stream.indirect_vreg.gather [hbm4b:s1+s3], $0x80, v41, vm0, $0xb8;
	[tilespmem:$0x6280] =	vst v63  }
0x433: {  	v41 =	vld [tilespmem:$0xCB0];
	_ =	sdelay $0x4  }
0x434: {  	v46 =	vshll.u32 v41, $0x1  }
0x435: {  	v41 =	vand.u32 $0x7, v41;
	v42 =	vand.u32 $0xFFFFFFF0, v46  }
0x436: {  	v41 =	vor.u32 v41, v42  }
0x437: {  	v42 =	vperm.xlane v41, v38;
	_ =	sdelay $0x1  }
0x438: {  	v41 =	vperm.xlane v41, v40;
	v42 =	vadd.s32 v39, v42;
	_ =	sdelay $0x1  }
0x439: {  	v41 =	vadd.s32 v39, v41;
	_ =	sdelay $0x2  }
0x43a: {  	[tilespmem:s28], [sflag:$0x1] =	stream.indirect_vreg.gather [hbm4b:s1+s3], $0x80, v42, vm0, $0xb8;
	[tilespmem:$0x6280] =	vst v63  }
0x43b: {  	_ = 	snop  }
0x43c: {  	[tilespmem:s29], [sflag:$0x1] =	stream.indirect_vreg.gather [hbm4b:s1+s3], $0x80, v41, vm0, $0xb8;
	[tilespmem:$0x6280] =	vst v63  }
0x43d: {  	v41 =	vld [tilespmem:$0xCC0];
	_ =	sdelay $0x4  }
0x43e: {  	v47 =	vshll.u32 v41, $0x1  }
0x43f: {  	v41 =	vand.u32 $0x7, v41;
	v42 =	vand.u32 $0xFFFFFFF0, v47  }
0x440: {  	v41 =	vor.u32 v41, v42  }
0x441: {  	v42 =	vperm.xlane v41, v38;
	_ =	sdelay $0x1  }
0x442: {  	v41 =	vperm.xlane v41, v40;
	v42 =	vadd.s32 v39, v42;
	_ =	sdelay $0x1  }
0x443: {  	v41 =	vadd.s32 v39, v41;
	_ =	sdelay $0x2  }
0x444: {  	[tilespmem:s30], [sflag:$0x1] =	stream.indirect_vreg.gather [hbm4b:s1+s3], $0x80, v42, vm0, $0xb8;
	[tilespmem:$0x6280] =	vst v63  }
0x445: {  	_ = 	snop  }
0x446: {  	[tilespmem:s31], [sflag:$0x1] =	stream.indirect_vreg.gather [hbm4b:s1+s3], $0x80, v41, vm0, $0xb8;
	[tilespmem:$0x6280] =	vst v63  }
0x447: {  	_ =	swait.ge [sflag:s2], $0x5000  }
0x448: {  	[sflag:s2] =	ssyncset.done $0x0  }
0x449: {  	[sflag:s2] =	ssyncadd.s32 $0xFFFFB000  }
0x44a: {  	[hbm4b:s11+s3] =	stream.linear.scatter [tilespmem:s21], [sflag:$0x2], $0x5000, $0x38;
	[tilespmem:$0x6280] =	vst v63  }
0x44b: {  	_ =	swait.ge [sflag:s20], $0x5000  }
0x44c: {  	[sflag:s20] =	ssyncset.done $0x0  }
0x44d: {  	[sflag:s20] =	ssyncadd.s32 $0xFFFFB000  }
0x44e: {  	v48 =	vld [tilespmem:$0xD00];
	_ =	sdelay $0x4  }
0x44f: {  	v49 =	vshll.u32 v48, $0x1  }
0x450: {  	v41 =	vand.u32 $0x7, v48;
	v42 =	vand.u32 $0xFFFFFFF0, v49  }
0x451: {  	v41 =	vor.u32 v41, v42  }
0x452: {  	v42 =	vperm.xlane v41, v38;
	_ =	sdelay $0x1  }
0x453: {  	v41 =	vperm.xlane v41, v40;
	v42 =	vadd.s32 v39, v42;
	_ =	sdelay $0x1  }
0x454: {  	v41 =	vadd.s32 v39, v41;
	_ =	sdelay $0x2  }
0x455: {  	[tilespmem:s21], [sflag:$0x1] =	stream.indirect_vreg.gather [hbm4b:s1+s3], $0x80, v42, vm0, $0xb8;
	[tilespmem:$0x6280] =	vst v63  }
0x456: {  	_ = 	snop  }
0x457: {  	[tilespmem:s22], [sflag:$0x1] =	stream.indirect_vreg.gather [hbm4b:s1+s3], $0x80, v41, vm0, $0xb8;
	[tilespmem:$0x6280] =	vst v63  }
0x458: {  	v41 =	vld [tilespmem:$0xD10];
	_ =	sdelay $0x4  }
0x459: {  	v45 =	vshll.u32 v41, $0x1  }
0x45a: {  	v41 =	vand.u32 $0x7, v41;
	v42 =	vand.u32 $0xFFFFFFF0, v45  }
0x45b: {  	v41 =	vor.u32 v41, v42  }
0x45c: {  	v42 =	vperm.xlane v41, v38;
	_ =	sdelay $0x1  }
0x45d: {  	v41 =	vperm.xlane v41, v40;
	v42 =	vadd.s32 v39, v42;
	_ =	sdelay $0x1  }
0x45e: {  	v41 =	vadd.s32 v39, v41;
	_ =	sdelay $0x2  }
0x45f: {  	[tilespmem:s23], [sflag:$0x1] =	stream.indirect_vreg.gather [hbm4b:s1+s3], $0x80, v42, vm0, $0xb8;
	[tilespmem:$0x6280] =	vst v63  }
0x460: {  	_ = 	snop  }
0x461: {  	[tilespmem:s24], [sflag:$0x1] =	stream.indirect_vreg.gather [hbm4b:s1+s3], $0x80, v41, vm0, $0xb8;
	[tilespmem:$0x6280] =	vst v63  }
0x462: {  	v41 =	vld [tilespmem:$0xD20];
	_ =	sdelay $0x4  }
0x463: {  	v46 =	vshll.u32 v41, $0x1  }
0x464: {  	v41 =	vand.u32 $0x7, v41;
	v42 =	vand.u32 $0xFFFFFFF0, v46  }
0x465: {  	v41 =	vor.u32 v41, v42  }
0x466: {  	v42 =	vperm.xlane v41, v38;
	_ =	sdelay $0x1  }
0x467: {  	v41 =	vperm.xlane v41, v40;
	v42 =	vadd.s32 v39, v42;
	_ =	sdelay $0x1  }
0x468: {  	v41 =	vadd.s32 v39, v41;
	_ =	sdelay $0x2  }
0x469: {  	[tilespmem:s25], [sflag:$0x1] =	stream.indirect_vreg.gather [hbm4b:s1+s3], $0x80, v42, vm0, $0xb8;
	[tilespmem:$0x6280] =	vst v63  }
0x46a: {  	_ = 	snop  }
0x46b: {  	[tilespmem:s26], [sflag:$0x1] =	stream.indirect_vreg.gather [hbm4b:s1+s3], $0x80, v41, vm0, $0xb8;
	[tilespmem:$0x6280] =	vst v63  }
0x46c: {  	v41 =	vld [tilespmem:$0xD30];
	_ =	sdelay $0x4  }
0x46d: {  	v47 =	vshll.u32 v41, $0x1  }
0x46e: {  	v41 =	vand.u32 $0x7, v41;
	v42 =	vand.u32 $0xFFFFFFF0, v47  }
0x46f: {  	v41 =	vor.u32 v41, v42  }
0x470: {  	v42 =	vperm.xlane v41, v38;
	_ =	sdelay $0x1  }
0x471: {  	v41 =	vperm.xlane v41, v40;
	v42 =	vadd.s32 v39, v42;
	_ =	sdelay $0x1  }
0x472: {  	v41 =	vadd.s32 v39, v41;
	_ =	sdelay $0x2  }
0x473: {  	[tilespmem:s28], [sflag:$0x1] =	stream.indirect_vreg.gather [hbm4b:s1+s3], $0x80, v42, vm0, $0xb8;
	[tilespmem:$0x6280] =	vst v63  }
0x474: {  	_ = 	snop  }
0x475: {  	[tilespmem:s29], [sflag:$0x1] =	stream.indirect_vreg.gather [hbm4b:s1+s3], $0x80, v41, vm0, $0xb8;
	[tilespmem:$0x6280] =	vst v63  }
0x476: {  	v41 =	vld [tilespmem:$0xD40];
	_ =	sdelay $0x4  }
0x477: {  	v48 =	vshll.u32 v41, $0x1  }
0x478: {  	v41 =	vand.u32 $0x7, v41;
	v42 =	vand.u32 $0xFFFFFFF0, v48  }
0x479: {  	v41 =	vor.u32 v41, v42  }
0x47a: {  	v42 =	vperm.xlane v41, v38;
	_ =	sdelay $0x1  }
0x47b: {  	v41 =	vperm.xlane v41, v40;
	v42 =	vadd.s32 v39, v42;
	_ =	sdelay $0x1  }
0x47c: {  	v41 =	vadd.s32 v39, v41;
	_ =	sdelay $0x2  }
0x47d: {  	[tilespmem:s30], [sflag:$0x1] =	stream.indirect_vreg.gather [hbm4b:s1+s3], $0x80, v42, vm0, $0xb8;
	[tilespmem:$0x6280] =	vst v63  }
0x47e: {  	_ = 	snop  }
0x47f: {  	[tilespmem:s31], [sflag:$0x1] =	stream.indirect_vreg.gather [hbm4b:s1+s3], $0x80, v41, vm0, $0xb8;
	[tilespmem:$0x6280] =	vst v63  }
0x480: {  	_ =	swait.ge [sflag:s2], $0x5000  }
0x481: {  	[sflag:s2] =	ssyncset.done $0x0  }
0x482: {  	[sflag:s2] =	ssyncadd.s32 $0xFFFFB000  }
0x483: {  	[hbm4b:s12+s3] =	stream.linear.scatter [tilespmem:s21], [sflag:$0x2], $0x5000, $0x38;
	[tilespmem:$0x6280] =	vst v63  }
0x484: {  	_ =	swait.ge [sflag:s20], $0x5000  }
0x485: {  	[sflag:s20] =	ssyncset.done $0x0  }
0x486: {  	[sflag:s20] =	ssyncadd.s32 $0xFFFFB000  }
0x487: {  	v49 =	vld [tilespmem:$0xD80];
	_ =	sdelay $0x4  }
0x488: {  	v45 =	vshll.u32 v49, $0x1  }
0x489: {  	v41 =	vand.u32 $0x7, v49;
	v42 =	vand.u32 $0xFFFFFFF0, v45  }
0x48a: {  	v41 =	vor.u32 v41, v42  }
0x48b: {  	v42 =	vperm.xlane v41, v38;
	_ =	sdelay $0x1  }
0x48c: {  	v41 =	vperm.xlane v41, v40;
	v42 =	vadd.s32 v39, v42;
	_ =	sdelay $0x1  }
0x48d: {  	v41 =	vadd.s32 v39, v41;
	_ =	sdelay $0x2  }
0x48e: {  	[tilespmem:s21], [sflag:$0x1] =	stream.indirect_vreg.gather [hbm4b:s1+s3], $0x80, v42, vm0, $0xb8;
	[tilespmem:$0x6280] =	vst v63  }
0x48f: {  	_ = 	snop  }
0x490: {  	[tilespmem:s22], [sflag:$0x1] =	stream.indirect_vreg.gather [hbm4b:s1+s3], $0x80, v41, vm0, $0xb8;
	[tilespmem:$0x6280] =	vst v63  }
0x491: {  	v41 =	vld [tilespmem:$0xD90];
	_ =	sdelay $0x4  }
0x492: {  	v46 =	vshll.u32 v41, $0x1  }
0x493: {  	v41 =	vand.u32 $0x7, v41;
	v42 =	vand.u32 $0xFFFFFFF0, v46  }
0x494: {  	v41 =	vor.u32 v41, v42  }
0x495: {  	v42 =	vperm.xlane v41, v38;
	_ =	sdelay $0x1  }
0x496: {  	v41 =	vperm.xlane v41, v40;
	v42 =	vadd.s32 v39, v42;
	_ =	sdelay $0x1  }
0x497: {  	v41 =	vadd.s32 v39, v41;
	_ =	sdelay $0x2  }
0x498: {  	[tilespmem:s23], [sflag:$0x1] =	stream.indirect_vreg.gather [hbm4b:s1+s3], $0x80, v42, vm0, $0xb8;
	[tilespmem:$0x6280] =	vst v63  }
0x499: {  	_ = 	snop  }
0x49a: {  	[tilespmem:s24], [sflag:$0x1] =	stream.indirect_vreg.gather [hbm4b:s1+s3], $0x80, v41, vm0, $0xb8;
	[tilespmem:$0x6280] =	vst v63  }
0x49b: {  	v41 =	vld [tilespmem:$0xDA0];
	_ =	sdelay $0x4  }
0x49c: {  	v47 =	vshll.u32 v41, $0x1  }
0x49d: {  	v41 =	vand.u32 $0x7, v41;
	v42 =	vand.u32 $0xFFFFFFF0, v47  }
0x49e: {  	v41 =	vor.u32 v41, v42  }
0x49f: {  	v42 =	vperm.xlane v41, v38;
	_ =	sdelay $0x1  }
0x4a0: {  	v41 =	vperm.xlane v41, v40;
	v42 =	vadd.s32 v39, v42;
	_ =	sdelay $0x1  }
0x4a1: {  	v41 =	vadd.s32 v39, v41;
	_ =	sdelay $0x2  }
0x4a2: {  	[tilespmem:s25], [sflag:$0x1] =	stream.indirect_vreg.gather [hbm4b:s1+s3], $0x80, v42, vm0, $0xb8;
	[tilespmem:$0x6280] =	vst v63  }
0x4a3: {  	_ = 	snop  }
0x4a4: {  	[tilespmem:s26], [sflag:$0x1] =	stream.indirect_vreg.gather [hbm4b:s1+s3], $0x80, v41, vm0, $0xb8;
	[tilespmem:$0x6280] =	vst v63  }
0x4a5: {  	v41 =	vld [tilespmem:$0xDB0];
	_ =	sdelay $0x4  }
0x4a6: {  	v48 =	vshll.u32 v41, $0x1  }
0x4a7: {  	v41 =	vand.u32 $0x7, v41;
	v42 =	vand.u32 $0xFFFFFFF0, v48  }
0x4a8: {  	v41 =	vor.u32 v41, v42  }
0x4a9: {  	v42 =	vperm.xlane v41, v38;
	_ =	sdelay $0x1  }
0x4aa: {  	v41 =	vperm.xlane v41, v40;
	v42 =	vadd.s32 v39, v42;
	_ =	sdelay $0x1  }
0x4ab: {  	v41 =	vadd.s32 v39, v41;
	_ =	sdelay $0x2  }
0x4ac: {  	[tilespmem:s28], [sflag:$0x1] =	stream.indirect_vreg.gather [hbm4b:s1+s3], $0x80, v42, vm0, $0xb8;
	[tilespmem:$0x6280] =	vst v63  }
0x4ad: {  	_ = 	snop  }
0x4ae: {  	[tilespmem:s29], [sflag:$0x1] =	stream.indirect_vreg.gather [hbm4b:s1+s3], $0x80, v41, vm0, $0xb8;
	[tilespmem:$0x6280] =	vst v63  }
0x4af: {  	v41 =	vld [tilespmem:$0xDC0];
	_ =	sdelay $0x4  }
0x4b0: {  	v49 =	vshll.u32 v41, $0x1  }
0x4b1: {  	v41 =	vand.u32 $0x7, v41;
	v42 =	vand.u32 $0xFFFFFFF0, v49  }
0x4b2: {  	v41 =	vor.u32 v41, v42  }
0x4b3: {  	v42 =	vperm.xlane v41, v38;
	_ =	sdelay $0x1  }
0x4b4: {  	v41 =	vperm.xlane v41, v40;
	v42 =	vadd.s32 v39, v42;
	_ =	sdelay $0x1  }
0x4b5: {  	v41 =	vadd.s32 v39, v41;
	_ =	sdelay $0x2  }
0x4b6: {  	[tilespmem:s30], [sflag:$0x1] =	stream.indirect_vreg.gather [hbm4b:s1+s3], $0x80, v42, vm0, $0xb8;
	[tilespmem:$0x6280] =	vst v63  }
0x4b7: {  	_ = 	snop  }
0x4b8: {  	[tilespmem:s31], [sflag:$0x1] =	stream.indirect_vreg.gather [hbm4b:s1+s3], $0x80, v41, vm0, $0xb8;
	[tilespmem:$0x6280] =	vst v63  }
0x4b9: {  	_ =	swait.ge [sflag:s2], $0x5000  }
0x4ba: {  	[sflag:s2] =	ssyncset.done $0x0  }
0x4bb: {  	[sflag:s2] =	ssyncadd.s32 $0xFFFFB000  }
0x4bc: {  	[hbm4b:s13+s3] =	stream.linear.scatter [tilespmem:s21], [sflag:$0x2], $0x5000, $0x38;
	[tilespmem:$0x6280] =	vst v63  }
0x4bd: {  	_ =	swait.ge [sflag:s20], $0x5000  }
0x4be: {  	[sflag:s20] =	ssyncset.done $0x0  }
0x4bf: {  	[sflag:s20] =	ssyncadd.s32 $0xFFFFB000  }
0x4c0: {  	v45 =	vld [tilespmem:$0xE00];
	_ =	sdelay $0x4  }
0x4c1: {  	v46 =	vshll.u32 v45, $0x1  }
0x4c2: {  	v41 =	vand.u32 $0x7, v45;
	v42 =	vand.u32 $0xFFFFFFF0, v46  }
0x4c3: {  	v41 =	vor.u32 v41, v42  }
0x4c4: {  	v42 =	vperm.xlane v41, v38;
	_ =	sdelay $0x1  }
0x4c5: {  	v41 =	vperm.xlane v41, v40;
	v42 =	vadd.s32 v39, v42;
	_ =	sdelay $0x1  }
0x4c6: {  	v41 =	vadd.s32 v39, v41;
	_ =	sdelay $0x2  }
0x4c7: {  	[tilespmem:s21], [sflag:$0x1] =	stream.indirect_vreg.gather [hbm4b:s1+s3], $0x80, v42, vm0, $0xb8;
	[tilespmem:$0x6280] =	vst v63  }
0x4c8: {  	_ = 	snop  }
0x4c9: {  	[tilespmem:s22], [sflag:$0x1] =	stream.indirect_vreg.gather [hbm4b:s1+s3], $0x80, v41, vm0, $0xb8;
	[tilespmem:$0x6280] =	vst v63  }
0x4ca: {  	v41 =	vld [tilespmem:$0xE10];
	_ =	sdelay $0x4  }
0x4cb: {  	v47 =	vshll.u32 v41, $0x1  }
0x4cc: {  	v41 =	vand.u32 $0x7, v41;
	v42 =	vand.u32 $0xFFFFFFF0, v47  }
0x4cd: {  	v41 =	vor.u32 v41, v42  }
0x4ce: {  	v42 =	vperm.xlane v41, v38;
	_ =	sdelay $0x1  }
0x4cf: {  	v41 =	vperm.xlane v41, v40;
	v42 =	vadd.s32 v39, v42;
	_ =	sdelay $0x1  }
0x4d0: {  	v41 =	vadd.s32 v39, v41;
	_ =	sdelay $0x2  }
0x4d1: {  	[tilespmem:s23], [sflag:$0x1] =	stream.indirect_vreg.gather [hbm4b:s1+s3], $0x80, v42, vm0, $0xb8;
	[tilespmem:$0x6280] =	vst v63  }
0x4d2: {  	_ = 	snop  }
0x4d3: {  	[tilespmem:s24], [sflag:$0x1] =	stream.indirect_vreg.gather [hbm4b:s1+s3], $0x80, v41, vm0, $0xb8;
	[tilespmem:$0x6280] =	vst v63  }
0x4d4: {  	v41 =	vld [tilespmem:$0xE20];
	_ =	sdelay $0x4  }
0x4d5: {  	v48 =	vshll.u32 v41, $0x1  }
0x4d6: {  	v41 =	vand.u32 $0x7, v41;
	v42 =	vand.u32 $0xFFFFFFF0, v48  }
0x4d7: {  	v41 =	vor.u32 v41, v42  }
0x4d8: {  	v42 =	vperm.xlane v41, v38;
	_ =	sdelay $0x1  }
0x4d9: {  	v41 =	vperm.xlane v41, v40;
	v42 =	vadd.s32 v39, v42;
	_ =	sdelay $0x1  }
0x4da: {  	v41 =	vadd.s32 v39, v41;
	_ =	sdelay $0x2  }
0x4db: {  	[tilespmem:s25], [sflag:$0x1] =	stream.indirect_vreg.gather [hbm4b:s1+s3], $0x80, v42, vm0, $0xb8;
	[tilespmem:$0x6280] =	vst v63  }
0x4dc: {  	_ = 	snop  }
0x4dd: {  	[tilespmem:s26], [sflag:$0x1] =	stream.indirect_vreg.gather [hbm4b:s1+s3], $0x80, v41, vm0, $0xb8;
	[tilespmem:$0x6280] =	vst v63  }
0x4de: {  	v41 =	vld [tilespmem:$0xE30];
	_ =	sdelay $0x4  }
0x4df: {  	v49 =	vshll.u32 v41, $0x1  }
0x4e0: {  	v41 =	vand.u32 $0x7, v41;
	v42 =	vand.u32 $0xFFFFFFF0, v49  }
0x4e1: {  	v41 =	vor.u32 v41, v42  }
0x4e2: {  	v42 =	vperm.xlane v41, v38;
	_ =	sdelay $0x1  }
0x4e3: {  	v41 =	vperm.xlane v41, v40;
	v42 =	vadd.s32 v39, v42;
	_ =	sdelay $0x1  }
0x4e4: {  	v41 =	vadd.s32 v39, v41;
	_ =	sdelay $0x2  }
0x4e5: {  	[tilespmem:s28], [sflag:$0x1] =	stream.indirect_vreg.gather [hbm4b:s1+s3], $0x80, v42, vm0, $0xb8;
	[tilespmem:$0x6280] =	vst v63  }
0x4e6: {  	_ = 	snop  }
0x4e7: {  	[tilespmem:s29], [sflag:$0x1] =	stream.indirect_vreg.gather [hbm4b:s1+s3], $0x80, v41, vm0, $0xb8;
	[tilespmem:$0x6280] =	vst v63  }
0x4e8: {  	v41 =	vld [tilespmem:$0xE40];
	_ =	sdelay $0x4  }
0x4e9: {  	v45 =	vshll.u32 v41, $0x1  }
0x4ea: {  	v41 =	vand.u32 $0x7, v41;
	v42 =	vand.u32 $0xFFFFFFF0, v45  }
0x4eb: {  	v41 =	vor.u32 v41, v42  }
0x4ec: {  	v42 =	vperm.xlane v41, v38;
	_ =	sdelay $0x1  }
0x4ed: {  	v41 =	vperm.xlane v41, v40;
	v42 =	vadd.s32 v39, v42;
	_ =	sdelay $0x1  }
0x4ee: {  	v41 =	vadd.s32 v39, v41;
	_ =	sdelay $0x2  }
0x4ef: {  	[tilespmem:s30], [sflag:$0x1] =	stream.indirect_vreg.gather [hbm4b:s1+s3], $0x80, v42, vm0, $0xb8;
	[tilespmem:$0x6280] =	vst v63  }
0x4f0: {  	_ = 	snop  }
0x4f1: {  	[tilespmem:s31], [sflag:$0x1] =	stream.indirect_vreg.gather [hbm4b:s1+s3], $0x80, v41, vm0, $0xb8;
	[tilespmem:$0x6280] =	vst v63  }
0x4f2: {  	_ =	swait.ge [sflag:s2], $0x5000  }
0x4f3: {  	[sflag:s2] =	ssyncset.done $0x0  }
0x4f4: {  	[sflag:s2] =	ssyncadd.s32 $0xFFFFB000  }
0x4f5: {  	[hbm4b:s14+s3] =	stream.linear.scatter [tilespmem:s21], [sflag:$0x2], $0x5000, $0x38;
	[tilespmem:$0x6280] =	vst v63  }
0x4f6: {  	_ =	swait.ge [sflag:s20], $0x5000  }
0x4f7: {  	[sflag:s20] =	ssyncset.done $0x0  }
0x4f8: {  	[sflag:s20] =	ssyncadd.s32 $0xFFFFB000  }
0x4f9: {  	v46 =	vld [tilespmem:$0xE80];
	_ =	sdelay $0x4  }
0x4fa: {  	v47 =	vshll.u32 v46, $0x1  }
0x4fb: {  	v41 =	vand.u32 $0x7, v46;
	v42 =	vand.u32 $0xFFFFFFF0, v47  }
0x4fc: {  	v41 =	vor.u32 v41, v42  }
0x4fd: {  	v42 =	vperm.xlane v41, v38;
	_ =	sdelay $0x1  }
0x4fe: {  	v41 =	vperm.xlane v41, v40;
	v42 =	vadd.s32 v39, v42;
	_ =	sdelay $0x1  }
0x4ff: {  	v41 =	vadd.s32 v39, v41;
	_ =	sdelay $0x2  }
0x500: {  	[tilespmem:s21], [sflag:$0x1] =	stream.indirect_vreg.gather [hbm4b:s1+s3], $0x80, v42, vm0, $0xb8;
	[tilespmem:$0x6280] =	vst v63  }
0x501: {  	_ = 	snop  }
0x502: {  	[tilespmem:s22], [sflag:$0x1] =	stream.indirect_vreg.gather [hbm4b:s1+s3], $0x80, v41, vm0, $0xb8;
	[tilespmem:$0x6280] =	vst v63  }
0x503: {  	v41 =	vld [tilespmem:$0xE90];
	_ =	sdelay $0x4  }
0x504: {  	v48 =	vshll.u32 v41, $0x1  }
0x505: {  	v41 =	vand.u32 $0x7, v41;
	v42 =	vand.u32 $0xFFFFFFF0, v48  }
0x506: {  	v41 =	vor.u32 v41, v42  }
0x507: {  	v42 =	vperm.xlane v41, v38;
	_ =	sdelay $0x1  }
0x508: {  	v41 =	vperm.xlane v41, v40;
	v42 =	vadd.s32 v39, v42;
	_ =	sdelay $0x1  }
0x509: {  	v41 =	vadd.s32 v39, v41;
	_ =	sdelay $0x2  }
0x50a: {  	[tilespmem:s23], [sflag:$0x1] =	stream.indirect_vreg.gather [hbm4b:s1+s3], $0x80, v42, vm0, $0xb8;
	[tilespmem:$0x6280] =	vst v63  }
0x50b: {  	_ = 	snop  }
0x50c: {  	[tilespmem:s24], [sflag:$0x1] =	stream.indirect_vreg.gather [hbm4b:s1+s3], $0x80, v41, vm0, $0xb8;
	[tilespmem:$0x6280] =	vst v63  }
0x50d: {  	v41 =	vld [tilespmem:$0xEA0];
	_ =	sdelay $0x4  }
0x50e: {  	v49 =	vshll.u32 v41, $0x1  }
0x50f: {  	v41 =	vand.u32 $0x7, v41;
	v42 =	vand.u32 $0xFFFFFFF0, v49  }
0x510: {  	v41 =	vor.u32 v41, v42  }
0x511: {  	v42 =	vperm.xlane v41, v38;
	_ =	sdelay $0x1  }
0x512: {  	v41 =	vperm.xlane v41, v40;
	v42 =	vadd.s32 v39, v42;
	_ =	sdelay $0x1  }
0x513: {  	v41 =	vadd.s32 v39, v41;
	_ =	sdelay $0x2  }
0x514: {  	[tilespmem:s25], [sflag:$0x1] =	stream.indirect_vreg.gather [hbm4b:s1+s3], $0x80, v42, vm0, $0xb8;
	[tilespmem:$0x6280] =	vst v63  }
0x515: {  	_ = 	snop  }
0x516: {  	[tilespmem:s26], [sflag:$0x1] =	stream.indirect_vreg.gather [hbm4b:s1+s3], $0x80, v41, vm0, $0xb8;
	[tilespmem:$0x6280] =	vst v63  }
0x517: {  	v41 =	vld [tilespmem:$0xEB0];
	_ =	sdelay $0x4  }
0x518: {  	v45 =	vshll.u32 v41, $0x1  }
0x519: {  	v41 =	vand.u32 $0x7, v41;
	v42 =	vand.u32 $0xFFFFFFF0, v45  }
0x51a: {  	v41 =	vor.u32 v41, v42  }
0x51b: {  	v42 =	vperm.xlane v41, v38;
	_ =	sdelay $0x1  }
0x51c: {  	v41 =	vperm.xlane v41, v40;
	v42 =	vadd.s32 v39, v42;
	_ =	sdelay $0x1  }
0x51d: {  	v41 =	vadd.s32 v39, v41;
	_ =	sdelay $0x2  }
0x51e: {  	[tilespmem:s28], [sflag:$0x1] =	stream.indirect_vreg.gather [hbm4b:s1+s3], $0x80, v42, vm0, $0xb8;
	[tilespmem:$0x6280] =	vst v63  }
0x51f: {  	_ = 	snop  }
0x520: {  	[tilespmem:s29], [sflag:$0x1] =	stream.indirect_vreg.gather [hbm4b:s1+s3], $0x80, v41, vm0, $0xb8;
	[tilespmem:$0x6280] =	vst v63  }
0x521: {  	v41 =	vld [tilespmem:$0xEC0];
	_ =	sdelay $0x4  }
0x522: {  	v46 =	vshll.u32 v41, $0x1  }
0x523: {  	v41 =	vand.u32 $0x7, v41;
	v42 =	vand.u32 $0xFFFFFFF0, v46  }
0x524: {  	v41 =	vor.u32 v41, v42  }
0x525: {  	v42 =	vperm.xlane v41, v38;
	_ =	sdelay $0x1  }
0x526: {  	v41 =	vperm.xlane v41, v40;
	v42 =	vadd.s32 v39, v42;
	_ =	sdelay $0x1  }
0x527: {  	v41 =	vadd.s32 v39, v41;
	_ =	sdelay $0x2  }
0x528: {  	[tilespmem:s30], [sflag:$0x1] =	stream.indirect_vreg.gather [hbm4b:s1+s3], $0x80, v42, vm0, $0xb8;
	[tilespmem:$0x6280] =	vst v63  }
0x529: {  	_ = 	snop  }
0x52a: {  	[tilespmem:s31], [sflag:$0x1] =	stream.indirect_vreg.gather [hbm4b:s1+s3], $0x80, v41, vm0, $0xb8;
	[tilespmem:$0x6280] =	vst v63  }
0x52b: {  	_ =	swait.ge [sflag:s2], $0x5000  }
0x52c: {  	[sflag:s2] =	ssyncset.done $0x0  }
0x52d: {  	[sflag:s2] =	ssyncadd.s32 $0xFFFFB000  }
0x52e: {  	[hbm4b:s15+s3] =	stream.linear.scatter [tilespmem:s21], [sflag:$0x2], $0x5000, $0x38;
	[tilespmem:$0x6280] =	vst v63  }
0x52f: {  	_ =	swait.ge [sflag:s20], $0x5000  }
0x530: {  	[sflag:s20] =	ssyncset.done $0x0  }
0x531: {  	[sflag:s20] =	ssyncadd.s32 $0xFFFFB000  }
0x532: {  	v47 =	vld [tilespmem:$0xF00];
	_ =	sdelay $0x4  }
0x533: {  	v48 =	vshll.u32 v47, $0x1  }
0x534: {  	v41 =	vand.u32 $0x7, v47;
	v42 =	vand.u32 $0xFFFFFFF0, v48  }
0x535: {  	v41 =	vor.u32 v41, v42  }
0x536: {  	v42 =	vperm.xlane v41, v38;
	_ =	sdelay $0x1  }
0x537: {  	v41 =	vperm.xlane v41, v40;
	v42 =	vadd.s32 v39, v42;
	_ =	sdelay $0x1  }
0x538: {  	v41 =	vadd.s32 v39, v41;
	_ =	sdelay $0x2  }
0x539: {  	[tilespmem:s21], [sflag:$0x1] =	stream.indirect_vreg.gather [hbm4b:s1+s3], $0x80, v42, vm0, $0xb8;
	[tilespmem:$0x6280] =	vst v63  }
0x53a: {  	_ = 	snop  }
0x53b: {  	[tilespmem:s22], [sflag:$0x1] =	stream.indirect_vreg.gather [hbm4b:s1+s3], $0x80, v41, vm0, $0xb8;
	[tilespmem:$0x6280] =	vst v63  }
0x53c: {  	v41 =	vld [tilespmem:$0xF10];
	_ =	sdelay $0x4  }
0x53d: {  	v49 =	vshll.u32 v41, $0x1  }
0x53e: {  	v41 =	vand.u32 $0x7, v41;
	v42 =	vand.u32 $0xFFFFFFF0, v49  }
0x53f: {  	v41 =	vor.u32 v41, v42  }
0x540: {  	v42 =	vperm.xlane v41, v38;
	_ =	sdelay $0x1  }
0x541: {  	v41 =	vperm.xlane v41, v40;
	v42 =	vadd.s32 v39, v42;
	_ =	sdelay $0x1  }
0x542: {  	v41 =	vadd.s32 v39, v41;
	_ =	sdelay $0x2  }
0x543: {  	[tilespmem:s23], [sflag:$0x1] =	stream.indirect_vreg.gather [hbm4b:s1+s3], $0x80, v42, vm0, $0xb8;
	[tilespmem:$0x6280] =	vst v63  }
0x544: {  	_ = 	snop  }
0x545: {  	[tilespmem:s24], [sflag:$0x1] =	stream.indirect_vreg.gather [hbm4b:s1+s3], $0x80, v41, vm0, $0xb8;
	[tilespmem:$0x6280] =	vst v63  }
0x546: {  	v41 =	vld [tilespmem:$0xF20];
	_ =	sdelay $0x4  }
0x547: {  	v45 =	vshll.u32 v41, $0x1  }
0x548: {  	v41 =	vand.u32 $0x7, v41;
	v42 =	vand.u32 $0xFFFFFFF0, v45  }
0x549: {  	v41 =	vor.u32 v41, v42  }
0x54a: {  	v42 =	vperm.xlane v41, v38;
	_ =	sdelay $0x1  }
0x54b: {  	v41 =	vperm.xlane v41, v40;
	v42 =	vadd.s32 v39, v42;
	_ =	sdelay $0x1  }
0x54c: {  	v41 =	vadd.s32 v39, v41;
	_ =	sdelay $0x2  }
0x54d: {  	[tilespmem:s25], [sflag:$0x1] =	stream.indirect_vreg.gather [hbm4b:s1+s3], $0x80, v42, vm0, $0xb8;
	[tilespmem:$0x6280] =	vst v63  }
0x54e: {  	_ = 	snop  }
0x54f: {  	[tilespmem:s26], [sflag:$0x1] =	stream.indirect_vreg.gather [hbm4b:s1+s3], $0x80, v41, vm0, $0xb8;
	[tilespmem:$0x6280] =	vst v63  }
0x550: {  	v41 =	vld [tilespmem:$0xF30];
	_ =	sdelay $0x4  }
0x551: {  	v46 =	vshll.u32 v41, $0x1  }
0x552: {  	v41 =	vand.u32 $0x7, v41;
	v42 =	vand.u32 $0xFFFFFFF0, v46  }
0x553: {  	v41 =	vor.u32 v41, v42  }
0x554: {  	v42 =	vperm.xlane v41, v38;
	_ =	sdelay $0x1  }
0x555: {  	v41 =	vperm.xlane v41, v40;
	v42 =	vadd.s32 v39, v42;
	_ =	sdelay $0x1  }
0x556: {  	v41 =	vadd.s32 v39, v41;
	_ =	sdelay $0x2  }
0x557: {  	[tilespmem:s28], [sflag:$0x1] =	stream.indirect_vreg.gather [hbm4b:s1+s3], $0x80, v42, vm0, $0xb8;
	[tilespmem:$0x6280] =	vst v63  }
0x558: {  	_ = 	snop  }
0x559: {  	[tilespmem:s29], [sflag:$0x1] =	stream.indirect_vreg.gather [hbm4b:s1+s3], $0x80, v41, vm0, $0xb8;
	[tilespmem:$0x6280] =	vst v63  }
0x55a: {  	v41 =	vld [tilespmem:$0xF40];
	_ =	sdelay $0x4  }
0x55b: {  	v47 =	vshll.u32 v41, $0x1  }
0x55c: {  	v41 =	vand.u32 $0x7, v41;
	v42 =	vand.u32 $0xFFFFFFF0, v47  }
0x55d: {  	v41 =	vor.u32 v41, v42  }
0x55e: {  	v42 =	vperm.xlane v41, v38;
	_ =	sdelay $0x1  }
0x55f: {  	v41 =	vperm.xlane v41, v40;
	v42 =	vadd.s32 v39, v42;
	_ =	sdelay $0x1  }
0x560: {  	v41 =	vadd.s32 v39, v41;
	_ =	sdelay $0x2  }
0x561: {  	[tilespmem:s30], [sflag:$0x1] =	stream.indirect_vreg.gather [hbm4b:s1+s3], $0x80, v42, vm0, $0xb8;
	[tilespmem:$0x6280] =	vst v63  }
0x562: {  	_ = 	snop  }
0x563: {  	[tilespmem:s31], [sflag:$0x1] =	stream.indirect_vreg.gather [hbm4b:s1+s3], $0x80, v41, vm0, $0xb8;
	[tilespmem:$0x6280] =	vst v63  }
0x564: {  	_ =	swait.ge [sflag:s2], $0x5000  }
0x565: {  	[sflag:s2] =	ssyncset.done $0x0  }
0x566: {  	[sflag:s2] =	ssyncadd.s32 $0xFFFFB000  }
0x567: {  	[hbm4b:s16+s3] =	stream.linear.scatter [tilespmem:s21], [sflag:$0x2], $0x5000, $0x38;
	[tilespmem:$0x6280] =	vst v63  }
0x568: {  	_ =	swait.ge [sflag:s20], $0x5000  }
0x569: {  	[sflag:s20] =	ssyncset.done $0x0  }
0x56a: {  	[sflag:s20] =	ssyncadd.s32 $0xFFFFB000  }
0x56b: {  	v48 =	vld [tilespmem:$0xF80];
	_ =	sdelay $0x4  }
0x56c: {  	v49 =	vshll.u32 v48, $0x1  }
0x56d: {  	v41 =	vand.u32 $0x7, v48;
	v42 =	vand.u32 $0xFFFFFFF0, v49  }
0x56e: {  	v41 =	vor.u32 v41, v42  }
0x56f: {  	v42 =	vperm.xlane v41, v38;
	_ =	sdelay $0x1  }
0x570: {  	v41 =	vperm.xlane v41, v40;
	v42 =	vadd.s32 v39, v42;
	_ =	sdelay $0x1  }
0x571: {  	v41 =	vadd.s32 v39, v41;
	_ =	sdelay $0x2  }
0x572: {  	[tilespmem:s21], [sflag:$0x1] =	stream.indirect_vreg.gather [hbm4b:s1+s3], $0x80, v42, vm0, $0xb8;
	[tilespmem:$0x6280] =	vst v63  }
0x573: {  	_ = 	snop  }
0x574: {  	[tilespmem:s22], [sflag:$0x1] =	stream.indirect_vreg.gather [hbm4b:s1+s3], $0x80, v41, vm0, $0xb8;
	[tilespmem:$0x6280] =	vst v63  }
0x575: {  	v41 =	vld [tilespmem:$0xF90];
	_ =	sdelay $0x4  }
0x576: {  	v45 =	vshll.u32 v41, $0x1  }
0x577: {  	v41 =	vand.u32 $0x7, v41;
	v42 =	vand.u32 $0xFFFFFFF0, v45  }
0x578: {  	v41 =	vor.u32 v41, v42  }
0x579: {  	v42 =	vperm.xlane v41, v38;
	_ =	sdelay $0x1  }
0x57a: {  	v41 =	vperm.xlane v41, v40;
	v42 =	vadd.s32 v39, v42;
	_ =	sdelay $0x1  }
0x57b: {  	v41 =	vadd.s32 v39, v41;
	_ =	sdelay $0x2  }
0x57c: {  	[tilespmem:s23], [sflag:$0x1] =	stream.indirect_vreg.gather [hbm4b:s1+s3], $0x80, v42, vm0, $0xb8;
	[tilespmem:$0x6280] =	vst v63  }
0x57d: {  	_ = 	snop  }
0x57e: {  	[tilespmem:s24], [sflag:$0x1] =	stream.indirect_vreg.gather [hbm4b:s1+s3], $0x80, v41, vm0, $0xb8;
	[tilespmem:$0x6280] =	vst v63  }
0x57f: {  	v41 =	vld [tilespmem:$0xFA0];
	_ =	sdelay $0x4  }
0x580: {  	v46 =	vshll.u32 v41, $0x1  }
0x581: {  	v41 =	vand.u32 $0x7, v41;
	v42 =	vand.u32 $0xFFFFFFF0, v46  }
0x582: {  	v41 =	vor.u32 v41, v42  }
0x583: {  	v42 =	vperm.xlane v41, v38;
	_ =	sdelay $0x1  }
0x584: {  	v41 =	vperm.xlane v41, v40;
	v42 =	vadd.s32 v39, v42;
	_ =	sdelay $0x1  }
0x585: {  	v41 =	vadd.s32 v39, v41;
	_ =	sdelay $0x2  }
0x586: {  	[tilespmem:s25], [sflag:$0x1] =	stream.indirect_vreg.gather [hbm4b:s1+s3], $0x80, v42, vm0, $0xb8;
	[tilespmem:$0x6280] =	vst v63  }
0x587: {  	_ = 	snop  }
0x588: {  	[tilespmem:s26], [sflag:$0x1] =	stream.indirect_vreg.gather [hbm4b:s1+s3], $0x80, v41, vm0, $0xb8;
	[tilespmem:$0x6280] =	vst v63  }
0x589: {  	v41 =	vld [tilespmem:$0xFB0];
	_ =	sdelay $0x4  }
0x58a: {  	v47 =	vshll.u32 v41, $0x1  }
0x58b: {  	v41 =	vand.u32 $0x7, v41;
	v42 =	vand.u32 $0xFFFFFFF0, v47  }
0x58c: {  	v41 =	vor.u32 v41, v42  }
0x58d: {  	v42 =	vperm.xlane v41, v38;
	_ =	sdelay $0x1  }
0x58e: {  	v41 =	vperm.xlane v41, v40;
	v42 =	vadd.s32 v39, v42;
	_ =	sdelay $0x1  }
0x58f: {  	v41 =	vadd.s32 v39, v41;
	_ =	sdelay $0x2  }
0x590: {  	[tilespmem:s28], [sflag:$0x1] =	stream.indirect_vreg.gather [hbm4b:s1+s3], $0x80, v42, vm0, $0xb8;
	[tilespmem:$0x6280] =	vst v63  }
0x591: {  	_ = 	snop  }
0x592: {  	[tilespmem:s29], [sflag:$0x1] =	stream.indirect_vreg.gather [hbm4b:s1+s3], $0x80, v41, vm0, $0xb8;
	[tilespmem:$0x6280] =	vst v63  }
0x593: {  	v41 =	vld [tilespmem:$0xFC0];
	_ =	sdelay $0x4  }
0x594: {  	v48 =	vshll.u32 v41, $0x1  }
0x595: {  	v41 =	vand.u32 $0x7, v41;
	v42 =	vand.u32 $0xFFFFFFF0, v48  }
0x596: {  	v41 =	vor.u32 v41, v42  }
0x597: {  	v42 =	vperm.xlane v41, v38;
	_ =	sdelay $0x1  }
0x598: {  	v41 =	vperm.xlane v41, v40;
	v42 =	vadd.s32 v39, v42;
	_ =	sdelay $0x1  }
0x599: {  	v41 =	vadd.s32 v39, v41;
	_ =	sdelay $0x2  }
0x59a: {  	[tilespmem:s30], [sflag:$0x1] =	stream.indirect_vreg.gather [hbm4b:s1+s3], $0x80, v42, vm0, $0xb8;
	[tilespmem:$0x6280] =	vst v63  }
0x59b: {  	_ = 	snop  }
0x59c: {  	[tilespmem:s31], [sflag:$0x1] =	stream.indirect_vreg.gather [hbm4b:s1+s3], $0x80, v41, vm0, $0xb8;
	[tilespmem:$0x6280] =	vst v63  }
0x59d: {  	_ =	swait.ge [sflag:s2], $0x5000  }
0x59e: {  	[sflag:s2] =	ssyncset.done $0x0  }
0x59f: {  	[sflag:s2] =	ssyncadd.s32 $0xFFFFB000  }
0x5a0: {  	[hbm4b:s17+s3] =	stream.linear.scatter [tilespmem:s21], [sflag:$0x2], $0x5000, $0x38;
	[tilespmem:$0x6280] =	vst v63  }
0x5a1: {  	_ =	swait.ge [sflag:s20], $0x5000  }
0x5a2: {  	[sflag:s20] =	ssyncset.done $0x0  }
0x5a3: {  	[sflag:s20] =	ssyncadd.s32 $0xFFFFB000  }
0x5a4: {  	v49 =	vld [tilespmem:$0x1000];
	_ =	sdelay $0x4  }
0x5a5: {  	v45 =	vshll.u32 v49, $0x1  }
0x5a6: {  	v41 =	vand.u32 $0x7, v49;
	v42 =	vand.u32 $0xFFFFFFF0, v45  }
0x5a7: {  	v41 =	vor.u32 v41, v42  }
0x5a8: {  	v42 =	vperm.xlane v41, v38;
	_ =	sdelay $0x1  }
0x5a9: {  	v41 =	vperm.xlane v41, v40;
	v42 =	vadd.s32 v39, v42;
	_ =	sdelay $0x1  }
0x5aa: {  	v41 =	vadd.s32 v39, v41;
	_ =	sdelay $0x2  }
0x5ab: {  	[tilespmem:s21], [sflag:$0x1] =	stream.indirect_vreg.gather [hbm4b:s1+s3], $0x80, v42, vm0, $0xb8;
	[tilespmem:$0x6280] =	vst v63  }
0x5ac: {  	_ = 	snop  }
0x5ad: {  	[tilespmem:s22], [sflag:$0x1] =	stream.indirect_vreg.gather [hbm4b:s1+s3], $0x80, v41, vm0, $0xb8;
	[tilespmem:$0x6280] =	vst v63  }
0x5ae: {  	v41 =	vld [tilespmem:$0x1010];
	_ =	sdelay $0x4  }
0x5af: {  	v46 =	vshll.u32 v41, $0x1  }
0x5b0: {  	v41 =	vand.u32 $0x7, v41;
	v42 =	vand.u32 $0xFFFFFFF0, v46  }
0x5b1: {  	v41 =	vor.u32 v41, v42  }
0x5b2: {  	v42 =	vperm.xlane v41, v38;
	_ =	sdelay $0x1  }
0x5b3: {  	v41 =	vperm.xlane v41, v40;
	v42 =	vadd.s32 v39, v42;
	_ =	sdelay $0x1  }
0x5b4: {  	v41 =	vadd.s32 v39, v41;
	_ =	sdelay $0x2  }
0x5b5: {  	[tilespmem:s23], [sflag:$0x1] =	stream.indirect_vreg.gather [hbm4b:s1+s3], $0x80, v42, vm0, $0xb8;
	[tilespmem:$0x6280] =	vst v63  }
0x5b6: {  	_ = 	snop  }
0x5b7: {  	[tilespmem:s24], [sflag:$0x1] =	stream.indirect_vreg.gather [hbm4b:s1+s3], $0x80, v41, vm0, $0xb8;
	[tilespmem:$0x6280] =	vst v63  }
0x5b8: {  	v41 =	vld [tilespmem:$0x1020];
	_ =	sdelay $0x4  }
0x5b9: {  	v47 =	vshll.u32 v41, $0x1  }
0x5ba: {  	v41 =	vand.u32 $0x7, v41;
	v42 =	vand.u32 $0xFFFFFFF0, v47  }
0x5bb: {  	v41 =	vor.u32 v41, v42  }
0x5bc: {  	v42 =	vperm.xlane v41, v38;
	_ =	sdelay $0x1  }
0x5bd: {  	v41 =	vperm.xlane v41, v40;
	v42 =	vadd.s32 v39, v42;
	_ =	sdelay $0x1  }
0x5be: {  	v41 =	vadd.s32 v39, v41;
	_ =	sdelay $0x2  }
0x5bf: {  	[tilespmem:s25], [sflag:$0x1] =	stream.indirect_vreg.gather [hbm4b:s1+s3], $0x80, v42, vm0, $0xb8;
	[tilespmem:$0x6280] =	vst v63  }
0x5c0: {  	_ = 	snop  }
0x5c1: {  	[tilespmem:s26], [sflag:$0x1] =	stream.indirect_vreg.gather [hbm4b:s1+s3], $0x80, v41, vm0, $0xb8;
	[tilespmem:$0x6280] =	vst v63  }
0x5c2: {  	v41 =	vld [tilespmem:$0x1030];
	_ =	sdelay $0x4  }
0x5c3: {  	v48 =	vshll.u32 v41, $0x1  }
0x5c4: {  	v41 =	vand.u32 $0x7, v41;
	v42 =	vand.u32 $0xFFFFFFF0, v48  }
0x5c5: {  	v41 =	vor.u32 v41, v42  }
0x5c6: {  	v42 =	vperm.xlane v41, v38;
	_ =	sdelay $0x1  }
0x5c7: {  	v41 =	vperm.xlane v41, v40;
	v42 =	vadd.s32 v39, v42;
	_ =	sdelay $0x1  }
0x5c8: {  	v41 =	vadd.s32 v39, v41;
	_ =	sdelay $0x2  }
0x5c9: {  	[tilespmem:s28], [sflag:$0x1] =	stream.indirect_vreg.gather [hbm4b:s1+s3], $0x80, v42, vm0, $0xb8;
	[tilespmem:$0x6280] =	vst v63  }
0x5ca: {  	_ = 	snop  }
0x5cb: {  	[tilespmem:s29], [sflag:$0x1] =	stream.indirect_vreg.gather [hbm4b:s1+s3], $0x80, v41, vm0, $0xb8;
	[tilespmem:$0x6280] =	vst v63  }
0x5cc: {  	v41 =	vld [tilespmem:$0x1040];
	_ =	sdelay $0x4  }
0x5cd: {  	v49 =	vshll.u32 v41, $0x1  }
0x5ce: {  	v41 =	vand.u32 $0x7, v41;
	v42 =	vand.u32 $0xFFFFFFF0, v49  }
0x5cf: {  	v41 =	vor.u32 v41, v42  }
0x5d0: {  	v38 =	vperm.xlane v41, v38;
	_ =	sdelay $0x1  }
0x5d1: {  	v40 =	vperm.xlane v41, v40;
	v38 =	vadd.s32 v39, v38;
	_ =	sdelay $0x1  }
0x5d2: {  	v39 =	vadd.s32 v39, v40;
	_ =	sdelay $0x2  }
0x5d3: {  	[tilespmem:s30], [sflag:$0x1] =	stream.indirect_vreg.gather [hbm4b:s1+s3], $0x80, v38, vm0, $0xb8;
	[tilespmem:$0x6280] =	vst v63  }
0x5d4: {  	_ = 	snop  }
0x5d5: {  	[tilespmem:s31], [sflag:$0x1] =	stream.indirect_vreg.gather [hbm4b:s1+s3], $0x80, v39, vm0, $0xb8;
	[tilespmem:$0x6280] =	vst v63  }
0x5d6: {  	_ =	swait.ge [sflag:s2], $0x5000  }
0x5d7: {  	p0 =	sne.s32 s19, $0x1;
	[sflag:s2] =	ssyncset.done $0x0  }
.Ltmp0:
0x5d8: {  	[sflag:s2] =	ssyncadd.s32 $0xFFFFB000;
	(pc) =	sbr.rel @p0 .LBB2_1-.Ltmp0, $4  }
0x5d9: {  	[hbm4b:s18+s3] =	stream.linear.scatter [tilespmem:s21], [sflag:$0x2], $0x5000, $0x38;
	[tilespmem:$0x6280] =	vst v63  }
0x5da: {  	_ =	swait.ge [sflag:s20], $0x5000  }
0x5db: {  	[sflag:s20] =	ssyncset.done $0x0  }
0x5dc: {  	s19 =	sadd.s32 $0xFFFFFFFF, s19;
	[sflag:s20] =	ssyncadd.s32 $0xFFFFB000  }
0x5dd: {  	_ =	sfence.sel $0x180000  }
0x5de: {  	[bflag:$0x0] =	sbarrier.arrive $0xFFFF  }
0x5df: {  	_ =	strace $0x90000047  }
0x5e0: {  	s0 =	stileid.u32;
	[bflag:$0x2] =	sbarrier.arrive $0xFFFF  }
0x5e1: {  	p0 =	sne.s32 s0, $0x0;
	s0 =	rddreg [dreg:$0x2]  }
0x5e2: {  	s0 =	sadd.s32 @!p0 $0x100000, s0  }
0x5e3: {  	[sflag:s0] =	ssyncadd.tile.s32 @!p0 $0x1;
	_ =	shalt  }
.Lfunc_end2:
_tile_overlayer_lowered:
.L_overlay_start_2:
0x5e4: {  	(tag) =	ssettag $0x2  }
0x5e5: {  	s0 =	rddreg [dreg:$0x0];
	s2 =	stileid.u32  }
0x5e6: {  	s1 =	rddreg [dreg:$0x1];
	p0 =	sne.s32 s2, $0x0  }
0x5e7: {  	s3 =	rddreg [dreg:$0x2];
	[bflag:$0x3] =	sbarrier.arrive $0xFFFF;
	s2 =	simm.s32 @!p0 $0x1C02  }
0x5e8: {  	[timem:s3], [sflag:s2] =	dma.local @!p0 [hbm:s0], s1  }
0x5e9: {  	s0 =	simm.s32 @!p0 $0x2  }
0x5ea: {  	_ =	swait.ge @!p0 [sflag:s0], s1  }
0x5eb: {  	s1 =	ssub.s32 @!p0 $0x0, s1;
	[sflag:s0] =	ssyncset.done @!p0 $0x0  }
0x5ec: {  	[sflag:s0] =	ssyncadd.s32 @!p0 s1  }
0x5ed: {  	[bflag:$0x3] =	sbarrier.arrive $0xFFFF  }
0x5ee: {  	_ =	shalt  }

// kernel: sparse-core-data-format-call.cloned.1.call-start
scs
called_computation_lowered:
.L_overlay_start_0:
0x0: {  	s2 =	sld [smem:$0x3FD9]  }
0x1: {  	s3 =	sld [smem:$0x3FFE];
	_ =	sdelay $0x1  }
0x2: {  	s1 =	srdreg.scid  }
0x3: {  	s0 =	sand.u32 $0x1, s1  }
0x4: {  	s18 =	sshll.u32 s0, $0xA;
	s2 =	sadd.s32 s3, s2  }
0x5: {  	s2 =	sadd.s32 s2, s18  }
0x6: {  	[smem:$0x3FC6] =	sst s2  }
0x7: {  	_ = 	snop  }
0x8: {  	s2 =	sld [smem:$0x3FD0];
	(tm) =	ssettm $0x1  }
0x9: {  	s19 =	sld [smem:$0x3FFB];
	_ =	sdelay $0x3  }
0xa: {  	_ =	strace s19  }
0xb: {  	s3 =	sld [smem:$0x3FFC];
	_ =	sdelay $0x3  }
0xc: {  	_ =	strace s3  }
0xd: {  	s3 =	sld [smem:$0x3FFD];
	_ =	sdelay $0x3  }
0xe: {  	_ =	strace s3  }
0xf: {  	_ =	strace $0x8FFFFFFF  }
0x10: {  	s20 =	sld [smem:$0x3FDB];
	_ =	sdelay $0x1  }
0x11: {  	s4 =	simm.s32 $_scs_section_size  }
0x12: {  	s5 =	simm.s32 $_size__tile_overlayer_lowered;
	s6 =	simm.s32 $_tile_overlayer_lowered  }
0x13: {  	s23 =	simm.s32 $0x1BFF;
	s22 =	sshll.u32 s6, $0x1;
	s3 =	sadd.s32 s4, s20  }
0x14: {  	s7 =	simm.s32 $0x0;
	s21 =	sshll.u32 s5, $0x1;
	s5 =	sadd.s32 s22, s3  }
0x15: {  	[timem:s7], [sflag:s23] =	dma.local [hbm:s5], s21  }
0x16: {  	_ =	swait.ge [sflag:s23], s21  }
0x17: {  	s4 =	ssub.s32 $0x0, s21;
	[sflag:s23] =	ssyncset.done $0x0  }
0x18: {  	[sflag:s23] =	ssyncadd.s32 s4;
	_ =	sdelay $0x1  }
0x19: {  	s24 =	simm.s32 $0x1B8B  }
0x1a: {  	_ =	swait.ge [sflag:s24], $0x1  }
0x1b: {  	[sflag:s24] =	ssyncset.done $0x0  }
0x1c: {  	s26 =	simm.s32 $0x1B8E;
	s25 =	sld [smem:$0x3FFE];
	[sflag:s24] =	ssyncadd.s32 $0xFFFFFFFF  }
0x1d: {  	s27 =	simm.s32 $execute0_lowered;
	[smem:$0x3FD2] =	sst s26  }
0x1e: {  	s5 =	sshll.u32 s27, $0x1;
	_ =	strace $0x80000049;
	[dreg:$0x1] =	wrdreg $0xFFFFFFFF  }
0x1f: {  	s28 =	simm.s32 $_size_execute0_lowered;
	s3 =	sadd.s32 s3, s5;
	[dreg:$0x0] =	wrdreg $0x0  }
0x20: {  	s5 =	sshll.u32 s28, $0x1;
	[dreg:$0x2] =	wrdreg s3  }
0x21: {  	[dreg:$0x3] =	wrdreg s5  }
0x22: {  	[dreg:$0x4] =	wrdreg $0xC0  }
0x23: {  	_ =	task [dreg:s7], $0x5FFFF  }
0x24: {  	[dreg:$0x1] =	wrdreg $0xFFFFFFFF  }
0x25: {  	[dreg:$0x0] =	wrdreg $0x60  }
0x26: {  	[dreg:$0x2] =	wrdreg s25  }
0x27: {  	[dreg:$0x3] =	wrdreg s2  }
0x28: {  	[dreg:$0x4] =	wrdreg $0x9  }
0x29: {  	_ =	task.clear_ibuf [dreg:s7], $0x5FFFF;
	_ =	strace $0x90000049  }
0x2a: {  	s29 =	simm.s32 $0x9;
	_ =	strace $0x8000004B  }
0x2b: {  	_ =	swait.ge [sflag:s29], $0x1  }
0x2c: {  	[sflag:s29] =	ssyncadd.s32 $0xFFFFFFFF  }
0x2d: {  	_ =	strace $0x9000004B  }
0x2e: {  	_ =	sfence  }
0x2f: {  	s30 =	sld [smem:$0x0];
	_ =	sdelay $0x2  }
0x30: {  	s31 =	sshll.u32 s1, $0xD;
	s1 =	sshrl.u32 s1, $0x2  }
0x31: {  	s3 =	sand.u32 $0x4000, s31;
	s1 =	sadd.s32 s1, s30  }
0x32: {  	s0 =	sor.u32 s3, s0;
	s1 =	sshll.u32 s1, $0x11  }
0x33: {  	s0 =	sor.u32 s1, s0  }
0x34: {  	s0 =	sadd.s32 $0x8F2B, s0  }
0x35: {  	[sflag:s0] =	ssyncadd.remote.s32 $0x1  }
0x36: {  	_ =	sfence.sel $0xFFFF  }
0x37: {  	[dreg:$0x0] =	wrdreg $0xFFFFFFFF;
	(pc) =	sbr.abs _section_cstart, $3  }
0x38: {  	[dreg:$0x1] =	wrdreg $0xFFFFFFFF  }
0x39: {  	_ =	task.clear_ibuf [dreg:s7], $0x2FFFF;
	_ =	strace $0x9FFFFFFF  }
0x3a: {  	(tm) =	ssettm $0x7FFFFFFF  }
0x3b: {  	_ =	shalt  }
tec
execute0_lowered:
.L_overlay_start_1:
0x0: {  	(tag) =	ssettag $0x1  }
0x1: {  	s6 =	rddreg [dreg:$0x0]  }
0x2: {  	s2 =	rddreg [dreg:$0x1]  }
0x3: {  	s0 =	rddreg [dreg:$0x2];
	_ =	strace $0x8000004A  }
0x4: {  	s3 =	srdreg.scid;
	s1 =	stileid.u32;
	s7 =	simm.s32 $0x2  }
0x5: {  	s15 =	simm.s32 $0x0;
	p0 =	por $0x0, $0x0;
	s16 =	simm.s32 $0x0  }
0x6: {  	s17 =	simm.s32 $0x0;
	s8 =	simm.s32 $0x0;
	s10 =	simm.s32 $0x0  }
.Ltmp0:
0x7: {  	s11 =	simm.s32 $0x0;
	s12 =	simm.s32 $0x0;
	(pc) =	sbr.rel .LBB1_1-.Ltmp0, $4  }
0x8: {  	s13 =	simm.s32 $0x0;
	s4 =	sshll.u32 s3, $0x4;
	s3 =	simm.s32 $0x1  }
0x9: {  	s9 =	simm.s32 $0x0;
	s5 =	sand.u32 $0x10, s4;
	[sflag:s3] =	ssyncpa.u1 $0x0  }
0xa: {  	s4 =	sadd.s32 $0xA00, s6;
	s6 =	sadd.s32 $0x4A00, s6;
	s5 =	sor.u32 s1, s5  }
0xb: {  	[sflag:s7] =	ssyncpa.u1 $0x0;
	s7 =	simm.s32 $0x40000;
	s14 =	smov.u32 s5  }
.LBB1_7:
0xc: {  	p1 =	slt.u32 s9, $0x2  }
0xd: {  	s18 =	smov.u32 s17;
	p2 =	sgt.s32 @!p1 s17, $0x3F;
	s19 =	sshra.s32 @!p1 s17, $0x1F  }
0xe: {  	p3 =	sgt.s32 @!p1 s15, $0x380;
	p2 =	por !p2, p1;
	s17 =	sand.u32 @!p1 s19, s17  }
0xf: {  	s19 =	sshra.s32 @!p1 s16, $0x1F;
	s18 =	simm.s32 @p2 $0x3F;
	p2 =	sgt.s32 @!p1 s16, $0x2  }
0x10: {  	s17 =	ssub.s32 @!p1 s18, s17;
	p2 =	por !p2, p1;
	s18 =	smov.u32 s16  }
0x11: {  	p3 =	por !p3, p1;
	s16 =	sand.u32 @!p1 s19, s16;
	s18 =	simm.s32 @p2 $0x2  }
0x12: {  	s19 =	sadd.s32 @!p1 $0xFFFFFFC1, s17;
	s17 =	ssub.s32 @!p1 $0x40, s17;
	s16 =	ssub.s32 @!p1 s18, s16  }
0x13: {  	p2 =	sgt.s32 @!p1 s19, $0x0;
	s19 =	smov.u32 s15;
	s18 =	sadd.s32 @!p1 $0xFFFFFFFE, s16  }
0x14: {  	s19 =	simm.s32 @p3 $0x380;
	p3 =	sgt.s32 @!p1 s18, $0x1;
	s18 =	sshra.s32 @!p1 s15, $0x1F  }
0x15: {  	s17 =	smul.u32 @!p1 $0x32, s17;
	p2 =	por !p2, p1;
	s15 =	sand.u32 @!p1 s18, s15  }
0x16: {  	s16 =	ssub.s32 @!p1 $0x4, s16;
	p3 =	por !p3, p1;
	s15 =	ssub.s32 @!p1 s19, s15  }
0x17: {  	s17 =	simm.s32 @!p2 $0x0;
	s16 =	simm.s32 @!p3 $0x0;
	s18 =	sadd.s32 @!p1 $0xFFFFFC80, s15  }
0x18: {  	s19 =	smov.u32 s13;
	s16 =	smul.u32 @!p1 s16, s17;
	p2 =	sgt.s32 @!p1 s18, $0x7F  }
0x19: {  	s15 =	ssub.s32 @!p1 $0x400, s15;
	s18 =	sadd.s32 $0x80, s12;
	p2 =	por !p2, p1  }
0x1a: {  	s17 =	sadd.s32 $0x2, s13;
	s15 =	simm.s32 @!p2 $0x0;
	p2 =	sgt.s32 s18, $0x3FF  }
0x1b: {  	s20 =	smov.u32 s14;
	s19 =	smov.u32 @p2 s17  }
0x1c: {  	s15 =	smul.u32 @!p1 s15, s16;
	s16 =	sadd.s32 $0x20, s14;
	p3 =	sgt.s32 s19, $0x3  }
0x1d: {  	s9 =	sadd.s32 $0x1, s9;
	p0 =	por !p0, !p0;
	s20 =	smov.u32 @p3 s16  }
0x1e: {  	s21 =	simm.s32 @!p1 $0x2;
	s18 =	simm.s32 @p2 $0x0;
	p2 =	sgt.s32 s20, $0x3F  }
0x1f: {  	s17 =	smov.u32 s11;
	s20 =	smov.u32 @p2 s5;
	p2 =	sne.s32 s9, $0x22  }
.Ltmp1:
0x20: {  	s11 =	smov.u32 s14;
	s15 =	sand.u32 @!p1 $0x3FFFFFFE, s15;
	(pc) =	sbr.rel @!p2 .LBB1_8-.Ltmp1, $4  }
0x21: {  	s19 =	simm.s32 @p3 $0x0;
	s16 =	smov.u32 s10;
	s10 =	smov.u32 s13  }
0x22: {  	_ =	swait.ge @!p1 [sflag:s21], s15;
	s22 =	ssub.s32 @!p1 $0x0, s15;
	s15 =	smov.u32 s8  }
0x23: {  	s8 =	smov.u32 s12;
	s12 =	smov.u32 s18;
	[sflag:s21] =	ssyncset.done @!p1 $0x0  }
0x24: {  	s13 =	smov.u32 s19;
	[sflag:s21] =	ssyncadd.s32 @!p1 s22;
	s14 =	smov.u32 s20  }
.LBB1_1:
0x25: {  	p1 =	sgt.u32 s9, $0x1F  }
0x26: {  	s18 =	sxor.u32 @!p1 $0xFFFFFFFF, s9;
	s19 =	sshll.u32 @!p1 s14, $0x10  }
0x27: {  	s20 =	sshll.u32 @!p1 s13, $0xE;
	s22 =	sshll.u32 @!p1 s12, $0x4;
	s23 =	simm.s32 @!p1 $0x40  }
0x28: {  	s24 =	simm.s32 @!p1 $0x80;
	s18 =	sshll.u32 @!p1 s18, $0xE;
	s21 =	sadd.s32 @!p1 s19, s20  }
0x29: {  	s22 =	sand.u32 @!p1 $0x3FF0, s22;
	s19 =	sadd.s32 @!p1 s19, s6;
	s21 =	sadd.s32 @!p1 s4, s21  }
0x2a: {  	s18 =	sand.u32 @!p1 $0x4000, s18;
	s19 =	sadd.s32 @!p1 s20, s19;
	s21 =	sadd.s32 @!p1 s22, s21  }
0x2b: {  	[tilespmem:s18], [sflag:$0x1] =	stream.strided.gather @!p1 [hbm4b:s21+s23], $0x2000, s24, s23, $0x38;
	[tilespmem:$0x10100] =	vst v63  }
0x2c: {  	s19 =	sadd.s32 @!p1 s22, s19;
	s18 =	sor.u32 @!p1 $0x2000, s18  }
0x2d: {  	[tilespmem:s18], [sflag:$0x1] =	stream.strided.gather @!p1 [hbm4b:s19+s23], $0x2000, s24, s23, $0x38;
	[tilespmem:$0x10100] =	vst v63  }
0x2e: {  	p1 =	seq.s32 s9, $0x0  }
0x2f: {  	p2 =	seq.s32 @!p1 s9, $0x21  }
0x30: {  	p1 =	por p1, p2  }
.Ltmp2:
0x31: {  	_ = 	snop;
	(pc) =	sbr.rel @p1 .LBB1_7-.Ltmp2, $1  }
0x32: {  	_ =	sdelay $0x3  }
0x33: {  	s18 =	simm.s32 $0x1;
	s20 =	sand.u32 $0x1, s9  }
0x34: {  	_ =	swait.ge [sflag:s3], $0x4000;
	s18 =	simm.s32 @!p0 $0x0;
	s20 =	smul.u32 $0x10200, s20  }
0x35: {  	p2 =	por $0x1, $0x1;
	[sflag:s3] =	ssyncset.done $0x0;
	s19 =	smul.u32 $0x10200, s18  }
0x36: {  	s21 =	sshll.u32 s18, $0x10;
	[sflag:s3] =	ssyncadd.s32 $0xFFFFC000;
	s30 =	sshrl.u32 s20, $0x2  }
0x37: {  	s31 =	sshrl.u32 s21, $0x2;
	s21 =	simm.s32 $0x0;
	s19 =	sshrl.u32 s19, $0x2  }
0x38: {  	s18 =	sor.u32 $0x8000, s30;
	s20 =	sadd.s32 $0x20, s31;
	s19 =	sor.u32 $0x8000, s19  }
.LBB1_3:
0x39: {  	s22 =	sshll.u32 s21, $0xD  }
0x3a: {  	s22 =	sand.u32 $0x3FFFE000, s22  }
0x3b: {  	s24 =	sadd.s32 s22, s20  }
0x3c: {  	s31 =	smul.u32 $0x204, s21;
	v3 =	vld [tilespmem:s24+$0x10]  }
0x3d: {  	v1 =	vld [tilespmem:s24+$0xFFFFFFF0]  }
0x3e: {  	s21 =	sshra.s32 s31, $0x2;
	v0 =	vld [tilespmem:s24+$0x0]  }
0x3f: {  	s21 =	sadd.s32 s21, s19;
	v2 =	vld [tilespmem:s24+$0xFFFFFFE0]  }
0x40: {  	s22 =	sadd.s32 $0x0, s21  }
0x41: {  	p1 =	por p2, p2;
	s23 =	simm.s32 $0x4;
	s24 =	sadd.s32 $0x40, s24;
	[tilespmem:s22+$0x3060 ss:$0x102] =	vst.msk $0xffff, v3  }
.LBB1_4:
0x42: {  	v3 =	vld [tilespmem:s24+$0x10];
	p2 =	sne.s32 s23, $0x1FC;
	[tilespmem:s22+$0x1020 ss:$0x102] =	vst.msk $0xffff, v1;
	s25 =	smov.u32 s23;
	s23 =	sadd.s32 $0x4, s23  }
.Ltmp3:
0x43: {  	v1 =	vld [tilespmem:s24+$0xFFFFFFF0];
	[tilespmem:s22+$0x2040 ss:$0x102] =	vst.msk $0xffff, v0;
	(pc) =	sbr.rel @p2 .LBB1_4-.Ltmp3, $4  }
0x44: {  	v0 =	vld [tilespmem:s24+$0x0];
	[tilespmem:s22+$0x0 ss:$0x102] =	vst.msk $0xffff, v2  }
0x45: {  	s22 =	sshra.s32 s25, $0x2;
	v2 =	vld [tilespmem:s24+$0xFFFFFFE0]  }
0x46: {  	s22 =	sadd.s32 s22, s21  }
0x47: {  	s24 =	sadd.s32 $0x40, s24;
	[tilespmem:s22+$0x3060 ss:$0x102] =	vst.msk $0xffff, v3  }
.Ltmp4:
0x48: {  	(pc) =	sbr.rel @p1 .LBB1_3-.Ltmp4, $4  }
0x49: {  	_ = 	snop  }
0x4a: {  	[tilespmem:s22+$0x1020 ss:$0x102] =	vst.msk $0xffff, v1  }
0x4b: {  	[tilespmem:s22+$0x2040 ss:$0x102] =	vst.msk $0xffff, v0  }
0x4c: {  	s21 =	simm.s32 $0x1;
	p2 =	por $0x0, $0x0;
	[tilespmem:s22+$0x0 ss:$0x102] =	vst.msk $0xffff, v2  }
0x4d: {  	s19 =	sshll.u32 s10, $0x7  }
0x4e: {  	s20 =	sand.u32 $0x78, s8;
	p1 =	sgt.s32 s11, $0x3F;
	s21 =	smov.u32 s11  }
0x4f: {  	s29 =	sshra.s32 s11, $0x1F;
	s22 =	smov.u32 s10;
	s23 =	sshra.s32 s10, $0x1F  }
0x50: {  	p3 =	sgt.s32 s8, $0x380;
	s24 =	sshra.s32 s8, $0x1F;
	s25 =	sshll.u32 s8, $0x2  }
0x51: {  	s27 =	sshll.u32 s11, $0x9;
	s28 =	sshrl.u32 s8, $0x1;
	s19 =	sand.u32 $0x180, s19  }
0x52: {  	s21 =	simm.s32 @!p1 $0x3F;
	p1 =	sgt.s32 s10, $0x2;
	s30 =	sand.u32 s23, s10  }
0x53: {  	s19 =	sor.u32 s19, s20;
	s20 =	sand.u32 s29, s11;
	s22 =	simm.s32 @!p1 $0x2  }
0x54: {  	s23 =	sand.u32 s24, s8;
	s20 =	ssub.s32 s21, s20;
	s21 =	ssub.s32 s22, s30  }
0x55: {  	s29 =	sand.u32 $0x7, s8;
	s31 =	sadd.s32 $0xFFFFFFC1, s20;
	s22 =	sadd.s32 $0xFFFFFFFE, s21  }
0x56: {  	s20 =	ssub.s32 $0x40, s20;
	p2 =	sgt.s32 s22, $0x1;
	s22 =	smov.u32 s8  }
0x57: {  	s21 =	ssub.s32 $0x4, s21;
	s20 =	smul.u32 $0x32, s20;
	s22 =	simm.s32 @!p3 $0x380  }
0x58: {  	p1 =	sgt.s32 s31, $0x0;
	s21 =	simm.s32 @p2 $0x0;
	s22 =	ssub.s32 s22, s23  }
0x59: {  	s20 =	simm.s32 @p1 $0x0;
	s23 =	sand.u32 $0x200, s25;
	s26 =	sadd.s32 $0xFFFFFC80, s22  }
0x5a: {  	s20 =	smul.u32 s21, s20;
	s21 =	ssub.s32 $0x400, s22;
	p1 =	sgt.s32 s26, $0x7F  }
.Ltmp5:
0x5b: {  	s19 =	sor.u32 s23, s19;
	s21 =	simm.s32 @p1 $0x0;
	(pc) =	sbr.rel .LBB1_7-.Ltmp5, $4  }
0x5c: {  	s22 =	sand.u32 $0x180, s28;
	s20 =	smul.u32 s21, s20;
	s21 =	sadd.s32 s2, s27  }
0x5d: {  	s30 =	sshll.u32 s29, $0x12;
	s19 =	sshrl.u32 s19, $0x3;
	s21 =	sadd.s32 s22, s21  }
0x5e: {  	s31 =	sor.u32 $0x100, s30;
	s20 =	sand.u32 $0x3FFFFFFE, s20;
	s19 =	sadd.s32 s19, s21  }
0x5f: {  	[hbm4b:s19+s31] =	stream.strided.scatter [tilespmem:s18], [sflag:$0x2], s20, s7, s31, $0x20;
	[tilespmem:$0x10100] =	vst v63  }
.LBB1_8:
0x60: {  	_ =	sfence.sel $0x180000  }
0x61: {  	s2 =	simm.s32 $0x1;
	[bflag:$0x0] =	sbarrier.arrive $0xFFFF  }
0x62: {  	s31 =	simm.s32 $0x2;
	[sflag:s2] =	ssyncpa.u1 $0x1  }
0x63: {  	[sflag:s31] =	ssyncpa.u1 $0x1  }
0x64: {  	p0 =	sne.s32 s1, $0x0;
	_ =	strace $0x9000004A  }
0x65: {  	s0 =	sadd.s32 @!p0 $0x100000, s0;
	[bflag:$0x2] =	sbarrier.arrive $0xFFFF  }
0x66: {  	[sflag:s0] =	ssyncadd.tile.s32 @!p0 $0x1;
	_ =	shalt  }
.Lfunc_end1:
_tile_overlayer_lowered:
.L_overlay_start_2:
0x67: {  	(tag) =	ssettag $0x2  }
0x68: {  	s0 =	rddreg [dreg:$0x0];
	s2 =	stileid.u32  }
0x69: {  	s1 =	rddreg [dreg:$0x1];
	p0 =	sne.s32 s2, $0x0  }
0x6a: {  	s3 =	rddreg [dreg:$0x2];
	[bflag:$0x3] =	sbarrier.arrive $0xFFFF;
	s2 =	simm.s32 @!p0 $0x1C01  }
0x6b: {  	[timem:s3], [sflag:s2] =	dma.local @!p0 [hbm:s0], s1  }
0x6c: {  	s0 =	simm.s32 @!p0 $0x1  }
0x6d: {  	_ =	swait.ge @!p0 [sflag:s0], s1  }
0x6e: {  	s1 =	ssub.s32 @!p0 $0x0, s1;
	[sflag:s0] =	ssyncset.done @!p0 $0x0  }
0x6f: {  	[sflag:s0] =	ssyncadd.s32 @!p0 s1  }
0x70: {  	[bflag:$0x3] =	sbarrier.arrive $0xFFFF  }
0x71: {  	_ =	shalt  }

</sc_bundles>
